<compile_context>
chip_gen: v7x
topology: tpu7x:2x2x1
jax: 0.10.2.dev20260603
libtpu: 0.0.44.dev20260713+nightly
codegen_flags: <defaults>
</compile_context>

<pallas_src>
import functools

import jax
import jax.numpy as jnp
import numpy as np
from jax import lax
from jax.experimental import pallas as pl
from jax.experimental.pallas import tpu as pltpu
from jax.experimental.pallas import tpu_sc as plsc

N_NODES = 10000
CHANNELS = 128
N_EDGES = 160000
N_BASIS = 12
HIDE = 12
EPS = 1e-8
D = 1152
PATHS_K = [[0, 0, 0], [0, 1, 1], [1, 0, 1], [1, 1, 0], [1, 1, 1], [1, 1, 2],
           [0, 2, 2], [1, 2, 1], [1, 2, 2], [2, 2, 0], [2, 2, 1], [2, 2, 2],
           [2, 0, 2], [2, 1, 1], [2, 1, 2]]

_EB = 256
_NB = 128
_NBLK = (N_NODES + _NB - 1) // _NB
_EPAD = N_EDGES + _NBLK * _EB
_NEBLK = _EPAD // _EB

_IOFF = {0: 0, 1: 128, 2: 512}
_FOFF = {0: 0, 1: 1, 2: 4}



def _cg_tensor(o, i, f):
    rs = np.random.RandomState(1000 + o * 100 + i * 10 + f)
    t = rs.randn(2 * o + 1, 2 * i + 1, 2 * f + 1).astype(np.float32)
    return t / np.sqrt(float((2 * i + 1) * (2 * f + 1)))


def _build_cg_matrix():
    ncol = sum((2 * o + 1) * (2 * i + 1) for i, f, o in PATHS_K)
    cgm = np.zeros((9, ncol), np.float32)
    col_index = {}
    col = 0
    for p, (i, f, o) in enumerate(PATHS_K):
        cg = _cg_tensor(o, i, f)
        for mo in range(2 * o + 1):
            for mi in range(2 * i + 1):
                cgm[_FOFF[f]:_FOFF[f] + 2 * f + 1, col] = cg[mo, mi, :]
                col_index[(p, mo, mi)] = col
                col += 1
    return cgm, col_index, ncol


_CGM_NP, _COL, _NCOL = _build_cg_matrix()
_CENTERS_NP = np.linspace(0.0, 4.0, N_BASIS, dtype=np.float32)

_OSLABS = [(0, 0)] + [(1, mo) for mo in range(3)] + [(2, mo) for mo in range(5)]


_G_CHUNK = 32


def _sc_gather(vcat, src):
    info = plsc.get_sparse_core_info()
    nc, ns = info.num_cores, info.num_subcores
    nw = nc * ns
    per_w = _EPAD // nw
    n_iter = per_w // _G_CHUNK
    mesh = plsc.VectorSubcoreMesh(core_axis_name="c", subcore_axis_name="s")

    def body(vcat_hbm, src_hbm, out_hbm, idx0, idx1, rows0, rows1, sem0, sem1):
        wid = lax.axis_index("s") * nc + lax.axis_index("c")
        base = wid * per_w

        def start(idx_v, rows_v, sem, g):
            off = base + g * _G_CHUNK
            pltpu.sync_copy(src_hbm.at[pl.ds(off, _G_CHUNK)], idx_v)
            return pltpu.async_copy(vcat_hbm.at[idx_v], rows_v, sem)

        def drain(rows_v, sem, g):
            pltpu.make_async_copy(vcat_hbm.at[idx0], rows_v, sem).wait()
            pltpu.sync_copy(rows_v, out_hbm.at[pl.ds(base + g * _G_CHUNK,
                                                     _G_CHUNK)])

        start(idx0, rows0, sem0, 0)

        def pair(g2, _):
            g = g2 * 2
            start(idx1, rows1, sem1, g + 1)
            drain(rows0, sem0, g)
            start(idx0, rows0, sem0, g + 2)
            drain(rows1, sem1, g + 1)
            return 0

        lax.fori_loop(0, n_iter // 2 - 1, pair, 0)
        g_last = n_iter - 2
        start(idx1, rows1, sem1, g_last + 1)
        drain(rows0, sem0, g_last)
        drain(rows1, sem1, g_last + 1)

    k = pl.kernel(
        body,
        out_type=jax.ShapeDtypeStruct((_EPAD, D), jnp.float32),
        mesh=mesh,
        scratch_types=[
            pltpu.VMEM((_G_CHUNK,), jnp.int32),
            pltpu.VMEM((_G_CHUNK,), jnp.int32),
            pltpu.VMEM((_G_CHUNK, D), jnp.float32),
            pltpu.VMEM((_G_CHUNK, D), jnp.float32),
            pltpu.SemaphoreType.DMA,
            pltpu.SemaphoreType.DMA,
        ],
    )
    return k(vcat, src)




def _tc_messages_body(ev_ref, vg_ref, w1_ref, b1_ref, w2_ref, b2_ref, cgm_ref,
                      m_ref):
    ev = ev_ref[...]
    x = ev[:, 0:1]
    y = ev[:, 1:2]
    z = ev[:, 2:3]
    r2raw = x * x + y * y + z * z
    dist = jnp.sqrt(r2raw + 1e-12)
    centers = lax.broadcasted_iota(jnp.int32, (1, N_BASIS), 1).astype(
        jnp.float32) * (4.0 / 11.0)
    feat = jnp.exp(-10.0 * (dist - centers) ** 2)
    h = jnp.maximum(
        jnp.dot(feat, w1_ref[...], preferred_element_type=jnp.float32)
        + b1_ref[...], 0.0)

    r2 = jnp.maximum(r2raw, EPS)
    ones = jnp.ones_like(x)
    y2a = x * y / r2
    y2b = y * z / r2
    y2c = (-x * x - y * y + 2.0 * z * z) / (2.0 * np.sqrt(3.0) * r2)
    y2d = z * x / r2
    y2e = (x * x - y * y) / (2.0 * r2)
    ys = jnp.concatenate([ones, x, y, z, y2a, y2b, y2c, y2d, y2e], axis=1)
    cgy = jnp.dot(ys, cgm_ref[...], preferred_element_type=jnp.float32)

    vg = vg_ref[...]
    w2 = w2_ref[...]
    b2 = b2_ref[...]

    acc = {slab: jnp.zeros((_EB, CHANNELS), jnp.float32) for slab in _OSLABS}
    for p, (i, f, o) in enumerate(PATHS_K):
        hp = h[:, p * HIDE:(p + 1) * HIDE]
        rp = jnp.dot(hp, w2[p], preferred_element_type=jnp.float32) \
            + b2[p][None, :]
        for mo in range(2 * o + 1):
            t = None
            for mi in range(2 * i + 1):
                col = _COL[(p, mo, mi)]
                lo = _IOFF[i] + mi * CHANNELS
                term = cgy[:, col:col + 1] * vg[:, lo:lo + CHANNELS]
                t = term if t is None else t + term
            acc[(o, mo)] = acc[(o, mo)] + t * rp
    for s, slab in enumerate(_OSLABS):
        m_ref[:, s * CHANNELS:(s + 1) * CHANNELS] = acc[slab]


def _tc_messages(edge_vec, vg, w1cat, b1cat, w2, b2, cgm):
    grid = (_EPAD // _EB,)
    return pl.pallas_call(
        _tc_messages_body,
        grid=grid,
        in_specs=[
            pl.BlockSpec((_EB, 3), lambda i: (i, 0)),
            pl.BlockSpec((_EB, D), lambda i: (i, 0)),
            pl.BlockSpec((N_BASIS, 15 * HIDE), lambda i: (0, 0)),
            pl.BlockSpec((1, 15 * HIDE), lambda i: (0, 0)),
            pl.BlockSpec((15, HIDE, CHANNELS), lambda i: (0, 0, 0)),
            pl.BlockSpec((15, CHANNELS), lambda i: (0, 0)),
            pl.BlockSpec((9, _NCOL), lambda i: (0, 0)),
        ],
        out_specs=pl.BlockSpec((_EB, D), lambda i: (i, 0)),
        out_shape=jax.ShapeDtypeStruct((_EPAD, D), jnp.float32),
    )(edge_vec, vg, w1cat, b1cat, w2, b2, cgm)




def _tc_scatter_body(nb_ref, fi_ref, dstp_ref, m_ref, o_ref):
    i = pl.program_id(0)
    d = dstp_ref[...].reshape(1, _EB)
    ld = d - nb_ref[i] * _NB
    rowi = lax.broadcasted_iota(jnp.int32, (_NB, 1), 0)
    oh = (rowi == ld).astype(jnp.float32)
    contrib = jnp.dot(oh, m_ref[...], preferred_element_type=jnp.float32)

    @pl.when(fi_ref[i] == 1)
    def _init():
        o_ref[...] = contrib

    @pl.when(fi_ref[i] == 0)
    def _accum():
        o_ref[...] = o_ref[...] + contrib


def _tc_scatter(msgs, dst_p, nb, first):
    grid_spec = pltpu.PrefetchScalarGridSpec(
        num_scalar_prefetch=2,
        grid=(_NEBLK,),
        in_specs=[
            pl.BlockSpec((_EB,), lambda i, nb, fi: (i,)),
            pl.BlockSpec((_EB, D), lambda i, nb, fi: (i, 0)),
        ],
        out_specs=pl.BlockSpec((_NB, D), lambda i, nb, fi: (nb[i], 0)),
    )
    return pl.pallas_call(
        _tc_scatter_body,
        grid_spec=grid_spec,
        out_shape=jax.ShapeDtypeStruct((N_NODES, D), jnp.float32),
    )(nb, first, dst_p, msgs)




def kernel(V0, V1, V2, edge_vec, W1, b1, W2, b2, edge_index):
    n = V0.shape[0]
    src = edge_index[0]
    dst = edge_index[1]

    order = jnp.argsort(dst)
    dst_s = dst[order]
    src_s = src[order]
    ev_s = edge_vec[order]

    blk_edges = jnp.arange(_NBLK, dtype=jnp.int32)
    starts = jnp.searchsorted(dst_s, blk_edges * _NB).astype(jnp.int32)
    ends = jnp.searchsorted(
        dst_s, jnp.minimum((blk_edges + 1) * _NB, n)).astype(jnp.int32)
    counts = ends - starts
    pad_counts = jnp.maximum((counts + _EB - 1) // _EB, 1) * _EB
    offs = jnp.concatenate(
        [jnp.zeros((1,), jnp.int32), jnp.cumsum(pad_counts)]).astype(jnp.int32)

    eb_start = jnp.arange(_NEBLK, dtype=jnp.int32) * _EB
    nb = jnp.minimum(
        jnp.searchsorted(offs, eb_start, side="right").astype(jnp.int32) - 1,
        _NBLK - 1)
    first = jnp.concatenate(
        [jnp.ones((1,), jnp.int32),
         (nb[1:] != nb[:-1]).astype(jnp.int32)])

    slot = jnp.arange(_EPAD, dtype=jnp.int32)
    ks = jnp.repeat(nb, _EB)
    rel_slot = slot - offs[ks]
    valid = rel_slot < counts[ks]
    j = jnp.clip(rel_slot + starts[ks], 0, N_EDGES - 1)
    dst_p = jnp.where(valid, dst_s[j], -2 * n).astype(jnp.int32)
    src_p = jnp.where(valid, src_s[j], 0).astype(jnp.int32)
    ev_p = jnp.where(valid[:, None], ev_s[j], 0.0)

    vcat = jnp.concatenate([
        V0[:, :, 0],
        V1.transpose(0, 2, 1).reshape(n, 3 * CHANNELS),
        V2.transpose(0, 2, 1).reshape(n, 5 * CHANNELS),
    ], axis=1)

    w1cat = W1.transpose(1, 0, 2).reshape(N_BASIS, 15 * HIDE)
    b1cat = b1.reshape(1, 15 * HIDE)
    cgm = jnp.asarray(_CGM_NP)

    vg = _sc_gather(vcat, src_p)
    msgs = _tc_messages(ev_p, vg, w1cat, b1cat, W2, b2, cgm)
    out = _tc_scatter(msgs, dst_p, nb, first)

    o0 = out[:, :CHANNELS][:, :, None]
    o1 = out[:, CHANNELS:4 * CHANNELS].reshape(n, 3, CHANNELS).transpose(0, 2, 1)
    o2 = out[:, 4 * CHANNELS:].reshape(n, 5, CHANNELS).transpose(0, 2, 1)
    return (o0, o1, o2)

# --- scband reference (transcript-rebuilt; emitter-appended) ---
"""Pipeline reference for scband-convolution-76124000354745 (READ-ONLY COPY).

The authoritative reference and input builder live on the scoring server;
editing this copy changes nothing except your own understanding.
"""

import jax, jax.numpy as jnp
import numpy as np

N_NODES = 10000
CHANNELS = 128
N_EDGES = 160000
N_BASIS = 12
HIDE = 12
EPS = 1e-8
PATHS = [[0, 0, 0], [0, 1, 1], [1, 0, 1], [1, 1, 0], [1, 1, 1], [1, 1, 2], [0, 2, 2], [1, 2, 1], [1, 2, 2], [2, 2, 0], [2, 2, 1], [2, 2, 2], [2, 0, 2], [2, 1, 1], [2, 1, 2]]


def clebsch_gordan(o, i, f):
    # deterministic stand-in for the (undefined) clebsch_gordan helper:
    # fixed seeded tensor of shape [2o+1, 2i+1, 2f+1]
    rs = np.random.RandomState(1000 + o * 100 + i * 10 + f)
    t = rs.randn(2 * o + 1, 2 * i + 1, 2 * f + 1).astype(np.float32)
    return jnp.asarray(t / np.sqrt(float((2 * i + 1) * (2 * f + 1))))


def radial_fn(dist):
    # stand-in for the (undefined) radial_fn: 12 Gaussian radial basis functions
    centers = jnp.linspace(0.0, 4.0, N_BASIS, dtype=jnp.float32)
    return jnp.exp(-10.0 * (dist[:, None] - centers[None, :]) ** 2)


def angular(vec, f):
    # vectorized Y module
    if f == 0:
        return jnp.ones((vec.shape[0], 1), dtype=vec.dtype)
    if f == 1:
        return vec
    x, y, z = vec[:, 0], vec[:, 1], vec[:, 2]
    r2 = jnp.maximum(x * x + y * y + z * z, EPS)
    return jnp.stack([
        x * y / r2,
        y * z / r2,
        (-x * x - y * y + 2.0 * z * z) / (2.0 * np.sqrt(3.0) * r2),
        z * x / r2,
        (x * x - y * y) / (2.0 * r2),
    ], axis=-1)


def setup_inputs(seed: int = 0):
    key = jax.random.key(seed)
    ks = jax.random.split(key, 8)
    V0 = jax.random.normal(ks[0], (N_NODES, CHANNELS, 1), dtype=jnp.float32)
    V1 = jax.random.normal(ks[1], (N_NODES, CHANNELS, 3), dtype=jnp.float32)
    V2 = jax.random.normal(ks[2], (N_NODES, CHANNELS, 5), dtype=jnp.float32)
    edge_vec = jax.random.normal(ks[3], (N_EDGES, 3), dtype=jnp.float32)
    edge_index = jax.random.randint(ks[4], (2, N_EDGES), 0, N_NODES, dtype=jnp.int32)
    # one radial MLP (Denselayer(12->12, relu) -> Denselayer(12->C)) per path
    W1 = jax.random.normal(ks[5], (len(PATHS), N_BASIS, HIDE), dtype=jnp.float32) * (1.0 / np.sqrt(N_BASIS))
    b1 = jnp.zeros((len(PATHS), HIDE), dtype=jnp.float32)
    W2 = jax.random.normal(ks[6], (len(PATHS), HIDE, CHANNELS), dtype=jnp.float32) * (1.0 / np.sqrt(HIDE))
    b2 = jnp.zeros((len(PATHS), CHANNELS), dtype=jnp.float32)
    return {"V0": V0, "V1": V1, "V2": V2, "edge_vec": edge_vec, "W1": W1, "b1": b1, "W2": W2, "b2": b2, "edge_index": edge_index}


def reference(V0, V1, V2, edge_vec, W1, b1, W2, b2, edge_index):
    src = edge_index[0]
    dst = edge_index[1]
    n = V0.shape[0]
    dist = jnp.sqrt(jnp.sum(edge_vec ** 2, axis=-1) + 1e-12)
    feat = radial_fn(dist)
    V = {0: V0, 1: V1, 2: V2}
    Ys = {f: angular(edge_vec, f) for f in (0, 1, 2)}
    O = {l: jnp.zeros((n, V0.shape[1], 2 * l + 1), dtype=V0.dtype) for l in (0, 1, 2)}
    for p, (i, f, o) in enumerate(PATHS):
        # radial MLP for this path (shared across atoms)
        h = jax.nn.relu(feat @ W1[p] + b1[p])
        r = h @ W2[p] + b2[p]
        cg = clebsch_gordan(o, i, f)
        # O[o][a,c,mo] += sum_{e: dst(e)=a} sum_{mi,mf} cg[mo,mi,mf] * r[e,c] * y[e,mf] * V[i][src(e),c,mi]
        cgy = jnp.einsum('oif,ef->eoi', cg, Ys[f])
        m = jnp.einsum('eoi,eci->eco', cgy, V[i][src])
        m = m * r[:, :, None]
        O[o] = O[o] + jax.ops.segment_sum(m, dst, num_segments=n)
    assert O[0].shape[-1] == 1 and O[1].shape[-1] == 3 and O[2].shape[-1] == 5
    return (O[0], O[1], O[2])

if __name__ == "__main__":
    import jax
    _d = setup_inputs()
    print(jax.jit(kernel)(*tuple(_d.values())))

</pallas_src>

<mosaic_0001>
#map = affine_map<(d0, d1) -> (0, 0)>
#map1 = affine_map<(d0, d1) -> (0)>
module attributes {stable_mosaic.version = 14 : i64} {
  func.func @body(%arg0: i32, %arg1: i32, %arg2: memref<10000x1152xf32, #tpu.memory_space<hbm>>, %arg3: memref<180224xi32, #tpu.memory_space<hbm>>, %arg4: memref<180224x1152xf32, #tpu.memory_space<hbm>>, %arg5: memref<32xi32, #tpu.memory_space<vmem>>, %arg6: memref<32xi32, #tpu.memory_space<vmem>>, %arg7: memref<32x1152xf32, #tpu.memory_space<vmem>>, %arg8: memref<32x1152xf32, #tpu.memory_space<vmem>>, %arg9: memref<!tpu.dma_semaphore, #tpu.memory_space<semaphore_mem>>, %arg10: memref<!tpu.dma_semaphore, #tpu.memory_space<semaphore_mem>>) attributes {dimension_semantics = [#tpu.dimension_semantics<core_parallel>, #tpu.dimension_semantics<subcore_parallel>], iteration_bounds = array<i64: 2, 16>, scalar_prefetch = 0 : i64, scratch_operands = 6 : i64, tpu.core_type = #tpu.core_type<sc_vector_subcore>, window_params = [{transform_indices = #map}, {transform_indices = #map1}, {transform_indices = #map}]} {
    %mul3A = arith.constant 2 : i32
    %mul3A_0 = arith.muli %arg1, %mul3A : i32
    %add3A = arith.addi %mul3A_0, %arg0 : i32
    %mul3A_1 = arith.constant 5632 : i32
    %mul3A_2 = arith.muli %add3A, %mul3A_1 : i32
    %add3A_3 = arith.constant 0 : i32
    %add3A_4 = arith.addi %mul3A_2, %add3A_3 : i32
    "tpu.region"() ({
      %run_scoped3A = tpu.sem_alloc : memref<!tpu.dma_semaphore, #tpu.memory_space<semaphore_mem>>
      %dma_start3A_27 = tpu.memref_slice %arg3[%add3A_4] : memref<180224xi32, #tpu.memory_space<hbm>> -> memref<32xi32, #tpu.memory_space<hbm>>
      %dma_start3A_28 = tpu.memref_slice %arg3[%add3A_4] : memref<180224xi32, #tpu.memory_space<hbm>> -> memref<32xi32, #tpu.memory_space<hbm>>
      tpu.enqueue_dma source(%dma_start3A_28 : memref<32xi32, #tpu.memory_space<hbm>>) target(%arg5 : memref<32xi32, #tpu.memory_space<vmem>>) target_semaphore(%run_scoped3A : memref<!tpu.dma_semaphore, #tpu.memory_space<semaphore_mem>>)
      %dma_wait3A_29 = tpu.memref_slice %arg3[%add3A_4] : memref<180224xi32, #tpu.memory_space<hbm>> -> memref<32xi32, #tpu.memory_space<hbm>>
      %dma_wait3A_30 = tpu.memref_slice %arg3[%add3A_4] : memref<180224xi32, #tpu.memory_space<hbm>> -> memref<32xi32, #tpu.memory_space<hbm>>
      tpu.wait_dma2 semaphore(%run_scoped3A : memref<!tpu.dma_semaphore, #tpu.memory_space<semaphore_mem>>) src(%dma_wait3A_30 : memref<32xi32, #tpu.memory_space<hbm>>) dst(%arg5 : memref<32xi32, #tpu.memory_space<vmem>>)
      tpu.yield
    }) : () -> ()
    %dma_start3A = arith.constant 0 : i32
    %dma_start3A_5 = arith.constant 0 : i32
    %dma_start3A_6 = tpu.memref_slice %arg2[%dma_start3A, %dma_start3A_5] : memref<10000x1152xf32, #tpu.memory_space<hbm>> -> memref<10000x1152xf32, #tpu.memory_space<hbm>>
    tpu.enqueue_indirect_dma source(%dma_start3A_6 : memref<10000x1152xf32, #tpu.memory_space<hbm>>) target(%arg7 : memref<32x1152xf32, #tpu.memory_space<vmem>>) offsets(%arg5 : memref<32xi32, #tpu.memory_space<vmem>>) semaphore(%arg9 : memref<!tpu.dma_semaphore, #tpu.memory_space<semaphore_mem>>)
    %scan3A = arith.constant 0 : i32
    %scan3A_7 = arith.constant 0 : i32
    %scan3A_8 = arith.constant 87 : i32
    %scan3A_9 = arith.addi %scan3A_7, %scan3A_8 : i32
    %scan3A_10 = arith.constant 1 : i32
    %scan3A_11 = scf.for %scan3A_27 = %scan3A_7 to %scan3A_9 step %scan3A_10 iter_args(%scan3A_28 = %scan3A) -> (i32)  : i32 {
      %mul3A_29 = arith.constant 2 : i32
      %mul3A_30 = arith.muli %scan3A_27, %mul3A_29 : i32
      %add3A_31 = arith.constant 1 : i32
      %add3A_32 = arith.addi %mul3A_30, %add3A_31 : i32
      %mul3A_33 = arith.constant 32 : i32
      %mul3A_34 = arith.muli %add3A_32, %mul3A_33 : i32
      %add3A_35 = arith.addi %mul3A_2, %mul3A_34 : i32
      "tpu.region"() ({
        %run_scoped3A = tpu.sem_alloc : memref<!tpu.dma_semaphore, #tpu.memory_space<semaphore_mem>>
        %dma_start3A_62 = tpu.memref_slice %arg3[%add3A_35] : memref<180224xi32, #tpu.memory_space<hbm>> -> memref<32xi32, #tpu.memory_space<hbm>>
        %dma_start3A_63 = tpu.memref_slice %arg3[%add3A_35] : memref<180224xi32, #tpu.memory_space<hbm>> -> memref<32xi32, #tpu.memory_space<hbm>>
        tpu.enqueue_dma source(%dma_start3A_63 : memref<32xi32, #tpu.memory_space<hbm>>) target(%arg6 : memref<32xi32, #tpu.memory_space<vmem>>) target_semaphore(%run_scoped3A : memref<!tpu.dma_semaphore, #tpu.memory_space<semaphore_mem>>)
        %dma_wait3A_64 = tpu.memref_slice %arg3[%add3A_35] : memref<180224xi32, #tpu.memory_space<hbm>> -> memref<32xi32, #tpu.memory_space<hbm>>
        %dma_wait3A_65 = tpu.memref_slice %arg3[%add3A_35] : memref<180224xi32, #tpu.memory_space<hbm>> -> memref<32xi32, #tpu.memory_space<hbm>>
        tpu.wait_dma2 semaphore(%run_scoped3A : memref<!tpu.dma_semaphore, #tpu.memory_space<semaphore_mem>>) src(%dma_wait3A_65 : memref<32xi32, #tpu.memory_space<hbm>>) dst(%arg6 : memref<32xi32, #tpu.memory_space<vmem>>)
        tpu.yield
      }) : () -> ()
      %dma_start3A_36 = arith.constant 0 : i32
      %dma_start3A_37 = arith.constant 0 : i32
      %dma_start3A_38 = tpu.memref_slice %arg2[%dma_start3A_36, %dma_start3A_37] : memref<10000x1152xf32, #tpu.memory_space<hbm>> -> memref<10000x1152xf32, #tpu.memory_space<hbm>>
      tpu.enqueue_indirect_dma source(%dma_start3A_38 : memref<10000x1152xf32, #tpu.memory_space<hbm>>) target(%arg8 : memref<32x1152xf32, #tpu.memory_space<vmem>>) offsets(%arg6 : memref<32xi32, #tpu.memory_space<vmem>>) semaphore(%arg10 : memref<!tpu.dma_semaphore, #tpu.memory_space<semaphore_mem>>)
      %dma_wait3A_39 = arith.constant 0 : i32
      %dma_wait3A_40 = arith.constant 0 : i32
      %dma_wait3A_41 = tpu.memref_slice %arg2[%dma_wait3A_39, %dma_wait3A_40] : memref<10000x1152xf32, #tpu.memory_space<hbm>> -> memref<10000x1152xf32, #tpu.memory_space<hbm>>
      tpu.wait_indirect_dma semaphore(%arg9 : memref<!tpu.dma_semaphore, #tpu.memory_space<semaphore_mem>>) src(%dma_wait3A_41 : memref<10000x1152xf32, #tpu.memory_space<hbm>>) dst(%arg7 : memref<32x1152xf32, #tpu.memory_space<vmem>>)
      %mul3A_42 = arith.constant 32 : i32
      %mul3A_43 = arith.muli %mul3A_30, %mul3A_42 : i32
      %add3A_44 = arith.addi %mul3A_2, %mul3A_43 : i32
      "tpu.region"() ({
        %run_scoped3A = tpu.sem_alloc : memref<!tpu.dma_semaphore, #tpu.memory_space<semaphore_mem>>
        %dma_start3A_62 = arith.constant 0 : i32
        %dma_start3A_63 = tpu.memref_slice %arg4[%add3A_44, %dma_start3A_62] : memref<180224x1152xf32, #tpu.memory_space<hbm>> -> memref<32x1152xf32, #tpu.memory_space<hbm>>
        %dma_start3A_64 = arith.constant 0 : i32
        %dma_start3A_65 = tpu.memref_slice %arg4[%add3A_44, %dma_start3A_64] : memref<180224x1152xf32, #tpu.memory_space<hbm>> -> memref<32x1152xf32, #tpu.memory_space<hbm>>
        tpu.enqueue_dma source(%arg7 : memref<32x1152xf32, #tpu.memory_space<vmem>>) target(%dma_start3A_65 : memref<32x1152xf32, #tpu.memory_space<hbm>>) target_semaphore(%run_scoped3A : memref<!tpu.dma_semaphore, #tpu.memory_space<semaphore_mem>>)
        %dma_wait3A_66 = arith.constant 0 : i32
        %dma_wait3A_67 = tpu.memref_slice %arg4[%add3A_44, %dma_wait3A_66] : memref<180224x1152xf32, #tpu.memory_space<hbm>> -> memref<32x1152xf32, #tpu.memory_space<hbm>>
        %dma_wait3A_68 = arith.constant 0 : i32
        %dma_wait3A_69 = tpu.memref_slice %arg4[%add3A_44, %dma_wait3A_68] : memref<180224x1152xf32, #tpu.memory_space<hbm>> -> memref<32x1152xf32, #tpu.memory_space<hbm>>
        tpu.wait_dma2 semaphore(%run_scoped3A : memref<!tpu.dma_semaphore, #tpu.memory_space<semaphore_mem>>) src(%arg7 : memref<32x1152xf32, #tpu.memory_space<vmem>>) dst(%dma_wait3A_69 : memref<32x1152xf32, #tpu.memory_space<hbm>>)
        tpu.yield
      }) : () -> ()
      %add3A_45 = arith.constant 2 : i32
      %add3A_46 = arith.addi %mul3A_30, %add3A_45 : i32
      %mul3A_47 = arith.constant 32 : i32
      %mul3A_48 = arith.muli %add3A_46, %mul3A_47 : i32
      %add3A_49 = arith.addi %mul3A_2, %mul3A_48 : i32
      "tpu.region"() ({
        %run_scoped3A = tpu.sem_alloc : memref<!tpu.dma_semaphore, #tpu.memory_space<semaphore_mem>>
        %dma_start3A_62 = tpu.memref_slice %arg3[%add3A_49] : memref<180224xi32, #tpu.memory_space<hbm>> -> memref<32xi32, #tpu.memory_space<hbm>>
        %dma_start3A_63 = tpu.memref_slice %arg3[%add3A_49] : memref<180224xi32, #tpu.memory_space<hbm>> -> memref<32xi32, #tpu.memory_space<hbm>>
        tpu.enqueue_dma source(%dma_start3A_63 : memref<32xi32, #tpu.memory_space<hbm>>) target(%arg5 : memref<32xi32, #tpu.memory_space<vmem>>) target_semaphore(%run_scoped3A : memref<!tpu.dma_semaphore, #tpu.memory_space<semaphore_mem>>)
        %dma_wait3A_64 = tpu.memref_slice %arg3[%add3A_49] : memref<180224xi32, #tpu.memory_space<hbm>> -> memref<32xi32, #tpu.memory_space<hbm>>
        %dma_wait3A_65 = tpu.memref_slice %arg3[%add3A_49] : memref<180224xi32, #tpu.memory_space<hbm>> -> memref<32xi32, #tpu.memory_space<hbm>>
        tpu.wait_dma2 semaphore(%run_scoped3A : memref<!tpu.dma_semaphore, #tpu.memory_space<semaphore_mem>>) src(%dma_wait3A_65 : memref<32xi32, #tpu.memory_space<hbm>>) dst(%arg5 : memref<32xi32, #tpu.memory_space<vmem>>)
        tpu.yield
      }) : () -> ()
      %dma_start3A_50 = arith.constant 0 : i32
      %dma_start3A_51 = arith.constant 0 : i32
      %dma_start3A_52 = tpu.memref_slice %arg2[%dma_start3A_50, %dma_start3A_51] : memref<10000x1152xf32, #tpu.memory_space<hbm>> -> memref<10000x1152xf32, #tpu.memory_space<hbm>>
      tpu.enqueue_indirect_dma source(%dma_start3A_52 : memref<10000x1152xf32, #tpu.memory_space<hbm>>) target(%arg7 : memref<32x1152xf32, #tpu.memory_space<vmem>>) offsets(%arg5 : memref<32xi32, #tpu.memory_space<vmem>>) semaphore(%arg9 : memref<!tpu.dma_semaphore, #tpu.memory_space<semaphore_mem>>)
      %add3A_53 = arith.constant 1 : i32
      %add3A_54 = arith.addi %mul3A_30, %add3A_53 : i32
      %dma_wait3A_55 = arith.constant 0 : i32
      %dma_wait3A_56 = arith.constant 0 : i32
      %dma_wait3A_57 = tpu.memref_slice %arg2[%dma_wait3A_55, %dma_wait3A_56] : memref<10000x1152xf32, #tpu.memory_space<hbm>> -> memref<10000x1152xf32, #tpu.memory_space<hbm>>
      tpu.wait_indirect_dma semaphore(%arg10 : memref<!tpu.dma_semaphore, #tpu.memory_space<semaphore_mem>>) src(%dma_wait3A_57 : memref<10000x1152xf32, #tpu.memory_space<hbm>>) dst(%arg8 : memref<32x1152xf32, #tpu.memory_space<vmem>>)
      %mul3A_58 = arith.constant 32 : i32
      %mul3A_59 = arith.muli %add3A_54, %mul3A_58 : i32
      %add3A_60 = arith.addi %mul3A_2, %mul3A_59 : i32
      "tpu.region"() ({
        %run_scoped3A = tpu.sem_alloc : memref<!tpu.dma_semaphore, #tpu.memory_space<semaphore_mem>>
        %dma_start3A_62 = arith.constant 0 : i32
        %dma_start3A_63 = tpu.memref_slice %arg4[%add3A_60, %dma_start3A_62] : memref<180224x1152xf32, #tpu.memory_space<hbm>> -> memref<32x1152xf32, #tpu.memory_space<hbm>>
        %dma_start3A_64 = arith.constant 0 : i32
        %dma_start3A_65 = tpu.memref_slice %arg4[%add3A_60, %dma_start3A_64] : memref<180224x1152xf32, #tpu.memory_space<hbm>> -> memref<32x1152xf32, #tpu.memory_space<hbm>>
        tpu.enqueue_dma source(%arg8 : memref<32x1152xf32, #tpu.memory_space<vmem>>) target(%dma_start3A_65 : memref<32x1152xf32, #tpu.memory_space<hbm>>) target_semaphore(%run_scoped3A : memref<!tpu.dma_semaphore, #tpu.memory_space<semaphore_mem>>)
        %dma_wait3A_66 = arith.constant 0 : i32
        %dma_wait3A_67 = tpu.memref_slice %arg4[%add3A_60, %dma_wait3A_66] : memref<180224x1152xf32, #tpu.memory_space<hbm>> -> memref<32x1152xf32, #tpu.memory_space<hbm>>
        %dma_wait3A_68 = arith.constant 0 : i32
        %dma_wait3A_69 = tpu.memref_slice %arg4[%add3A_60, %dma_wait3A_68] : memref<180224x1152xf32, #tpu.memory_space<hbm>> -> memref<32x1152xf32, #tpu.memory_space<hbm>>
        tpu.wait_dma2 semaphore(%run_scoped3A : memref<!tpu.dma_semaphore, #tpu.memory_space<semaphore_mem>>) src(%arg8 : memref<32x1152xf32, #tpu.memory_space<vmem>>) dst(%dma_wait3A_69 : memref<32x1152xf32, #tpu.memory_space<hbm>>)
        tpu.yield
      }) : () -> ()
      %scan3A_61 = arith.constant 0 : i32
      scf.yield %scan3A_61 : i32
    }
    %scan3A_12 = arith.constant 87 : i32
    %add3A_13 = arith.constant 5600 : i32
    %add3A_14 = arith.addi %mul3A_2, %add3A_13 : i32
    "tpu.region"() ({
      %run_scoped3A = tpu.sem_alloc : memref<!tpu.dma_semaphore, #tpu.memory_space<semaphore_mem>>
      %dma_start3A_27 = tpu.memref_slice %arg3[%add3A_14] : memref<180224xi32, #tpu.memory_space<hbm>> -> memref<32xi32, #tpu.memory_space<hbm>>
      %dma_start3A_28 = tpu.memref_slice %arg3[%add3A_14] : memref<180224xi32, #tpu.memory_space<hbm>> -> memref<32xi32, #tpu.memory_space<hbm>>
      tpu.enqueue_dma source(%dma_start3A_28 : memref<32xi32, #tpu.memory_space<hbm>>) target(%arg6 : memref<32xi32, #tpu.memory_space<vmem>>) target_semaphore(%run_scoped3A : memref<!tpu.dma_semaphore, #tpu.memory_space<semaphore_mem>>)
      %dma_wait3A_29 = tpu.memref_slice %arg3[%add3A_14] : memref<180224xi32, #tpu.memory_space<hbm>> -> memref<32xi32, #tpu.memory_space<hbm>>
      %dma_wait3A_30 = tpu.memref_slice %arg3[%add3A_14] : memref<180224xi32, #tpu.memory_space<hbm>> -> memref<32xi32, #tpu.memory_space<hbm>>
      tpu.wait_dma2 semaphore(%run_scoped3A : memref<!tpu.dma_semaphore, #tpu.memory_space<semaphore_mem>>) src(%dma_wait3A_30 : memref<32xi32, #tpu.memory_space<hbm>>) dst(%arg6 : memref<32xi32, #tpu.memory_space<vmem>>)
      tpu.yield
    }) : () -> ()
    %dma_start3A_15 = arith.constant 0 : i32
    %dma_start3A_16 = arith.constant 0 : i32
    %dma_start3A_17 = tpu.memref_slice %arg2[%dma_start3A_15, %dma_start3A_16] : memref<10000x1152xf32, #tpu.memory_space<hbm>> -> memref<10000x1152xf32, #tpu.memory_space<hbm>>
    tpu.enqueue_indirect_dma source(%dma_start3A_17 : memref<10000x1152xf32, #tpu.memory_space<hbm>>) target(%arg8 : memref<32x1152xf32, #tpu.memory_space<vmem>>) offsets(%arg6 : memref<32xi32, #tpu.memory_space<vmem>>) semaphore(%arg10 : memref<!tpu.dma_semaphore, #tpu.memory_space<semaphore_mem>>)
    %dma_wait3A = arith.constant 0 : i32
    %dma_wait3A_18 = arith.constant 0 : i32
    %dma_wait3A_19 = tpu.memref_slice %arg2[%dma_wait3A, %dma_wait3A_18] : memref<10000x1152xf32, #tpu.memory_space<hbm>> -> memref<10000x1152xf32, #tpu.memory_space<hbm>>
    tpu.wait_indirect_dma semaphore(%arg9 : memref<!tpu.dma_semaphore, #tpu.memory_space<semaphore_mem>>) src(%dma_wait3A_19 : memref<10000x1152xf32, #tpu.memory_space<hbm>>) dst(%arg7 : memref<32x1152xf32, #tpu.memory_space<vmem>>)
    %add3A_20 = arith.constant 5568 : i32
    %add3A_21 = arith.addi %mul3A_2, %add3A_20 : i32
    "tpu.region"() ({
      %run_scoped3A = tpu.sem_alloc : memref<!tpu.dma_semaphore, #tpu.memory_space<semaphore_mem>>
      %dma_start3A_27 = arith.constant 0 : i32
      %dma_start3A_28 = tpu.memref_slice %arg4[%add3A_21, %dma_start3A_27] : memref<180224x1152xf32, #tpu.memory_space<hbm>> -> memref<32x1152xf32, #tpu.memory_space<hbm>>
      %dma_start3A_29 = arith.constant 0 : i32
      %dma_start3A_30 = tpu.memref_slice %arg4[%add3A_21, %dma_start3A_29] : memref<180224x1152xf32, #tpu.memory_space<hbm>> -> memref<32x1152xf32, #tpu.memory_space<hbm>>
      tpu.enqueue_dma source(%arg7 : memref<32x1152xf32, #tpu.memory_space<vmem>>) target(%dma_start3A_30 : memref<32x1152xf32, #tpu.memory_space<hbm>>) target_semaphore(%run_scoped3A : memref<!tpu.dma_semaphore, #tpu.memory_space<semaphore_mem>>)
      %dma_wait3A_31 = arith.constant 0 : i32
      %dma_wait3A_32 = tpu.memref_slice %arg4[%add3A_21, %dma_wait3A_31] : memref<180224x1152xf32, #tpu.memory_space<hbm>> -> memref<32x1152xf32, #tpu.memory_space<hbm>>
      %dma_wait3A_33 = arith.constant 0 : i32
      %dma_wait3A_34 = tpu.memref_slice %arg4[%add3A_21, %dma_wait3A_33] : memref<180224x1152xf32, #tpu.memory_space<hbm>> -> memref<32x1152xf32, #tpu.memory_space<hbm>>
      tpu.wait_dma2 semaphore(%run_scoped3A : memref<!tpu.dma_semaphore, #tpu.memory_space<semaphore_mem>>) src(%arg7 : memref<32x1152xf32, #tpu.memory_space<vmem>>) dst(%dma_wait3A_34 : memref<32x1152xf32, #tpu.memory_space<hbm>>)
      tpu.yield
    }) : () -> ()
    %dma_wait3A_22 = arith.constant 0 : i32
    %dma_wait3A_23 = arith.constant 0 : i32
    %dma_wait3A_24 = tpu.memref_slice %arg2[%dma_wait3A_22, %dma_wait3A_23] : memref<10000x1152xf32, #tpu.memory_space<hbm>> -> memref<10000x1152xf32, #tpu.memory_space<hbm>>
    tpu.wait_indirect_dma semaphore(%arg10 : memref<!tpu.dma_semaphore, #tpu.memory_space<semaphore_mem>>) src(%dma_wait3A_24 : memref<10000x1152xf32, #tpu.memory_space<hbm>>) dst(%arg8 : memref<32x1152xf32, #tpu.memory_space<vmem>>)
    %add3A_25 = arith.constant 5600 : i32
    %add3A_26 = arith.addi %mul3A_2, %add3A_25 : i32
    "tpu.region"() ({
      %run_scoped3A = tpu.sem_alloc : memref<!tpu.dma_semaphore, #tpu.memory_space<semaphore_mem>>
      %dma_start3A_27 = arith.constant 0 : i32
      %dma_start3A_28 = tpu.memref_slice %arg4[%add3A_26, %dma_start3A_27] : memref<180224x1152xf32, #tpu.memory_space<hbm>> -> memref<32x1152xf32, #tpu.memory_space<hbm>>
      %dma_start3A_29 = arith.constant 0 : i32
      %dma_start3A_30 = tpu.memref_slice %arg4[%add3A_26, %dma_start3A_29] : memref<180224x1152xf32, #tpu.memory_space<hbm>> -> memref<32x1152xf32, #tpu.memory_space<hbm>>
      tpu.enqueue_dma source(%arg8 : memref<32x1152xf32, #tpu.memory_space<vmem>>) target(%dma_start3A_30 : memref<32x1152xf32, #tpu.memory_space<hbm>>) target_semaphore(%run_scoped3A : memref<!tpu.dma_semaphore, #tpu.memory_space<semaphore_mem>>)
      %dma_wait3A_31 = arith.constant 0 : i32
      %dma_wait3A_32 = tpu.memref_slice %arg4[%add3A_26, %dma_wait3A_31] : memref<180224x1152xf32, #tpu.memory_space<hbm>> -> memref<32x1152xf32, #tpu.memory_space<hbm>>
      %dma_wait3A_33 = arith.constant 0 : i32
      %dma_wait3A_34 = tpu.memref_slice %arg4[%add3A_26, %dma_wait3A_33] : memref<180224x1152xf32, #tpu.memory_space<hbm>> -> memref<32x1152xf32, #tpu.memory_space<hbm>>
      tpu.wait_dma2 semaphore(%run_scoped3A : memref<!tpu.dma_semaphore, #tpu.memory_space<semaphore_mem>>) src(%arg8 : memref<32x1152xf32, #tpu.memory_space<vmem>>) dst(%dma_wait3A_34 : memref<32x1152xf32, #tpu.memory_space<hbm>>)
      tpu.yield
    }) : () -> ()
    return
  }
}

module attributes {stable_mosaic.version = 14 : i64} {
  func.func @_tc_messages_body(%arg0: i32, %arg1: memref<256x3xf32, #tpu.memory_space<vmem>>, %arg2: memref<256x1152xf32, #tpu.memory_space<vmem>>, %arg3: memref<12x180xf32, #tpu.memory_space<vmem>>, %arg4: memref<1x180xf32, #tpu.memory_space<vmem>>, %arg5: memref<15x12x128xf32, #tpu.memory_space<vmem>>, %arg6: memref<15x128xf32, #tpu.memory_space<vmem>>, %arg7: memref<9x179xf32, #tpu.memory_space<vmem>>, %arg8: memref<256x1152xf32, #tpu.memory_space<vmem>>) attributes {dimension_semantics = [#tpu.dimension_semantics<arbitrary>], iteration_bounds = array<i64: 704>, scalar_prefetch = 0 : i64, scratch_operands = 0 : i64, tpu.core_type = #tpu.core_type<tc>, window_params = [{transform_indices = @transform_0, window_bounds = array<i64: 256, 3>}, {transform_indices = @transform_1, window_bounds = array<i64: 256, 1152>}, {pipeline_mode = #tpu.pipeline_mode<synchronous>, transform_indices = @transform_2, window_bounds = array<i64: 12, 180>}, {pipeline_mode = #tpu.pipeline_mode<synchronous>, transform_indices = @transform_3, window_bounds = array<i64: 1, 180>}, {pipeline_mode = #tpu.pipeline_mode<synchronous>, transform_indices = @transform_4, window_bounds = array<i64: 15, 12, 128>}, {pipeline_mode = #tpu.pipeline_mode<synchronous>, transform_indices = @transform_5, window_bounds = array<i64: 15, 128>}, {pipeline_mode = #tpu.pipeline_mode<synchronous>, transform_indices = @transform_6, window_bounds = array<i64: 9, 179>}, {transform_indices = @transform_7, window_bounds = array<i64: 256, 1152>}]} {
    %get3A = arith.constant 0 : index
    %get3A_0 = arith.constant 0 : index
    %get3A_1 = vector.load %arg1[%get3A, %get3A_0] : memref<256x3xf32, #tpu.memory_space<vmem>>, vector<256x3xf32>
    %slice3A = vector.extract_strided_slice %get3A_1 {offsets = [0, 0], sizes = [256, 1], strides = [1, 1]} : vector<256x3xf32> to vector<256x1xf32>
    %slice3A_2 = vector.extract_strided_slice %get3A_1 {offsets = [0, 1], sizes = [256, 1], strides = [1, 1]} : vector<256x3xf32> to vector<256x1xf32>
    %slice3A_3 = vector.extract_strided_slice %get3A_1 {offsets = [0, 2], sizes = [256, 1], strides = [1, 1]} : vector<256x3xf32> to vector<256x1xf32>
    %mul3A = arith.mulf %slice3A, %slice3A : vector<256x1xf32>
    %mul3A_4 = arith.mulf %slice3A_2, %slice3A_2 : vector<256x1xf32>
    %add3A = arith.addf %mul3A, %mul3A_4 : vector<256x1xf32>
    %mul3A_5 = arith.mulf %slice3A_3, %slice3A_3 : vector<256x1xf32>
    %add3A_6 = arith.addf %add3A, %mul3A_5 : vector<256x1xf32>
    %add3A_7 = arith.constant 9.99999996E-13 : f32
    %add3A_8 = vector.broadcast %add3A_7 : f32 to vector<256x1xf32>
    %add3A_9 = arith.addf %add3A_6, %add3A_8 : vector<256x1xf32>
    %sqrt3A = math.sqrt %add3A_9 : vector<256x1xf32>
    %iota3A = tpu.iota {dimensions = array<i32: 1>} : vector<1x12xi32>
    %convert_element_type3A = arith.sitofp %iota3A : vector<1x12xi32> to vector<1x12xf32>
    %mul3A_10 = arith.constant 0.363636374 : f32
    %mul3A_11 = vector.broadcast %mul3A_10 : f32 to vector<1x12xf32>
    %mul3A_12 = arith.mulf %convert_element_type3A, %mul3A_11 : vector<1x12xf32>
    %sub3A = vector.broadcast %sqrt3A : vector<256x1xf32> to vector<256x12xf32>
    %sub3A_13 = vector.broadcast %mul3A_12 : vector<1x12xf32> to vector<256x12xf32>
    %sub3A_14 = arith.subf %sub3A, %sub3A_13 : vector<256x12xf32>
    %integer_pow3A = arith.mulf %sub3A_14, %sub3A_14 : vector<256x12xf32>
    %mul3A_15 = arith.constant -1.000000e+01 : f32
    %mul3A_16 = vector.broadcast %mul3A_15 : f32 to vector<256x12xf32>
    %mul3A_17 = arith.mulf %mul3A_16, %integer_pow3A : vector<256x12xf32>
    %exp3A = math.exp %mul3A_17 : vector<256x12xf32>
    %get3A_18 = arith.constant 0 : index
    %get3A_19 = arith.constant 0 : index
    %get3A_20 = vector.load %arg3[%get3A_18, %get3A_19] : memref<12x180xf32, #tpu.memory_space<vmem>>, vector<12x180xf32>
    %dot_general3A = arith.constant dense<0.000000e+00> : vector<256x180xf32>
    %dot_general3A_21 = tpu.matmul %exp3A, %get3A_20, %dot_general3A {dimension_numbers = #tpu.dot_dimension_numbers<[1], [0], [0], [1], [0, 0, 1, 1], [], []>, transpose_lhs_hint = false} : vector<256x12xf32>, vector<12x180xf32>, vector<256x180xf32> -> vector<256x180xf32>
    %get3A_22 = arith.constant 0 : index
    %get3A_23 = arith.constant 0 : index
    %get3A_24 = vector.load %arg4[%get3A_22, %get3A_23] : memref<1x180xf32, #tpu.memory_space<vmem>>, vector<1x180xf32>
    %add3A_25 = vector.broadcast %get3A_24 : vector<1x180xf32> to vector<256x180xf32>
    %add3A_26 = arith.addf %dot_general3A_21, %add3A_25 : vector<256x180xf32>
    %max3A = arith.constant 0.000000e+00 : f32
    %max3A_27 = vector.broadcast %max3A : f32 to vector<256x180xf32>
    %max3A_28 = arith.maximumf %add3A_26, %max3A_27 : vector<256x180xf32>
    %max3A_29 = arith.constant 9.99999993E-9 : f32
    %max3A_30 = vector.broadcast %max3A_29 : f32 to vector<256x1xf32>
    %max3A_31 = arith.maximumf %add3A_6, %max3A_30 : vector<256x1xf32>
    %broadcast_in_dim3A = arith.constant 1.000000e+00 : f32
    %broadcast_in_dim3A_32 = vector.broadcast %broadcast_in_dim3A : f32 to vector<256x1xf32>
    %mul3A_33 = arith.mulf %slice3A, %slice3A_2 : vector<256x1xf32>
    %div3A = arith.divf %mul3A_33, %max3A_31 : vector<256x1xf32>
    %mul3A_34 = arith.mulf %slice3A_2, %slice3A_3 : vector<256x1xf32>
    %div3A_35 = arith.divf %mul3A_34, %max3A_31 : vector<256x1xf32>
    %neg3A = arith.constant 0.000000e+00 : f32
    %neg3A_36 = vector.broadcast %neg3A : f32 to vector<256x1xf32>
    %neg3A_37 = arith.subf %neg3A_36, %slice3A : vector<256x1xf32>
    %mul3A_38 = arith.mulf %neg3A_37, %slice3A : vector<256x1xf32>
    %mul3A_39 = arith.mulf %slice3A_2, %slice3A_2 : vector<256x1xf32>
    %sub3A_40 = arith.subf %mul3A_38, %mul3A_39 : vector<256x1xf32>
    %mul3A_41 = arith.constant 2.000000e+00 : f32
    %mul3A_42 = vector.broadcast %mul3A_41 : f32 to vector<256x1xf32>
    %mul3A_43 = arith.mulf %mul3A_42, %slice3A_3 : vector<256x1xf32>
    %mul3A_44 = arith.mulf %mul3A_43, %slice3A_3 : vector<256x1xf32>
    %add3A_45 = arith.addf %sub3A_40, %mul3A_44 : vector<256x1xf32>
    %mul3A_46 = arith.constant 3.46410155 : f32
    %mul3A_47 = vector.broadcast %mul3A_46 : f32 to vector<256x1xf32>
    %mul3A_48 = arith.mulf %mul3A_47, %max3A_31 : vector<256x1xf32>
    %div3A_49 = arith.divf %add3A_45, %mul3A_48 : vector<256x1xf32>
    %mul3A_50 = arith.mulf %slice3A_3, %slice3A : vector<256x1xf32>
    %div3A_51 = arith.divf %mul3A_50, %max3A_31 : vector<256x1xf32>
    %mul3A_52 = arith.mulf %slice3A, %slice3A : vector<256x1xf32>
    %mul3A_53 = arith.mulf %slice3A_2, %slice3A_2 : vector<256x1xf32>
    %sub3A_54 = arith.subf %mul3A_52, %mul3A_53 : vector<256x1xf32>
    %mul3A_55 = arith.constant 2.000000e+00 : f32
    %mul3A_56 = vector.broadcast %mul3A_55 : f32 to vector<256x1xf32>
    %mul3A_57 = arith.mulf %mul3A_56, %max3A_31 : vector<256x1xf32>
    %div3A_58 = arith.divf %sub3A_54, %mul3A_57 : vector<256x1xf32>
    %concatenate3A = tpu.concatenate %broadcast_in_dim3A_32, %slice3A, %slice3A_2, %slice3A_3, %div3A, %div3A_35, %div3A_49, %div3A_51, %div3A_58 in 1 : vector<256x1xf32>, vector<256x1xf32>, vector<256x1xf32>, vector<256x1xf32>, vector<256x1xf32>, vector<256x1xf32>, vector<256x1xf32>, vector<256x1xf32>, vector<256x1xf32> -> vector<256x9xf32>
    %get3A_59 = arith.constant 0 : index
    %get3A_60 = arith.constant 0 : index
    %get3A_61 = vector.load %arg7[%get3A_59, %get3A_60] : memref<9x179xf32, #tpu.memory_space<vmem>>, vector<9x179xf32>
    %dot_general3A_62 = arith.constant dense<0.000000e+00> : vector<256x179xf32>
    %dot_general3A_63 = tpu.matmul %concatenate3A, %get3A_61, %dot_general3A_62 {dimension_numbers = #tpu.dot_dimension_numbers<[1], [0], [0], [1], [0, 0, 1, 1], [], []>, transpose_lhs_hint = false} : vector<256x9xf32>, vector<9x179xf32>, vector<256x179xf32> -> vector<256x179xf32>
    %get3A_64 = arith.constant 0 : index
    %get3A_65 = arith.constant 0 : index
    %get3A_66 = vector.load %arg2[%get3A_64, %get3A_65] : memref<256x1152xf32, #tpu.memory_space<vmem>>, vector<256x1152xf32>
    %get3A_67 = arith.constant 0 : index
    %get3A_68 = arith.constant 0 : index
    %get3A_69 = arith.constant 0 : index
    %get3A_70 = vector.load %arg5[%get3A_67, %get3A_68, %get3A_69] : memref<15x12x128xf32, #tpu.memory_space<vmem>>, vector<15x12x128xf32>
    %get3A_71 = arith.constant 0 : index
    %get3A_72 = arith.constant 0 : index
    %get3A_73 = vector.load %arg6[%get3A_71, %get3A_72] : memref<15x128xf32, #tpu.memory_space<vmem>>, vector<15x128xf32>
    %broadcast_in_dim3A_74 = arith.constant 0.000000e+00 : f32
    %broadcast_in_dim3A_75 = vector.broadcast %broadcast_in_dim3A_74 : f32 to vector<256x128xf32>
    %broadcast_in_dim3A_76 = arith.constant 0.000000e+00 : f32
    %broadcast_in_dim3A_77 = vector.broadcast %broadcast_in_dim3A_76 : f32 to vector<256x128xf32>
    %broadcast_in_dim3A_78 = arith.constant 0.000000e+00 : f32
    %broadcast_in_dim3A_79 = vector.broadcast %broadcast_in_dim3A_78 : f32 to vector<256x128xf32>
    %broadcast_in_dim3A_80 = arith.constant 0.000000e+00 : f32
    %broadcast_in_dim3A_81 = vector.broadcast %broadcast_in_dim3A_80 : f32 to vector<256x128xf32>
    %broadcast_in_dim3A_82 = arith.constant 0.000000e+00 : f32
    %broadcast_in_dim3A_83 = vector.broadcast %broadcast_in_dim3A_82 : f32 to vector<256x128xf32>
    %broadcast_in_dim3A_84 = arith.constant 0.000000e+00 : f32
    %broadcast_in_dim3A_85 = vector.broadcast %broadcast_in_dim3A_84 : f32 to vector<256x128xf32>
    %broadcast_in_dim3A_86 = arith.constant 0.000000e+00 : f32
    %broadcast_in_dim3A_87 = vector.broadcast %broadcast_in_dim3A_86 : f32 to vector<256x128xf32>
    %broadcast_in_dim3A_88 = arith.constant 0.000000e+00 : f32
    %broadcast_in_dim3A_89 = vector.broadcast %broadcast_in_dim3A_88 : f32 to vector<256x128xf32>
    %broadcast_in_dim3A_90 = arith.constant 0.000000e+00 : f32
    %broadcast_in_dim3A_91 = vector.broadcast %broadcast_in_dim3A_90 : f32 to vector<256x128xf32>
    %slice3A_92 = vector.extract_strided_slice %max3A_28 {offsets = [0, 0], sizes = [256, 12], strides = [1, 1]} : vector<256x180xf32> to vector<256x12xf32>
    %slice3A_93 = vector.extract_strided_slice %get3A_70 {offsets = [0, 0, 0], sizes = [1, 12, 128], strides = [1, 1, 1]} : vector<15x12x128xf32> to vector<1x12x128xf32>
    %squeeze3A = vector.shape_cast %slice3A_93 : vector<1x12x128xf32> to vector<12x128xf32>
    %dot_general3A_94 = arith.constant dense<0.000000e+00> : vector<256x128xf32>
    %dot_general3A_95 = tpu.matmul %slice3A_92, %squeeze3A, %dot_general3A_94 {dimension_numbers = #tpu.dot_dimension_numbers<[1], [0], [0], [1], [0, 0, 1, 1], [], []>, transpose_lhs_hint = false} : vector<256x12xf32>, vector<12x128xf32>, vector<256x128xf32> -> vector<256x128xf32>
    %slice3A_96 = vector.extract_strided_slice %get3A_73 {offsets = [0, 0], sizes = [1, 128], strides = [1, 1]} : vector<15x128xf32> to vector<1x128xf32>
    %squeeze3A_97 = vector.shape_cast %slice3A_96 : vector<1x128xf32> to vector<128xf32>
    %broadcast_in_dim3A_98 = vector.shape_cast %squeeze3A_97 : vector<128xf32> to vector<1x128xf32>
    %add3A_99 = vector.broadcast %broadcast_in_dim3A_98 : vector<1x128xf32> to vector<256x128xf32>
    %add3A_100 = arith.addf %dot_general3A_95, %add3A_99 : vector<256x128xf32>
    %slice3A_101 = vector.extract_strided_slice %dot_general3A_63 {offsets = [0, 0], sizes = [256, 1], strides = [1, 1]} : vector<256x179xf32> to vector<256x1xf32>
    %slice3A_102 = vector.extract_strided_slice %get3A_66 {offsets = [0, 0], sizes = [256, 128], strides = [1, 1]} : vector<256x1152xf32> to vector<256x128xf32>
    %mul3A_103 = vector.broadcast %slice3A_101 : vector<256x1xf32> to vector<256x128xf32>
    %mul3A_104 = arith.mulf %mul3A_103, %slice3A_102 : vector<256x128xf32>
    %mul3A_105 = arith.mulf %mul3A_104, %add3A_100 : vector<256x128xf32>
    %add3A_106 = arith.addf %broadcast_in_dim3A_75, %mul3A_105 : vector<256x128xf32>
    %slice3A_107 = vector.extract_strided_slice %max3A_28 {offsets = [0, 12], sizes = [256, 12], strides = [1, 1]} : vector<256x180xf32> to vector<256x12xf32>
    %slice3A_108 = vector.extract_strided_slice %get3A_70 {offsets = [1, 0, 0], sizes = [1, 12, 128], strides = [1, 1, 1]} : vector<15x12x128xf32> to vector<1x12x128xf32>
    %squeeze3A_109 = vector.shape_cast %slice3A_108 : vector<1x12x128xf32> to vector<12x128xf32>
    %dot_general3A_110 = arith.constant dense<0.000000e+00> : vector<256x128xf32>
    %dot_general3A_111 = tpu.matmul %slice3A_107, %squeeze3A_109, %dot_general3A_110 {dimension_numbers = #tpu.dot_dimension_numbers<[1], [0], [0], [1], [0, 0, 1, 1], [], []>, transpose_lhs_hint = false} : vector<256x12xf32>, vector<12x128xf32>, vector<256x128xf32> -> vector<256x128xf32>
    %slice3A_112 = vector.extract_strided_slice %get3A_73 {offsets = [1, 0], sizes = [1, 128], strides = [1, 1]} : vector<15x128xf32> to vector<1x128xf32>
    %squeeze3A_113 = vector.shape_cast %slice3A_112 : vector<1x128xf32> to vector<128xf32>
    %broadcast_in_dim3A_114 = vector.shape_cast %squeeze3A_113 : vector<128xf32> to vector<1x128xf32>
    %add3A_115 = vector.broadcast %broadcast_in_dim3A_114 : vector<1x128xf32> to vector<256x128xf32>
    %add3A_116 = arith.addf %dot_general3A_111, %add3A_115 : vector<256x128xf32>
    %slice3A_117 = vector.extract_strided_slice %dot_general3A_63 {offsets = [0, 1], sizes = [256, 1], strides = [1, 1]} : vector<256x179xf32> to vector<256x1xf32>
    %slice3A_118 = vector.extract_strided_slice %get3A_66 {offsets = [0, 0], sizes = [256, 128], strides = [1, 1]} : vector<256x1152xf32> to vector<256x128xf32>
    %mul3A_119 = vector.broadcast %slice3A_117 : vector<256x1xf32> to vector<256x128xf32>
    %mul3A_120 = arith.mulf %mul3A_119, %slice3A_118 : vector<256x128xf32>
    %mul3A_121 = arith.mulf %mul3A_120, %add3A_116 : vector<256x128xf32>
    %add3A_122 = arith.addf %broadcast_in_dim3A_77, %mul3A_121 : vector<256x128xf32>
    %slice3A_123 = vector.extract_strided_slice %dot_general3A_63 {offsets = [0, 2], sizes = [256, 1], strides = [1, 1]} : vector<256x179xf32> to vector<256x1xf32>
    %slice3A_124 = vector.extract_strided_slice %get3A_66 {offsets = [0, 0], sizes = [256, 128], strides = [1, 1]} : vector<256x1152xf32> to vector<256x128xf32>
    %mul3A_125 = vector.broadcast %slice3A_123 : vector<256x1xf32> to vector<256x128xf32>
    %mul3A_126 = arith.mulf %mul3A_125, %slice3A_124 : vector<256x128xf32>
    %mul3A_127 = arith.mulf %mul3A_126, %add3A_116 : vector<256x128xf32>
    %add3A_128 = arith.addf %broadcast_in_dim3A_79, %mul3A_127 : vector<256x128xf32>
    %slice3A_129 = vector.extract_strided_slice %dot_general3A_63 {offsets = [0, 3], sizes = [256, 1], strides = [1, 1]} : vector<256x179xf32> to vector<256x1xf32>
    %slice3A_130 = vector.extract_strided_slice %get3A_66 {offsets = [0, 0], sizes = [256, 128], strides = [1, 1]} : vector<256x1152xf32> to vector<256x128xf32>
    %mul3A_131 = vector.broadcast %slice3A_129 : vector<256x1xf32> to vector<256x128xf32>
    %mul3A_132 = arith.mulf %mul3A_131, %slice3A_130 : vector<256x128xf32>
    %mul3A_133 = arith.mulf %mul3A_132, %add3A_116 : vector<256x128xf32>
    %add3A_134 = arith.addf %broadcast_in_dim3A_81, %mul3A_133 : vector<256x128xf32>
    %slice3A_135 = vector.extract_strided_slice %max3A_28 {offsets = [0, 24], sizes = [256, 12], strides = [1, 1]} : vector<256x180xf32> to vector<256x12xf32>
    %slice3A_136 = vector.extract_strided_slice %get3A_70 {offsets = [2, 0, 0], sizes = [1, 12, 128], strides = [1, 1, 1]} : vector<15x12x128xf32> to vector<1x12x128xf32>
    %squeeze3A_137 = vector.shape_cast %slice3A_136 : vector<1x12x128xf32> to vector<12x128xf32>
    %dot_general3A_138 = arith.constant dense<0.000000e+00> : vector<256x128xf32>
    %dot_general3A_139 = tpu.matmul %slice3A_135, %squeeze3A_137, %dot_general3A_138 {dimension_numbers = #tpu.dot_dimension_numbers<[1], [0], [0], [1], [0, 0, 1, 1], [], []>, transpose_lhs_hint = false} : vector<256x12xf32>, vector<12x128xf32>, vector<256x128xf32> -> vector<256x128xf32>
    %slice3A_140 = vector.extract_strided_slice %get3A_73 {offsets = [2, 0], sizes = [1, 128], strides = [1, 1]} : vector<15x128xf32> to vector<1x128xf32>
    %squeeze3A_141 = vector.shape_cast %slice3A_140 : vector<1x128xf32> to vector<128xf32>
    %broadcast_in_dim3A_142 = vector.shape_cast %squeeze3A_141 : vector<128xf32> to vector<1x128xf32>
    %add3A_143 = vector.broadcast %broadcast_in_dim3A_142 : vector<1x128xf32> to vector<256x128xf32>
    %add3A_144 = arith.addf %dot_general3A_139, %add3A_143 : vector<256x128xf32>
    %slice3A_145 = vector.extract_strided_slice %dot_general3A_63 {offsets = [0, 4], sizes = [256, 1], strides = [1, 1]} : vector<256x179xf32> to vector<256x1xf32>
    %slice3A_146 = vector.extract_strided_slice %get3A_66 {offsets = [0, 128], sizes = [256, 128], strides = [1, 1]} : vector<256x1152xf32> to vector<256x128xf32>
    %mul3A_147 = vector.broadcast %slice3A_145 : vector<256x1xf32> to vector<256x128xf32>
    %mul3A_148 = arith.mulf %mul3A_147, %slice3A_146 : vector<256x128xf32>
    %slice3A_149 = vector.extract_strided_slice %dot_general3A_63 {offsets = [0, 5], sizes = [256, 1], strides = [1, 1]} : vector<256x179xf32> to vector<256x1xf32>
    %slice3A_150 = vector.extract_strided_slice %get3A_66 {offsets = [0, 256], sizes = [256, 128], strides = [1, 1]} : vector<256x1152xf32> to vector<256x128xf32>
    %mul3A_151 = vector.broadcast %slice3A_149 : vector<256x1xf32> to vector<256x128xf32>
    %mul3A_152 = arith.mulf %mul3A_151, %slice3A_150 : vector<256x128xf32>
    %add3A_153 = arith.addf %mul3A_148, %mul3A_152 : vector<256x128xf32>
    %slice3A_154 = vector.extract_strided_slice %dot_general3A_63 {offsets = [0, 6], sizes = [256, 1], strides = [1, 1]} : vector<256x179xf32> to vector<256x1xf32>
    %slice3A_155 = vector.extract_strided_slice %get3A_66 {offsets = [0, 384], sizes = [256, 128], strides = [1, 1]} : vector<256x1152xf32> to vector<256x128xf32>
    %mul3A_156 = vector.broadcast %slice3A_154 : vector<256x1xf32> to vector<256x128xf32>
    %mul3A_157 = arith.mulf %mul3A_156, %slice3A_155 : vector<256x128xf32>
    %add3A_158 = arith.addf %add3A_153, %mul3A_157 : vector<256x128xf32>
    %mul3A_159 = arith.mulf %add3A_158, %add3A_144 : vector<256x128xf32>
    %add3A_160 = arith.addf %add3A_122, %mul3A_159 : vector<256x128xf32>
    %slice3A_161 = vector.extract_strided_slice %dot_general3A_63 {offsets = [0, 7], sizes = [256, 1], strides = [1, 1]} : vector<256x179xf32> to vector<256x1xf32>
    %slice3A_162 = vector.extract_strided_slice %get3A_66 {offsets = [0, 128], sizes = [256, 128], strides = [1, 1]} : vector<256x1152xf32> to vector<256x128xf32>
    %mul3A_163 = vector.broadcast %slice3A_161 : vector<256x1xf32> to vector<256x128xf32>
    %mul3A_164 = arith.mulf %mul3A_163, %slice3A_162 : vector<256x128xf32>
    %slice3A_165 = vector.extract_strided_slice %dot_general3A_63 {offsets = [0, 8], sizes = [256, 1], strides = [1, 1]} : vector<256x179xf32> to vector<256x1xf32>
    %slice3A_166 = vector.extract_strided_slice %get3A_66 {offsets = [0, 256], sizes = [256, 128], strides = [1, 1]} : vector<256x1152xf32> to vector<256x128xf32>
    %mul3A_167 = vector.broadcast %slice3A_165 : vector<256x1xf32> to vector<256x128xf32>
    %mul3A_168 = arith.mulf %mul3A_167, %slice3A_166 : vector<256x128xf32>
    %add3A_169 = arith.addf %mul3A_164, %mul3A_168 : vector<256x128xf32>
    %slice3A_170 = vector.extract_strided_slice %dot_general3A_63 {offsets = [0, 9], sizes = [256, 1], strides = [1, 1]} : vector<256x179xf32> to vector<256x1xf32>
    %slice3A_171 = vector.extract_strided_slice %get3A_66 {offsets = [0, 384], sizes = [256, 128], strides = [1, 1]} : vector<256x1152xf32> to vector<256x128xf32>
    %mul3A_172 = vector.broadcast %slice3A_170 : vector<256x1xf32> to vector<256x128xf32>
    %mul3A_173 = arith.mulf %mul3A_172, %slice3A_171 : vector<256x128xf32>
    %add3A_174 = arith.addf %add3A_169, %mul3A_173 : vector<256x128xf32>
    %mul3A_175 = arith.mulf %add3A_174, %add3A_144 : vector<256x128xf32>
    %add3A_176 = arith.addf %add3A_128, %mul3A_175 : vector<256x128xf32>
    %slice3A_177 = vector.extract_strided_slice %dot_general3A_63 {offsets = [0, 10], sizes = [256, 1], strides = [1, 1]} : vector<256x179xf32> to vector<256x1xf32>
    %slice3A_178 = vector.extract_strided_slice %get3A_66 {offsets = [0, 128], sizes = [256, 128], strides = [1, 1]} : vector<256x1152xf32> to vector<256x128xf32>
    %mul3A_179 = vector.broadcast %slice3A_177 : vector<256x1xf32> to vector<256x128xf32>
    %mul3A_180 = arith.mulf %mul3A_179, %slice3A_178 : vector<256x128xf32>
    %slice3A_181 = vector.extract_strided_slice %dot_general3A_63 {offsets = [0, 11], sizes = [256, 1], strides = [1, 1]} : vector<256x179xf32> to vector<256x1xf32>
    %slice3A_182 = vector.extract_strided_slice %get3A_66 {offsets = [0, 256], sizes = [256, 128], strides = [1, 1]} : vector<256x1152xf32> to vector<256x128xf32>
    %mul3A_183 = vector.broadcast %slice3A_181 : vector<256x1xf32> to vector<256x128xf32>
    %mul3A_184 = arith.mulf %mul3A_183, %slice3A_182 : vector<256x128xf32>
    %add3A_185 = arith.addf %mul3A_180, %mul3A_184 : vector<256x128xf32>
    %slice3A_186 = vector.extract_strided_slice %dot_general3A_63 {offsets = [0, 12], sizes = [256, 1], strides = [1, 1]} : vector<256x179xf32> to vector<256x1xf32>
    %slice3A_187 = vector.extract_strided_slice %get3A_66 {offsets = [0, 384], sizes = [256, 128], strides = [1, 1]} : vector<256x1152xf32> to vector<256x128xf32>
    %mul3A_188 = vector.broadcast %slice3A_186 : vector<256x1xf32> to vector<256x128xf32>
    %mul3A_189 = arith.mulf %mul3A_188, %slice3A_187 : vector<256x128xf32>
    %add3A_190 = arith.addf %add3A_185, %mul3A_189 : vector<256x128xf32>
    %mul3A_191 = arith.mulf %add3A_190, %add3A_144 : vector<256x128xf32>
    %add3A_192 = arith.addf %add3A_134, %mul3A_191 : vector<256x128xf32>
    %slice3A_193 = vector.extract_strided_slice %max3A_28 {offsets = [0, 36], sizes = [256, 12], strides = [1, 1]} : vector<256x180xf32> to vector<256x12xf32>
    %slice3A_194 = vector.extract_strided_slice %get3A_70 {offsets = [3, 0, 0], sizes = [1, 12, 128], strides = [1, 1, 1]} : vector<15x12x128xf32> to vector<1x12x128xf32>
    %squeeze3A_195 = vector.shape_cast %slice3A_194 : vector<1x12x128xf32> to vector<12x128xf32>
    %dot_general3A_196 = arith.constant dense<0.000000e+00> : vector<256x128xf32>
    %dot_general3A_197 = tpu.matmul %slice3A_193, %squeeze3A_195, %dot_general3A_196 {dimension_numbers = #tpu.dot_dimension_numbers<[1], [0], [0], [1], [0, 0, 1, 1], [], []>, transpose_lhs_hint = false} : vector<256x12xf32>, vector<12x128xf32>, vector<256x128xf32> -> vector<256x128xf32>
    %slice3A_198 = vector.extract_strided_slice %get3A_73 {offsets = [3, 0], sizes = [1, 128], strides = [1, 1]} : vector<15x128xf32> to vector<1x128xf32>
    %squeeze3A_199 = vector.shape_cast %slice3A_198 : vector<1x128xf32> to vector<128xf32>
    %broadcast_in_dim3A_200 = vector.shape_cast %squeeze3A_199 : vector<128xf32> to vector<1x128xf32>
    %add3A_201 = vector.broadcast %broadcast_in_dim3A_200 : vector<1x128xf32> to vector<256x128xf32>
    %add3A_202 = arith.addf %dot_general3A_197, %add3A_201 : vector<256x128xf32>
    %slice3A_203 = vector.extract_strided_slice %dot_general3A_63 {offsets = [0, 13], sizes = [256, 1], strides = [1, 1]} : vector<256x179xf32> to vector<256x1xf32>
    %slice3A_204 = vector.extract_strided_slice %get3A_66 {offsets = [0, 128], sizes = [256, 128], strides = [1, 1]} : vector<256x1152xf32> to vector<256x128xf32>
    %mul3A_205 = vector.broadcast %slice3A_203 : vector<256x1xf32> to vector<256x128xf32>
    %mul3A_206 = arith.mulf %mul3A_205, %slice3A_204 : vector<256x128xf32>
    %slice3A_207 = vector.extract_strided_slice %dot_general3A_63 {offsets = [0, 14], sizes = [256, 1], strides = [1, 1]} : vector<256x179xf32> to vector<256x1xf32>
    %slice3A_208 = vector.extract_strided_slice %get3A_66 {offsets = [0, 256], sizes = [256, 128], strides = [1, 1]} : vector<256x1152xf32> to vector<256x128xf32>
    %mul3A_209 = vector.broadcast %slice3A_207 : vector<256x1xf32> to vector<256x128xf32>
    %mul3A_210 = arith.mulf %mul3A_209, %slice3A_208 : vector<256x128xf32>
    %add3A_211 = arith.addf %mul3A_206, %mul3A_210 : vector<256x128xf32>
    %slice3A_212 = vector.extract_strided_slice %dot_general3A_63 {offsets = [0, 15], sizes = [256, 1], strides = [1, 1]} : vector<256x179xf32> to vector<256x1xf32>
    %slice3A_213 = vector.extract_strided_slice %get3A_66 {offsets = [0, 384], sizes = [256, 128], strides = [1, 1]} : vector<256x1152xf32> to vector<256x128xf32>
    %mul3A_214 = vector.broadcast %slice3A_212 : vector<256x1xf32> to vector<256x128xf32>
    %mul3A_215 = arith.mulf %mul3A_214, %slice3A_213 : vector<256x128xf32>
    %add3A_216 = arith.addf %add3A_211, %mul3A_215 : vector<256x128xf32>
    %mul3A_217 = arith.mulf %add3A_216, %add3A_202 : vector<256x128xf32>
    %add3A_218 = arith.addf %add3A_106, %mul3A_217 : vector<256x128xf32>
    %slice3A_219 = vector.extract_strided_slice %max3A_28 {offsets = [0, 48], sizes = [256, 12], strides = [1, 1]} : vector<256x180xf32> to vector<256x12xf32>
    %slice3A_220 = vector.extract_strided_slice %get3A_70 {offsets = [4, 0, 0], sizes = [1, 12, 128], strides = [1, 1, 1]} : vector<15x12x128xf32> to vector<1x12x128xf32>
    %squeeze3A_221 = vector.shape_cast %slice3A_220 : vector<1x12x128xf32> to vector<12x128xf32>
    %dot_general3A_222 = arith.constant dense<0.000000e+00> : vector<256x128xf32>
    %dot_general3A_223 = tpu.matmul %slice3A_219, %squeeze3A_221, %dot_general3A_222 {dimension_numbers = #tpu.dot_dimension_numbers<[1], [0], [0], [1], [0, 0, 1, 1], [], []>, transpose_lhs_hint = false} : vector<256x12xf32>, vector<12x128xf32>, vector<256x128xf32> -> vector<256x128xf32>
    %slice3A_224 = vector.extract_strided_slice %get3A_73 {offsets = [4, 0], sizes = [1, 128], strides = [1, 1]} : vector<15x128xf32> to vector<1x128xf32>
    %squeeze3A_225 = vector.shape_cast %slice3A_224 : vector<1x128xf32> to vector<128xf32>
    %broadcast_in_dim3A_226 = vector.shape_cast %squeeze3A_225 : vector<128xf32> to vector<1x128xf32>
    %add3A_227 = vector.broadcast %broadcast_in_dim3A_226 : vector<1x128xf32> to vector<256x128xf32>
    %add3A_228 = arith.addf %dot_general3A_223, %add3A_227 : vector<256x128xf32>
    %slice3A_229 = vector.extract_strided_slice %dot_general3A_63 {offsets = [0, 16], sizes = [256, 1], strides = [1, 1]} : vector<256x179xf32> to vector<256x1xf32>
    %slice3A_230 = vector.extract_strided_slice %get3A_66 {offsets = [0, 128], sizes = [256, 128], strides = [1, 1]} : vector<256x1152xf32> to vector<256x128xf32>
    %mul3A_231 = vector.broadcast %slice3A_229 : vector<256x1xf32> to vector<256x128xf32>
    %mul3A_232 = arith.mulf %mul3A_231, %slice3A_230 : vector<256x128xf32>
    %slice3A_233 = vector.extract_strided_slice %dot_general3A_63 {offsets = [0, 17], sizes = [256, 1], strides = [1, 1]} : vector<256x179xf32> to vector<256x1xf32>
    %slice3A_234 = vector.extract_strided_slice %get3A_66 {offsets = [0, 256], sizes = [256, 128], strides = [1, 1]} : vector<256x1152xf32> to vector<256x128xf32>
    %mul3A_235 = vector.broadcast %slice3A_233 : vector<256x1xf32> to vector<256x128xf32>
    %mul3A_236 = arith.mulf %mul3A_235, %slice3A_234 : vector<256x128xf32>
    %add3A_237 = arith.addf %mul3A_232, %mul3A_236 : vector<256x128xf32>
    %slice3A_238 = vector.extract_strided_slice %dot_general3A_63 {offsets = [0, 18], sizes = [256, 1], strides = [1, 1]} : vector<256x179xf32> to vector<256x1xf32>
    %slice3A_239 = vector.extract_strided_slice %get3A_66 {offsets = [0, 384], sizes = [256, 128], strides = [1, 1]} : vector<256x1152xf32> to vector<256x128xf32>
    %mul3A_240 = vector.broadcast %slice3A_238 : vector<256x1xf32> to vector<256x128xf32>
    %mul3A_241 = arith.mulf %mul3A_240, %slice3A_239 : vector<256x128xf32>
    %add3A_242 = arith.addf %add3A_237, %mul3A_241 : vector<256x128xf32>
    %mul3A_243 = arith.mulf %add3A_242, %add3A_228 : vector<256x128xf32>
    %add3A_244 = arith.addf %add3A_160, %mul3A_243 : vector<256x128xf32>
    %slice3A_245 = vector.extract_strided_slice %dot_general3A_63 {offsets = [0, 19], sizes = [256, 1], strides = [1, 1]} : vector<256x179xf32> to vector<256x1xf32>
    %slice3A_246 = vector.extract_strided_slice %get3A_66 {offsets = [0, 128], sizes = [256, 128], strides = [1, 1]} : vector<256x1152xf32> to vector<256x128xf32>
    %mul3A_247 = vector.broadcast %slice3A_245 : vector<256x1xf32> to vector<256x128xf32>
    %mul3A_248 = arith.mulf %mul3A_247, %slice3A_246 : vector<256x128xf32>
    %slice3A_249 = vector.extract_strided_slice %dot_general3A_63 {offsets = [0, 20], sizes = [256, 1], strides = [1, 1]} : vector<256x179xf32> to vector<256x1xf32>
    %slice3A_250 = vector.extract_strided_slice %get3A_66 {offsets = [0, 256], sizes = [256, 128], strides = [1, 1]} : vector<256x1152xf32> to vector<256x128xf32>
    %mul3A_251 = vector.broadcast %slice3A_249 : vector<256x1xf32> to vector<256x128xf32>
    %mul3A_252 = arith.mulf %mul3A_251, %slice3A_250 : vector<256x128xf32>
    %add3A_253 = arith.addf %mul3A_248, %mul3A_252 : vector<256x128xf32>
    %slice3A_254 = vector.extract_strided_slice %dot_general3A_63 {offsets = [0, 21], sizes = [256, 1], strides = [1, 1]} : vector<256x179xf32> to vector<256x1xf32>
    %slice3A_255 = vector.extract_strided_slice %get3A_66 {offsets = [0, 384], sizes = [256, 128], strides = [1, 1]} : vector<256x1152xf32> to vector<256x128xf32>
    %mul3A_256 = vector.broadcast %slice3A_254 : vector<256x1xf32> to vector<256x128xf32>
    %mul3A_257 = arith.mulf %mul3A_256, %slice3A_255 : vector<256x128xf32>
    %add3A_258 = arith.addf %add3A_253, %mul3A_257 : vector<256x128xf32>
    %mul3A_259 = arith.mulf %add3A_258, %add3A_228 : vector<256x128xf32>
    %add3A_260 = arith.addf %add3A_176, %mul3A_259 : vector<256x128xf32>
    %slice3A_261 = vector.extract_strided_slice %dot_general3A_63 {offsets = [0, 22], sizes = [256, 1], strides = [1, 1]} : vector<256x179xf32> to vector<256x1xf32>
    %slice3A_262 = vector.extract_strided_slice %get3A_66 {offsets = [0, 128], sizes = [256, 128], strides = [1, 1]} : vector<256x1152xf32> to vector<256x128xf32>
    %mul3A_263 = vector.broadcast %slice3A_261 : vector<256x1xf32> to vector<256x128xf32>
    %mul3A_264 = arith.mulf %mul3A_263, %slice3A_262 : vector<256x128xf32>
    %slice3A_265 = vector.extract_strided_slice %dot_general3A_63 {offsets = [0, 23], sizes = [256, 1], strides = [1, 1]} : vector<256x179xf32> to vector<256x1xf32>
    %slice3A_266 = vector.extract_strided_slice %get3A_66 {offsets = [0, 256], sizes = [256, 128], strides = [1, 1]} : vector<256x1152xf32> to vector<256x128xf32>
    %mul3A_267 = vector.broadcast %slice3A_265 : vector<256x1xf32> to vector<256x128xf32>
    %mul3A_268 = arith.mulf %mul3A_267, %slice3A_266 : vector<256x128xf32>
    %add3A_269 = arith.addf %mul3A_264, %mul3A_268 : vector<256x128xf32>
    %slice3A_270 = vector.extract_strided_slice %dot_general3A_63 {offsets = [0, 24], sizes = [256, 1], strides = [1, 1]} : vector<256x179xf32> to vector<256x1xf32>
    %slice3A_271 = vector.extract_strided_slice %get3A_66 {offsets = [0, 384], sizes = [256, 128], strides = [1, 1]} : vector<256x1152xf32> to vector<256x128xf32>
    %mul3A_272 = vector.broadcast %slice3A_270 : vector<256x1xf32> to vector<256x128xf32>
    %mul3A_273 = arith.mulf %mul3A_272, %slice3A_271 : vector<256x128xf32>
    %add3A_274 = arith.addf %add3A_269, %mul3A_273 : vector<256x128xf32>
    %mul3A_275 = arith.mulf %add3A_274, %add3A_228 : vector<256x128xf32>
    %add3A_276 = arith.addf %add3A_192, %mul3A_275 : vector<256x128xf32>
    %slice3A_277 = vector.extract_strided_slice %max3A_28 {offsets = [0, 60], sizes = [256, 12], strides = [1, 1]} : vector<256x180xf32> to vector<256x12xf32>
    %slice3A_278 = vector.extract_strided_slice %get3A_70 {offsets = [5, 0, 0], sizes = [1, 12, 128], strides = [1, 1, 1]} : vector<15x12x128xf32> to vector<1x12x128xf32>
    %squeeze3A_279 = vector.shape_cast %slice3A_278 : vector<1x12x128xf32> to vector<12x128xf32>
    %dot_general3A_280 = arith.constant dense<0.000000e+00> : vector<256x128xf32>
    %dot_general3A_281 = tpu.matmul %slice3A_277, %squeeze3A_279, %dot_general3A_280 {dimension_numbers = #tpu.dot_dimension_numbers<[1], [0], [0], [1], [0, 0, 1, 1], [], []>, transpose_lhs_hint = false} : vector<256x12xf32>, vector<12x128xf32>, vector<256x128xf32> -> vector<256x128xf32>
    %slice3A_282 = vector.extract_strided_slice %get3A_73 {offsets = [5, 0], sizes = [1, 128], strides = [1, 1]} : vector<15x128xf32> to vector<1x128xf32>
    %squeeze3A_283 = vector.shape_cast %slice3A_282 : vector<1x128xf32> to vector<128xf32>
    %broadcast_in_dim3A_284 = vector.shape_cast %squeeze3A_283 : vector<128xf32> to vector<1x128xf32>
    %add3A_285 = vector.broadcast %broadcast_in_dim3A_284 : vector<1x128xf32> to vector<256x128xf32>
    %add3A_286 = arith.addf %dot_general3A_281, %add3A_285 : vector<256x128xf32>
    %slice3A_287 = vector.extract_strided_slice %dot_general3A_63 {offsets = [0, 25], sizes = [256, 1], strides = [1, 1]} : vector<256x179xf32> to vector<256x1xf32>
    %slice3A_288 = vector.extract_strided_slice %get3A_66 {offsets = [0, 128], sizes = [256, 128], strides = [1, 1]} : vector<256x1152xf32> to vector<256x128xf32>
    %mul3A_289 = vector.broadcast %slice3A_287 : vector<256x1xf32> to vector<256x128xf32>
    %mul3A_290 = arith.mulf %mul3A_289, %slice3A_288 : vector<256x128xf32>
    %slice3A_291 = vector.extract_strided_slice %dot_general3A_63 {offsets = [0, 26], sizes = [256, 1], strides = [1, 1]} : vector<256x179xf32> to vector<256x1xf32>
    %slice3A_292 = vector.extract_strided_slice %get3A_66 {offsets = [0, 256], sizes = [256, 128], strides = [1, 1]} : vector<256x1152xf32> to vector<256x128xf32>
    %mul3A_293 = vector.broadcast %slice3A_291 : vector<256x1xf32> to vector<256x128xf32>
    %mul3A_294 = arith.mulf %mul3A_293, %slice3A_292 : vector<256x128xf32>
    %add3A_295 = arith.addf %mul3A_290, %mul3A_294 : vector<256x128xf32>
    %slice3A_296 = vector.extract_strided_slice %dot_general3A_63 {offsets = [0, 27], sizes = [256, 1], strides = [1, 1]} : vector<256x179xf32> to vector<256x1xf32>
    %slice3A_297 = vector.extract_strided_slice %get3A_66 {offsets = [0, 384], sizes = [256, 128], strides = [1, 1]} : vector<256x1152xf32> to vector<256x128xf32>
    %mul3A_298 = vector.broadcast %slice3A_296 : vector<256x1xf32> to vector<256x128xf32>
    %mul3A_299 = arith.mulf %mul3A_298, %slice3A_297 : vector<256x128xf32>
    %add3A_300 = arith.addf %add3A_295, %mul3A_299 : vector<256x128xf32>
    %mul3A_301 = arith.mulf %add3A_300, %add3A_286 : vector<256x128xf32>
    %add3A_302 = arith.addf %broadcast_in_dim3A_83, %mul3A_301 : vector<256x128xf32>
    %slice3A_303 = vector.extract_strided_slice %dot_general3A_63 {offsets = [0, 28], sizes = [256, 1], strides = [1, 1]} : vector<256x179xf32> to vector<256x1xf32>
    %slice3A_304 = vector.extract_strided_slice %get3A_66 {offsets = [0, 128], sizes = [256, 128], strides = [1, 1]} : vector<256x1152xf32> to vector<256x128xf32>
    %mul3A_305 = vector.broadcast %slice3A_303 : vector<256x1xf32> to vector<256x128xf32>
    %mul3A_306 = arith.mulf %mul3A_305, %slice3A_304 : vector<256x128xf32>
    %slice3A_307 = vector.extract_strided_slice %dot_general3A_63 {offsets = [0, 29], sizes = [256, 1], strides = [1, 1]} : vector<256x179xf32> to vector<256x1xf32>
    %slice3A_308 = vector.extract_strided_slice %get3A_66 {offsets = [0, 256], sizes = [256, 128], strides = [1, 1]} : vector<256x1152xf32> to vector<256x128xf32>
    %mul3A_309 = vector.broadcast %slice3A_307 : vector<256x1xf32> to vector<256x128xf32>
    %mul3A_310 = arith.mulf %mul3A_309, %slice3A_308 : vector<256x128xf32>
    %add3A_311 = arith.addf %mul3A_306, %mul3A_310 : vector<256x128xf32>
    %slice3A_312 = vector.extract_strided_slice %dot_general3A_63 {offsets = [0, 30], sizes = [256, 1], strides = [1, 1]} : vector<256x179xf32> to vector<256x1xf32>
    %slice3A_313 = vector.extract_strided_slice %get3A_66 {offsets = [0, 384], sizes = [256, 128], strides = [1, 1]} : vector<256x1152xf32> to vector<256x128xf32>
    %mul3A_314 = vector.broadcast %slice3A_312 : vector<256x1xf32> to vector<256x128xf32>
    %mul3A_315 = arith.mulf %mul3A_314, %slice3A_313 : vector<256x128xf32>
    %add3A_316 = arith.addf %add3A_311, %mul3A_315 : vector<256x128xf32>
    %mul3A_317 = arith.mulf %add3A_316, %add3A_286 : vector<256x128xf32>
    %add3A_318 = arith.addf %broadcast_in_dim3A_85, %mul3A_317 : vector<256x128xf32>
    %slice3A_319 = vector.extract_strided_slice %dot_general3A_63 {offsets = [0, 31], sizes = [256, 1], strides = [1, 1]} : vector<256x179xf32> to vector<256x1xf32>
    %slice3A_320 = vector.extract_strided_slice %get3A_66 {offsets = [0, 128], sizes = [256, 128], strides = [1, 1]} : vector<256x1152xf32> to vector<256x128xf32>
    %mul3A_321 = vector.broadcast %slice3A_319 : vector<256x1xf32> to vector<256x128xf32>
    %mul3A_322 = arith.mulf %mul3A_321, %slice3A_320 : vector<256x128xf32>
    %slice3A_323 = vector.extract_strided_slice %dot_general3A_63 {offsets = [0, 32], sizes = [256, 1], strides = [1, 1]} : vector<256x179xf32> to vector<256x1xf32>
    %slice3A_324 = vector.extract_strided_slice %get3A_66 {offsets = [0, 256], sizes = [256, 128], strides = [1, 1]} : vector<256x1152xf32> to vector<256x128xf32>
    %mul3A_325 = vector.broadcast %slice3A_323 : vector<256x1xf32> to vector<256x128xf32>
    %mul3A_326 = arith.mulf %mul3A_325, %slice3A_324 : vector<256x128xf32>
    %add3A_327 = arith.addf %mul3A_322, %mul3A_326 : vector<256x128xf32>
    %slice3A_328 = vector.extract_strided_slice %dot_general3A_63 {offsets = [0, 33], sizes = [256, 1], strides = [1, 1]} : vector<256x179xf32> to vector<256x1xf32>
    %slice3A_329 = vector.extract_strided_slice %get3A_66 {offsets = [0, 384], sizes = [256, 128], strides = [1, 1]} : vector<256x1152xf32> to vector<256x128xf32>
    %mul3A_330 = vector.broadcast %slice3A_328 : vector<256x1xf32> to vector<256x128xf32>
    %mul3A_331 = arith.mulf %mul3A_330, %slice3A_329 : vector<256x128xf32>
    %add3A_332 = arith.addf %add3A_327, %mul3A_331 : vector<256x128xf32>
    %mul3A_333 = arith.mulf %add3A_332, %add3A_286 : vector<256x128xf32>
    %add3A_334 = arith.addf %broadcast_in_dim3A_87, %mul3A_333 : vector<256x128xf32>
    %slice3A_335 = vector.extract_strided_slice %dot_general3A_63 {offsets = [0, 34], sizes = [256, 1], strides = [1, 1]} : vector<256x179xf32> to vector<256x1xf32>
    %slice3A_336 = vector.extract_strided_slice %get3A_66 {offsets = [0, 128], sizes = [256, 128], strides = [1, 1]} : vector<256x1152xf32> to vector<256x128xf32>
    %mul3A_337 = vector.broadcast %slice3A_335 : vector<256x1xf32> to vector<256x128xf32>
    %mul3A_338 = arith.mulf %mul3A_337, %slice3A_336 : vector<256x128xf32>
    %slice3A_339 = vector.extract_strided_slice %dot_general3A_63 {offsets = [0, 35], sizes = [256, 1], strides = [1, 1]} : vector<256x179xf32> to vector<256x1xf32>
    %slice3A_340 = vector.extract_strided_slice %get3A_66 {offsets = [0, 256], sizes = [256, 128], strides = [1, 1]} : vector<256x1152xf32> to vector<256x128xf32>
    %mul3A_341 = vector.broadcast %slice3A_339 : vector<256x1xf32> to vector<256x128xf32>
    %mul3A_342 = arith.mulf %mul3A_341, %slice3A_340 : vector<256x128xf32>
    %add3A_343 = arith.addf %mul3A_338, %mul3A_342 : vector<256x128xf32>
    %slice3A_344 = vector.extract_strided_slice %dot_general3A_63 {offsets = [0, 36], sizes = [256, 1], strides = [1, 1]} : vector<256x179xf32> to vector<256x1xf32>
    %slice3A_345 = vector.extract_strided_slice %get3A_66 {offsets = [0, 384], sizes = [256, 128], strides = [1, 1]} : vector<256x1152xf32> to vector<256x128xf32>
    %mul3A_346 = vector.broadcast %slice3A_344 : vector<256x1xf32> to vector<256x128xf32>
    %mul3A_347 = arith.mulf %mul3A_346, %slice3A_345 : vector<256x128xf32>
    %add3A_348 = arith.addf %add3A_343, %mul3A_347 : vector<256x128xf32>
    %mul3A_349 = arith.mulf %add3A_348, %add3A_286 : vector<256x128xf32>
    %add3A_350 = arith.addf %broadcast_in_dim3A_89, %mul3A_349 : vector<256x128xf32>
    %slice3A_351 = vector.extract_strided_slice %dot_general3A_63 {offsets = [0, 37], sizes = [256, 1], strides = [1, 1]} : vector<256x179xf32> to vector<256x1xf32>
    %slice3A_352 = vector.extract_strided_slice %get3A_66 {offsets = [0, 128], sizes = [256, 128], strides = [1, 1]} : vector<256x1152xf32> to vector<256x128xf32>
    %mul3A_353 = vector.broadcast %slice3A_351 : vector<256x1xf32> to vector<256x128xf32>
    %mul3A_354 = arith.mulf %mul3A_353, %slice3A_352 : vector<256x128xf32>
    %slice3A_355 = vector.extract_strided_slice %dot_general3A_63 {offsets = [0, 38], sizes = [256, 1], strides = [1, 1]} : vector<256x179xf32> to vector<256x1xf32>
    %slice3A_356 = vector.extract_strided_slice %get3A_66 {offsets = [0, 256], sizes = [256, 128], strides = [1, 1]} : vector<256x1152xf32> to vector<256x128xf32>
    %mul3A_357 = vector.broadcast %slice3A_355 : vector<256x1xf32> to vector<256x128xf32>
    %mul3A_358 = arith.mulf %mul3A_357, %slice3A_356 : vector<256x128xf32>
    %add3A_359 = arith.addf %mul3A_354, %mul3A_358 : vector<256x128xf32>
    %slice3A_360 = vector.extract_strided_slice %dot_general3A_63 {offsets = [0, 39], sizes = [256, 1], strides = [1, 1]} : vector<256x179xf32> to vector<256x1xf32>
    %slice3A_361 = vector.extract_strided_slice %get3A_66 {offsets = [0, 384], sizes = [256, 128], strides = [1, 1]} : vector<256x1152xf32> to vector<256x128xf32>
    %mul3A_362 = vector.broadcast %slice3A_360 : vector<256x1xf32> to vector<256x128xf32>
    %mul3A_363 = arith.mulf %mul3A_362, %slice3A_361 : vector<256x128xf32>
    %add3A_364 = arith.addf %add3A_359, %mul3A_363 : vector<256x128xf32>
    %mul3A_365 = arith.mulf %add3A_364, %add3A_286 : vector<256x128xf32>
    %add3A_366 = arith.addf %broadcast_in_dim3A_91, %mul3A_365 : vector<256x128xf32>
    %slice3A_367 = vector.extract_strided_slice %max3A_28 {offsets = [0, 72], sizes = [256, 12], strides = [1, 1]} : vector<256x180xf32> to vector<256x12xf32>
    %slice3A_368 = vector.extract_strided_slice %get3A_70 {offsets = [6, 0, 0], sizes = [1, 12, 128], strides = [1, 1, 1]} : vector<15x12x128xf32> to vector<1x12x128xf32>
    %squeeze3A_369 = vector.shape_cast %slice3A_368 : vector<1x12x128xf32> to vector<12x128xf32>
    %dot_general3A_370 = arith.constant dense<0.000000e+00> : vector<256x128xf32>
    %dot_general3A_371 = tpu.matmul %slice3A_367, %squeeze3A_369, %dot_general3A_370 {dimension_numbers = #tpu.dot_dimension_numbers<[1], [0], [0], [1], [0, 0, 1, 1], [], []>, transpose_lhs_hint = false} : vector<256x12xf32>, vector<12x128xf32>, vector<256x128xf32> -> vector<256x128xf32>
    %slice3A_372 = vector.extract_strided_slice %get3A_73 {offsets = [6, 0], sizes = [1, 128], strides = [1, 1]} : vector<15x128xf32> to vector<1x128xf32>
    %squeeze3A_373 = vector.shape_cast %slice3A_372 : vector<1x128xf32> to vector<128xf32>
    %broadcast_in_dim3A_374 = vector.shape_cast %squeeze3A_373 : vector<128xf32> to vector<1x128xf32>
    %add3A_375 = vector.broadcast %broadcast_in_dim3A_374 : vector<1x128xf32> to vector<256x128xf32>
    %add3A_376 = arith.addf %dot_general3A_371, %add3A_375 : vector<256x128xf32>
    %slice3A_377 = vector.extract_strided_slice %dot_general3A_63 {offsets = [0, 40], sizes = [256, 1], strides = [1, 1]} : vector<256x179xf32> to vector<256x1xf32>
    %slice3A_378 = vector.extract_strided_slice %get3A_66 {offsets = [0, 0], sizes = [256, 128], strides = [1, 1]} : vector<256x1152xf32> to vector<256x128xf32>
    %mul3A_379 = vector.broadcast %slice3A_377 : vector<256x1xf32> to vector<256x128xf32>
    %mul3A_380 = arith.mulf %mul3A_379, %slice3A_378 : vector<256x128xf32>
    %mul3A_381 = arith.mulf %mul3A_380, %add3A_376 : vector<256x128xf32>
    %add3A_382 = arith.addf %add3A_302, %mul3A_381 : vector<256x128xf32>
    %slice3A_383 = vector.extract_strided_slice %dot_general3A_63 {offsets = [0, 41], sizes = [256, 1], strides = [1, 1]} : vector<256x179xf32> to vector<256x1xf32>
    %slice3A_384 = vector.extract_strided_slice %get3A_66 {offsets = [0, 0], sizes = [256, 128], strides = [1, 1]} : vector<256x1152xf32> to vector<256x128xf32>
    %mul3A_385 = vector.broadcast %slice3A_383 : vector<256x1xf32> to vector<256x128xf32>
    %mul3A_386 = arith.mulf %mul3A_385, %slice3A_384 : vector<256x128xf32>
    %mul3A_387 = arith.mulf %mul3A_386, %add3A_376 : vector<256x128xf32>
    %add3A_388 = arith.addf %add3A_318, %mul3A_387 : vector<256x128xf32>
    %slice3A_389 = vector.extract_strided_slice %dot_general3A_63 {offsets = [0, 42], sizes = [256, 1], strides = [1, 1]} : vector<256x179xf32> to vector<256x1xf32>
    %slice3A_390 = vector.extract_strided_slice %get3A_66 {offsets = [0, 0], sizes = [256, 128], strides = [1, 1]} : vector<256x1152xf32> to vector<256x128xf32>
    %mul3A_391 = vector.broadcast %slice3A_389 : vector<256x1xf32> to vector<256x128xf32>
    %mul3A_392 = arith.mulf %mul3A_391, %slice3A_390 : vector<256x128xf32>
    %mul3A_393 = arith.mulf %mul3A_392, %add3A_376 : vector<256x128xf32>
    %add3A_394 = arith.addf %add3A_334, %mul3A_393 : vector<256x128xf32>
    %slice3A_395 = vector.extract_strided_slice %dot_general3A_63 {offsets = [0, 43], sizes = [256, 1], strides = [1, 1]} : vector<256x179xf32> to vector<256x1xf32>
    %slice3A_396 = vector.extract_strided_slice %get3A_66 {offsets = [0, 0], sizes = [256, 128], strides = [1, 1]} : vector<256x1152xf32> to vector<256x128xf32>
    %mul3A_397 = vector.broadcast %slice3A_395 : vector<256x1xf32> to vector<256x128xf32>
    %mul3A_398 = arith.mulf %mul3A_397, %slice3A_396 : vector<256x128xf32>
    %mul3A_399 = arith.mulf %mul3A_398, %add3A_376 : vector<256x128xf32>
    %add3A_400 = arith.addf %add3A_350, %mul3A_399 : vector<256x128xf32>
    %slice3A_401 = vector.extract_strided_slice %dot_general3A_63 {offsets = [0, 44], sizes = [256, 1], strides = [1, 1]} : vector<256x179xf32> to vector<256x1xf32>
    %slice3A_402 = vector.extract_strided_slice %get3A_66 {offsets = [0, 0], sizes = [256, 128], strides = [1, 1]} : vector<256x1152xf32> to vector<256x128xf32>
    %mul3A_403 = vector.broadcast %slice3A_401 : vector<256x1xf32> to vector<256x128xf32>
    %mul3A_404 = arith.mulf %mul3A_403, %slice3A_402 : vector<256x128xf32>
    %mul3A_405 = arith.mulf %mul3A_404, %add3A_376 : vector<256x128xf32>
    %add3A_406 = arith.addf %add3A_366, %mul3A_405 : vector<256x128xf32>
    %slice3A_407 = vector.extract_strided_slice %max3A_28 {offsets = [0, 84], sizes = [256, 12], strides = [1, 1]} : vector<256x180xf32> to vector<256x12xf32>
    %slice3A_408 = vector.extract_strided_slice %get3A_70 {offsets = [7, 0, 0], sizes = [1, 12, 128], strides = [1, 1, 1]} : vector<15x12x128xf32> to vector<1x12x128xf32>
    %squeeze3A_409 = vector.shape_cast %slice3A_408 : vector<1x12x128xf32> to vector<12x128xf32>
    %dot_general3A_410 = arith.constant dense<0.000000e+00> : vector<256x128xf32>
    %dot_general3A_411 = tpu.matmul %slice3A_407, %squeeze3A_409, %dot_general3A_410 {dimension_numbers = #tpu.dot_dimension_numbers<[1], [0], [0], [1], [0, 0, 1, 1], [], []>, transpose_lhs_hint = false} : vector<256x12xf32>, vector<12x128xf32>, vector<256x128xf32> -> vector<256x128xf32>
    %slice3A_412 = vector.extract_strided_slice %get3A_73 {offsets = [7, 0], sizes = [1, 128], strides = [1, 1]} : vector<15x128xf32> to vector<1x128xf32>
    %squeeze3A_413 = vector.shape_cast %slice3A_412 : vector<1x128xf32> to vector<128xf32>
    %broadcast_in_dim3A_414 = vector.shape_cast %squeeze3A_413 : vector<128xf32> to vector<1x128xf32>
    %add3A_415 = vector.broadcast %broadcast_in_dim3A_414 : vector<1x128xf32> to vector<256x128xf32>
    %add3A_416 = arith.addf %dot_general3A_411, %add3A_415 : vector<256x128xf32>
    %slice3A_417 = vector.extract_strided_slice %dot_general3A_63 {offsets = [0, 45], sizes = [256, 1], strides = [1, 1]} : vector<256x179xf32> to vector<256x1xf32>
    %slice3A_418 = vector.extract_strided_slice %get3A_66 {offsets = [0, 128], sizes = [256, 128], strides = [1, 1]} : vector<256x1152xf32> to vector<256x128xf32>
    %mul3A_419 = vector.broadcast %slice3A_417 : vector<256x1xf32> to vector<256x128xf32>
    %mul3A_420 = arith.mulf %mul3A_419, %slice3A_418 : vector<256x128xf32>
    %slice3A_421 = vector.extract_strided_slice %dot_general3A_63 {offsets = [0, 46], sizes = [256, 1], strides = [1, 1]} : vector<256x179xf32> to vector<256x1xf32>
    %slice3A_422 = vector.extract_strided_slice %get3A_66 {offsets = [0, 256], sizes = [256, 128], strides = [1, 1]} : vector<256x1152xf32> to vector<256x128xf32>
    %mul3A_423 = vector.broadcast %slice3A_421 : vector<256x1xf32> to vector<256x128xf32>
    %mul3A_424 = arith.mulf %mul3A_423, %slice3A_422 : vector<256x128xf32>
    %add3A_425 = arith.addf %mul3A_420, %mul3A_424 : vector<256x128xf32>
    %slice3A_426 = vector.extract_strided_slice %dot_general3A_63 {offsets = [0, 47], sizes = [256, 1], strides = [1, 1]} : vector<256x179xf32> to vector<256x1xf32>
    %slice3A_427 = vector.extract_strided_slice %get3A_66 {offsets = [0, 384], sizes = [256, 128], strides = [1, 1]} : vector<256x1152xf32> to vector<256x128xf32>
    %mul3A_428 = vector.broadcast %slice3A_426 : vector<256x1xf32> to vector<256x128xf32>
    %mul3A_429 = arith.mulf %mul3A_428, %slice3A_427 : vector<256x128xf32>
    %add3A_430 = arith.addf %add3A_425, %mul3A_429 : vector<256x128xf32>
    %mul3A_431 = arith.mulf %add3A_430, %add3A_416 : vector<256x128xf32>
    %add3A_432 = arith.addf %add3A_244, %mul3A_431 : vector<256x128xf32>
    %slice3A_433 = vector.extract_strided_slice %dot_general3A_63 {offsets = [0, 48], sizes = [256, 1], strides = [1, 1]} : vector<256x179xf32> to vector<256x1xf32>
    %slice3A_434 = vector.extract_strided_slice %get3A_66 {offsets = [0, 128], sizes = [256, 128], strides = [1, 1]} : vector<256x1152xf32> to vector<256x128xf32>
    %mul3A_435 = vector.broadcast %slice3A_433 : vector<256x1xf32> to vector<256x128xf32>
    %mul3A_436 = arith.mulf %mul3A_435, %slice3A_434 : vector<256x128xf32>
    %slice3A_437 = vector.extract_strided_slice %dot_general3A_63 {offsets = [0, 49], sizes = [256, 1], strides = [1, 1]} : vector<256x179xf32> to vector<256x1xf32>
    %slice3A_438 = vector.extract_strided_slice %get3A_66 {offsets = [0, 256], sizes = [256, 128], strides = [1, 1]} : vector<256x1152xf32> to vector<256x128xf32>
    %mul3A_439 = vector.broadcast %slice3A_437 : vector<256x1xf32> to vector<256x128xf32>
    %mul3A_440 = arith.mulf %mul3A_439, %slice3A_438 : vector<256x128xf32>
    %add3A_441 = arith.addf %mul3A_436, %mul3A_440 : vector<256x128xf32>
    %slice3A_442 = vector.extract_strided_slice %dot_general3A_63 {offsets = [0, 50], sizes = [256, 1], strides = [1, 1]} : vector<256x179xf32> to vector<256x1xf32>
    %slice3A_443 = vector.extract_strided_slice %get3A_66 {offsets = [0, 384], sizes = [256, 128], strides = [1, 1]} : vector<256x1152xf32> to vector<256x128xf32>
    %mul3A_444 = vector.broadcast %slice3A_442 : vector<256x1xf32> to vector<256x128xf32>
    %mul3A_445 = arith.mulf %mul3A_444, %slice3A_443 : vector<256x128xf32>
    %add3A_446 = arith.addf %add3A_441, %mul3A_445 : vector<256x128xf32>
    %mul3A_447 = arith.mulf %add3A_446, %add3A_416 : vector<256x128xf32>
    %add3A_448 = arith.addf %add3A_260, %mul3A_447 : vector<256x128xf32>
    %slice3A_449 = vector.extract_strided_slice %dot_general3A_63 {offsets = [0, 51], sizes = [256, 1], strides = [1, 1]} : vector<256x179xf32> to vector<256x1xf32>
    %slice3A_450 = vector.extract_strided_slice %get3A_66 {offsets = [0, 128], sizes = [256, 128], strides = [1, 1]} : vector<256x1152xf32> to vector<256x128xf32>
    %mul3A_451 = vector.broadcast %slice3A_449 : vector<256x1xf32> to vector<256x128xf32>
    %mul3A_452 = arith.mulf %mul3A_451, %slice3A_450 : vector<256x128xf32>
    %slice3A_453 = vector.extract_strided_slice %dot_general3A_63 {offsets = [0, 52], sizes = [256, 1], strides = [1, 1]} : vector<256x179xf32> to vector<256x1xf32>
    %slice3A_454 = vector.extract_strided_slice %get3A_66 {offsets = [0, 256], sizes = [256, 128], strides = [1, 1]} : vector<256x1152xf32> to vector<256x128xf32>
    %mul3A_455 = vector.broadcast %slice3A_453 : vector<256x1xf32> to vector<256x128xf32>
    %mul3A_456 = arith.mulf %mul3A_455, %slice3A_454 : vector<256x128xf32>
    %add3A_457 = arith.addf %mul3A_452, %mul3A_456 : vector<256x128xf32>
    %slice3A_458 = vector.extract_strided_slice %dot_general3A_63 {offsets = [0, 53], sizes = [256, 1], strides = [1, 1]} : vector<256x179xf32> to vector<256x1xf32>
    %slice3A_459 = vector.extract_strided_slice %get3A_66 {offsets = [0, 384], sizes = [256, 128], strides = [1, 1]} : vector<256x1152xf32> to vector<256x128xf32>
    %mul3A_460 = vector.broadcast %slice3A_458 : vector<256x1xf32> to vector<256x128xf32>
    %mul3A_461 = arith.mulf %mul3A_460, %slice3A_459 : vector<256x128xf32>
    %add3A_462 = arith.addf %add3A_457, %mul3A_461 : vector<256x128xf32>
    %mul3A_463 = arith.mulf %add3A_462, %add3A_416 : vector<256x128xf32>
    %add3A_464 = arith.addf %add3A_276, %mul3A_463 : vector<256x128xf32>
    %slice3A_465 = vector.extract_strided_slice %max3A_28 {offsets = [0, 96], sizes = [256, 12], strides = [1, 1]} : vector<256x180xf32> to vector<256x12xf32>
    %slice3A_466 = vector.extract_strided_slice %get3A_70 {offsets = [8, 0, 0], sizes = [1, 12, 128], strides = [1, 1, 1]} : vector<15x12x128xf32> to vector<1x12x128xf32>
    %squeeze3A_467 = vector.shape_cast %slice3A_466 : vector<1x12x128xf32> to vector<12x128xf32>
    %dot_general3A_468 = arith.constant dense<0.000000e+00> : vector<256x128xf32>
    %dot_general3A_469 = tpu.matmul %slice3A_465, %squeeze3A_467, %dot_general3A_468 {dimension_numbers = #tpu.dot_dimension_numbers<[1], [0], [0], [1], [0, 0, 1, 1], [], []>, transpose_lhs_hint = false} : vector<256x12xf32>, vector<12x128xf32>, vector<256x128xf32> -> vector<256x128xf32>
    %slice3A_470 = vector.extract_strided_slice %get3A_73 {offsets = [8, 0], sizes = [1, 128], strides = [1, 1]} : vector<15x128xf32> to vector<1x128xf32>
    %squeeze3A_471 = vector.shape_cast %slice3A_470 : vector<1x128xf32> to vector<128xf32>
    %broadcast_in_dim3A_472 = vector.shape_cast %squeeze3A_471 : vector<128xf32> to vector<1x128xf32>
    %add3A_473 = vector.broadcast %broadcast_in_dim3A_472 : vector<1x128xf32> to vector<256x128xf32>
    %add3A_474 = arith.addf %dot_general3A_469, %add3A_473 : vector<256x128xf32>
    %slice3A_475 = vector.extract_strided_slice %dot_general3A_63 {offsets = [0, 54], sizes = [256, 1], strides = [1, 1]} : vector<256x179xf32> to vector<256x1xf32>
    %slice3A_476 = vector.extract_strided_slice %get3A_66 {offsets = [0, 128], sizes = [256, 128], strides = [1, 1]} : vector<256x1152xf32> to vector<256x128xf32>
    %mul3A_477 = vector.broadcast %slice3A_475 : vector<256x1xf32> to vector<256x128xf32>
    %mul3A_478 = arith.mulf %mul3A_477, %slice3A_476 : vector<256x128xf32>
    %slice3A_479 = vector.extract_strided_slice %dot_general3A_63 {offsets = [0, 55], sizes = [256, 1], strides = [1, 1]} : vector<256x179xf32> to vector<256x1xf32>
    %slice3A_480 = vector.extract_strided_slice %get3A_66 {offsets = [0, 256], sizes = [256, 128], strides = [1, 1]} : vector<256x1152xf32> to vector<256x128xf32>
    %mul3A_481 = vector.broadcast %slice3A_479 : vector<256x1xf32> to vector<256x128xf32>
    %mul3A_482 = arith.mulf %mul3A_481, %slice3A_480 : vector<256x128xf32>
    %add3A_483 = arith.addf %mul3A_478, %mul3A_482 : vector<256x128xf32>
    %slice3A_484 = vector.extract_strided_slice %dot_general3A_63 {offsets = [0, 56], sizes = [256, 1], strides = [1, 1]} : vector<256x179xf32> to vector<256x1xf32>
    %slice3A_485 = vector.extract_strided_slice %get3A_66 {offsets = [0, 384], sizes = [256, 128], strides = [1, 1]} : vector<256x1152xf32> to vector<256x128xf32>
    %mul3A_486 = vector.broadcast %slice3A_484 : vector<256x1xf32> to vector<256x128xf32>
    %mul3A_487 = arith.mulf %mul3A_486, %slice3A_485 : vector<256x128xf32>
    %add3A_488 = arith.addf %add3A_483, %mul3A_487 : vector<256x128xf32>
    %mul3A_489 = arith.mulf %add3A_488, %add3A_474 : vector<256x128xf32>
    %add3A_490 = arith.addf %add3A_382, %mul3A_489 : vector<256x128xf32>
    %slice3A_491 = vector.extract_strided_slice %dot_general3A_63 {offsets = [0, 57], sizes = [256, 1], strides = [1, 1]} : vector<256x179xf32> to vector<256x1xf32>
    %slice3A_492 = vector.extract_strided_slice %get3A_66 {offsets = [0, 128], sizes = [256, 128], strides = [1, 1]} : vector<256x1152xf32> to vector<256x128xf32>
    %mul3A_493 = vector.broadcast %slice3A_491 : vector<256x1xf32> to vector<256x128xf32>
    %mul3A_494 = arith.mulf %mul3A_493, %slice3A_492 : vector<256x128xf32>
    %slice3A_495 = vector.extract_strided_slice %dot_general3A_63 {offsets = [0, 58], sizes = [256, 1], strides = [1, 1]} : vector<256x179xf32> to vector<256x1xf32>
    %slice3A_496 = vector.extract_strided_slice %get3A_66 {offsets = [0, 256], sizes = [256, 128], strides = [1, 1]} : vector<256x1152xf32> to vector<256x128xf32>
    %mul3A_497 = vector.broadcast %slice3A_495 : vector<256x1xf32> to vector<256x128xf32>
    %mul3A_498 = arith.mulf %mul3A_497, %slice3A_496 : vector<256x128xf32>
    %add3A_499 = arith.addf %mul3A_494, %mul3A_498 : vector<256x128xf32>
    %slice3A_500 = vector.extract_strided_slice %dot_general3A_63 {offsets = [0, 59], sizes = [256, 1], strides = [1, 1]} : vector<256x179xf32> to vector<256x1xf32>
    %slice3A_501 = vector.extract_strided_slice %get3A_66 {offsets = [0, 384], sizes = [256, 128], strides = [1, 1]} : vector<256x1152xf32> to vector<256x128xf32>
    %mul3A_502 = vector.broadcast %slice3A_500 : vector<256x1xf32> to vector<256x128xf32>
    %mul3A_503 = arith.mulf %mul3A_502, %slice3A_501 : vector<256x128xf32>
    %add3A_504 = arith.addf %add3A_499, %mul3A_503 : vector<256x128xf32>
    %mul3A_505 = arith.mulf %add3A_504, %add3A_474 : vector<256x128xf32>
    %add3A_506 = arith.addf %add3A_388, %mul3A_505 : vector<256x128xf32>
    %slice3A_507 = vector.extract_strided_slice %dot_general3A_63 {offsets = [0, 60], sizes = [256, 1], strides = [1, 1]} : vector<256x179xf32> to vector<256x1xf32>
    %slice3A_508 = vector.extract_strided_slice %get3A_66 {offsets = [0, 128], sizes = [256, 128], strides = [1, 1]} : vector<256x1152xf32> to vector<256x128xf32>
    %mul3A_509 = vector.broadcast %slice3A_507 : vector<256x1xf32> to vector<256x128xf32>
    %mul3A_510 = arith.mulf %mul3A_509, %slice3A_508 : vector<256x128xf32>
    %slice3A_511 = vector.extract_strided_slice %dot_general3A_63 {offsets = [0, 61], sizes = [256, 1], strides = [1, 1]} : vector<256x179xf32> to vector<256x1xf32>
    %slice3A_512 = vector.extract_strided_slice %get3A_66 {offsets = [0, 256], sizes = [256, 128], strides = [1, 1]} : vector<256x1152xf32> to vector<256x128xf32>
    %mul3A_513 = vector.broadcast %slice3A_511 : vector<256x1xf32> to vector<256x128xf32>
    %mul3A_514 = arith.mulf %mul3A_513, %slice3A_512 : vector<256x128xf32>
    %add3A_515 = arith.addf %mul3A_510, %mul3A_514 : vector<256x128xf32>
    %slice3A_516 = vector.extract_strided_slice %dot_general3A_63 {offsets = [0, 62], sizes = [256, 1], strides = [1, 1]} : vector<256x179xf32> to vector<256x1xf32>
    %slice3A_517 = vector.extract_strided_slice %get3A_66 {offsets = [0, 384], sizes = [256, 128], strides = [1, 1]} : vector<256x1152xf32> to vector<256x128xf32>
    %mul3A_518 = vector.broadcast %slice3A_516 : vector<256x1xf32> to vector<256x128xf32>
    %mul3A_519 = arith.mulf %mul3A_518, %slice3A_517 : vector<256x128xf32>
    %add3A_520 = arith.addf %add3A_515, %mul3A_519 : vector<256x128xf32>
    %mul3A_521 = arith.mulf %add3A_520, %add3A_474 : vector<256x128xf32>
    %add3A_522 = arith.addf %add3A_394, %mul3A_521 : vector<256x128xf32>
    %slice3A_523 = vector.extract_strided_slice %dot_general3A_63 {offsets = [0, 63], sizes = [256, 1], strides = [1, 1]} : vector<256x179xf32> to vector<256x1xf32>
    %slice3A_524 = vector.extract_strided_slice %get3A_66 {offsets = [0, 128], sizes = [256, 128], strides = [1, 1]} : vector<256x1152xf32> to vector<256x128xf32>
    %mul3A_525 = vector.broadcast %slice3A_523 : vector<256x1xf32> to vector<256x128xf32>
    %mul3A_526 = arith.mulf %mul3A_525, %slice3A_524 : vector<256x128xf32>
    %slice3A_527 = vector.extract_strided_slice %dot_general3A_63 {offsets = [0, 64], sizes = [256, 1], strides = [1, 1]} : vector<256x179xf32> to vector<256x1xf32>
    %slice3A_528 = vector.extract_strided_slice %get3A_66 {offsets = [0, 256], sizes = [256, 128], strides = [1, 1]} : vector<256x1152xf32> to vector<256x128xf32>
    %mul3A_529 = vector.broadcast %slice3A_527 : vector<256x1xf32> to vector<256x128xf32>
    %mul3A_530 = arith.mulf %mul3A_529, %slice3A_528 : vector<256x128xf32>
    %add3A_531 = arith.addf %mul3A_526, %mul3A_530 : vector<256x128xf32>
    %slice3A_532 = vector.extract_strided_slice %dot_general3A_63 {offsets = [0, 65], sizes = [256, 1], strides = [1, 1]} : vector<256x179xf32> to vector<256x1xf32>
    %slice3A_533 = vector.extract_strided_slice %get3A_66 {offsets = [0, 384], sizes = [256, 128], strides = [1, 1]} : vector<256x1152xf32> to vector<256x128xf32>
    %mul3A_534 = vector.broadcast %slice3A_532 : vector<256x1xf32> to vector<256x128xf32>
    %mul3A_535 = arith.mulf %mul3A_534, %slice3A_533 : vector<256x128xf32>
    %add3A_536 = arith.addf %add3A_531, %mul3A_535 : vector<256x128xf32>
    %mul3A_537 = arith.mulf %add3A_536, %add3A_474 : vector<256x128xf32>
    %add3A_538 = arith.addf %add3A_400, %mul3A_537 : vector<256x128xf32>
    %slice3A_539 = vector.extract_strided_slice %dot_general3A_63 {offsets = [0, 66], sizes = [256, 1], strides = [1, 1]} : vector<256x179xf32> to vector<256x1xf32>
    %slice3A_540 = vector.extract_strided_slice %get3A_66 {offsets = [0, 128], sizes = [256, 128], strides = [1, 1]} : vector<256x1152xf32> to vector<256x128xf32>
    %mul3A_541 = vector.broadcast %slice3A_539 : vector<256x1xf32> to vector<256x128xf32>
    %mul3A_542 = arith.mulf %mul3A_541, %slice3A_540 : vector<256x128xf32>
    %slice3A_543 = vector.extract_strided_slice %dot_general3A_63 {offsets = [0, 67], sizes = [256, 1], strides = [1, 1]} : vector<256x179xf32> to vector<256x1xf32>
    %slice3A_544 = vector.extract_strided_slice %get3A_66 {offsets = [0, 256], sizes = [256, 128], strides = [1, 1]} : vector<256x1152xf32> to vector<256x128xf32>
    %mul3A_545 = vector.broadcast %slice3A_543 : vector<256x1xf32> to vector<256x128xf32>
    %mul3A_546 = arith.mulf %mul3A_545, %slice3A_544 : vector<256x128xf32>
    %add3A_547 = arith.addf %mul3A_542, %mul3A_546 : vector<256x128xf32>
    %slice3A_548 = vector.extract_strided_slice %dot_general3A_63 {offsets = [0, 68], sizes = [256, 1], strides = [1, 1]} : vector<256x179xf32> to vector<256x1xf32>
    %slice3A_549 = vector.extract_strided_slice %get3A_66 {offsets = [0, 384], sizes = [256, 128], strides = [1, 1]} : vector<256x1152xf32> to vector<256x128xf32>
    %mul3A_550 = vector.broadcast %slice3A_548 : vector<256x1xf32> to vector<256x128xf32>
    %mul3A_551 = arith.mulf %mul3A_550, %slice3A_549 : vector<256x128xf32>
    %add3A_552 = arith.addf %add3A_547, %mul3A_551 : vector<256x128xf32>
    %mul3A_553 = arith.mulf %add3A_552, %add3A_474 : vector<256x128xf32>
    %add3A_554 = arith.addf %add3A_406, %mul3A_553 : vector<256x128xf32>
    %slice3A_555 = vector.extract_strided_slice %max3A_28 {offsets = [0, 108], sizes = [256, 12], strides = [1, 1]} : vector<256x180xf32> to vector<256x12xf32>
    %slice3A_556 = vector.extract_strided_slice %get3A_70 {offsets = [9, 0, 0], sizes = [1, 12, 128], strides = [1, 1, 1]} : vector<15x12x128xf32> to vector<1x12x128xf32>
    %squeeze3A_557 = vector.shape_cast %slice3A_556 : vector<1x12x128xf32> to vector<12x128xf32>
    %dot_general3A_558 = arith.constant dense<0.000000e+00> : vector<256x128xf32>
    %dot_general3A_559 = tpu.matmul %slice3A_555, %squeeze3A_557, %dot_general3A_558 {dimension_numbers = #tpu.dot_dimension_numbers<[1], [0], [0], [1], [0, 0, 1, 1], [], []>, transpose_lhs_hint = false} : vector<256x12xf32>, vector<12x128xf32>, vector<256x128xf32> -> vector<256x128xf32>
    %slice3A_560 = vector.extract_strided_slice %get3A_73 {offsets = [9, 0], sizes = [1, 128], strides = [1, 1]} : vector<15x128xf32> to vector<1x128xf32>
    %squeeze3A_561 = vector.shape_cast %slice3A_560 : vector<1x128xf32> to vector<128xf32>
    %broadcast_in_dim3A_562 = vector.shape_cast %squeeze3A_561 : vector<128xf32> to vector<1x128xf32>
    %add3A_563 = vector.broadcast %broadcast_in_dim3A_562 : vector<1x128xf32> to vector<256x128xf32>
    %add3A_564 = arith.addf %dot_general3A_559, %add3A_563 : vector<256x128xf32>
    %slice3A_565 = vector.extract_strided_slice %dot_general3A_63 {offsets = [0, 69], sizes = [256, 1], strides = [1, 1]} : vector<256x179xf32> to vector<256x1xf32>
    %slice3A_566 = vector.extract_strided_slice %get3A_66 {offsets = [0, 512], sizes = [256, 128], strides = [1, 1]} : vector<256x1152xf32> to vector<256x128xf32>
    %mul3A_567 = vector.broadcast %slice3A_565 : vector<256x1xf32> to vector<256x128xf32>
    %mul3A_568 = arith.mulf %mul3A_567, %slice3A_566 : vector<256x128xf32>
    %slice3A_569 = vector.extract_strided_slice %dot_general3A_63 {offsets = [0, 70], sizes = [256, 1], strides = [1, 1]} : vector<256x179xf32> to vector<256x1xf32>
    %slice3A_570 = vector.extract_strided_slice %get3A_66 {offsets = [0, 640], sizes = [256, 128], strides = [1, 1]} : vector<256x1152xf32> to vector<256x128xf32>
    %mul3A_571 = vector.broadcast %slice3A_569 : vector<256x1xf32> to vector<256x128xf32>
    %mul3A_572 = arith.mulf %mul3A_571, %slice3A_570 : vector<256x128xf32>
    %add3A_573 = arith.addf %mul3A_568, %mul3A_572 : vector<256x128xf32>
    %slice3A_574 = vector.extract_strided_slice %dot_general3A_63 {offsets = [0, 71], sizes = [256, 1], strides = [1, 1]} : vector<256x179xf32> to vector<256x1xf32>
    %slice3A_575 = vector.extract_strided_slice %get3A_66 {offsets = [0, 768], sizes = [256, 128], strides = [1, 1]} : vector<256x1152xf32> to vector<256x128xf32>
    %mul3A_576 = vector.broadcast %slice3A_574 : vector<256x1xf32> to vector<256x128xf32>
    %mul3A_577 = arith.mulf %mul3A_576, %slice3A_575 : vector<256x128xf32>
    %add3A_578 = arith.addf %add3A_573, %mul3A_577 : vector<256x128xf32>
    %slice3A_579 = vector.extract_strided_slice %dot_general3A_63 {offsets = [0, 72], sizes = [256, 1], strides = [1, 1]} : vector<256x179xf32> to vector<256x1xf32>
    %slice3A_580 = vector.extract_strided_slice %get3A_66 {offsets = [0, 896], sizes = [256, 128], strides = [1, 1]} : vector<256x1152xf32> to vector<256x128xf32>
    %mul3A_581 = vector.broadcast %slice3A_579 : vector<256x1xf32> to vector<256x128xf32>
    %mul3A_582 = arith.mulf %mul3A_581, %slice3A_580 : vector<256x128xf32>
    %add3A_583 = arith.addf %add3A_578, %mul3A_582 : vector<256x128xf32>
    %slice3A_584 = vector.extract_strided_slice %dot_general3A_63 {offsets = [0, 73], sizes = [256, 1], strides = [1, 1]} : vector<256x179xf32> to vector<256x1xf32>
    %slice3A_585 = vector.extract_strided_slice %get3A_66 {offsets = [0, 1024], sizes = [256, 128], strides = [1, 1]} : vector<256x1152xf32> to vector<256x128xf32>
    %mul3A_586 = vector.broadcast %slice3A_584 : vector<256x1xf32> to vector<256x128xf32>
    %mul3A_587 = arith.mulf %mul3A_586, %slice3A_585 : vector<256x128xf32>
    %add3A_588 = arith.addf %add3A_583, %mul3A_587 : vector<256x128xf32>
    %mul3A_589 = arith.mulf %add3A_588, %add3A_564 : vector<256x128xf32>
    %add3A_590 = arith.addf %add3A_218, %mul3A_589 : vector<256x128xf32>
    %slice3A_591 = vector.extract_strided_slice %max3A_28 {offsets = [0, 120], sizes = [256, 12], strides = [1, 1]} : vector<256x180xf32> to vector<256x12xf32>
    %slice3A_592 = vector.extract_strided_slice %get3A_70 {offsets = [10, 0, 0], sizes = [1, 12, 128], strides = [1, 1, 1]} : vector<15x12x128xf32> to vector<1x12x128xf32>
    %squeeze3A_593 = vector.shape_cast %slice3A_592 : vector<1x12x128xf32> to vector<12x128xf32>
    %dot_general3A_594 = arith.constant dense<0.000000e+00> : vector<256x128xf32>
    %dot_general3A_595 = tpu.matmul %slice3A_591, %squeeze3A_593, %dot_general3A_594 {dimension_numbers = #tpu.dot_dimension_numbers<[1], [0], [0], [1], [0, 0, 1, 1], [], []>, transpose_lhs_hint = false} : vector<256x12xf32>, vector<12x128xf32>, vector<256x128xf32> -> vector<256x128xf32>
    %slice3A_596 = vector.extract_strided_slice %get3A_73 {offsets = [10, 0], sizes = [1, 128], strides = [1, 1]} : vector<15x128xf32> to vector<1x128xf32>
    %squeeze3A_597 = vector.shape_cast %slice3A_596 : vector<1x128xf32> to vector<128xf32>
    %broadcast_in_dim3A_598 = vector.shape_cast %squeeze3A_597 : vector<128xf32> to vector<1x128xf32>
    %add3A_599 = vector.broadcast %broadcast_in_dim3A_598 : vector<1x128xf32> to vector<256x128xf32>
    %add3A_600 = arith.addf %dot_general3A_595, %add3A_599 : vector<256x128xf32>
    %slice3A_601 = vector.extract_strided_slice %dot_general3A_63 {offsets = [0, 74], sizes = [256, 1], strides = [1, 1]} : vector<256x179xf32> to vector<256x1xf32>
    %slice3A_602 = vector.extract_strided_slice %get3A_66 {offsets = [0, 512], sizes = [256, 128], strides = [1, 1]} : vector<256x1152xf32> to vector<256x128xf32>
    %mul3A_603 = vector.broadcast %slice3A_601 : vector<256x1xf32> to vector<256x128xf32>
    %mul3A_604 = arith.mulf %mul3A_603, %slice3A_602 : vector<256x128xf32>
    %slice3A_605 = vector.extract_strided_slice %dot_general3A_63 {offsets = [0, 75], sizes = [256, 1], strides = [1, 1]} : vector<256x179xf32> to vector<256x1xf32>
    %slice3A_606 = vector.extract_strided_slice %get3A_66 {offsets = [0, 640], sizes = [256, 128], strides = [1, 1]} : vector<256x1152xf32> to vector<256x128xf32>
    %mul3A_607 = vector.broadcast %slice3A_605 : vector<256x1xf32> to vector<256x128xf32>
    %mul3A_608 = arith.mulf %mul3A_607, %slice3A_606 : vector<256x128xf32>
    %add3A_609 = arith.addf %mul3A_604, %mul3A_608 : vector<256x128xf32>
    %slice3A_610 = vector.extract_strided_slice %dot_general3A_63 {offsets = [0, 76], sizes = [256, 1], strides = [1, 1]} : vector<256x179xf32> to vector<256x1xf32>
    %slice3A_611 = vector.extract_strided_slice %get3A_66 {offsets = [0, 768], sizes = [256, 128], strides = [1, 1]} : vector<256x1152xf32> to vector<256x128xf32>
    %mul3A_612 = vector.broadcast %slice3A_610 : vector<256x1xf32> to vector<256x128xf32>
    %mul3A_613 = arith.mulf %mul3A_612, %slice3A_611 : vector<256x128xf32>
    %add3A_614 = arith.addf %add3A_609, %mul3A_613 : vector<256x128xf32>
    %slice3A_615 = vector.extract_strided_slice %dot_general3A_63 {offsets = [0, 77], sizes = [256, 1], strides = [1, 1]} : vector<256x179xf32> to vector<256x1xf32>
    %slice3A_616 = vector.extract_strided_slice %get3A_66 {offsets = [0, 896], sizes = [256, 128], strides = [1, 1]} : vector<256x1152xf32> to vector<256x128xf32>
    %mul3A_617 = vector.broadcast %slice3A_615 : vector<256x1xf32> to vector<256x128xf32>
    %mul3A_618 = arith.mulf %mul3A_617, %slice3A_616 : vector<256x128xf32>
    %add3A_619 = arith.addf %add3A_614, %mul3A_618 : vector<256x128xf32>
    %slice3A_620 = vector.extract_strided_slice %dot_general3A_63 {offsets = [0, 78], sizes = [256, 1], strides = [1, 1]} : vector<256x179xf32> to vector<256x1xf32>
    %slice3A_621 = vector.extract_strided_slice %get3A_66 {offsets = [0, 1024], sizes = [256, 128], strides = [1, 1]} : vector<256x1152xf32> to vector<256x128xf32>
    %mul3A_622 = vector.broadcast %slice3A_620 : vector<256x1xf32> to vector<256x128xf32>
    %mul3A_623 = arith.mulf %mul3A_622, %slice3A_621 : vector<256x128xf32>
    %add3A_624 = arith.addf %add3A_619, %mul3A_623 : vector<256x128xf32>
    %mul3A_625 = arith.mulf %add3A_624, %add3A_600 : vector<256x128xf32>
    %add3A_626 = arith.addf %add3A_432, %mul3A_625 : vector<256x128xf32>
    %slice3A_627 = vector.extract_strided_slice %dot_general3A_63 {offsets = [0, 79], sizes = [256, 1], strides = [1, 1]} : vector<256x179xf32> to vector<256x1xf32>
    %slice3A_628 = vector.extract_strided_slice %get3A_66 {offsets = [0, 512], sizes = [256, 128], strides = [1, 1]} : vector<256x1152xf32> to vector<256x128xf32>
    %mul3A_629 = vector.broadcast %slice3A_627 : vector<256x1xf32> to vector<256x128xf32>
    %mul3A_630 = arith.mulf %mul3A_629, %slice3A_628 : vector<256x128xf32>
    %slice3A_631 = vector.extract_strided_slice %dot_general3A_63 {offsets = [0, 80], sizes = [256, 1], strides = [1, 1]} : vector<256x179xf32> to vector<256x1xf32>
    %slice3A_632 = vector.extract_strided_slice %get3A_66 {offsets = [0, 640], sizes = [256, 128], strides = [1, 1]} : vector<256x1152xf32> to vector<256x128xf32>
    %mul3A_633 = vector.broadcast %slice3A_631 : vector<256x1xf32> to vector<256x128xf32>
    %mul3A_634 = arith.mulf %mul3A_633, %slice3A_632 : vector<256x128xf32>
    %add3A_635 = arith.addf %mul3A_630, %mul3A_634 : vector<256x128xf32>
    %slice3A_636 = vector.extract_strided_slice %dot_general3A_63 {offsets = [0, 81], sizes = [256, 1], strides = [1, 1]} : vector<256x179xf32> to vector<256x1xf32>
    %slice3A_637 = vector.extract_strided_slice %get3A_66 {offsets = [0, 768], sizes = [256, 128], strides = [1, 1]} : vector<256x1152xf32> to vector<256x128xf32>
    %mul3A_638 = vector.broadcast %slice3A_636 : vector<256x1xf32> to vector<256x128xf32>
    %mul3A_639 = arith.mulf %mul3A_638, %slice3A_637 : vector<256x128xf32>
    %add3A_640 = arith.addf %add3A_635, %mul3A_639 : vector<256x128xf32>
    %slice3A_641 = vector.extract_strided_slice %dot_general3A_63 {offsets = [0, 82], sizes = [256, 1], strides = [1, 1]} : vector<256x179xf32> to vector<256x1xf32>
    %slice3A_642 = vector.extract_strided_slice %get3A_66 {offsets = [0, 896], sizes = [256, 128], strides = [1, 1]} : vector<256x1152xf32> to vector<256x128xf32>
    %mul3A_643 = vector.broadcast %slice3A_641 : vector<256x1xf32> to vector<256x128xf32>
    %mul3A_644 = arith.mulf %mul3A_643, %slice3A_642 : vector<256x128xf32>
    %add3A_645 = arith.addf %add3A_640, %mul3A_644 : vector<256x128xf32>
    %slice3A_646 = vector.extract_strided_slice %dot_general3A_63 {offsets = [0, 83], sizes = [256, 1], strides = [1, 1]} : vector<256x179xf32> to vector<256x1xf32>
    %slice3A_647 = vector.extract_strided_slice %get3A_66 {offsets = [0, 1024], sizes = [256, 128], strides = [1, 1]} : vector<256x1152xf32> to vector<256x128xf32>
    %mul3A_648 = vector.broadcast %slice3A_646 : vector<256x1xf32> to vector<256x128xf32>
    %mul3A_649 = arith.mulf %mul3A_648, %slice3A_647 : vector<256x128xf32>
    %add3A_650 = arith.addf %add3A_645, %mul3A_649 : vector<256x128xf32>
    %mul3A_651 = arith.mulf %add3A_650, %add3A_600 : vector<256x128xf32>
    %add3A_652 = arith.addf %add3A_448, %mul3A_651 : vector<256x128xf32>
    %slice3A_653 = vector.extract_strided_slice %dot_general3A_63 {offsets = [0, 84], sizes = [256, 1], strides = [1, 1]} : vector<256x179xf32> to vector<256x1xf32>
    %slice3A_654 = vector.extract_strided_slice %get3A_66 {offsets = [0, 512], sizes = [256, 128], strides = [1, 1]} : vector<256x1152xf32> to vector<256x128xf32>
    %mul3A_655 = vector.broadcast %slice3A_653 : vector<256x1xf32> to vector<256x128xf32>
    %mul3A_656 = arith.mulf %mul3A_655, %slice3A_654 : vector<256x128xf32>
    %slice3A_657 = vector.extract_strided_slice %dot_general3A_63 {offsets = [0, 85], sizes = [256, 1], strides = [1, 1]} : vector<256x179xf32> to vector<256x1xf32>
    %slice3A_658 = vector.extract_strided_slice %get3A_66 {offsets = [0, 640], sizes = [256, 128], strides = [1, 1]} : vector<256x1152xf32> to vector<256x128xf32>
    %mul3A_659 = vector.broadcast %slice3A_657 : vector<256x1xf32> to vector<256x128xf32>
    %mul3A_660 = arith.mulf %mul3A_659, %slice3A_658 : vector<256x128xf32>
    %add3A_661 = arith.addf %mul3A_656, %mul3A_660 : vector<256x128xf32>
    %slice3A_662 = vector.extract_strided_slice %dot_general3A_63 {offsets = [0, 86], sizes = [256, 1], strides = [1, 1]} : vector<256x179xf32> to vector<256x1xf32>
    %slice3A_663 = vector.extract_strided_slice %get3A_66 {offsets = [0, 768], sizes = [256, 128], strides = [1, 1]} : vector<256x1152xf32> to vector<256x128xf32>
    %mul3A_664 = vector.broadcast %slice3A_662 : vector<256x1xf32> to vector<256x128xf32>
    %mul3A_665 = arith.mulf %mul3A_664, %slice3A_663 : vector<256x128xf32>
    %add3A_666 = arith.addf %add3A_661, %mul3A_665 : vector<256x128xf32>
    %slice3A_667 = vector.extract_strided_slice %dot_general3A_63 {offsets = [0, 87], sizes = [256, 1], strides = [1, 1]} : vector<256x179xf32> to vector<256x1xf32>
    %slice3A_668 = vector.extract_strided_slice %get3A_66 {offsets = [0, 896], sizes = [256, 128], strides = [1, 1]} : vector<256x1152xf32> to vector<256x128xf32>
    %mul3A_669 = vector.broadcast %slice3A_667 : vector<256x1xf32> to vector<256x128xf32>
    %mul3A_670 = arith.mulf %mul3A_669, %slice3A_668 : vector<256x128xf32>
    %add3A_671 = arith.addf %add3A_666, %mul3A_670 : vector<256x128xf32>
    %slice3A_672 = vector.extract_strided_slice %dot_general3A_63 {offsets = [0, 88], sizes = [256, 1], strides = [1, 1]} : vector<256x179xf32> to vector<256x1xf32>
    %slice3A_673 = vector.extract_strided_slice %get3A_66 {offsets = [0, 1024], sizes = [256, 128], strides = [1, 1]} : vector<256x1152xf32> to vector<256x128xf32>
    %mul3A_674 = vector.broadcast %slice3A_672 : vector<256x1xf32> to vector<256x128xf32>
    %mul3A_675 = arith.mulf %mul3A_674, %slice3A_673 : vector<256x128xf32>
    %add3A_676 = arith.addf %add3A_671, %mul3A_675 : vector<256x128xf32>
    %mul3A_677 = arith.mulf %add3A_676, %add3A_600 : vector<256x128xf32>
    %add3A_678 = arith.addf %add3A_464, %mul3A_677 : vector<256x128xf32>
    %slice3A_679 = vector.extract_strided_slice %max3A_28 {offsets = [0, 132], sizes = [256, 12], strides = [1, 1]} : vector<256x180xf32> to vector<256x12xf32>
    %slice3A_680 = vector.extract_strided_slice %get3A_70 {offsets = [11, 0, 0], sizes = [1, 12, 128], strides = [1, 1, 1]} : vector<15x12x128xf32> to vector<1x12x128xf32>
    %squeeze3A_681 = vector.shape_cast %slice3A_680 : vector<1x12x128xf32> to vector<12x128xf32>
    %dot_general3A_682 = arith.constant dense<0.000000e+00> : vector<256x128xf32>
    %dot_general3A_683 = tpu.matmul %slice3A_679, %squeeze3A_681, %dot_general3A_682 {dimension_numbers = #tpu.dot_dimension_numbers<[1], [0], [0], [1], [0, 0, 1, 1], [], []>, transpose_lhs_hint = false} : vector<256x12xf32>, vector<12x128xf32>, vector<256x128xf32> -> vector<256x128xf32>
    %slice3A_684 = vector.extract_strided_slice %get3A_73 {offsets = [11, 0], sizes = [1, 128], strides = [1, 1]} : vector<15x128xf32> to vector<1x128xf32>
    %squeeze3A_685 = vector.shape_cast %slice3A_684 : vector<1x128xf32> to vector<128xf32>
    %broadcast_in_dim3A_686 = vector.shape_cast %squeeze3A_685 : vector<128xf32> to vector<1x128xf32>
    %add3A_687 = vector.broadcast %broadcast_in_dim3A_686 : vector<1x128xf32> to vector<256x128xf32>
    %add3A_688 = arith.addf %dot_general3A_683, %add3A_687 : vector<256x128xf32>
    %slice3A_689 = vector.extract_strided_slice %dot_general3A_63 {offsets = [0, 89], sizes = [256, 1], strides = [1, 1]} : vector<256x179xf32> to vector<256x1xf32>
    %slice3A_690 = vector.extract_strided_slice %get3A_66 {offsets = [0, 512], sizes = [256, 128], strides = [1, 1]} : vector<256x1152xf32> to vector<256x128xf32>
    %mul3A_691 = vector.broadcast %slice3A_689 : vector<256x1xf32> to vector<256x128xf32>
    %mul3A_692 = arith.mulf %mul3A_691, %slice3A_690 : vector<256x128xf32>
    %slice3A_693 = vector.extract_strided_slice %dot_general3A_63 {offsets = [0, 90], sizes = [256, 1], strides = [1, 1]} : vector<256x179xf32> to vector<256x1xf32>
    %slice3A_694 = vector.extract_strided_slice %get3A_66 {offsets = [0, 640], sizes = [256, 128], strides = [1, 1]} : vector<256x1152xf32> to vector<256x128xf32>
    %mul3A_695 = vector.broadcast %slice3A_693 : vector<256x1xf32> to vector<256x128xf32>
    %mul3A_696 = arith.mulf %mul3A_695, %slice3A_694 : vector<256x128xf32>
    %add3A_697 = arith.addf %mul3A_692, %mul3A_696 : vector<256x128xf32>
    %slice3A_698 = vector.extract_strided_slice %dot_general3A_63 {offsets = [0, 91], sizes = [256, 1], strides = [1, 1]} : vector<256x179xf32> to vector<256x1xf32>
    %slice3A_699 = vector.extract_strided_slice %get3A_66 {offsets = [0, 768], sizes = [256, 128], strides = [1, 1]} : vector<256x1152xf32> to vector<256x128xf32>
    %mul3A_700 = vector.broadcast %slice3A_698 : vector<256x1xf32> to vector<256x128xf32>
    %mul3A_701 = arith.mulf %mul3A_700, %slice3A_699 : vector<256x128xf32>
    %add3A_702 = arith.addf %add3A_697, %mul3A_701 : vector<256x128xf32>
    %slice3A_703 = vector.extract_strided_slice %dot_general3A_63 {offsets = [0, 92], sizes = [256, 1], strides = [1, 1]} : vector<256x179xf32> to vector<256x1xf32>
    %slice3A_704 = vector.extract_strided_slice %get3A_66 {offsets = [0, 896], sizes = [256, 128], strides = [1, 1]} : vector<256x1152xf32> to vector<256x128xf32>
    %mul3A_705 = vector.broadcast %slice3A_703 : vector<256x1xf32> to vector<256x128xf32>
    %mul3A_706 = arith.mulf %mul3A_705, %slice3A_704 : vector<256x128xf32>
    %add3A_707 = arith.addf %add3A_702, %mul3A_706 : vector<256x128xf32>
    %slice3A_708 = vector.extract_strided_slice %dot_general3A_63 {offsets = [0, 93], sizes = [256, 1], strides = [1, 1]} : vector<256x179xf32> to vector<256x1xf32>
    %slice3A_709 = vector.extract_strided_slice %get3A_66 {offsets = [0, 1024], sizes = [256, 128], strides = [1, 1]} : vector<256x1152xf32> to vector<256x128xf32>
    %mul3A_710 = vector.broadcast %slice3A_708 : vector<256x1xf32> to vector<256x128xf32>
    %mul3A_711 = arith.mulf %mul3A_710, %slice3A_709 : vector<256x128xf32>
    %add3A_712 = arith.addf %add3A_707, %mul3A_711 : vector<256x128xf32>
    %mul3A_713 = arith.mulf %add3A_712, %add3A_688 : vector<256x128xf32>
    %add3A_714 = arith.addf %add3A_490, %mul3A_713 : vector<256x128xf32>
    %slice3A_715 = vector.extract_strided_slice %dot_general3A_63 {offsets = [0, 94], sizes = [256, 1], strides = [1, 1]} : vector<256x179xf32> to vector<256x1xf32>
    %slice3A_716 = vector.extract_strided_slice %get3A_66 {offsets = [0, 512], sizes = [256, 128], strides = [1, 1]} : vector<256x1152xf32> to vector<256x128xf32>
    %mul3A_717 = vector.broadcast %slice3A_715 : vector<256x1xf32> to vector<256x128xf32>
    %mul3A_718 = arith.mulf %mul3A_717, %slice3A_716 : vector<256x128xf32>
    %slice3A_719 = vector.extract_strided_slice %dot_general3A_63 {offsets = [0, 95], sizes = [256, 1], strides = [1, 1]} : vector<256x179xf32> to vector<256x1xf32>
    %slice3A_720 = vector.extract_strided_slice %get3A_66 {offsets = [0, 640], sizes = [256, 128], strides = [1, 1]} : vector<256x1152xf32> to vector<256x128xf32>
    %mul3A_721 = vector.broadcast %slice3A_719 : vector<256x1xf32> to vector<256x128xf32>
    %mul3A_722 = arith.mulf %mul3A_721, %slice3A_720 : vector<256x128xf32>
    %add3A_723 = arith.addf %mul3A_718, %mul3A_722 : vector<256x128xf32>
    %slice3A_724 = vector.extract_strided_slice %dot_general3A_63 {offsets = [0, 96], sizes = [256, 1], strides = [1, 1]} : vector<256x179xf32> to vector<256x1xf32>
    %slice3A_725 = vector.extract_strided_slice %get3A_66 {offsets = [0, 768], sizes = [256, 128], strides = [1, 1]} : vector<256x1152xf32> to vector<256x128xf32>
    %mul3A_726 = vector.broadcast %slice3A_724 : vector<256x1xf32> to vector<256x128xf32>
    %mul3A_727 = arith.mulf %mul3A_726, %slice3A_725 : vector<256x128xf32>
    %add3A_728 = arith.addf %add3A_723, %mul3A_727 : vector<256x128xf32>
    %slice3A_729 = vector.extract_strided_slice %dot_general3A_63 {offsets = [0, 97], sizes = [256, 1], strides = [1, 1]} : vector<256x179xf32> to vector<256x1xf32>
    %slice3A_730 = vector.extract_strided_slice %get3A_66 {offsets = [0, 896], sizes = [256, 128], strides = [1, 1]} : vector<256x1152xf32> to vector<256x128xf32>
    %mul3A_731 = vector.broadcast %slice3A_729 : vector<256x1xf32> to vector<256x128xf32>
    %mul3A_732 = arith.mulf %mul3A_731, %slice3A_730 : vector<256x128xf32>
    %add3A_733 = arith.addf %add3A_728, %mul3A_732 : vector<256x128xf32>
    %slice3A_734 = vector.extract_strided_slice %dot_general3A_63 {offsets = [0, 98], sizes = [256, 1], strides = [1, 1]} : vector<256x179xf32> to vector<256x1xf32>
    %slice3A_735 = vector.extract_strided_slice %get3A_66 {offsets = [0, 1024], sizes = [256, 128], strides = [1, 1]} : vector<256x1152xf32> to vector<256x128xf32>
    %mul3A_736 = vector.broadcast %slice3A_734 : vector<256x1xf32> to vector<256x128xf32>
    %mul3A_737 = arith.mulf %mul3A_736, %slice3A_735 : vector<256x128xf32>
    %add3A_738 = arith.addf %add3A_733, %mul3A_737 : vector<256x128xf32>
    %mul3A_739 = arith.mulf %add3A_738, %add3A_688 : vector<256x128xf32>
    %add3A_740 = arith.addf %add3A_506, %mul3A_739 : vector<256x128xf32>
    %slice3A_741 = vector.extract_strided_slice %dot_general3A_63 {offsets = [0, 99], sizes = [256, 1], strides = [1, 1]} : vector<256x179xf32> to vector<256x1xf32>
    %slice3A_742 = vector.extract_strided_slice %get3A_66 {offsets = [0, 512], sizes = [256, 128], strides = [1, 1]} : vector<256x1152xf32> to vector<256x128xf32>
    %mul3A_743 = vector.broadcast %slice3A_741 : vector<256x1xf32> to vector<256x128xf32>
    %mul3A_744 = arith.mulf %mul3A_743, %slice3A_742 : vector<256x128xf32>
    %slice3A_745 = vector.extract_strided_slice %dot_general3A_63 {offsets = [0, 100], sizes = [256, 1], strides = [1, 1]} : vector<256x179xf32> to vector<256x1xf32>
    %slice3A_746 = vector.extract_strided_slice %get3A_66 {offsets = [0, 640], sizes = [256, 128], strides = [1, 1]} : vector<256x1152xf32> to vector<256x128xf32>
    %mul3A_747 = vector.broadcast %slice3A_745 : vector<256x1xf32> to vector<256x128xf32>
    %mul3A_748 = arith.mulf %mul3A_747, %slice3A_746 : vector<256x128xf32>
    %add3A_749 = arith.addf %mul3A_744, %mul3A_748 : vector<256x128xf32>
    %slice3A_750 = vector.extract_strided_slice %dot_general3A_63 {offsets = [0, 101], sizes = [256, 1], strides = [1, 1]} : vector<256x179xf32> to vector<256x1xf32>
    %slice3A_751 = vector.extract_strided_slice %get3A_66 {offsets = [0, 768], sizes = [256, 128], strides = [1, 1]} : vector<256x1152xf32> to vector<256x128xf32>
    %mul3A_752 = vector.broadcast %slice3A_750 : vector<256x1xf32> to vector<256x128xf32>
    %mul3A_753 = arith.mulf %mul3A_752, %slice3A_751 : vector<256x128xf32>
    %add3A_754 = arith.addf %add3A_749, %mul3A_753 : vector<256x128xf32>
    %slice3A_755 = vector.extract_strided_slice %dot_general3A_63 {offsets = [0, 102], sizes = [256, 1], strides = [1, 1]} : vector<256x179xf32> to vector<256x1xf32>
    %slice3A_756 = vector.extract_strided_slice %get3A_66 {offsets = [0, 896], sizes = [256, 128], strides = [1, 1]} : vector<256x1152xf32> to vector<256x128xf32>
    %mul3A_757 = vector.broadcast %slice3A_755 : vector<256x1xf32> to vector<256x128xf32>
    %mul3A_758 = arith.mulf %mul3A_757, %slice3A_756 : vector<256x128xf32>
    %add3A_759 = arith.addf %add3A_754, %mul3A_758 : vector<256x128xf32>
    %slice3A_760 = vector.extract_strided_slice %dot_general3A_63 {offsets = [0, 103], sizes = [256, 1], strides = [1, 1]} : vector<256x179xf32> to vector<256x1xf32>
    %slice3A_761 = vector.extract_strided_slice %get3A_66 {offsets = [0, 1024], sizes = [256, 128], strides = [1, 1]} : vector<256x1152xf32> to vector<256x128xf32>
    %mul3A_762 = vector.broadcast %slice3A_760 : vector<256x1xf32> to vector<256x128xf32>
    %mul3A_763 = arith.mulf %mul3A_762, %slice3A_761 : vector<256x128xf32>
    %add3A_764 = arith.addf %add3A_759, %mul3A_763 : vector<256x128xf32>
    %mul3A_765 = arith.mulf %add3A_764, %add3A_688 : vector<256x128xf32>
    %add3A_766 = arith.addf %add3A_522, %mul3A_765 : vector<256x128xf32>
    %slice3A_767 = vector.extract_strided_slice %dot_general3A_63 {offsets = [0, 104], sizes = [256, 1], strides = [1, 1]} : vector<256x179xf32> to vector<256x1xf32>
    %slice3A_768 = vector.extract_strided_slice %get3A_66 {offsets = [0, 512], sizes = [256, 128], strides = [1, 1]} : vector<256x1152xf32> to vector<256x128xf32>
    %mul3A_769 = vector.broadcast %slice3A_767 : vector<256x1xf32> to vector<256x128xf32>
    %mul3A_770 = arith.mulf %mul3A_769, %slice3A_768 : vector<256x128xf32>
    %slice3A_771 = vector.extract_strided_slice %dot_general3A_63 {offsets = [0, 105], sizes = [256, 1], strides = [1, 1]} : vector<256x179xf32> to vector<256x1xf32>
    %slice3A_772 = vector.extract_strided_slice %get3A_66 {offsets = [0, 640], sizes = [256, 128], strides = [1, 1]} : vector<256x1152xf32> to vector<256x128xf32>
    %mul3A_773 = vector.broadcast %slice3A_771 : vector<256x1xf32> to vector<256x128xf32>
    %mul3A_774 = arith.mulf %mul3A_773, %slice3A_772 : vector<256x128xf32>
    %add3A_775 = arith.addf %mul3A_770, %mul3A_774 : vector<256x128xf32>
    %slice3A_776 = vector.extract_strided_slice %dot_general3A_63 {offsets = [0, 106], sizes = [256, 1], strides = [1, 1]} : vector<256x179xf32> to vector<256x1xf32>
    %slice3A_777 = vector.extract_strided_slice %get3A_66 {offsets = [0, 768], sizes = [256, 128], strides = [1, 1]} : vector<256x1152xf32> to vector<256x128xf32>
    %mul3A_778 = vector.broadcast %slice3A_776 : vector<256x1xf32> to vector<256x128xf32>
    %mul3A_779 = arith.mulf %mul3A_778, %slice3A_777 : vector<256x128xf32>
    %add3A_780 = arith.addf %add3A_775, %mul3A_779 : vector<256x128xf32>
    %slice3A_781 = vector.extract_strided_slice %dot_general3A_63 {offsets = [0, 107], sizes = [256, 1], strides = [1, 1]} : vector<256x179xf32> to vector<256x1xf32>
    %slice3A_782 = vector.extract_strided_slice %get3A_66 {offsets = [0, 896], sizes = [256, 128], strides = [1, 1]} : vector<256x1152xf32> to vector<256x128xf32>
    %mul3A_783 = vector.broadcast %slice3A_781 : vector<256x1xf32> to vector<256x128xf32>
    %mul3A_784 = arith.mulf %mul3A_783, %slice3A_782 : vector<256x128xf32>
    %add3A_785 = arith.addf %add3A_780, %mul3A_784 : vector<256x128xf32>
    %slice3A_786 = vector.extract_strided_slice %dot_general3A_63 {offsets = [0, 108], sizes = [256, 1], strides = [1, 1]} : vector<256x179xf32> to vector<256x1xf32>
    %slice3A_787 = vector.extract_strided_slice %get3A_66 {offsets = [0, 1024], sizes = [256, 128], strides = [1, 1]} : vector<256x1152xf32> to vector<256x128xf32>
    %mul3A_788 = vector.broadcast %slice3A_786 : vector<256x1xf32> to vector<256x128xf32>
    %mul3A_789 = arith.mulf %mul3A_788, %slice3A_787 : vector<256x128xf32>
    %add3A_790 = arith.addf %add3A_785, %mul3A_789 : vector<256x128xf32>
    %mul3A_791 = arith.mulf %add3A_790, %add3A_688 : vector<256x128xf32>
    %add3A_792 = arith.addf %add3A_538, %mul3A_791 : vector<256x128xf32>
    %slice3A_793 = vector.extract_strided_slice %dot_general3A_63 {offsets = [0, 109], sizes = [256, 1], strides = [1, 1]} : vector<256x179xf32> to vector<256x1xf32>
    %slice3A_794 = vector.extract_strided_slice %get3A_66 {offsets = [0, 512], sizes = [256, 128], strides = [1, 1]} : vector<256x1152xf32> to vector<256x128xf32>
    %mul3A_795 = vector.broadcast %slice3A_793 : vector<256x1xf32> to vector<256x128xf32>
    %mul3A_796 = arith.mulf %mul3A_795, %slice3A_794 : vector<256x128xf32>
    %slice3A_797 = vector.extract_strided_slice %dot_general3A_63 {offsets = [0, 110], sizes = [256, 1], strides = [1, 1]} : vector<256x179xf32> to vector<256x1xf32>
    %slice3A_798 = vector.extract_strided_slice %get3A_66 {offsets = [0, 640], sizes = [256, 128], strides = [1, 1]} : vector<256x1152xf32> to vector<256x128xf32>
    %mul3A_799 = vector.broadcast %slice3A_797 : vector<256x1xf32> to vector<256x128xf32>
    %mul3A_800 = arith.mulf %mul3A_799, %slice3A_798 : vector<256x128xf32>
    %add3A_801 = arith.addf %mul3A_796, %mul3A_800 : vector<256x128xf32>
    %slice3A_802 = vector.extract_strided_slice %dot_general3A_63 {offsets = [0, 111], sizes = [256, 1], strides = [1, 1]} : vector<256x179xf32> to vector<256x1xf32>
    %slice3A_803 = vector.extract_strided_slice %get3A_66 {offsets = [0, 768], sizes = [256, 128], strides = [1, 1]} : vector<256x1152xf32> to vector<256x128xf32>
    %mul3A_804 = vector.broadcast %slice3A_802 : vector<256x1xf32> to vector<256x128xf32>
    %mul3A_805 = arith.mulf %mul3A_804, %slice3A_803 : vector<256x128xf32>
    %add3A_806 = arith.addf %add3A_801, %mul3A_805 : vector<256x128xf32>
    %slice3A_807 = vector.extract_strided_slice %dot_general3A_63 {offsets = [0, 112], sizes = [256, 1], strides = [1, 1]} : vector<256x179xf32> to vector<256x1xf32>
    %slice3A_808 = vector.extract_strided_slice %get3A_66 {offsets = [0, 896], sizes = [256, 128], strides = [1, 1]} : vector<256x1152xf32> to vector<256x128xf32>
    %mul3A_809 = vector.broadcast %slice3A_807 : vector<256x1xf32> to vector<256x128xf32>
    %mul3A_810 = arith.mulf %mul3A_809, %slice3A_808 : vector<256x128xf32>
    %add3A_811 = arith.addf %add3A_806, %mul3A_810 : vector<256x128xf32>
    %slice3A_812 = vector.extract_strided_slice %dot_general3A_63 {offsets = [0, 113], sizes = [256, 1], strides = [1, 1]} : vector<256x179xf32> to vector<256x1xf32>
    %slice3A_813 = vector.extract_strided_slice %get3A_66 {offsets = [0, 1024], sizes = [256, 128], strides = [1, 1]} : vector<256x1152xf32> to vector<256x128xf32>
    %mul3A_814 = vector.broadcast %slice3A_812 : vector<256x1xf32> to vector<256x128xf32>
    %mul3A_815 = arith.mulf %mul3A_814, %slice3A_813 : vector<256x128xf32>
    %add3A_816 = arith.addf %add3A_811, %mul3A_815 : vector<256x128xf32>
    %mul3A_817 = arith.mulf %add3A_816, %add3A_688 : vector<256x128xf32>
    %add3A_818 = arith.addf %add3A_554, %mul3A_817 : vector<256x128xf32>
    %slice3A_819 = vector.extract_strided_slice %max3A_28 {offsets = [0, 144], sizes = [256, 12], strides = [1, 1]} : vector<256x180xf32> to vector<256x12xf32>
    %slice3A_820 = vector.extract_strided_slice %get3A_70 {offsets = [12, 0, 0], sizes = [1, 12, 128], strides = [1, 1, 1]} : vector<15x12x128xf32> to vector<1x12x128xf32>
    %squeeze3A_821 = vector.shape_cast %slice3A_820 : vector<1x12x128xf32> to vector<12x128xf32>
    %dot_general3A_822 = arith.constant dense<0.000000e+00> : vector<256x128xf32>
    %dot_general3A_823 = tpu.matmul %slice3A_819, %squeeze3A_821, %dot_general3A_822 {dimension_numbers = #tpu.dot_dimension_numbers<[1], [0], [0], [1], [0, 0, 1, 1], [], []>, transpose_lhs_hint = false} : vector<256x12xf32>, vector<12x128xf32>, vector<256x128xf32> -> vector<256x128xf32>
    %slice3A_824 = vector.extract_strided_slice %get3A_73 {offsets = [12, 0], sizes = [1, 128], strides = [1, 1]} : vector<15x128xf32> to vector<1x128xf32>
    %squeeze3A_825 = vector.shape_cast %slice3A_824 : vector<1x128xf32> to vector<128xf32>
    %broadcast_in_dim3A_826 = vector.shape_cast %squeeze3A_825 : vector<128xf32> to vector<1x128xf32>
    %add3A_827 = vector.broadcast %broadcast_in_dim3A_826 : vector<1x128xf32> to vector<256x128xf32>
    %add3A_828 = arith.addf %dot_general3A_823, %add3A_827 : vector<256x128xf32>
    %slice3A_829 = vector.extract_strided_slice %dot_general3A_63 {offsets = [0, 114], sizes = [256, 1], strides = [1, 1]} : vector<256x179xf32> to vector<256x1xf32>
    %slice3A_830 = vector.extract_strided_slice %get3A_66 {offsets = [0, 512], sizes = [256, 128], strides = [1, 1]} : vector<256x1152xf32> to vector<256x128xf32>
    %mul3A_831 = vector.broadcast %slice3A_829 : vector<256x1xf32> to vector<256x128xf32>
    %mul3A_832 = arith.mulf %mul3A_831, %slice3A_830 : vector<256x128xf32>
    %slice3A_833 = vector.extract_strided_slice %dot_general3A_63 {offsets = [0, 115], sizes = [256, 1], strides = [1, 1]} : vector<256x179xf32> to vector<256x1xf32>
    %slice3A_834 = vector.extract_strided_slice %get3A_66 {offsets = [0, 640], sizes = [256, 128], strides = [1, 1]} : vector<256x1152xf32> to vector<256x128xf32>
    %mul3A_835 = vector.broadcast %slice3A_833 : vector<256x1xf32> to vector<256x128xf32>
    %mul3A_836 = arith.mulf %mul3A_835, %slice3A_834 : vector<256x128xf32>
    %add3A_837 = arith.addf %mul3A_832, %mul3A_836 : vector<256x128xf32>
    %slice3A_838 = vector.extract_strided_slice %dot_general3A_63 {offsets = [0, 116], sizes = [256, 1], strides = [1, 1]} : vector<256x179xf32> to vector<256x1xf32>
    %slice3A_839 = vector.extract_strided_slice %get3A_66 {offsets = [0, 768], sizes = [256, 128], strides = [1, 1]} : vector<256x1152xf32> to vector<256x128xf32>
    %mul3A_840 = vector.broadcast %slice3A_838 : vector<256x1xf32> to vector<256x128xf32>
    %mul3A_841 = arith.mulf %mul3A_840, %slice3A_839 : vector<256x128xf32>
    %add3A_842 = arith.addf %add3A_837, %mul3A_841 : vector<256x128xf32>
    %slice3A_843 = vector.extract_strided_slice %dot_general3A_63 {offsets = [0, 117], sizes = [256, 1], strides = [1, 1]} : vector<256x179xf32> to vector<256x1xf32>
    %slice3A_844 = vector.extract_strided_slice %get3A_66 {offsets = [0, 896], sizes = [256, 128], strides = [1, 1]} : vector<256x1152xf32> to vector<256x128xf32>
    %mul3A_845 = vector.broadcast %slice3A_843 : vector<256x1xf32> to vector<256x128xf32>
    %mul3A_846 = arith.mulf %mul3A_845, %slice3A_844 : vector<256x128xf32>
    %add3A_847 = arith.addf %add3A_842, %mul3A_846 : vector<256x128xf32>
    %slice3A_848 = vector.extract_strided_slice %dot_general3A_63 {offsets = [0, 118], sizes = [256, 1], strides = [1, 1]} : vector<256x179xf32> to vector<256x1xf32>
    %slice3A_849 = vector.extract_strided_slice %get3A_66 {offsets = [0, 1024], sizes = [256, 128], strides = [1, 1]} : vector<256x1152xf32> to vector<256x128xf32>
    %mul3A_850 = vector.broadcast %slice3A_848 : vector<256x1xf32> to vector<256x128xf32>
    %mul3A_851 = arith.mulf %mul3A_850, %slice3A_849 : vector<256x128xf32>
    %add3A_852 = arith.addf %add3A_847, %mul3A_851 : vector<256x128xf32>
    %mul3A_853 = arith.mulf %add3A_852, %add3A_828 : vector<256x128xf32>
    %add3A_854 = arith.addf %add3A_714, %mul3A_853 : vector<256x128xf32>
    %slice3A_855 = vector.extract_strided_slice %dot_general3A_63 {offsets = [0, 119], sizes = [256, 1], strides = [1, 1]} : vector<256x179xf32> to vector<256x1xf32>
    %slice3A_856 = vector.extract_strided_slice %get3A_66 {offsets = [0, 512], sizes = [256, 128], strides = [1, 1]} : vector<256x1152xf32> to vector<256x128xf32>
    %mul3A_857 = vector.broadcast %slice3A_855 : vector<256x1xf32> to vector<256x128xf32>
    %mul3A_858 = arith.mulf %mul3A_857, %slice3A_856 : vector<256x128xf32>
    %slice3A_859 = vector.extract_strided_slice %dot_general3A_63 {offsets = [0, 120], sizes = [256, 1], strides = [1, 1]} : vector<256x179xf32> to vector<256x1xf32>
    %slice3A_860 = vector.extract_strided_slice %get3A_66 {offsets = [0, 640], sizes = [256, 128], strides = [1, 1]} : vector<256x1152xf32> to vector<256x128xf32>
    %mul3A_861 = vector.broadcast %slice3A_859 : vector<256x1xf32> to vector<256x128xf32>
    %mul3A_862 = arith.mulf %mul3A_861, %slice3A_860 : vector<256x128xf32>
    %add3A_863 = arith.addf %mul3A_858, %mul3A_862 : vector<256x128xf32>
    %slice3A_864 = vector.extract_strided_slice %dot_general3A_63 {offsets = [0, 121], sizes = [256, 1], strides = [1, 1]} : vector<256x179xf32> to vector<256x1xf32>
    %slice3A_865 = vector.extract_strided_slice %get3A_66 {offsets = [0, 768], sizes = [256, 128], strides = [1, 1]} : vector<256x1152xf32> to vector<256x128xf32>
    %mul3A_866 = vector.broadcast %slice3A_864 : vector<256x1xf32> to vector<256x128xf32>
    %mul3A_867 = arith.mulf %mul3A_866, %slice3A_865 : vector<256x128xf32>
    %add3A_868 = arith.addf %add3A_863, %mul3A_867 : vector<256x128xf32>
    %slice3A_869 = vector.extract_strided_slice %dot_general3A_63 {offsets = [0, 122], sizes = [256, 1], strides = [1, 1]} : vector<256x179xf32> to vector<256x1xf32>
    %slice3A_870 = vector.extract_strided_slice %get3A_66 {offsets = [0, 896], sizes = [256, 128], strides = [1, 1]} : vector<256x1152xf32> to vector<256x128xf32>
    %mul3A_871 = vector.broadcast %slice3A_869 : vector<256x1xf32> to vector<256x128xf32>
    %mul3A_872 = arith.mulf %mul3A_871, %slice3A_870 : vector<256x128xf32>
    %add3A_873 = arith.addf %add3A_868, %mul3A_872 : vector<256x128xf32>
    %slice3A_874 = vector.extract_strided_slice %dot_general3A_63 {offsets = [0, 123], sizes = [256, 1], strides = [1, 1]} : vector<256x179xf32> to vector<256x1xf32>
    %slice3A_875 = vector.extract_strided_slice %get3A_66 {offsets = [0, 1024], sizes = [256, 128], strides = [1, 1]} : vector<256x1152xf32> to vector<256x128xf32>
    %mul3A_876 = vector.broadcast %slice3A_874 : vector<256x1xf32> to vector<256x128xf32>
    %mul3A_877 = arith.mulf %mul3A_876, %slice3A_875 : vector<256x128xf32>
    %add3A_878 = arith.addf %add3A_873, %mul3A_877 : vector<256x128xf32>
    %mul3A_879 = arith.mulf %add3A_878, %add3A_828 : vector<256x128xf32>
    %add3A_880 = arith.addf %add3A_740, %mul3A_879 : vector<256x128xf32>
    %slice3A_881 = vector.extract_strided_slice %dot_general3A_63 {offsets = [0, 124], sizes = [256, 1], strides = [1, 1]} : vector<256x179xf32> to vector<256x1xf32>
    %slice3A_882 = vector.extract_strided_slice %get3A_66 {offsets = [0, 512], sizes = [256, 128], strides = [1, 1]} : vector<256x1152xf32> to vector<256x128xf32>
    %mul3A_883 = vector.broadcast %slice3A_881 : vector<256x1xf32> to vector<256x128xf32>
    %mul3A_884 = arith.mulf %mul3A_883, %slice3A_882 : vector<256x128xf32>
    %slice3A_885 = vector.extract_strided_slice %dot_general3A_63 {offsets = [0, 125], sizes = [256, 1], strides = [1, 1]} : vector<256x179xf32> to vector<256x1xf32>
    %slice3A_886 = vector.extract_strided_slice %get3A_66 {offsets = [0, 640], sizes = [256, 128], strides = [1, 1]} : vector<256x1152xf32> to vector<256x128xf32>
    %mul3A_887 = vector.broadcast %slice3A_885 : vector<256x1xf32> to vector<256x128xf32>
    %mul3A_888 = arith.mulf %mul3A_887, %slice3A_886 : vector<256x128xf32>
    %add3A_889 = arith.addf %mul3A_884, %mul3A_888 : vector<256x128xf32>
    %slice3A_890 = vector.extract_strided_slice %dot_general3A_63 {offsets = [0, 126], sizes = [256, 1], strides = [1, 1]} : vector<256x179xf32> to vector<256x1xf32>
    %slice3A_891 = vector.extract_strided_slice %get3A_66 {offsets = [0, 768], sizes = [256, 128], strides = [1, 1]} : vector<256x1152xf32> to vector<256x128xf32>
    %mul3A_892 = vector.broadcast %slice3A_890 : vector<256x1xf32> to vector<256x128xf32>
    %mul3A_893 = arith.mulf %mul3A_892, %slice3A_891 : vector<256x128xf32>
    %add3A_894 = arith.addf %add3A_889, %mul3A_893 : vector<256x128xf32>
    %slice3A_895 = vector.extract_strided_slice %dot_general3A_63 {offsets = [0, 127], sizes = [256, 1], strides = [1, 1]} : vector<256x179xf32> to vector<256x1xf32>
    %slice3A_896 = vector.extract_strided_slice %get3A_66 {offsets = [0, 896], sizes = [256, 128], strides = [1, 1]} : vector<256x1152xf32> to vector<256x128xf32>
    %mul3A_897 = vector.broadcast %slice3A_895 : vector<256x1xf32> to vector<256x128xf32>
    %mul3A_898 = arith.mulf %mul3A_897, %slice3A_896 : vector<256x128xf32>
    %add3A_899 = arith.addf %add3A_894, %mul3A_898 : vector<256x128xf32>
    %slice3A_900 = vector.extract_strided_slice %dot_general3A_63 {offsets = [0, 128], sizes = [256, 1], strides = [1, 1]} : vector<256x179xf32> to vector<256x1xf32>
    %slice3A_901 = vector.extract_strided_slice %get3A_66 {offsets = [0, 1024], sizes = [256, 128], strides = [1, 1]} : vector<256x1152xf32> to vector<256x128xf32>
    %mul3A_902 = vector.broadcast %slice3A_900 : vector<256x1xf32> to vector<256x128xf32>
    %mul3A_903 = arith.mulf %mul3A_902, %slice3A_901 : vector<256x128xf32>
    %add3A_904 = arith.addf %add3A_899, %mul3A_903 : vector<256x128xf32>
    %mul3A_905 = arith.mulf %add3A_904, %add3A_828 : vector<256x128xf32>
    %add3A_906 = arith.addf %add3A_766, %mul3A_905 : vector<256x128xf32>
    %slice3A_907 = vector.extract_strided_slice %dot_general3A_63 {offsets = [0, 129], sizes = [256, 1], strides = [1, 1]} : vector<256x179xf32> to vector<256x1xf32>
    %slice3A_908 = vector.extract_strided_slice %get3A_66 {offsets = [0, 512], sizes = [256, 128], strides = [1, 1]} : vector<256x1152xf32> to vector<256x128xf32>
    %mul3A_909 = vector.broadcast %slice3A_907 : vector<256x1xf32> to vector<256x128xf32>
    %mul3A_910 = arith.mulf %mul3A_909, %slice3A_908 : vector<256x128xf32>
    %slice3A_911 = vector.extract_strided_slice %dot_general3A_63 {offsets = [0, 130], sizes = [256, 1], strides = [1, 1]} : vector<256x179xf32> to vector<256x1xf32>
    %slice3A_912 = vector.extract_strided_slice %get3A_66 {offsets = [0, 640], sizes = [256, 128], strides = [1, 1]} : vector<256x1152xf32> to vector<256x128xf32>
    %mul3A_913 = vector.broadcast %slice3A_911 : vector<256x1xf32> to vector<256x128xf32>
    %mul3A_914 = arith.mulf %mul3A_913, %slice3A_912 : vector<256x128xf32>
    %add3A_915 = arith.addf %mul3A_910, %mul3A_914 : vector<256x128xf32>
    %slice3A_916 = vector.extract_strided_slice %dot_general3A_63 {offsets = [0, 131], sizes = [256, 1], strides = [1, 1]} : vector<256x179xf32> to vector<256x1xf32>
    %slice3A_917 = vector.extract_strided_slice %get3A_66 {offsets = [0, 768], sizes = [256, 128], strides = [1, 1]} : vector<256x1152xf32> to vector<256x128xf32>
    %mul3A_918 = vector.broadcast %slice3A_916 : vector<256x1xf32> to vector<256x128xf32>
    %mul3A_919 = arith.mulf %mul3A_918, %slice3A_917 : vector<256x128xf32>
    %add3A_920 = arith.addf %add3A_915, %mul3A_919 : vector<256x128xf32>
    %slice3A_921 = vector.extract_strided_slice %dot_general3A_63 {offsets = [0, 132], sizes = [256, 1], strides = [1, 1]} : vector<256x179xf32> to vector<256x1xf32>
    %slice3A_922 = vector.extract_strided_slice %get3A_66 {offsets = [0, 896], sizes = [256, 128], strides = [1, 1]} : vector<256x1152xf32> to vector<256x128xf32>
    %mul3A_923 = vector.broadcast %slice3A_921 : vector<256x1xf32> to vector<256x128xf32>
    %mul3A_924 = arith.mulf %mul3A_923, %slice3A_922 : vector<256x128xf32>
    %add3A_925 = arith.addf %add3A_920, %mul3A_924 : vector<256x128xf32>
    %slice3A_926 = vector.extract_strided_slice %dot_general3A_63 {offsets = [0, 133], sizes = [256, 1], strides = [1, 1]} : vector<256x179xf32> to vector<256x1xf32>
    %slice3A_927 = vector.extract_strided_slice %get3A_66 {offsets = [0, 1024], sizes = [256, 128], strides = [1, 1]} : vector<256x1152xf32> to vector<256x128xf32>
    %mul3A_928 = vector.broadcast %slice3A_926 : vector<256x1xf32> to vector<256x128xf32>
    %mul3A_929 = arith.mulf %mul3A_928, %slice3A_927 : vector<256x128xf32>
    %add3A_930 = arith.addf %add3A_925, %mul3A_929 : vector<256x128xf32>
    %mul3A_931 = arith.mulf %add3A_930, %add3A_828 : vector<256x128xf32>
    %add3A_932 = arith.addf %add3A_792, %mul3A_931 : vector<256x128xf32>
    %slice3A_933 = vector.extract_strided_slice %dot_general3A_63 {offsets = [0, 134], sizes = [256, 1], strides = [1, 1]} : vector<256x179xf32> to vector<256x1xf32>
    %slice3A_934 = vector.extract_strided_slice %get3A_66 {offsets = [0, 512], sizes = [256, 128], strides = [1, 1]} : vector<256x1152xf32> to vector<256x128xf32>
    %mul3A_935 = vector.broadcast %slice3A_933 : vector<256x1xf32> to vector<256x128xf32>
    %mul3A_936 = arith.mulf %mul3A_935, %slice3A_934 : vector<256x128xf32>
    %slice3A_937 = vector.extract_strided_slice %dot_general3A_63 {offsets = [0, 135], sizes = [256, 1], strides = [1, 1]} : vector<256x179xf32> to vector<256x1xf32>
    %slice3A_938 = vector.extract_strided_slice %get3A_66 {offsets = [0, 640], sizes = [256, 128], strides = [1, 1]} : vector<256x1152xf32> to vector<256x128xf32>
    %mul3A_939 = vector.broadcast %slice3A_937 : vector<256x1xf32> to vector<256x128xf32>
    %mul3A_940 = arith.mulf %mul3A_939, %slice3A_938 : vector<256x128xf32>
    %add3A_941 = arith.addf %mul3A_936, %mul3A_940 : vector<256x128xf32>
    %slice3A_942 = vector.extract_strided_slice %dot_general3A_63 {offsets = [0, 136], sizes = [256, 1], strides = [1, 1]} : vector<256x179xf32> to vector<256x1xf32>
    %slice3A_943 = vector.extract_strided_slice %get3A_66 {offsets = [0, 768], sizes = [256, 128], strides = [1, 1]} : vector<256x1152xf32> to vector<256x128xf32>
    %mul3A_944 = vector.broadcast %slice3A_942 : vector<256x1xf32> to vector<256x128xf32>
    %mul3A_945 = arith.mulf %mul3A_944, %slice3A_943 : vector<256x128xf32>
    %add3A_946 = arith.addf %add3A_941, %mul3A_945 : vector<256x128xf32>
    %slice3A_947 = vector.extract_strided_slice %dot_general3A_63 {offsets = [0, 137], sizes = [256, 1], strides = [1, 1]} : vector<256x179xf32> to vector<256x1xf32>
    %slice3A_948 = vector.extract_strided_slice %get3A_66 {offsets = [0, 896], sizes = [256, 128], strides = [1, 1]} : vector<256x1152xf32> to vector<256x128xf32>
    %mul3A_949 = vector.broadcast %slice3A_947 : vector<256x1xf32> to vector<256x128xf32>
    %mul3A_950 = arith.mulf %mul3A_949, %slice3A_948 : vector<256x128xf32>
    %add3A_951 = arith.addf %add3A_946, %mul3A_950 : vector<256x128xf32>
    %slice3A_952 = vector.extract_strided_slice %dot_general3A_63 {offsets = [0, 138], sizes = [256, 1], strides = [1, 1]} : vector<256x179xf32> to vector<256x1xf32>
    %slice3A_953 = vector.extract_strided_slice %get3A_66 {offsets = [0, 1024], sizes = [256, 128], strides = [1, 1]} : vector<256x1152xf32> to vector<256x128xf32>
    %mul3A_954 = vector.broadcast %slice3A_952 : vector<256x1xf32> to vector<256x128xf32>
    %mul3A_955 = arith.mulf %mul3A_954, %slice3A_953 : vector<256x128xf32>
    %add3A_956 = arith.addf %add3A_951, %mul3A_955 : vector<256x128xf32>
    %mul3A_957 = arith.mulf %add3A_956, %add3A_828 : vector<256x128xf32>
    %add3A_958 = arith.addf %add3A_818, %mul3A_957 : vector<256x128xf32>
    %slice3A_959 = vector.extract_strided_slice %max3A_28 {offsets = [0, 156], sizes = [256, 12], strides = [1, 1]} : vector<256x180xf32> to vector<256x12xf32>
    %slice3A_960 = vector.extract_strided_slice %get3A_70 {offsets = [13, 0, 0], sizes = [1, 12, 128], strides = [1, 1, 1]} : vector<15x12x128xf32> to vector<1x12x128xf32>
    %squeeze3A_961 = vector.shape_cast %slice3A_960 : vector<1x12x128xf32> to vector<12x128xf32>
    %dot_general3A_962 = arith.constant dense<0.000000e+00> : vector<256x128xf32>
    %dot_general3A_963 = tpu.matmul %slice3A_959, %squeeze3A_961, %dot_general3A_962 {dimension_numbers = #tpu.dot_dimension_numbers<[1], [0], [0], [1], [0, 0, 1, 1], [], []>, transpose_lhs_hint = false} : vector<256x12xf32>, vector<12x128xf32>, vector<256x128xf32> -> vector<256x128xf32>
    %slice3A_964 = vector.extract_strided_slice %get3A_73 {offsets = [13, 0], sizes = [1, 128], strides = [1, 1]} : vector<15x128xf32> to vector<1x128xf32>
    %squeeze3A_965 = vector.shape_cast %slice3A_964 : vector<1x128xf32> to vector<128xf32>
    %broadcast_in_dim3A_966 = vector.shape_cast %squeeze3A_965 : vector<128xf32> to vector<1x128xf32>
    %add3A_967 = vector.broadcast %broadcast_in_dim3A_966 : vector<1x128xf32> to vector<256x128xf32>
    %add3A_968 = arith.addf %dot_general3A_963, %add3A_967 : vector<256x128xf32>
    %slice3A_969 = vector.extract_strided_slice %dot_general3A_63 {offsets = [0, 139], sizes = [256, 1], strides = [1, 1]} : vector<256x179xf32> to vector<256x1xf32>
    %slice3A_970 = vector.extract_strided_slice %get3A_66 {offsets = [0, 512], sizes = [256, 128], strides = [1, 1]} : vector<256x1152xf32> to vector<256x128xf32>
    %mul3A_971 = vector.broadcast %slice3A_969 : vector<256x1xf32> to vector<256x128xf32>
    %mul3A_972 = arith.mulf %mul3A_971, %slice3A_970 : vector<256x128xf32>
    %slice3A_973 = vector.extract_strided_slice %dot_general3A_63 {offsets = [0, 140], sizes = [256, 1], strides = [1, 1]} : vector<256x179xf32> to vector<256x1xf32>
    %slice3A_974 = vector.extract_strided_slice %get3A_66 {offsets = [0, 640], sizes = [256, 128], strides = [1, 1]} : vector<256x1152xf32> to vector<256x128xf32>
    %mul3A_975 = vector.broadcast %slice3A_973 : vector<256x1xf32> to vector<256x128xf32>
    %mul3A_976 = arith.mulf %mul3A_975, %slice3A_974 : vector<256x128xf32>
    %add3A_977 = arith.addf %mul3A_972, %mul3A_976 : vector<256x128xf32>
    %slice3A_978 = vector.extract_strided_slice %dot_general3A_63 {offsets = [0, 141], sizes = [256, 1], strides = [1, 1]} : vector<256x179xf32> to vector<256x1xf32>
    %slice3A_979 = vector.extract_strided_slice %get3A_66 {offsets = [0, 768], sizes = [256, 128], strides = [1, 1]} : vector<256x1152xf32> to vector<256x128xf32>
    %mul3A_980 = vector.broadcast %slice3A_978 : vector<256x1xf32> to vector<256x128xf32>
    %mul3A_981 = arith.mulf %mul3A_980, %slice3A_979 : vector<256x128xf32>
    %add3A_982 = arith.addf %add3A_977, %mul3A_981 : vector<256x128xf32>
    %slice3A_983 = vector.extract_strided_slice %dot_general3A_63 {offsets = [0, 142], sizes = [256, 1], strides = [1, 1]} : vector<256x179xf32> to vector<256x1xf32>
    %slice3A_984 = vector.extract_strided_slice %get3A_66 {offsets = [0, 896], sizes = [256, 128], strides = [1, 1]} : vector<256x1152xf32> to vector<256x128xf32>
    %mul3A_985 = vector.broadcast %slice3A_983 : vector<256x1xf32> to vector<256x128xf32>
    %mul3A_986 = arith.mulf %mul3A_985, %slice3A_984 : vector<256x128xf32>
    %add3A_987 = arith.addf %add3A_982, %mul3A_986 : vector<256x128xf32>
    %slice3A_988 = vector.extract_strided_slice %dot_general3A_63 {offsets = [0, 143], sizes = [256, 1], strides = [1, 1]} : vector<256x179xf32> to vector<256x1xf32>
    %slice3A_989 = vector.extract_strided_slice %get3A_66 {offsets = [0, 1024], sizes = [256, 128], strides = [1, 1]} : vector<256x1152xf32> to vector<256x128xf32>
    %mul3A_990 = vector.broadcast %slice3A_988 : vector<256x1xf32> to vector<256x128xf32>
    %mul3A_991 = arith.mulf %mul3A_990, %slice3A_989 : vector<256x128xf32>
    %add3A_992 = arith.addf %add3A_987, %mul3A_991 : vector<256x128xf32>
    %mul3A_993 = arith.mulf %add3A_992, %add3A_968 : vector<256x128xf32>
    %add3A_994 = arith.addf %add3A_626, %mul3A_993 : vector<256x128xf32>
    %slice3A_995 = vector.extract_strided_slice %dot_general3A_63 {offsets = [0, 144], sizes = [256, 1], strides = [1, 1]} : vector<256x179xf32> to vector<256x1xf32>
    %slice3A_996 = vector.extract_strided_slice %get3A_66 {offsets = [0, 512], sizes = [256, 128], strides = [1, 1]} : vector<256x1152xf32> to vector<256x128xf32>
    %mul3A_997 = vector.broadcast %slice3A_995 : vector<256x1xf32> to vector<256x128xf32>
    %mul3A_998 = arith.mulf %mul3A_997, %slice3A_996 : vector<256x128xf32>
    %slice3A_999 = vector.extract_strided_slice %dot_general3A_63 {offsets = [0, 145], sizes = [256, 1], strides = [1, 1]} : vector<256x179xf32> to vector<256x1xf32>
    %slice3A_1000 = vector.extract_strided_slice %get3A_66 {offsets = [0, 640], sizes = [256, 128], strides = [1, 1]} : vector<256x1152xf32> to vector<256x128xf32>
    %mul3A_1001 = vector.broadcast %slice3A_999 : vector<256x1xf32> to vector<256x128xf32>
    %mul3A_1002 = arith.mulf %mul3A_1001, %slice3A_1000 : vector<256x128xf32>
    %add3A_1003 = arith.addf %mul3A_998, %mul3A_1002 : vector<256x128xf32>
    %slice3A_1004 = vector.extract_strided_slice %dot_general3A_63 {offsets = [0, 146], sizes = [256, 1], strides = [1, 1]} : vector<256x179xf32> to vector<256x1xf32>
    %slice3A_1005 = vector.extract_strided_slice %get3A_66 {offsets = [0, 768], sizes = [256, 128], strides = [1, 1]} : vector<256x1152xf32> to vector<256x128xf32>
    %mul3A_1006 = vector.broadcast %slice3A_1004 : vector<256x1xf32> to vector<256x128xf32>
    %mul3A_1007 = arith.mulf %mul3A_1006, %slice3A_1005 : vector<256x128xf32>
    %add3A_1008 = arith.addf %add3A_1003, %mul3A_1007 : vector<256x128xf32>
    %slice3A_1009 = vector.extract_strided_slice %dot_general3A_63 {offsets = [0, 147], sizes = [256, 1], strides = [1, 1]} : vector<256x179xf32> to vector<256x1xf32>
    %slice3A_1010 = vector.extract_strided_slice %get3A_66 {offsets = [0, 896], sizes = [256, 128], strides = [1, 1]} : vector<256x1152xf32> to vector<256x128xf32>
    %mul3A_1011 = vector.broadcast %slice3A_1009 : vector<256x1xf32> to vector<256x128xf32>
    %mul3A_1012 = arith.mulf %mul3A_1011, %slice3A_1010 : vector<256x128xf32>
    %add3A_1013 = arith.addf %add3A_1008, %mul3A_1012 : vector<256x128xf32>
    %slice3A_1014 = vector.extract_strided_slice %dot_general3A_63 {offsets = [0, 148], sizes = [256, 1], strides = [1, 1]} : vector<256x179xf32> to vector<256x1xf32>
    %slice3A_1015 = vector.extract_strided_slice %get3A_66 {offsets = [0, 1024], sizes = [256, 128], strides = [1, 1]} : vector<256x1152xf32> to vector<256x128xf32>
    %mul3A_1016 = vector.broadcast %slice3A_1014 : vector<256x1xf32> to vector<256x128xf32>
    %mul3A_1017 = arith.mulf %mul3A_1016, %slice3A_1015 : vector<256x128xf32>
    %add3A_1018 = arith.addf %add3A_1013, %mul3A_1017 : vector<256x128xf32>
    %mul3A_1019 = arith.mulf %add3A_1018, %add3A_968 : vector<256x128xf32>
    %add3A_1020 = arith.addf %add3A_652, %mul3A_1019 : vector<256x128xf32>
    %slice3A_1021 = vector.extract_strided_slice %dot_general3A_63 {offsets = [0, 149], sizes = [256, 1], strides = [1, 1]} : vector<256x179xf32> to vector<256x1xf32>
    %slice3A_1022 = vector.extract_strided_slice %get3A_66 {offsets = [0, 512], sizes = [256, 128], strides = [1, 1]} : vector<256x1152xf32> to vector<256x128xf32>
    %mul3A_1023 = vector.broadcast %slice3A_1021 : vector<256x1xf32> to vector<256x128xf32>
    %mul3A_1024 = arith.mulf %mul3A_1023, %slice3A_1022 : vector<256x128xf32>
    %slice3A_1025 = vector.extract_strided_slice %dot_general3A_63 {offsets = [0, 150], sizes = [256, 1], strides = [1, 1]} : vector<256x179xf32> to vector<256x1xf32>
    %slice3A_1026 = vector.extract_strided_slice %get3A_66 {offsets = [0, 640], sizes = [256, 128], strides = [1, 1]} : vector<256x1152xf32> to vector<256x128xf32>
    %mul3A_1027 = vector.broadcast %slice3A_1025 : vector<256x1xf32> to vector<256x128xf32>
    %mul3A_1028 = arith.mulf %mul3A_1027, %slice3A_1026 : vector<256x128xf32>
    %add3A_1029 = arith.addf %mul3A_1024, %mul3A_1028 : vector<256x128xf32>
    %slice3A_1030 = vector.extract_strided_slice %dot_general3A_63 {offsets = [0, 151], sizes = [256, 1], strides = [1, 1]} : vector<256x179xf32> to vector<256x1xf32>
    %slice3A_1031 = vector.extract_strided_slice %get3A_66 {offsets = [0, 768], sizes = [256, 128], strides = [1, 1]} : vector<256x1152xf32> to vector<256x128xf32>
    %mul3A_1032 = vector.broadcast %slice3A_1030 : vector<256x1xf32> to vector<256x128xf32>
    %mul3A_1033 = arith.mulf %mul3A_1032, %slice3A_1031 : vector<256x128xf32>
    %add3A_1034 = arith.addf %add3A_1029, %mul3A_1033 : vector<256x128xf32>
    %slice3A_1035 = vector.extract_strided_slice %dot_general3A_63 {offsets = [0, 152], sizes = [256, 1], strides = [1, 1]} : vector<256x179xf32> to vector<256x1xf32>
    %slice3A_1036 = vector.extract_strided_slice %get3A_66 {offsets = [0, 896], sizes = [256, 128], strides = [1, 1]} : vector<256x1152xf32> to vector<256x128xf32>
    %mul3A_1037 = vector.broadcast %slice3A_1035 : vector<256x1xf32> to vector<256x128xf32>
    %mul3A_1038 = arith.mulf %mul3A_1037, %slice3A_1036 : vector<256x128xf32>
    %add3A_1039 = arith.addf %add3A_1034, %mul3A_1038 : vector<256x128xf32>
    %slice3A_1040 = vector.extract_strided_slice %dot_general3A_63 {offsets = [0, 153], sizes = [256, 1], strides = [1, 1]} : vector<256x179xf32> to vector<256x1xf32>
    %slice3A_1041 = vector.extract_strided_slice %get3A_66 {offsets = [0, 1024], sizes = [256, 128], strides = [1, 1]} : vector<256x1152xf32> to vector<256x128xf32>
    %mul3A_1042 = vector.broadcast %slice3A_1040 : vector<256x1xf32> to vector<256x128xf32>
    %mul3A_1043 = arith.mulf %mul3A_1042, %slice3A_1041 : vector<256x128xf32>
    %add3A_1044 = arith.addf %add3A_1039, %mul3A_1043 : vector<256x128xf32>
    %mul3A_1045 = arith.mulf %add3A_1044, %add3A_968 : vector<256x128xf32>
    %add3A_1046 = arith.addf %add3A_678, %mul3A_1045 : vector<256x128xf32>
    %slice3A_1047 = vector.extract_strided_slice %max3A_28 {offsets = [0, 168], sizes = [256, 12], strides = [1, 1]} : vector<256x180xf32> to vector<256x12xf32>
    %slice3A_1048 = vector.extract_strided_slice %get3A_70 {offsets = [14, 0, 0], sizes = [1, 12, 128], strides = [1, 1, 1]} : vector<15x12x128xf32> to vector<1x12x128xf32>
    %squeeze3A_1049 = vector.shape_cast %slice3A_1048 : vector<1x12x128xf32> to vector<12x128xf32>
    %dot_general3A_1050 = arith.constant dense<0.000000e+00> : vector<256x128xf32>
    %dot_general3A_1051 = tpu.matmul %slice3A_1047, %squeeze3A_1049, %dot_general3A_1050 {dimension_numbers = #tpu.dot_dimension_numbers<[1], [0], [0], [1], [0, 0, 1, 1], [], []>, transpose_lhs_hint = false} : vector<256x12xf32>, vector<12x128xf32>, vector<256x128xf32> -> vector<256x128xf32>
    %slice3A_1052 = vector.extract_strided_slice %get3A_73 {offsets = [14, 0], sizes = [1, 128], strides = [1, 1]} : vector<15x128xf32> to vector<1x128xf32>
    %squeeze3A_1053 = vector.shape_cast %slice3A_1052 : vector<1x128xf32> to vector<128xf32>
    %broadcast_in_dim3A_1054 = vector.shape_cast %squeeze3A_1053 : vector<128xf32> to vector<1x128xf32>
    %add3A_1055 = vector.broadcast %broadcast_in_dim3A_1054 : vector<1x128xf32> to vector<256x128xf32>
    %add3A_1056 = arith.addf %dot_general3A_1051, %add3A_1055 : vector<256x128xf32>
    %slice3A_1057 = vector.extract_strided_slice %dot_general3A_63 {offsets = [0, 154], sizes = [256, 1], strides = [1, 1]} : vector<256x179xf32> to vector<256x1xf32>
    %slice3A_1058 = vector.extract_strided_slice %get3A_66 {offsets = [0, 512], sizes = [256, 128], strides = [1, 1]} : vector<256x1152xf32> to vector<256x128xf32>
    %mul3A_1059 = vector.broadcast %slice3A_1057 : vector<256x1xf32> to vector<256x128xf32>
    %mul3A_1060 = arith.mulf %mul3A_1059, %slice3A_1058 : vector<256x128xf32>
    %slice3A_1061 = vector.extract_strided_slice %dot_general3A_63 {offsets = [0, 155], sizes = [256, 1], strides = [1, 1]} : vector<256x179xf32> to vector<256x1xf32>
    %slice3A_1062 = vector.extract_strided_slice %get3A_66 {offsets = [0, 640], sizes = [256, 128], strides = [1, 1]} : vector<256x1152xf32> to vector<256x128xf32>
    %mul3A_1063 = vector.broadcast %slice3A_1061 : vector<256x1xf32> to vector<256x128xf32>
    %mul3A_1064 = arith.mulf %mul3A_1063, %slice3A_1062 : vector<256x128xf32>
    %add3A_1065 = arith.addf %mul3A_1060, %mul3A_1064 : vector<256x128xf32>
    %slice3A_1066 = vector.extract_strided_slice %dot_general3A_63 {offsets = [0, 156], sizes = [256, 1], strides = [1, 1]} : vector<256x179xf32> to vector<256x1xf32>
    %slice3A_1067 = vector.extract_strided_slice %get3A_66 {offsets = [0, 768], sizes = [256, 128], strides = [1, 1]} : vector<256x1152xf32> to vector<256x128xf32>
    %mul3A_1068 = vector.broadcast %slice3A_1066 : vector<256x1xf32> to vector<256x128xf32>
    %mul3A_1069 = arith.mulf %mul3A_1068, %slice3A_1067 : vector<256x128xf32>
    %add3A_1070 = arith.addf %add3A_1065, %mul3A_1069 : vector<256x128xf32>
    %slice3A_1071 = vector.extract_strided_slice %dot_general3A_63 {offsets = [0, 157], sizes = [256, 1], strides = [1, 1]} : vector<256x179xf32> to vector<256x1xf32>
    %slice3A_1072 = vector.extract_strided_slice %get3A_66 {offsets = [0, 896], sizes = [256, 128], strides = [1, 1]} : vector<256x1152xf32> to vector<256x128xf32>
    %mul3A_1073 = vector.broadcast %slice3A_1071 : vector<256x1xf32> to vector<256x128xf32>
    %mul3A_1074 = arith.mulf %mul3A_1073, %slice3A_1072 : vector<256x128xf32>
    %add3A_1075 = arith.addf %add3A_1070, %mul3A_1074 : vector<256x128xf32>
    %slice3A_1076 = vector.extract_strided_slice %dot_general3A_63 {offsets = [0, 158], sizes = [256, 1], strides = [1, 1]} : vector<256x179xf32> to vector<256x1xf32>
    %slice3A_1077 = vector.extract_strided_slice %get3A_66 {offsets = [0, 1024], sizes = [256, 128], strides = [1, 1]} : vector<256x1152xf32> to vector<256x128xf32>
    %mul3A_1078 = vector.broadcast %slice3A_1076 : vector<256x1xf32> to vector<256x128xf32>
    %mul3A_1079 = arith.mulf %mul3A_1078, %slice3A_1077 : vector<256x128xf32>
    %add3A_1080 = arith.addf %add3A_1075, %mul3A_1079 : vector<256x128xf32>
    %mul3A_1081 = arith.mulf %add3A_1080, %add3A_1056 : vector<256x128xf32>
    %add3A_1082 = arith.addf %add3A_854, %mul3A_1081 : vector<256x128xf32>
    %slice3A_1083 = vector.extract_strided_slice %dot_general3A_63 {offsets = [0, 159], sizes = [256, 1], strides = [1, 1]} : vector<256x179xf32> to vector<256x1xf32>
    %slice3A_1084 = vector.extract_strided_slice %get3A_66 {offsets = [0, 512], sizes = [256, 128], strides = [1, 1]} : vector<256x1152xf32> to vector<256x128xf32>
    %mul3A_1085 = vector.broadcast %slice3A_1083 : vector<256x1xf32> to vector<256x128xf32>
    %mul3A_1086 = arith.mulf %mul3A_1085, %slice3A_1084 : vector<256x128xf32>
    %slice3A_1087 = vector.extract_strided_slice %dot_general3A_63 {offsets = [0, 160], sizes = [256, 1], strides = [1, 1]} : vector<256x179xf32> to vector<256x1xf32>
    %slice3A_1088 = vector.extract_strided_slice %get3A_66 {offsets = [0, 640], sizes = [256, 128], strides = [1, 1]} : vector<256x1152xf32> to vector<256x128xf32>
    %mul3A_1089 = vector.broadcast %slice3A_1087 : vector<256x1xf32> to vector<256x128xf32>
    %mul3A_1090 = arith.mulf %mul3A_1089, %slice3A_1088 : vector<256x128xf32>
    %add3A_1091 = arith.addf %mul3A_1086, %mul3A_1090 : vector<256x128xf32>
    %slice3A_1092 = vector.extract_strided_slice %dot_general3A_63 {offsets = [0, 161], sizes = [256, 1], strides = [1, 1]} : vector<256x179xf32> to vector<256x1xf32>
    %slice3A_1093 = vector.extract_strided_slice %get3A_66 {offsets = [0, 768], sizes = [256, 128], strides = [1, 1]} : vector<256x1152xf32> to vector<256x128xf32>
    %mul3A_1094 = vector.broadcast %slice3A_1092 : vector<256x1xf32> to vector<256x128xf32>
    %mul3A_1095 = arith.mulf %mul3A_1094, %slice3A_1093 : vector<256x128xf32>
    %add3A_1096 = arith.addf %add3A_1091, %mul3A_1095 : vector<256x128xf32>
    %slice3A_1097 = vector.extract_strided_slice %dot_general3A_63 {offsets = [0, 162], sizes = [256, 1], strides = [1, 1]} : vector<256x179xf32> to vector<256x1xf32>
    %slice3A_1098 = vector.extract_strided_slice %get3A_66 {offsets = [0, 896], sizes = [256, 128], strides = [1, 1]} : vector<256x1152xf32> to vector<256x128xf32>
    %mul3A_1099 = vector.broadcast %slice3A_1097 : vector<256x1xf32> to vector<256x128xf32>
    %mul3A_1100 = arith.mulf %mul3A_1099, %slice3A_1098 : vector<256x128xf32>
    %add3A_1101 = arith.addf %add3A_1096, %mul3A_1100 : vector<256x128xf32>
    %slice3A_1102 = vector.extract_strided_slice %dot_general3A_63 {offsets = [0, 163], sizes = [256, 1], strides = [1, 1]} : vector<256x179xf32> to vector<256x1xf32>
    %slice3A_1103 = vector.extract_strided_slice %get3A_66 {offsets = [0, 1024], sizes = [256, 128], strides = [1, 1]} : vector<256x1152xf32> to vector<256x128xf32>
    %mul3A_1104 = vector.broadcast %slice3A_1102 : vector<256x1xf32> to vector<256x128xf32>
    %mul3A_1105 = arith.mulf %mul3A_1104, %slice3A_1103 : vector<256x128xf32>
    %add3A_1106 = arith.addf %add3A_1101, %mul3A_1105 : vector<256x128xf32>
    %mul3A_1107 = arith.mulf %add3A_1106, %add3A_1056 : vector<256x128xf32>
    %add3A_1108 = arith.addf %add3A_880, %mul3A_1107 : vector<256x128xf32>
    %slice3A_1109 = vector.extract_strided_slice %dot_general3A_63 {offsets = [0, 164], sizes = [256, 1], strides = [1, 1]} : vector<256x179xf32> to vector<256x1xf32>
    %slice3A_1110 = vector.extract_strided_slice %get3A_66 {offsets = [0, 512], sizes = [256, 128], strides = [1, 1]} : vector<256x1152xf32> to vector<256x128xf32>
    %mul3A_1111 = vector.broadcast %slice3A_1109 : vector<256x1xf32> to vector<256x128xf32>
    %mul3A_1112 = arith.mulf %mul3A_1111, %slice3A_1110 : vector<256x128xf32>
    %slice3A_1113 = vector.extract_strided_slice %dot_general3A_63 {offsets = [0, 165], sizes = [256, 1], strides = [1, 1]} : vector<256x179xf32> to vector<256x1xf32>
    %slice3A_1114 = vector.extract_strided_slice %get3A_66 {offsets = [0, 640], sizes = [256, 128], strides = [1, 1]} : vector<256x1152xf32> to vector<256x128xf32>
    %mul3A_1115 = vector.broadcast %slice3A_1113 : vector<256x1xf32> to vector<256x128xf32>
    %mul3A_1116 = arith.mulf %mul3A_1115, %slice3A_1114 : vector<256x128xf32>
    %add3A_1117 = arith.addf %mul3A_1112, %mul3A_1116 : vector<256x128xf32>
    %slice3A_1118 = vector.extract_strided_slice %dot_general3A_63 {offsets = [0, 166], sizes = [256, 1], strides = [1, 1]} : vector<256x179xf32> to vector<256x1xf32>
    %slice3A_1119 = vector.extract_strided_slice %get3A_66 {offsets = [0, 768], sizes = [256, 128], strides = [1, 1]} : vector<256x1152xf32> to vector<256x128xf32>
    %mul3A_1120 = vector.broadcast %slice3A_1118 : vector<256x1xf32> to vector<256x128xf32>
    %mul3A_1121 = arith.mulf %mul3A_1120, %slice3A_1119 : vector<256x128xf32>
    %add3A_1122 = arith.addf %add3A_1117, %mul3A_1121 : vector<256x128xf32>
    %slice3A_1123 = vector.extract_strided_slice %dot_general3A_63 {offsets = [0, 167], sizes = [256, 1], strides = [1, 1]} : vector<256x179xf32> to vector<256x1xf32>
    %slice3A_1124 = vector.extract_strided_slice %get3A_66 {offsets = [0, 896], sizes = [256, 128], strides = [1, 1]} : vector<256x1152xf32> to vector<256x128xf32>
    %mul3A_1125 = vector.broadcast %slice3A_1123 : vector<256x1xf32> to vector<256x128xf32>
    %mul3A_1126 = arith.mulf %mul3A_1125, %slice3A_1124 : vector<256x128xf32>
    %add3A_1127 = arith.addf %add3A_1122, %mul3A_1126 : vector<256x128xf32>
    %slice3A_1128 = vector.extract_strided_slice %dot_general3A_63 {offsets = [0, 168], sizes = [256, 1], strides = [1, 1]} : vector<256x179xf32> to vector<256x1xf32>
    %slice3A_1129 = vector.extract_strided_slice %get3A_66 {offsets = [0, 1024], sizes = [256, 128], strides = [1, 1]} : vector<256x1152xf32> to vector<256x128xf32>
    %mul3A_1130 = vector.broadcast %slice3A_1128 : vector<256x1xf32> to vector<256x128xf32>
    %mul3A_1131 = arith.mulf %mul3A_1130, %slice3A_1129 : vector<256x128xf32>
    %add3A_1132 = arith.addf %add3A_1127, %mul3A_1131 : vector<256x128xf32>
    %mul3A_1133 = arith.mulf %add3A_1132, %add3A_1056 : vector<256x128xf32>
    %add3A_1134 = arith.addf %add3A_906, %mul3A_1133 : vector<256x128xf32>
    %slice3A_1135 = vector.extract_strided_slice %dot_general3A_63 {offsets = [0, 169], sizes = [256, 1], strides = [1, 1]} : vector<256x179xf32> to vector<256x1xf32>
    %slice3A_1136 = vector.extract_strided_slice %get3A_66 {offsets = [0, 512], sizes = [256, 128], strides = [1, 1]} : vector<256x1152xf32> to vector<256x128xf32>
    %mul3A_1137 = vector.broadcast %slice3A_1135 : vector<256x1xf32> to vector<256x128xf32>
    %mul3A_1138 = arith.mulf %mul3A_1137, %slice3A_1136 : vector<256x128xf32>
    %slice3A_1139 = vector.extract_strided_slice %dot_general3A_63 {offsets = [0, 170], sizes = [256, 1], strides = [1, 1]} : vector<256x179xf32> to vector<256x1xf32>
    %slice3A_1140 = vector.extract_strided_slice %get3A_66 {offsets = [0, 640], sizes = [256, 128], strides = [1, 1]} : vector<256x1152xf32> to vector<256x128xf32>
    %mul3A_1141 = vector.broadcast %slice3A_1139 : vector<256x1xf32> to vector<256x128xf32>
    %mul3A_1142 = arith.mulf %mul3A_1141, %slice3A_1140 : vector<256x128xf32>
    %add3A_1143 = arith.addf %mul3A_1138, %mul3A_1142 : vector<256x128xf32>
    %slice3A_1144 = vector.extract_strided_slice %dot_general3A_63 {offsets = [0, 171], sizes = [256, 1], strides = [1, 1]} : vector<256x179xf32> to vector<256x1xf32>
    %slice3A_1145 = vector.extract_strided_slice %get3A_66 {offsets = [0, 768], sizes = [256, 128], strides = [1, 1]} : vector<256x1152xf32> to vector<256x128xf32>
    %mul3A_1146 = vector.broadcast %slice3A_1144 : vector<256x1xf32> to vector<256x128xf32>
    %mul3A_1147 = arith.mulf %mul3A_1146, %slice3A_1145 : vector<256x128xf32>
    %add3A_1148 = arith.addf %add3A_1143, %mul3A_1147 : vector<256x128xf32>
    %slice3A_1149 = vector.extract_strided_slice %dot_general3A_63 {offsets = [0, 172], sizes = [256, 1], strides = [1, 1]} : vector<256x179xf32> to vector<256x1xf32>
    %slice3A_1150 = vector.extract_strided_slice %get3A_66 {offsets = [0, 896], sizes = [256, 128], strides = [1, 1]} : vector<256x1152xf32> to vector<256x128xf32>
    %mul3A_1151 = vector.broadcast %slice3A_1149 : vector<256x1xf32> to vector<256x128xf32>
    %mul3A_1152 = arith.mulf %mul3A_1151, %slice3A_1150 : vector<256x128xf32>
    %add3A_1153 = arith.addf %add3A_1148, %mul3A_1152 : vector<256x128xf32>
    %slice3A_1154 = vector.extract_strided_slice %dot_general3A_63 {offsets = [0, 173], sizes = [256, 1], strides = [1, 1]} : vector<256x179xf32> to vector<256x1xf32>
    %slice3A_1155 = vector.extract_strided_slice %get3A_66 {offsets = [0, 1024], sizes = [256, 128], strides = [1, 1]} : vector<256x1152xf32> to vector<256x128xf32>
    %mul3A_1156 = vector.broadcast %slice3A_1154 : vector<256x1xf32> to vector<256x128xf32>
    %mul3A_1157 = arith.mulf %mul3A_1156, %slice3A_1155 : vector<256x128xf32>
    %add3A_1158 = arith.addf %add3A_1153, %mul3A_1157 : vector<256x128xf32>
    %mul3A_1159 = arith.mulf %add3A_1158, %add3A_1056 : vector<256x128xf32>
    %add3A_1160 = arith.addf %add3A_932, %mul3A_1159 : vector<256x128xf32>
    %slice3A_1161 = vector.extract_strided_slice %dot_general3A_63 {offsets = [0, 174], sizes = [256, 1], strides = [1, 1]} : vector<256x179xf32> to vector<256x1xf32>
    %slice3A_1162 = vector.extract_strided_slice %get3A_66 {offsets = [0, 512], sizes = [256, 128], strides = [1, 1]} : vector<256x1152xf32> to vector<256x128xf32>
    %mul3A_1163 = vector.broadcast %slice3A_1161 : vector<256x1xf32> to vector<256x128xf32>
    %mul3A_1164 = arith.mulf %mul3A_1163, %slice3A_1162 : vector<256x128xf32>
    %slice3A_1165 = vector.extract_strided_slice %dot_general3A_63 {offsets = [0, 175], sizes = [256, 1], strides = [1, 1]} : vector<256x179xf32> to vector<256x1xf32>
    %slice3A_1166 = vector.extract_strided_slice %get3A_66 {offsets = [0, 640], sizes = [256, 128], strides = [1, 1]} : vector<256x1152xf32> to vector<256x128xf32>
    %mul3A_1167 = vector.broadcast %slice3A_1165 : vector<256x1xf32> to vector<256x128xf32>
    %mul3A_1168 = arith.mulf %mul3A_1167, %slice3A_1166 : vector<256x128xf32>
    %add3A_1169 = arith.addf %mul3A_1164, %mul3A_1168 : vector<256x128xf32>
    %slice3A_1170 = vector.extract_strided_slice %dot_general3A_63 {offsets = [0, 176], sizes = [256, 1], strides = [1, 1]} : vector<256x179xf32> to vector<256x1xf32>
    %slice3A_1171 = vector.extract_strided_slice %get3A_66 {offsets = [0, 768], sizes = [256, 128], strides = [1, 1]} : vector<256x1152xf32> to vector<256x128xf32>
    %mul3A_1172 = vector.broadcast %slice3A_1170 : vector<256x1xf32> to vector<256x128xf32>
    %mul3A_1173 = arith.mulf %mul3A_1172, %slice3A_1171 : vector<256x128xf32>
    %add3A_1174 = arith.addf %add3A_1169, %mul3A_1173 : vector<256x128xf32>
    %slice3A_1175 = vector.extract_strided_slice %dot_general3A_63 {offsets = [0, 177], sizes = [256, 1], strides = [1, 1]} : vector<256x179xf32> to vector<256x1xf32>
    %slice3A_1176 = vector.extract_strided_slice %get3A_66 {offsets = [0, 896], sizes = [256, 128], strides = [1, 1]} : vector<256x1152xf32> to vector<256x128xf32>
    %mul3A_1177 = vector.broadcast %slice3A_1175 : vector<256x1xf32> to vector<256x128xf32>
    %mul3A_1178 = arith.mulf %mul3A_1177, %slice3A_1176 : vector<256x128xf32>
    %add3A_1179 = arith.addf %add3A_1174, %mul3A_1178 : vector<256x128xf32>
    %slice3A_1180 = vector.extract_strided_slice %dot_general3A_63 {offsets = [0, 178], sizes = [256, 1], strides = [1, 1]} : vector<256x179xf32> to vector<256x1xf32>
    %slice3A_1181 = vector.extract_strided_slice %get3A_66 {offsets = [0, 1024], sizes = [256, 128], strides = [1, 1]} : vector<256x1152xf32> to vector<256x128xf32>
    %mul3A_1182 = vector.broadcast %slice3A_1180 : vector<256x1xf32> to vector<256x128xf32>
    %mul3A_1183 = arith.mulf %mul3A_1182, %slice3A_1181 : vector<256x128xf32>
    %add3A_1184 = arith.addf %add3A_1179, %mul3A_1183 : vector<256x128xf32>
    %mul3A_1185 = arith.mulf %add3A_1184, %add3A_1056 : vector<256x128xf32>
    %add3A_1186 = arith.addf %add3A_958, %mul3A_1185 : vector<256x128xf32>
    %swap3A = arith.constant 0 : index
    %swap3A_1187 = arith.constant 0 : index
    %swap3A_1188 = vector.load %arg8[%swap3A, %swap3A_1187] : memref<256x1152xf32, #tpu.memory_space<vmem>>, vector<256x128xf32>
    tpu.vector_store %arg8[%swap3A, %swap3A_1187], %add3A_590 {strides = array<i32>} : memref<256x1152xf32, #tpu.memory_space<vmem>>, vector<256x128xf32>,
    %swap3A_1189 = arith.constant 0 : index
    %swap3A_1190 = arith.constant 128 : index
    %swap3A_1191 = vector.load %arg8[%swap3A_1189, %swap3A_1190] : memref<256x1152xf32, #tpu.memory_space<vmem>>, vector<256x128xf32>
    tpu.vector_store %arg8[%swap3A_1189, %swap3A_1190], %add3A_994 {strides = array<i32>} : memref<256x1152xf32, #tpu.memory_space<vmem>>, vector<256x128xf32>,
    %swap3A_1192 = arith.constant 0 : index
    %swap3A_1193 = arith.constant 256 : index
    %swap3A_1194 = vector.load %arg8[%swap3A_1192, %swap3A_1193] : memref<256x1152xf32, #tpu.memory_space<vmem>>, vector<256x128xf32>
    tpu.vector_store %arg8[%swap3A_1192, %swap3A_1193], %add3A_1020 {strides = array<i32>} : memref<256x1152xf32, #tpu.memory_space<vmem>>, vector<256x128xf32>,
    %swap3A_1195 = arith.constant 0 : index
    %swap3A_1196 = arith.constant 384 : index
    %swap3A_1197 = vector.load %arg8[%swap3A_1195, %swap3A_1196] : memref<256x1152xf32, #tpu.memory_space<vmem>>, vector<256x128xf32>
    tpu.vector_store %arg8[%swap3A_1195, %swap3A_1196], %add3A_1046 {strides = array<i32>} : memref<256x1152xf32, #tpu.memory_space<vmem>>, vector<256x128xf32>,
    %swap3A_1198 = arith.constant 0 : index
    %swap3A_1199 = arith.constant 512 : index
    %swap3A_1200 = vector.load %arg8[%swap3A_1198, %swap3A_1199] : memref<256x1152xf32, #tpu.memory_space<vmem>>, vector<256x128xf32>
    tpu.vector_store %arg8[%swap3A_1198, %swap3A_1199], %add3A_1082 {strides = array<i32>} : memref<256x1152xf32, #tpu.memory_space<vmem>>, vector<256x128xf32>,
    %swap3A_1201 = arith.constant 0 : index
    %swap3A_1202 = arith.constant 640 : index
    %swap3A_1203 = vector.load %arg8[%swap3A_1201, %swap3A_1202] : memref<256x1152xf32, #tpu.memory_space<vmem>>, vector<256x128xf32>
    tpu.vector_store %arg8[%swap3A_1201, %swap3A_1202], %add3A_1108 {strides = array<i32>} : memref<256x1152xf32, #tpu.memory_space<vmem>>, vector<256x128xf32>,
    %swap3A_1204 = arith.constant 0 : index
    %swap3A_1205 = arith.constant 768 : index
    %swap3A_1206 = vector.load %arg8[%swap3A_1204, %swap3A_1205] : memref<256x1152xf32, #tpu.memory_space<vmem>>, vector<256x128xf32>
    tpu.vector_store %arg8[%swap3A_1204, %swap3A_1205], %add3A_1134 {strides = array<i32>} : memref<256x1152xf32, #tpu.memory_space<vmem>>, vector<256x128xf32>,
    %swap3A_1207 = arith.constant 0 : index
    %swap3A_1208 = arith.constant 896 : index
    %swap3A_1209 = vector.load %arg8[%swap3A_1207, %swap3A_1208] : memref<256x1152xf32, #tpu.memory_space<vmem>>, vector<256x128xf32>
    tpu.vector_store %arg8[%swap3A_1207, %swap3A_1208], %add3A_1160 {strides = array<i32>} : memref<256x1152xf32, #tpu.memory_space<vmem>>, vector<256x128xf32>,
    %swap3A_1210 = arith.constant 0 : index
    %swap3A_1211 = arith.constant 1024 : index
    %swap3A_1212 = vector.load %arg8[%swap3A_1210, %swap3A_1211] : memref<256x1152xf32, #tpu.memory_space<vmem>>, vector<256x128xf32>
    tpu.vector_store %arg8[%swap3A_1210, %swap3A_1211], %add3A_1186 {strides = array<i32>} : memref<256x1152xf32, #tpu.memory_space<vmem>>, vector<256x128xf32>,
    return
  }
  func.func @transform_0(%arg0: i32) -> (i32, i32) {
    %c0_i32 = arith.constant 0 : i32
    %c0_i32_0 = arith.constant 0 : i32
    return %arg0, %c0_i32 : i32, i32
  }
  func.func @transform_1(%arg0: i32) -> (i32, i32) {
    %c0_i32 = arith.constant 0 : i32
    %c0_i32_0 = arith.constant 0 : i32
    return %arg0, %c0_i32 : i32, i32
  }
  func.func @transform_2(%arg0: i32) -> (i32, i32) {
    %c0_i32 = arith.constant 0 : i32
    %c0_i32_0 = arith.constant 0 : i32
    %c0_i32_1 = arith.constant 0 : i32
    return %c0_i32, %c0_i32_0 : i32, i32
  }
  func.func @transform_3(%arg0: i32) -> (i32, i32) {
    %c0_i32 = arith.constant 0 : i32
    %c0_i32_0 = arith.constant 0 : i32
    %c0_i32_1 = arith.constant 0 : i32
    return %c0_i32, %c0_i32_0 : i32, i32
  }
  func.func @transform_4(%arg0: i32) -> (i32, i32, i32) {
    %c0_i32 = arith.constant 0 : i32
    %c0_i32_0 = arith.constant 0 : i32
    %c0_i32_1 = arith.constant 0 : i32
    %c0_i32_2 = arith.constant 0 : i32
    return %c0_i32, %c0_i32_0, %c0_i32_1 : i32, i32, i32
  }
  func.func @transform_5(%arg0: i32) -> (i32, i32) {
    %c0_i32 = arith.constant 0 : i32
    %c0_i32_0 = arith.constant 0 : i32
    %c0_i32_1 = arith.constant 0 : i32
    return %c0_i32, %c0_i32_0 : i32, i32
  }
  func.func @transform_6(%arg0: i32) -> (i32, i32) {
    %c0_i32 = arith.constant 0 : i32
    %c0_i32_0 = arith.constant 0 : i32
    %c0_i32_1 = arith.constant 0 : i32
    return %c0_i32, %c0_i32_0 : i32, i32
  }
  func.func @transform_7(%arg0: i32) -> (i32, i32) {
    %c0_i32 = arith.constant 0 : i32
    %c0_i32_0 = arith.constant 0 : i32
    return %arg0, %c0_i32 : i32, i32
  }
}

module attributes {stable_mosaic.version = 14 : i64} {
  func.func @_tc_scatter_body(%arg0: i32, %arg1: memref<704xi32, #tpu.memory_space<smem>>, %arg2: memref<704xi32, #tpu.memory_space<smem>>, %arg3: memref<256xi32, #tpu.memory_space<vmem>>, %arg4: memref<256x1152xf32, #tpu.memory_space<vmem>>, %arg5: memref<128x1152xf32, #tpu.memory_space<vmem>>) attributes {dimension_semantics = [#tpu.dimension_semantics<arbitrary>], iteration_bounds = array<i64: 704>, scalar_prefetch = 2 : i64, scratch_operands = 0 : i64, tpu.core_type = #tpu.core_type<tc>, window_params = [{transform_indices = @transform_0, window_bounds = array<i64: 256>}, {transform_indices = @transform_1, window_bounds = array<i64: 256, 1152>}, {transform_indices = @transform_2, window_bounds = array<i64: 128, 1152>}]} {
    %get3A = arith.constant 0 : index
    %get3A_0 = vector.load %arg3[%get3A] : memref<256xi32, #tpu.memory_space<vmem>>, vector<256xi32>
    %reshape3A = vector.shape_cast %get3A_0 : vector<256xi32> to vector<1x256xi32>
    %get3A_1 = arith.index_cast %arg0 : i32 to index
    %get3A_2 = memref.load %arg1[%get3A_1] : memref<704xi32, #tpu.memory_space<smem>>
    %mul3A = arith.constant 128 : i32
    %mul3A_3 = arith.muli %get3A_2, %mul3A : i32
    %sub3A = vector.broadcast %mul3A_3 : i32 to vector<1x256xi32>
    %sub3A_4 = arith.subi %reshape3A, %sub3A : vector<1x256xi32>
    %iota3A = tpu.iota {dimensions = array<i32: 0>} : vector<128x1xi32>
    %eq3A = vector.broadcast %iota3A : vector<128x1xi32> to vector<128x256xi32>
    %eq3A_5 = vector.broadcast %sub3A_4 : vector<1x256xi32> to vector<128x256xi32>
    %eq3A_6 = arith.cmpi eq, %eq3A, %eq3A_5 : vector<128x256xi32>
    %convert_element_type3A = arith.extui %eq3A_6 : vector<128x256xi1> to vector<128x256xi32>
    %convert_element_type3A_7 = arith.sitofp %convert_element_type3A : vector<128x256xi32> to vector<128x256xf32>
    %get3A_8 = arith.constant 0 : index
    %get3A_9 = arith.constant 0 : index
    %get3A_10 = vector.load %arg4[%get3A_8, %get3A_9] : memref<256x1152xf32, #tpu.memory_space<vmem>>, vector<256x1152xf32>
    %dot_general3A = arith.constant dense<0.000000e+00> : vector<128x1152xf32>
    %dot_general3A_11 = tpu.matmul %convert_element_type3A_7, %get3A_10, %dot_general3A {dimension_numbers = #tpu.dot_dimension_numbers<[1], [0], [0], [1], [0, 0, 1, 1], [], []>, transpose_lhs_hint = false} : vector<128x256xf32>, vector<256x1152xf32>, vector<128x1152xf32> -> vector<128x1152xf32>
    %get3A_12 = arith.index_cast %arg0 : i32 to index
    %get3A_13 = memref.load %arg2[%get3A_12] : memref<704xi32, #tpu.memory_space<smem>>
    %eq3A_14 = arith.constant 1 : i32
    %eq3A_15 = arith.cmpi eq, %get3A_13, %eq3A_14 : i32
    %convert_element_type3A_16 = arith.extui %eq3A_15 : i1 to i32
    %cond3A = arith.constant 0 : i32
    %cond3A_17 = arith.cmpi ne, %convert_element_type3A_16, %cond3A : i32
    scf.if %cond3A_17 {
      %swap3A = arith.constant 0 : index
      %swap3A_25 = arith.constant 0 : index
      %swap3A_26 = vector.load %arg5[%swap3A, %swap3A_25] : memref<128x1152xf32, #tpu.memory_space<vmem>>, vector<128x1152xf32>
      tpu.vector_store %arg5[%swap3A, %swap3A_25], %dot_general3A_11 {strides = array<i32>} : memref<128x1152xf32, #tpu.memory_space<vmem>>, vector<128x1152xf32>,
    } else {
    }
    %get3A_18 = arith.index_cast %arg0 : i32 to index
    %get3A_19 = memref.load %arg2[%get3A_18] : memref<704xi32, #tpu.memory_space<smem>>
    %eq3A_20 = arith.constant 0 : i32
    %eq3A_21 = arith.cmpi eq, %get3A_19, %eq3A_20 : i32
    %convert_element_type3A_22 = arith.extui %eq3A_21 : i1 to i32
    %cond3A_23 = arith.constant 0 : i32
    %cond3A_24 = arith.cmpi ne, %convert_element_type3A_22, %cond3A_23 : i32
    scf.if %cond3A_24 {
      %get3A_25 = arith.constant 0 : index
      %get3A_26 = arith.constant 0 : index
      %get3A_27 = vector.load %arg5[%get3A_25, %get3A_26] : memref<128x1152xf32, #tpu.memory_space<vmem>>, vector<128x1152xf32>
      %add3A = arith.addf %get3A_27, %dot_general3A_11 : vector<128x1152xf32>
      %swap3A = arith.constant 0 : index
      %swap3A_28 = arith.constant 0 : index
      %swap3A_29 = vector.load %arg5[%swap3A, %swap3A_28] : memref<128x1152xf32, #tpu.memory_space<vmem>>, vector<128x1152xf32>
      tpu.vector_store %arg5[%swap3A, %swap3A_28], %add3A {strides = array<i32>} : memref<128x1152xf32, #tpu.memory_space<vmem>>, vector<128x1152xf32>,
    } else {
    }
    return
  }
  func.func @transform_0(%arg0: i32, %arg1: memref<704xi32, #tpu.memory_space<smem>>, %arg2: memref<704xi32, #tpu.memory_space<smem>>) -> i32 {
    %c0_i32 = arith.constant 0 : i32
    return %arg0 : i32
  }
  func.func @transform_1(%arg0: i32, %arg1: memref<704xi32, #tpu.memory_space<smem>>, %arg2: memref<704xi32, #tpu.memory_space<smem>>) -> (i32, i32) {
    %c0_i32 = arith.constant 0 : i32
    %c0_i32_0 = arith.constant 0 : i32
    return %arg0, %c0_i32 : i32, i32
  }
  func.func @transform_2(%arg0: i32, %arg1: memref<704xi32, #tpu.memory_space<smem>>, %arg2: memref<704xi32, #tpu.memory_space<smem>>) -> (i32, i32) {
    %get3A = arith.index_cast %arg0 : i32 to index
    %get3A_0 = memref.load %arg1[%get3A] : memref<704xi32, #tpu.memory_space<smem>>
    %c0_i32 = arith.constant 0 : i32
    %c0_i32_1 = arith.constant 0 : i32
    return %get3A_0, %c0_i32 : i32, i32
  }
}

</mosaic_0001>

<sc_bundles>
// kernel: gather_offload_async_start.1
scs
__scs_entry_jumppad:
0x0: {  	(pc) =	sbr.rel $0x88, $3  }
0x1: {  	(tag) =	ssettag $0x0;
	lr =	simm.s32 $0x1  }
0x2: {  	[smem:$0x3F98] =	sst lr;
	_ =	strace $0xD0000000  }
0x3: {  	_ = 	snop  }
0x4: {  	_ = 	snop  }
0x5: {  	_ = 	snop  }
0x6: {  	_ = 	snop  }
0x7: {  	_ = 	snop  }
__scs_overlays_trampoline_lowered:
0x8: {  	[smem:$0x3FA7] =	sst s0  }
0x9: {  	[smem:$0x3FA8] =	sst s1  }
0xa: {  	[smem:$0x3FA9] =	sst s2  }
0xb: {  	[smem:$0x3FAA] =	sst s3  }
0xc: {  	[smem:$0x3FAB] =	sst s4  }
0xd: {  	[smem:$0x3FAC] =	sst s5  }
0xe: {  	[smem:$0x3FAD] =	sst s6  }
0xf: {  	[smem:$0x3FAE] =	sst s7  }
0x10: {  	[smem:$0x3FAF] =	sst s8  }
0x11: {  	[smem:$0x3FB0] =	sst s9;
	s0 =	simm.s32 @!p0 $0x0  }
0x12: {  	s1 =	sld [smem:$0x3F96];
	s0 =	simm.s32 @p0 $0x1  }
0x13: {  	[smem:$0x3FB1] =	sst s0;
	s0 =	simm.s32 @!p1 $0x0  }
0x14: {  	s2 =	sld [smem:$0x3F95];
	s0 =	simm.s32 @p1 $0x1  }
0x15: {  	[smem:$0x3FB2] =	sst s0;
	s0 =	simm.s32 @!p2 $0x0  }
0x16: {  	s3 =	sld [smem:$0x3FDB];
	s0 =	simm.s32 @p2 $0x1  }
0x17: {  	s4 =	simm.s32 $0x1BF5;
	[smem:$0x3FB4] =	sst s0  }
0x18: {  	s0 =	sld [smem:$0x3F97];
	_ =	swait.ge [sflag:s4], $0x0  }
0x19: {  	s7 =	sld [smem:$0x3F98]  }
0x1a: {  	s8 =	sadd.s32 $0xFFFFE003, lr  }
0x1b: {  	s9 =	sadd.s32 $0xFFFFFEF7, lr;
	s5 =	simm.s32 $0xFFFFFFFF;
	p2 =	slt.u32 s8, $0xFFFFF086  }
0x1c: {  	p1 =	slt.u32 s9, $0xF7A;
	s5 =	simm.s32 @!p2 $0x0  }
0x1d: {  	s5 =	simm.s32 @p1 $0x1;
	p0 =	seq.s32 s7, s2  }
0x1e: {  	s7 =	smul.u32 @!p0 $0xF7A, s2;
	p2 =	seq.s32 @!p0 s5, $0x0  }
0x1f: {  	s9 =	smul.u32 $0xF7A, s1;
	s8 =	simm.s32 @!p0 $0x1BF5;
	p2 =	por !p2, p0  }
0x20: {  	[sflag:s8] =	ssyncset.s32 @!p0 $0xFFFFF086;
	s6 =	sadd.s32 @!p0 s3, s7;
	s7 =	simm.s32 @!p0 $0x108  }
0x21: {  	s3 =	sadd.s32 s3, s9;
	s6 =	sadd.s32 @!p0 $0x88, s6;
	s7 =	simm.s32 @p2 $0x1082  }
0x22: {  	[simem:s7], [sflag:s8] =	dma.local @!p0 [hbm:s6], $0xF7A  }
0x23: {  	s9 =	sor.u32 $0xD0000000, s2;
	s6 =	simm.s32 $0x108;
	_ =	swait.ge @!p0 [sflag:s8], $0x0  }
0x24: {  	s3 =	sadd.s32 $0x88, s3;
	s6 =	simm.s32 @!p1 $0x1082;
	[sflag:s4] =	ssyncset.s32 $0xFFFFF086  }
0x25: {  	[simem:s6], [sflag:s4] =	dma.local [hbm:s3], $0xF7A  }
0x26: {  	[smem:$0x3F98] =	sst s1;
	(tag) =	ssettag s2;
	_ =	strace s9  }
0x27: {  	s1 =	sld [smem:$0x3FA8]  }
0x28: {  	s2 =	sld [smem:$0x3FA9]  }
0x29: {  	s4 =	sld [smem:$0x3FAB]  }
0x2a: {  	p0 =	seq.s32 s5, $0x0;
	s5 =	sld [smem:$0x3FAC]  }
0x2b: {  	s6 =	sld [smem:$0x3FAD]  }
0x2c: {  	s7 =	sld [smem:$0x3FAE]  }
0x2d: {  	s3 =	simm.s32 $0x108;
	s8 =	sld [smem:$0x3FAF]  }
0x2e: {  	s3 =	simm.s32 @!p0 $0x1082;
	s9 =	sld [smem:$0x3FB0]  }
0x2f: {  	lr =	sadd.s32 s0, s3;
	s0 =	sld [smem:$0x3FA7]  }
0x30: {  	s3 =	sld [smem:$0x3FAA]  }
0x31: {  	[smem:$0x3FB3] =	sst s10  }
0x32: {  	s10 =	sld [smem:$0x3FB1];
	_ =	sdelay $0x3  }
0x33: {  	p0 =	seq.s32 s10, $0x1;
	s10 =	sld [smem:$0x3FB3];
	_ =	sdelay $0x3  }
0x34: {  	[smem:$0x3FB3] =	sst s10  }
0x35: {  	s10 =	sld [smem:$0x3FB2];
	_ =	sdelay $0x3  }
0x36: {  	p1 =	seq.s32 s10, $0x1;
	s10 =	sld [smem:$0x3FB3];
	_ =	sdelay $0x3  }
0x37: {  	[smem:$0x3FB3] =	sst s10  }
0x38: {  	s10 =	sld [smem:$0x3FB4]  }
0x39: {  	_ = 	snop;
	(pc) =	sbr.ind lr, $3  }
0x3a: {  	_ = 	snop  }
0x3b: {  	_ = 	snop  }
0x3c: {  	p2 =	seq.s32 s10, $0x1;
	s10 =	sld [smem:$0x3FB3]  }
0x3d: {  	_ =	shalt  }
0x3e: {  	_ =	shalt  }
0x3f: {  	_ =	shalt  }
0x40: {  	_ =	shalt  }
0x41: {  	_ =	shalt  }
0x42: {  	_ =	shalt  }
0x43: {  	_ =	shalt  }
0x44: {  	_ =	shalt  }
0x45: {  	_ =	shalt  }
0x46: {  	_ =	shalt  }
0x47: {  	_ =	shalt  }
0x48: {  	_ =	shalt  }
0x49: {  	_ =	shalt  }
0x4a: {  	_ =	shalt  }
0x4b: {  	_ =	shalt  }
0x4c: {  	_ =	shalt  }
0x4d: {  	_ =	shalt  }
0x4e: {  	_ =	shalt  }
0x4f: {  	_ =	shalt  }
0x50: {  	_ =	shalt  }
0x51: {  	_ =	shalt  }
0x52: {  	_ =	shalt  }
0x53: {  	_ =	shalt  }
0x54: {  	_ =	shalt  }
0x55: {  	_ =	shalt  }
0x56: {  	_ =	shalt  }
0x57: {  	_ =	shalt  }
0x58: {  	_ =	shalt  }
0x59: {  	_ =	shalt  }
0x5a: {  	_ =	shalt  }
0x5b: {  	_ =	shalt  }
0x5c: {  	_ =	shalt  }
0x5d: {  	_ =	shalt  }
0x5e: {  	_ =	shalt  }
0x5f: {  	_ =	shalt  }
0x60: {  	_ =	shalt  }
0x61: {  	_ =	shalt  }
0x62: {  	_ =	shalt  }
0x63: {  	_ =	shalt  }
0x64: {  	_ =	shalt  }
0x65: {  	_ =	shalt  }
0x66: {  	_ =	shalt  }
0x67: {  	_ =	shalt  }
0x68: {  	_ =	shalt  }
0x69: {  	_ =	shalt  }
0x6a: {  	_ =	shalt  }
0x6b: {  	_ =	shalt  }
0x6c: {  	_ =	shalt  }
0x6d: {  	_ =	shalt  }
0x6e: {  	_ =	shalt  }
0x6f: {  	_ =	shalt  }
0x70: {  	_ =	shalt  }
0x71: {  	_ =	shalt  }
0x72: {  	_ =	shalt  }
0x73: {  	_ =	shalt  }
0x74: {  	_ =	shalt  }
0x75: {  	_ =	shalt  }
0x76: {  	_ =	shalt  }
0x77: {  	_ =	shalt  }
0x78: {  	_ =	shalt  }
0x79: {  	_ =	shalt  }
0x7a: {  	_ =	shalt  }
0x7b: {  	_ =	shalt  }
0x7c: {  	_ =	shalt  }
0x7d: {  	_ =	shalt  }
0x7e: {  	_ =	shalt  }
0x7f: {  	_ =	shalt  }
0x80: {  	_ =	shalt  }
0x81: {  	_ =	shalt  }
0x82: {  	_ =	shalt  }
0x83: {  	_ =	shalt  }
0x84: {  	_ =	shalt  }
0x85: {  	_ =	shalt  }
0x86: {  	_ =	shalt  }
0x87: {  	_ =	shalt  }
.Lfunc_end0:
.L_simem_size_0:
called_computation.1_lowered:
.L_overlay_start_0:
0x88: {  	s2 =	sld [smem:$0x3FD9]  }
0x89: {  	s3 =	sld [smem:$0x3FFE];
	_ =	sdelay $0x1  }
0x8a: {  	s1 =	srdreg.scid  }
0x8b: {  	s0 =	sand.u32 $0x1, s1  }
0x8c: {  	s16 =	sshll.u32 s0, $0xA;
	s2 =	sadd.s32 s3, s2  }
0x8d: {  	s2 =	sadd.s32 s2, s16  }
0x8e: {  	[smem:$0x3FBF] =	sst s2  }
0x8f: {  	_ = 	snop  }
0x90: {  	(tm) =	ssettm $0x1  }
0x91: {  	s17 =	sld [smem:$0x3FFB];
	_ =	sdelay $0x3  }
0x92: {  	_ =	strace s17  }
0x93: {  	s2 =	sld [smem:$0x3FFC];
	_ =	sdelay $0x3  }
0x94: {  	_ =	strace s2  }
0x95: {  	s2 =	sld [smem:$0x3FFD];
	_ =	sdelay $0x3  }
0x96: {  	_ =	strace s2  }
0x97: {  	_ =	strace $0x8FFFFFFF  }
0x98: {  	s18 =	sld [smem:$0x3FDB];
	_ =	sdelay $0x1  }
0x99: {  	s19 =	simm.s32 $_scs_section_size  }
0x9a: {  	s4 =	simm.s32 $_size__tile_overlayer_lowered;
	s5 =	simm.s32 $_tile_overlayer_lowered  }
0x9b: {  	s22 =	simm.s32 $0x1BFF;
	s21 =	sshll.u32 s5, $0x1;
	s2 =	sadd.s32 s19, s18  }
0x9c: {  	s6 =	simm.s32 $0x0;
	s20 =	sshll.u32 s4, $0x1;
	s4 =	sadd.s32 s21, s2  }
0x9d: {  	[timem:s6], [sflag:s22] =	dma.local [hbm:s4], s20  }
0x9e: {  	_ =	swait.ge [sflag:s22], s20  }
0x9f: {  	s3 =	ssub.s32 $0x0, s20;
	[sflag:s22] =	ssyncset.done $0x0  }
0xa0: {  	[sflag:s22] =	ssyncadd.s32 s3;
	_ =	sdelay $0x1  }
0xa1: {  	s23 =	simm.s32 $0x1B8B  }
0xa2: {  	_ =	swait.ge [sflag:s23], $0x1  }
0xa3: {  	[sflag:s23] =	ssyncset.done $0x0  }
0xa4: {  	s25 =	simm.s32 $0x1B8E;
	s24 =	sld [smem:$0x3FFE];
	[sflag:s23] =	ssyncadd.s32 $0xFFFFFFFF  }
0xa5: {  	s26 =	simm.s32 $execute0_lowered;
	[smem:$0x3FD2] =	sst s25  }
0xa6: {  	s4 =	sshll.u32 s26, $0x1;
	_ =	strace $0x80000049;
	[dreg:$0x1] =	wrdreg $0xFFFFFFFF  }
0xa7: {  	s28 =	simm.s32 $_size_execute0_lowered;
	s2 =	sadd.s32 s2, s4;
	[dreg:$0x0] =	wrdreg $0x0  }
0xa8: {  	s4 =	sshll.u32 s28, $0x1;
	[dreg:$0x2] =	wrdreg s2  }
0xa9: {  	[dreg:$0x3] =	wrdreg s4  }
0xaa: {  	[dreg:$0x4] =	wrdreg $0xC0  }
0xab: {  	_ =	task [dreg:s6], $0x5FFFF  }
0xac: {  	[dreg:$0x1] =	wrdreg $0xFFFFFFFF  }
0xad: {  	[dreg:$0x0] =	wrdreg $0x60  }
0xae: {  	[dreg:$0x2] =	wrdreg s24  }
0xaf: {  	[dreg:$0x3] =	wrdreg $0x9  }
0xb0: {  	_ =	task.clear_ibuf [dreg:s6], $0x4FFFF;
	_ =	strace $0x90000049  }
0xb1: {  	s29 =	simm.s32 $0x9;
	_ =	strace $0x8000004B  }
0xb2: {  	_ =	swait.ge [sflag:s29], $0x1  }
0xb3: {  	[sflag:s29] =	ssyncadd.s32 $0xFFFFFFFF  }
0xb4: {  	_ =	strace $0x9000004B  }
0xb5: {  	_ =	sfence  }
0xb6: {  	s30 =	sld [smem:$0x0];
	_ =	sdelay $0x2  }
0xb7: {  	s31 =	sshll.u32 s1, $0xD;
	s1 =	sshrl.u32 s1, $0x2  }
0xb8: {  	s3 =	sand.u32 $0x4000, s31;
	s1 =	sadd.s32 s1, s30  }
0xb9: {  	s0 =	sor.u32 s3, s0;
	s1 =	sshll.u32 s1, $0x11  }
0xba: {  	s0 =	sor.u32 s1, s0  }
0xbb: {  	s0 =	sadd.s32 $0x8F2B, s0  }
0xbc: {  	[sflag:s0] =	ssyncadd.remote.s32 $0x1  }
0xbd: {  	_ =	sfence.sel $0xFFFF  }
0xbe: {  	[dreg:$0x0] =	wrdreg $0xFFFFFFFF;
	(pc) =	sbr.abs _section_cstart, $3  }
0xbf: {  	[dreg:$0x1] =	wrdreg $0xFFFFFFFF  }
0xc0: {  	_ =	task.clear_ibuf [dreg:s6], $0x2FFFF;
	_ =	strace $0x9FFFFFFF  }
0xc1: {  	(tm) =	ssettm $0x7FFFFFFF  }
tec
execute0_lowered:
.L_overlay_start_1:
0x0: {  	(tag) =	ssettag $0x1  }
0x1: {  	s8 =	rddreg [dreg:$0x0]  }
0x2: {  	s0 =	rddreg [dreg:$0x1];
	_ =	strace $0x8000004A;
	s1 =	stileid.u32  }
0x3: {  	s3 =	srdreg.scid;
	s4 =	simm.s32 $0x1;
	s7 =	simm.s32 $0x1  }
0x4: {  	s9 =	simm.s32 $0x1;
	s10 =	simm.s32 $0x3;
	s13 =	simm.s32 $0x0  }
0x5: {  	s12 =	simm.s32 $0x0;
	s5 =	sand.u32 $0x1, s3;
	s6 =	sshll.u32 s1, $0x1  }
0x6: {  	s2 =	sadd.s32 $0x6200, s8;
	s3 =	sadd.s32 $0xB200, s8;
	s5 =	sor.u32 s6, s5  }
.Ltmp0:
0x7: {  	[sflag:s4] =	ssyncpa.u1 $0x0;
	p0 =	slt.u32 s5, $0x9;
	(pc) =	sbr.rel .LBB2_1-.Ltmp0, $4  }
0x8: {  	s6 =	simm.s32 $0x2;
	s7 =	simm.s32 @!p0 $0x0;
	p0 =	sne.s32 s5, $0x8  }
0x9: {  	[sflag:s6] =	ssyncpa.u1 $0x0;
	s5 =	smul.u32 $0xFA0, s5;
	s9 =	simm.s32 @!p0 $0x0  }
0xa: {  	s8 =	sadd.s32 $0x3E5C00, s8;
	[sflag:s10] =	ssyncpa.u1 $0x0;
	s7 =	sadd.s32 s9, s7  }
0xb: {  	vm0 =	vmmov $0xffff;
	s10 =	simm.s32 $0x0;
	s11 =	smov.u32 s5;
	s9 =	sadd.s32 $0x1, s7  }
.LBB2_4:
0xc: {  	v2 =	vnsel vm1, $0x0, v2  }
0xd: {  	vm1 =	vgt.s32 v0, $0x0;
	v2 =	vmin.u32 v2, $0x270FF  }
0xe: {  	v0 =	vnsel vm1, $0x0, v0  }
0xf: {  	v0 =	vmin.u32 v0, $0x270FF  }
0x10: {  	[tilespmem:s18], [sflag:$0x1] =	stream.indirect_vreg.gather [hbm4b:s2+s10], $0x1, v1, vm0, $0x4038;
	[tilespmem:$0x3E80] =	vst v63  }
0x11: {  	(ifvalue) =	ssetifvalue $0x7FFFFFFF  }
0x12: {  	[tilespmem:s15], [sflag:$0x1] =	stream.indirect_vreg.gather [hbm4b:s2+s10], $0x1, v2, vm0, $0x4038;
	[tilespmem:$0x3E80] =	vst v63  }
0x13: {  	s29 =	sadd.s32 $0x10, s15;
	(ifvalue) =	ssetifvalue $0x7FFFFFFF  }
0x14: {  	[tilespmem:s29], [sflag:$0x1] =	stream.indirect_vreg.gather [hbm4b:s2+s10], $0x1, v0, vm0, $0x4038;
	[tilespmem:$0x3E80] =	vst v63  }
0x15: {  	_ =	swait.ge [sflag:s4], $0xFA0  }
0x16: {  	s30 =	sshrl.u32 s13, $0x3;
	[sflag:s4] =	ssyncset.done $0x0  }
0x17: {  	s31 =	sand.u32 $0x7, s13;
	s15 =	sadd.s32 s8, s30;
	[sflag:s4] =	ssyncadd.s32 $0xFFFFF060  }
0x18: {  	[hbm4b:s15+s31] =	stream.linear.scatter [tilespmem:s14], [sflag:$0x3], $0xFA0, $0x38;
	[tilespmem:$0x3E80] =	vst v63  }
.LBB2_5:
0x19: {  	s15 =	sadd.s32 $0x1F400, s11  }
0x1a: {  	p1 =	sgt.s32 s15, $0x270FF  }
0x1b: {  	s15 =	smov.u32 @p1 s5;
	p1 =	sne.s32 s12, s9  }
.Ltmp1:
0x1c: {  	p0 =	slt.u32 s12, $0x2;
	(pc) =	sbr.rel @!p1 .LBB2_6-.Ltmp1, $4  }
0x1d: {  	s14 =	simm.s32 @!p0 $0x3  }
0x1e: {  	_ =	swait.ge @!p0 [sflag:s14], $0xFA0  }
0x1f: {  	s16 =	sadd.s32 $0x1, s12;
	s13 =	smov.u32 s11;
	[sflag:s14] =	ssyncset.done @!p0 $0x0  }
0x20: {  	s12 =	smov.u32 s16;
	s11 =	smov.u32 s15;
	[sflag:s14] =	ssyncadd.s32 @!p0 $0xFFFFF060  }
.LBB2_1:
0x21: {  	p0 =	sge.u32 s12, s7  }
0x22: {  	s14 =	sxor.u32 @!p0 $0x1, s12  }
0x23: {  	s14 =	smul.u32 @!p0 $0x3E80, s14  }
0x24: {  	s31 =	sadd.s32 $0xFFFFFFFF, s12;
	s15 =	sshrl.u32 @!p0 s11, $0x3  }
0x25: {  	s16 =	sand.u32 @!p0 $0x7, s11;
	s15 =	sadd.s32 @!p0 s3, s15;
	s14 =	sshra.s32 @!p0 s14, $0x2  }
0x26: {  	[tilespmem:s14], [sflag:$0x2] =	stream.linear.gather @!p0 [hbm4b:s15+s16], $0xFA0, $0x38;
	[tilespmem:$0x3E80] =	vst v63  }
0x27: {  	p0 =	sge.u32 s31, s7  }
.Ltmp2:
0x28: {  	_ = 	snop;
	(pc) =	sbr.rel @p0 .LBB2_5-.Ltmp2, $1  }
0x29: {  	_ =	sdelay $0x3  }
0x2a: {  	s14 =	sand.u32 $0x1, s12  }
0x2b: {  	_ =	swait.ge [sflag:s6], $0xFA0;
	p0 =	seq.s32 s14, $0x1;
	s14 =	simm.s32 $0xFA0  }
0x2c: {  	[sflag:s6] =	ssyncset.done $0x0;
	s14 =	simm.s32 @!p0 $0x0  }
0x2d: {  	[sflag:s6] =	ssyncadd.s32 $0xFFFFF060;
	(ifvalue) =	ssetifvalue $0x7FFFFFFF;
	v0 =	vld.msk [tilespmem:s14+$0x0 ss:$0x1], $0xffff;
	_ =	sdelay $0x4  }
0x2e: {  	s15 =	sadd.s32 $0x10, s14;
	vm1 =	vgt.s32 v0, $0x0  }
0x2f: {  	v2 =	vld.msk [tilespmem:s15+$0x0 ss:$0x1], $0xffff;
	v1 =	vnsel vm1, $0x0, v0  }
0x30: {  	v1 =	vmin.u32 v1, $0x270FF;
	_ =	sdelay $0x2  }
0x31: {  	s17 =	simm.s32 $0x20;
	s14 =	sadd.s32 $0x1F40, s14;
	s16 =	sadd.s32 $0x10, s15  }
0x32: {  	s15 =	sadd.s32 $0x10, s14;
	s18 =	smov.u32 s14;
	v0 =	vld.msk [tilespmem:s16+$0x0 ss:$0x1], $0xffff;
	vm1 =	vgt.s32 v2, $0x0;
	(ifvalue) =	ssetifvalue $0x7FFFFFFF  }
.LBB2_3:
0x33: {  	[tilespmem:s18], [sflag:$0x1] =	stream.indirect_vreg.gather [hbm4b:s2+s10], $0x1, v1, vm0, $0x4038;
	[tilespmem:$0x3E80] =	vst v63  }
0x34: {  	s17 =	sadd.s32 $0x10, s17  }
0x35: {  	v2 =	vnsel vm1, $0x0, v2;
	p0 =	slt.u32 s17, $0xF90  }
.Ltmp3:
0x36: {  	s18 =	smov.u32 s15;
	v1 =	vmin.u32 v2, $0x270FF;
	(pc) =	sbr.rel @p0 .LBB2_3-.Ltmp3, $3  }
0x37: {  	_ =	sdelay $0x1  }
0x38: {  	s16 =	sadd.s32 $0x10, s16  }
0x39: {  	vm1 =	vgt.s32 v0, $0x0;
	s15 =	sadd.s32 $0x10, s15;
	v2 =	vmov v0;
	(ifvalue) =	ssetifvalue $0x7FFFFFFF;
	v0 =	vld.msk [tilespmem:s16+$0x0 ss:$0x1], $0xffff  }
.Ltmp4:
0x3a: {  	_ = 	snop;
	(pc) =	sbr.rel .LBB2_4-.Ltmp4, $1  }
0x3b: {  	_ =	sdelay $0x3  }
.LBB2_6:
0x3c: {  	_ =	sfence.sel $0x180000  }
0x3d: {  	s2 =	simm.s32 $0x2;
	[bflag:$0x0] =	sbarrier.arrive $0xFFFF  }
0x3e: {  	s30 =	simm.s32 $0x3;
	[sflag:s2] =	ssyncpa.u1 $0x1  }
0x3f: {  	s31 =	simm.s32 $0x1;
	[sflag:s30] =	ssyncpa.u1 $0x1  }
0x40: {  	[sflag:s31] =	ssyncpa.u1 $0x1  }
0x41: {  	p0 =	sne.s32 s1, $0x0;
	_ =	strace $0x9000004A  }
0x42: {  	s0 =	sadd.s32 @!p0 $0x100000, s0;
	[bflag:$0x2] =	sbarrier.arrive $0xFFFF  }
0x43: {  	[sflag:s0] =	ssyncadd.tile.s32 @!p0 $0x1;
	_ =	shalt  }
.Lfunc_end2:
_tile_overlayer_lowered:
.L_overlay_start_2:
0x44: {  	(tag) =	ssettag $0x2  }
0x45: {  	s0 =	rddreg [dreg:$0x0];
	s2 =	stileid.u32  }
0x46: {  	s1 =	rddreg [dreg:$0x1];
	p0 =	sne.s32 s2, $0x0  }
0x47: {  	s3 =	rddreg [dreg:$0x2];
	[bflag:$0x3] =	sbarrier.arrive $0xFFFF;
	s2 =	simm.s32 @!p0 $0x1C01  }
0x48: {  	[timem:s3], [sflag:s2] =	dma.local @!p0 [hbm:s0], s1  }
0x49: {  	s0 =	simm.s32 @!p0 $0x1  }
0x4a: {  	_ =	swait.ge @!p0 [sflag:s0], s1  }
0x4b: {  	s1 =	ssub.s32 @!p0 $0x0, s1;
	[sflag:s0] =	ssyncset.done @!p0 $0x0  }
0x4c: {  	[sflag:s0] =	ssyncadd.s32 @!p0 s1  }
0x4d: {  	[bflag:$0x3] =	sbarrier.arrive $0xFFFF  }
0x4e: {  	_ =	shalt  }

// kernel: gather_offload_async_start.2
scs
__scs_entry_jumppad:
0x0: {  	(pc) =	sbr.rel $0x88, $3  }
0x1: {  	(tag) =	ssettag $0x0;
	lr =	simm.s32 $0x1  }
0x2: {  	[smem:$0x3F98] =	sst lr;
	_ =	strace $0xD0000000  }
0x3: {  	_ = 	snop  }
0x4: {  	_ = 	snop  }
0x5: {  	_ = 	snop  }
0x6: {  	_ = 	snop  }
0x7: {  	_ = 	snop  }
__scs_overlays_trampoline_lowered:
0x8: {  	[smem:$0x3FA7] =	sst s0  }
0x9: {  	[smem:$0x3FA8] =	sst s1  }
0xa: {  	[smem:$0x3FA9] =	sst s2  }
0xb: {  	[smem:$0x3FAA] =	sst s3  }
0xc: {  	[smem:$0x3FAB] =	sst s4  }
0xd: {  	[smem:$0x3FAC] =	sst s5  }
0xe: {  	[smem:$0x3FAD] =	sst s6  }
0xf: {  	[smem:$0x3FAE] =	sst s7  }
0x10: {  	[smem:$0x3FAF] =	sst s8  }
0x11: {  	[smem:$0x3FB0] =	sst s9;
	s0 =	simm.s32 @!p0 $0x0  }
0x12: {  	s1 =	sld [smem:$0x3F96];
	s0 =	simm.s32 @p0 $0x1  }
0x13: {  	[smem:$0x3FB1] =	sst s0;
	s0 =	simm.s32 @!p1 $0x0  }
0x14: {  	s2 =	sld [smem:$0x3F95];
	s0 =	simm.s32 @p1 $0x1  }
0x15: {  	[smem:$0x3FB2] =	sst s0;
	s0 =	simm.s32 @!p2 $0x0  }
0x16: {  	s3 =	sld [smem:$0x3FDB];
	s0 =	simm.s32 @p2 $0x1  }
0x17: {  	s4 =	simm.s32 $0x1BF5;
	[smem:$0x3FB4] =	sst s0  }
0x18: {  	s0 =	sld [smem:$0x3F97];
	_ =	swait.ge [sflag:s4], $0x0  }
0x19: {  	s7 =	sld [smem:$0x3F98]  }
0x1a: {  	s8 =	sadd.s32 $0xFFFFE003, lr  }
0x1b: {  	s9 =	sadd.s32 $0xFFFFFEF7, lr;
	s5 =	simm.s32 $0xFFFFFFFF;
	p2 =	slt.u32 s8, $0xFFFFF086  }
0x1c: {  	p1 =	slt.u32 s9, $0xF7A;
	s5 =	simm.s32 @!p2 $0x0  }
0x1d: {  	s5 =	simm.s32 @p1 $0x1;
	p0 =	seq.s32 s7, s2  }
0x1e: {  	s7 =	smul.u32 @!p0 $0xF7A, s2;
	p2 =	seq.s32 @!p0 s5, $0x0  }
0x1f: {  	s9 =	smul.u32 $0xF7A, s1;
	s8 =	simm.s32 @!p0 $0x1BF5;
	p2 =	por !p2, p0  }
0x20: {  	[sflag:s8] =	ssyncset.s32 @!p0 $0xFFFFF086;
	s6 =	sadd.s32 @!p0 s3, s7;
	s7 =	simm.s32 @!p0 $0x108  }
0x21: {  	s3 =	sadd.s32 s3, s9;
	s6 =	sadd.s32 @!p0 $0x88, s6;
	s7 =	simm.s32 @p2 $0x1082  }
0x22: {  	[simem:s7], [sflag:s8] =	dma.local @!p0 [hbm:s6], $0xF7A  }
0x23: {  	s9 =	sor.u32 $0xD0000000, s2;
	s6 =	simm.s32 $0x108;
	_ =	swait.ge @!p0 [sflag:s8], $0x0  }
0x24: {  	s3 =	sadd.s32 $0x88, s3;
	s6 =	simm.s32 @!p1 $0x1082;
	[sflag:s4] =	ssyncset.s32 $0xFFFFF086  }
0x25: {  	[simem:s6], [sflag:s4] =	dma.local [hbm:s3], $0xF7A  }
0x26: {  	[smem:$0x3F98] =	sst s1;
	(tag) =	ssettag s2;
	_ =	strace s9  }
0x27: {  	s1 =	sld [smem:$0x3FA8]  }
0x28: {  	s2 =	sld [smem:$0x3FA9]  }
0x29: {  	s4 =	sld [smem:$0x3FAB]  }
0x2a: {  	p0 =	seq.s32 s5, $0x0;
	s5 =	sld [smem:$0x3FAC]  }
0x2b: {  	s6 =	sld [smem:$0x3FAD]  }
0x2c: {  	s7 =	sld [smem:$0x3FAE]  }
0x2d: {  	s3 =	simm.s32 $0x108;
	s8 =	sld [smem:$0x3FAF]  }
0x2e: {  	s3 =	simm.s32 @!p0 $0x1082;
	s9 =	sld [smem:$0x3FB0]  }
0x2f: {  	lr =	sadd.s32 s0, s3;
	s0 =	sld [smem:$0x3FA7]  }
0x30: {  	s3 =	sld [smem:$0x3FAA]  }
0x31: {  	[smem:$0x3FB3] =	sst s10  }
0x32: {  	s10 =	sld [smem:$0x3FB1];
	_ =	sdelay $0x3  }
0x33: {  	p0 =	seq.s32 s10, $0x1;
	s10 =	sld [smem:$0x3FB3];
	_ =	sdelay $0x3  }
0x34: {  	[smem:$0x3FB3] =	sst s10  }
0x35: {  	s10 =	sld [smem:$0x3FB2];
	_ =	sdelay $0x3  }
0x36: {  	p1 =	seq.s32 s10, $0x1;
	s10 =	sld [smem:$0x3FB3];
	_ =	sdelay $0x3  }
0x37: {  	[smem:$0x3FB3] =	sst s10  }
0x38: {  	s10 =	sld [smem:$0x3FB4]  }
0x39: {  	_ = 	snop;
	(pc) =	sbr.ind lr, $3  }
0x3a: {  	_ = 	snop  }
0x3b: {  	_ = 	snop  }
0x3c: {  	p2 =	seq.s32 s10, $0x1;
	s10 =	sld [smem:$0x3FB3]  }
0x3d: {  	_ =	shalt  }
0x3e: {  	_ =	shalt  }
0x3f: {  	_ =	shalt  }
0x40: {  	_ =	shalt  }
0x41: {  	_ =	shalt  }
0x42: {  	_ =	shalt  }
0x43: {  	_ =	shalt  }
0x44: {  	_ =	shalt  }
0x45: {  	_ =	shalt  }
0x46: {  	_ =	shalt  }
0x47: {  	_ =	shalt  }
0x48: {  	_ =	shalt  }
0x49: {  	_ =	shalt  }
0x4a: {  	_ =	shalt  }
0x4b: {  	_ =	shalt  }
0x4c: {  	_ =	shalt  }
0x4d: {  	_ =	shalt  }
0x4e: {  	_ =	shalt  }
0x4f: {  	_ =	shalt  }
0x50: {  	_ =	shalt  }
0x51: {  	_ =	shalt  }
0x52: {  	_ =	shalt  }
0x53: {  	_ =	shalt  }
0x54: {  	_ =	shalt  }
0x55: {  	_ =	shalt  }
0x56: {  	_ =	shalt  }
0x57: {  	_ =	shalt  }
0x58: {  	_ =	shalt  }
0x59: {  	_ =	shalt  }
0x5a: {  	_ =	shalt  }
0x5b: {  	_ =	shalt  }
0x5c: {  	_ =	shalt  }
0x5d: {  	_ =	shalt  }
0x5e: {  	_ =	shalt  }
0x5f: {  	_ =	shalt  }
0x60: {  	_ =	shalt  }
0x61: {  	_ =	shalt  }
0x62: {  	_ =	shalt  }
0x63: {  	_ =	shalt  }
0x64: {  	_ =	shalt  }
0x65: {  	_ =	shalt  }
0x66: {  	_ =	shalt  }
0x67: {  	_ =	shalt  }
0x68: {  	_ =	shalt  }
0x69: {  	_ =	shalt  }
0x6a: {  	_ =	shalt  }
0x6b: {  	_ =	shalt  }
0x6c: {  	_ =	shalt  }
0x6d: {  	_ =	shalt  }
0x6e: {  	_ =	shalt  }
0x6f: {  	_ =	shalt  }
0x70: {  	_ =	shalt  }
0x71: {  	_ =	shalt  }
0x72: {  	_ =	shalt  }
0x73: {  	_ =	shalt  }
0x74: {  	_ =	shalt  }
0x75: {  	_ =	shalt  }
0x76: {  	_ =	shalt  }
0x77: {  	_ =	shalt  }
0x78: {  	_ =	shalt  }
0x79: {  	_ =	shalt  }
0x7a: {  	_ =	shalt  }
0x7b: {  	_ =	shalt  }
0x7c: {  	_ =	shalt  }
0x7d: {  	_ =	shalt  }
0x7e: {  	_ =	shalt  }
0x7f: {  	_ =	shalt  }
0x80: {  	_ =	shalt  }
0x81: {  	_ =	shalt  }
0x82: {  	_ =	shalt  }
0x83: {  	_ =	shalt  }
0x84: {  	_ =	shalt  }
0x85: {  	_ =	shalt  }
0x86: {  	_ =	shalt  }
0x87: {  	_ =	shalt  }
.Lfunc_end0:
.L_simem_size_0:
called_computation.2_lowered:
.L_overlay_start_0:
0x88: {  	s2 =	sld [smem:$0x3FD9]  }
0x89: {  	s3 =	sld [smem:$0x3FFE];
	_ =	sdelay $0x1  }
0x8a: {  	s1 =	srdreg.scid  }
0x8b: {  	s0 =	sand.u32 $0x1, s1  }
0x8c: {  	s17 =	sshll.u32 s0, $0xA;
	s2 =	sadd.s32 s3, s2  }
0x8d: {  	s2 =	sadd.s32 s2, s17  }
0x8e: {  	[smem:$0x3FBF] =	sst s2  }
0x8f: {  	_ = 	snop  }
0x90: {  	(tm) =	ssettm $0x1  }
0x91: {  	s18 =	sld [smem:$0x3FFB];
	_ =	sdelay $0x3  }
0x92: {  	_ =	strace s18  }
0x93: {  	s2 =	sld [smem:$0x3FFC];
	_ =	sdelay $0x3  }
0x94: {  	_ =	strace s2  }
0x95: {  	s2 =	sld [smem:$0x3FFD];
	_ =	sdelay $0x3  }
0x96: {  	_ =	strace s2  }
0x97: {  	_ =	strace $0x8FFFFFFF  }
0x98: {  	s19 =	sld [smem:$0x3FDB];
	_ =	sdelay $0x1  }
0x99: {  	s20 =	simm.s32 $_scs_section_size  }
0x9a: {  	s4 =	simm.s32 $_size__tile_overlayer_lowered;
	s5 =	simm.s32 $_tile_overlayer_lowered  }
0x9b: {  	s6 =	simm.s32 $0x1BFF;
	s21 =	sshll.u32 s5, $0x1;
	s3 =	sadd.s32 s20, s19  }
0x9c: {  	s22 =	simm.s32 $0x0;
	s4 =	sshll.u32 s4, $0x1;
	s5 =	sadd.s32 s21, s3  }
0x9d: {  	[timem:s22], [sflag:s6] =	dma.local [hbm:s5], s4  }
0x9e: {  	_ =	swait.ge [sflag:s6], s4  }
0x9f: {  	s4 =	ssub.s32 $0x0, s4;
	[sflag:s6] =	ssyncset.done $0x0  }
0xa0: {  	[sflag:s6] =	ssyncadd.s32 s4;
	_ =	sdelay $0x1  }
0xa1: {  	s23 =	simm.s32 $0x1B8B  }
0xa2: {  	_ =	swait.ge [sflag:s23], $0x1  }
0xa3: {  	[sflag:s23] =	ssyncset.done $0x0  }
0xa4: {  	[sflag:s23] =	ssyncadd.s32 $0xFFFFFFFF  }
0xa5: {  	s4 =	sld [smem:$0x0]  }
0xa6: {  	s5 =	sand.u32 $0xFFFFFFFE, s1  }
0xa7: {  	p0 =	sne.s32 s1, s5  }
0xa8: {  	s5 =	sshll.u32 @p0 s5, $0xE  }
0xa9: {  	s5 =	sadd.s32 @p0 $0x11B8D, s5;
	s6 =	sshll.u32 @p0 s4, $0x11  }
0xaa: {  	s5 =	sor.u32 @p0 s6, s5  }
0xab: {  	[sflag:s5] =	ssyncadd.remote.s32 @p0 $0x1;
	_ =	sdelay $0x1  }
0xac: {  	s5 =	simm.s32 @p0 $0x1B8D  }
0xad: {  	_ =	swait.eq @p0 [sflag:s5], $0x1  }
0xae: {  	[sflag:s5] =	ssyncadd.s32 @p0 $0xFFFFFFFF  }
0xaf: {  	s6 =	sshll.u32 @!p0 s1, $0xE  }
0xb0: {  	s6 =	sor.u32 @!p0 $0x4000, s6;
	s5 =	simm.s32 @!p0 $0x1B8D  }
0xb1: {  	s4 =	sshll.u32 @!p0 s4, $0x11;
	s6 =	sadd.s32 @!p0 $0x11B8D, s6;
	_ =	swait.eq @!p0 [sflag:s5], $0x1  }
0xb2: {  	s4 =	sor.u32 @!p0 s4, s6;
	[sflag:s5] =	ssyncadd.s32 @!p0 $0xFFFFFFFF  }
0xb3: {  	s25 =	simm.s32 $0x1B8E;
	s24 =	sld [smem:$0x3FFE];
	[sflag:s4] =	ssyncadd.remote.s32 @!p0 $0x1  }
0xb4: {  	s26 =	simm.s32 $execute0_lowered;
	[smem:$0x3FD2] =	sst s25  }
0xb5: {  	s5 =	sshll.u32 s26, $0x1;
	_ =	strace $0x8000004C;
	[dreg:$0x1] =	wrdreg $0xFFFFFFFF  }
0xb6: {  	s28 =	simm.s32 $_size_execute0_lowered;
	s3 =	sadd.s32 s3, s5;
	[dreg:$0x0] =	wrdreg $0x0  }
0xb7: {  	s5 =	sshll.u32 s28, $0x1;
	[dreg:$0x2] =	wrdreg s3  }
0xb8: {  	[dreg:$0x3] =	wrdreg s5  }
0xb9: {  	[dreg:$0x4] =	wrdreg $0xC0  }
0xba: {  	_ =	task [dreg:s22], $0x5FFFF  }
0xbb: {  	[dreg:$0x1] =	wrdreg $0xFFFFFFFF  }
0xbc: {  	[dreg:$0x0] =	wrdreg $0x60  }
0xbd: {  	[dreg:$0x2] =	wrdreg s24  }
0xbe: {  	[dreg:$0x3] =	wrdreg $0xA  }
0xbf: {  	_ =	task.clear_ibuf [dreg:s22], $0x4FFFF;
	_ =	strace $0x9000004C  }
0xc0: {  	s29 =	simm.s32 $0xA;
	_ =	strace $0x8000004E  }
0xc1: {  	_ =	swait.ge [sflag:s29], $0x1  }
0xc2: {  	[sflag:s29] =	ssyncadd.s32 $0xFFFFFFFF  }
0xc3: {  	_ =	strace $0x9000004E  }
0xc4: {  	_ =	sfence  }
0xc5: {  	s30 =	sld [smem:$0x0];
	_ =	sdelay $0x2  }
0xc6: {  	s31 =	sshll.u32 s1, $0xD;
	s1 =	sshrl.u32 s1, $0x2  }
0xc7: {  	s4 =	sand.u32 $0x4000, s31;
	s1 =	sadd.s32 s1, s30  }
0xc8: {  	s0 =	sor.u32 s4, s0;
	s1 =	sshll.u32 s1, $0x11  }
0xc9: {  	s0 =	sor.u32 s1, s0  }
0xca: {  	s0 =	sadd.s32 $0x8F2B, s0  }
0xcb: {  	[sflag:s0] =	ssyncadd.remote.s32 $0x1  }
0xcc: {  	_ =	sfence.sel $0xFFFF  }
0xcd: {  	[dreg:$0x0] =	wrdreg $0xFFFFFFFF;
	(pc) =	sbr.abs _section_cstart, $3  }
0xce: {  	[dreg:$0x1] =	wrdreg $0xFFFFFFFF  }
0xcf: {  	_ =	task.clear_ibuf [dreg:s22], $0x2FFFF;
	_ =	strace $0x9FFFFFFF  }
0xd0: {  	(tm) =	ssettm $0x7FFFFFFF  }
0xd1: {  	_ =	shalt  }
tec
execute0_lowered:
.L_overlay_start_1:
0x0: {  	(tag) =	ssettag $0x1  }
0x1: {  	s0 =	srdreg.scid  }
0x2: {  	s1 =	sshll.u32 s0, $0x4  }
0x3: {  	s0 =	stileid.u32;
	s1 =	sand.u32 $0x10, s1  }
0x4: {  	s1 =	sor.u32 s0, s1  }
0x5: {  	s2 =	smul.u32 $0xF, s1  }
0x6: {  	s3 =	smin.u32 s1, $0x14  }
0x7: {  	s2 =	sadd.s32 s3, s2  }
0x8: {  	p0 =	slt.u32 s1, $0x14;
	s1 =	simm.s32 $0x1400;
	s2 =	smul.u32 $0x140, s2  }
0x9: {  	s1 =	simm.s32 @!p0 $0x12C0  }
0xa: {  	s1 =	sadd.s32 s1, s2  }
0xb: {  	s3 =	smin.u32 s1, $0x27100  }
0xc: {  	s7 =	ssub.s32 s3, s2  }
0xd: {  	p0 =	sgt.s32 s7, $0x0  }
0xe: {  	s7 =	simm.s32 @!p0 $0x0  }
0xf: {  	s31 =	smulhi.u32 $0x66666667, s7  }
0x10: {  	s9 =	rddreg [dreg:$0x0];
	s6 =	simm.s32 $0x1;
	s11 =	simm.s32 $0x3  }
0x11: {  	s13 =	simm.s32 $0x0;
	s12 =	simm.s32 $0x0;
	s8 =	sshrl.u32 s31, $0x7  }
0x12: {  	s4 =	sadd.s32 $0x10200, s9;
	s5 =	sadd.s32 $0xB200, s9;
	s10 =	smul.u32 $0x140, s8  }
.Ltmp0:
0x13: {  	s9 =	sadd.s32 $0x3EAC00, s9;
	s1 =	rddreg [dreg:$0x1];
	(pc) =	sbr.rel .LBB2_1-.Ltmp0, $4  }
0x14: {  	_ =	strace $0x8000004D;
	p0 =	sne.s32 s7, s10;
	s10 =	simm.s32 $0x1  }
0x15: {  	[sflag:s6] =	ssyncpa.u1 $0x0;
	s7 =	simm.s32 $0x2;
	s10 =	simm.s32 @!p0 $0x0  }
0x16: {  	[sflag:s7] =	ssyncpa.u1 $0x0;
	p0 =	por $0x0, $0x0;
	s8 =	sadd.s32 s10, s8  }
0x17: {  	vm0 =	vmmov $0xff;
	vm1 =	vcmask $0x3F20;
	[sflag:s11] =	ssyncpa.u1 $0x0;
	s11 =	smov.u32 s2;
	s10 =	sadd.s32 $0x1, s8  }
.LBB2_6:
0x18: {  	[hbm:s17] =	stream.linear.scatter [tilespmem:s14], [sflag:$0x3], $0x400, $0x38;
	[tilespmem:$0x14280] =	vst v63  }
.LBB2_7:
0x19: {  	s13 =	sadd.s32 $0x140, s11  }
0x1a: {  	s15 =	smov.u32 s2;
	p2 =	slt.s32 s13, s3  }
0x1b: {  	s15 =	smov.u32 @p2 s13;
	p2 =	sne.s32 s12, s10  }
.Ltmp1:
0x1c: {  	p1 =	slt.u32 s12, $0x2;
	(pc) =	sbr.rel @!p2 .LBB2_8-.Ltmp1, $4  }
0x1d: {  	s14 =	simm.s32 @!p1 $0x3  }
0x1e: {  	s16 =	sadd.s32 $0x1, s12;
	_ =	swait.ge @!p1 [sflag:s14], $0xA000  }
0x1f: {  	p0 =	por !p0, !p0;
	s13 =	smov.u32 s11;
	[sflag:s14] =	ssyncset.done @!p1 $0x0  }
0x20: {  	s12 =	smov.u32 s16;
	s11 =	smov.u32 s15;
	[sflag:s14] =	ssyncadd.s32 @!p1 $0xFFFF6000  }
.LBB2_1:
0x21: {  	p1 =	sge.u32 s12, s8  }
0x22: {  	s14 =	sxor.u32 @!p1 $0xFFFFFFFF, s12  }
0x23: {  	s14 =	sand.u32 @!p1 $0x1, s14  }
0x24: {  	s14 =	smul.u32 @!p1 $0x500, s14  }
0x25: {  	s31 =	sadd.s32 $0xFFFFFFFF, s12;
	s15 =	sshrl.u32 @!p1 s11, $0x3  }
0x26: {  	s16 =	sand.u32 @!p1 $0x7, s11;
	s15 =	sadd.s32 @!p1 s5, s15;
	s14 =	sshrl.u32 @!p1 s14, $0x2  }
0x27: {  	[tilespmem:s14], [sflag:$0x2] =	stream.linear.gather @!p1 [hbm4b:s15+s16], $0x140, $0x38;
	[tilespmem:$0x14280] =	vst v63  }
0x28: {  	p1 =	sge.u32 s31, s8  }
.Ltmp2:
0x29: {  	_ = 	snop;
	(pc) =	sbr.rel @p1 .LBB2_7-.Ltmp2, $1  }
0x2a: {  	_ =	sdelay $0x3  }
0x2b: {  	s14 =	simm.s32 $0x1  }
0x2c: {  	s14 =	simm.s32 @!p0 $0x0  }
0x2d: {  	s15 =	smul.u32 $0x500, s14  }
0x2e: {  	_ =	swait.ge [sflag:s7], $0x140  }
0x2f: {  	[sflag:s7] =	ssyncset.done $0x0;
	s16 =	sshrl.u32 s15, $0x2  }
0x30: {  	[sflag:s7] =	ssyncadd.s32 $0xFFFFFEC0;
	s15 =	sadd.s32 $0x0, s16  }
0x31: {  	v0 =	vld.msk [tilespmem:s15+$0x0 ss:$0x1], $0xffff;
	_ =	sdelay $0x4  }
0x32: {  	vm2 =	vgt.s32 v0, $0x0  }
0x33: {  	v0 =	vnsel vm2, $0x0, v0  }
0x34: {  	v0 =	vmin.u32 v0, $0x270FF  }
0x35: {  	v0 =	vshll.u32 v0, $0x4  }
0x36: {  	s14 =	smul.u32 $0x28000, s14;
	_ =	sdelay $0x1  }
0x37: {  	s14 =	sshrl.u32 s14, $0x2  }
0x38: {  	s14 =	sor.u32 $0x280, s14  }
0x39: {  	[tilespmem:s14], [sflag:$0x1] =	stream.indirect_vreg.gather [hbm:s4], $0x80, v0, vm0, $0x38;
	[tilespmem:$0x14280] =	vst v63  }
0x3a: {  	s17 =	sadd.s32 $0x10, s16;
	s15 =	sadd.s32 $0x400, s14  }
0x3b: {  	[tilespmem:s15], [sflag:$0x1] =	stream.indirect_vreg.gather [hbm:s4], $0x80, v0, vm1, $0x38;
	[tilespmem:$0x14280] =	vst v63  }
0x3c: {  	s18 =	simm.s32 $0x80;
	v0 =	vld.msk [tilespmem:s17+$0x0 ss:$0x1], $0xffff;
	s17 =	smov.u32 s14  }
.LBB2_3:
0x3d: {  	p1 =	sne.s32 s18, $0x4C0;
	_ =	sdelay $0x4  }
0x3e: {  	vm2 =	vgt.s32 v0, $0x0  }
0x3f: {  	v0 =	vnsel vm2, $0x0, v0  }
0x40: {  	v0 =	vmin.u32 v0, $0x270FF  }
0x41: {  	v0 =	vshll.u32 v0, $0x4;
	_ =	sdelay $0x3  }
.Ltmp3:
0x42: {  	s19 =	sshra.s32 s18, $0x2;
	s17 =	sadd.s32 $0x800, s17;
	(pc) =	sbr.rel @p1 .LBB2_3-.Ltmp3, $4  }
0x43: {  	[tilespmem:s17], [sflag:$0x1] =	stream.indirect_vreg.gather [hbm:s4], $0x80, v0, vm0, $0x38;
	[tilespmem:$0x14280] =	vst v63  }
0x44: {  	s19 =	sadd.s32 s19, s16;
	s20 =	sadd.s32 $0x400, s17  }
0x45: {  	[tilespmem:s20], [sflag:$0x1] =	stream.indirect_vreg.gather [hbm:s4], $0x80, v0, vm1, $0x38;
	[tilespmem:$0x14280] =	vst v63  }
0x46: {  	s18 =	sadd.s32 $0x40, s18;
	v0 =	vld.msk [tilespmem:s19+$0x0 ss:$0x1], $0xffff  }
0x47: {  	_ =	sdelay $0x3  }
0x48: {  	vm2 =	vgt.s32 v0, $0x0  }
0x49: {  	v0 =	vnsel vm2, $0x0, v0  }
0x4a: {  	v0 =	vmin.u32 v0, $0x270FF  }
0x4b: {  	v0 =	vshll.u32 v0, $0x4;
	_ =	sdelay $0x3  }
0x4c: {  	s16 =	sadd.s32 $0x800, s17  }
0x4d: {  	[tilespmem:s16], [sflag:$0x1] =	stream.indirect_vreg.gather [hbm:s4], $0x80, v0, vm0, $0x38;
	[tilespmem:$0x14280] =	vst v63  }
0x4e: {  	s16 =	sadd.s32 $0x400, s16  }
0x4f: {  	[tilespmem:s16], [sflag:$0x1] =	stream.indirect_vreg.gather [hbm:s4], $0x80, v0, vm1, $0x38;
	[tilespmem:$0x14280] =	vst v63  }
0x50: {  	s13 =	sshll.u32 s13, $0x4;
	_ =	swait.ge [sflag:s6], $0xA000  }
0x51: {  	s13 =	sadd.s32 s13, s9;
	[sflag:s6] =	ssyncset.done $0x0  }
0x52: {  	s17 =	sadd.s32 $0x0, s13;
	s16 =	simm.s32 $0x80;
	[sflag:s6] =	ssyncadd.s32 $0xFFFF6000  }
.LBB2_5:
0x53: {  	[hbm:s17] =	stream.linear.scatter [tilespmem:s14], [sflag:$0x3], $0x400, $0x38;
	[tilespmem:$0x14280] =	vst v63  }
0x54: {  	s17 =	smov.u32 s16;
	s14 =	smov.u32 s15;
	p1 =	sne.s32 s16, $0x1380  }
.Ltmp4:
0x55: {  	s16 =	sadd.s32 $0x80, s16;
	(pc) =	sbr.rel @p1 .LBB2_5-.Ltmp4, $2  }
0x56: {  	_ =	sdelay $0x2  }
0x57: {  	s15 =	sadd.s32 $0x400, s15;
	s17 =	sadd.s32 s17, s13  }
.Ltmp5:
0x58: {  	_ = 	snop;
	(pc) =	sbr.rel .LBB2_6-.Ltmp5, $1  }
0x59: {  	_ =	sdelay $0x3  }
.LBB2_8:
0x5a: {  	_ =	sfence.sel $0x180000  }
0x5b: {  	s2 =	simm.s32 $0x2;
	[bflag:$0x0] =	sbarrier.arrive $0xFFFF  }
0x5c: {  	s30 =	simm.s32 $0x3;
	[sflag:s2] =	ssyncpa.u1 $0x1  }
0x5d: {  	s31 =	simm.s32 $0x1;
	[sflag:s30] =	ssyncpa.u1 $0x1  }
0x5e: {  	[sflag:s31] =	ssyncpa.u1 $0x1  }
0x5f: {  	p0 =	sne.s32 s0, $0x0;
	_ =	strace $0x9000004D  }
0x60: {  	s0 =	sadd.s32 @!p0 $0x100000, s1;
	[bflag:$0x2] =	sbarrier.arrive $0xFFFF  }
0x61: {  	[sflag:s0] =	ssyncadd.tile.s32 @!p0 $0x1;
	_ =	shalt  }
.Lfunc_end2:
_tile_overlayer_lowered:
.L_overlay_start_2:
0x62: {  	(tag) =	ssettag $0x2  }
0x63: {  	s0 =	rddreg [dreg:$0x0];
	s2 =	stileid.u32  }
0x64: {  	s1 =	rddreg [dreg:$0x1];
	p0 =	sne.s32 s2, $0x0  }
0x65: {  	s3 =	rddreg [dreg:$0x2];
	[bflag:$0x3] =	sbarrier.arrive $0xFFFF;
	s2 =	simm.s32 @!p0 $0x1C01  }
0x66: {  	[timem:s3], [sflag:s2] =	dma.local @!p0 [hbm:s0], s1  }
0x67: {  	s0 =	simm.s32 @!p0 $0x1  }
0x68: {  	_ =	swait.ge @!p0 [sflag:s0], s1  }
0x69: {  	s1 =	ssub.s32 @!p0 $0x0, s1;
	[sflag:s0] =	ssyncset.done @!p0 $0x0  }
0x6a: {  	[sflag:s0] =	ssyncadd.s32 @!p0 s1  }
0x6b: {  	[bflag:$0x3] =	sbarrier.arrive $0xFFFF  }
0x6c: {  	_ =	shalt  }

// kernel: gather_offload_async_start.3
scs
__scs_entry_jumppad:
0x0: {  	(pc) =	sbr.rel $0x88, $3  }
0x1: {  	(tag) =	ssettag $0x0;
	lr =	simm.s32 $0x1  }
0x2: {  	[smem:$0x3F98] =	sst lr;
	_ =	strace $0xD0000000  }
0x3: {  	_ = 	snop  }
0x4: {  	_ = 	snop  }
0x5: {  	_ = 	snop  }
0x6: {  	_ = 	snop  }
0x7: {  	_ = 	snop  }
__scs_overlays_trampoline_lowered:
0x8: {  	[smem:$0x3FA7] =	sst s0  }
0x9: {  	[smem:$0x3FA8] =	sst s1  }
0xa: {  	[smem:$0x3FA9] =	sst s2  }
0xb: {  	[smem:$0x3FAA] =	sst s3  }
0xc: {  	[smem:$0x3FAB] =	sst s4  }
0xd: {  	[smem:$0x3FAC] =	sst s5  }
0xe: {  	[smem:$0x3FAD] =	sst s6  }
0xf: {  	[smem:$0x3FAE] =	sst s7  }
0x10: {  	[smem:$0x3FAF] =	sst s8  }
0x11: {  	[smem:$0x3FB0] =	sst s9;
	s0 =	simm.s32 @!p0 $0x0  }
0x12: {  	s1 =	sld [smem:$0x3F96];
	s0 =	simm.s32 @p0 $0x1  }
0x13: {  	[smem:$0x3FB1] =	sst s0;
	s0 =	simm.s32 @!p1 $0x0  }
0x14: {  	s2 =	sld [smem:$0x3F95];
	s0 =	simm.s32 @p1 $0x1  }
0x15: {  	[smem:$0x3FB2] =	sst s0;
	s0 =	simm.s32 @!p2 $0x0  }
0x16: {  	s3 =	sld [smem:$0x3FDB];
	s0 =	simm.s32 @p2 $0x1  }
0x17: {  	s4 =	simm.s32 $0x1BF5;
	[smem:$0x3FB4] =	sst s0  }
0x18: {  	s0 =	sld [smem:$0x3F97];
	_ =	swait.ge [sflag:s4], $0x0  }
0x19: {  	s7 =	sld [smem:$0x3F98]  }
0x1a: {  	s8 =	sadd.s32 $0xFFFFE003, lr  }
0x1b: {  	s9 =	sadd.s32 $0xFFFFFEF7, lr;
	s5 =	simm.s32 $0xFFFFFFFF;
	p2 =	slt.u32 s8, $0xFFFFF086  }
0x1c: {  	p1 =	slt.u32 s9, $0xF7A;
	s5 =	simm.s32 @!p2 $0x0  }
0x1d: {  	s5 =	simm.s32 @p1 $0x1;
	p0 =	seq.s32 s7, s2  }
0x1e: {  	s7 =	smul.u32 @!p0 $0xF7A, s2;
	p2 =	seq.s32 @!p0 s5, $0x0  }
0x1f: {  	s9 =	smul.u32 $0xF7A, s1;
	s8 =	simm.s32 @!p0 $0x1BF5;
	p2 =	por !p2, p0  }
0x20: {  	[sflag:s8] =	ssyncset.s32 @!p0 $0xFFFFF086;
	s6 =	sadd.s32 @!p0 s3, s7;
	s7 =	simm.s32 @!p0 $0x108  }
0x21: {  	s3 =	sadd.s32 s3, s9;
	s6 =	sadd.s32 @!p0 $0x88, s6;
	s7 =	simm.s32 @p2 $0x1082  }
0x22: {  	[simem:s7], [sflag:s8] =	dma.local @!p0 [hbm:s6], $0xF7A  }
0x23: {  	s9 =	sor.u32 $0xD0000000, s2;
	s6 =	simm.s32 $0x108;
	_ =	swait.ge @!p0 [sflag:s8], $0x0  }
0x24: {  	s3 =	sadd.s32 $0x88, s3;
	s6 =	simm.s32 @!p1 $0x1082;
	[sflag:s4] =	ssyncset.s32 $0xFFFFF086  }
0x25: {  	[simem:s6], [sflag:s4] =	dma.local [hbm:s3], $0xF7A  }
0x26: {  	[smem:$0x3F98] =	sst s1;
	(tag) =	ssettag s2;
	_ =	strace s9  }
0x27: {  	s1 =	sld [smem:$0x3FA8]  }
0x28: {  	s2 =	sld [smem:$0x3FA9]  }
0x29: {  	s4 =	sld [smem:$0x3FAB]  }
0x2a: {  	p0 =	seq.s32 s5, $0x0;
	s5 =	sld [smem:$0x3FAC]  }
0x2b: {  	s6 =	sld [smem:$0x3FAD]  }
0x2c: {  	s7 =	sld [smem:$0x3FAE]  }
0x2d: {  	s3 =	simm.s32 $0x108;
	s8 =	sld [smem:$0x3FAF]  }
0x2e: {  	s3 =	simm.s32 @!p0 $0x1082;
	s9 =	sld [smem:$0x3FB0]  }
0x2f: {  	lr =	sadd.s32 s0, s3;
	s0 =	sld [smem:$0x3FA7]  }
0x30: {  	s3 =	sld [smem:$0x3FAA]  }
0x31: {  	[smem:$0x3FB3] =	sst s10  }
0x32: {  	s10 =	sld [smem:$0x3FB1];
	_ =	sdelay $0x3  }
0x33: {  	p0 =	seq.s32 s10, $0x1;
	s10 =	sld [smem:$0x3FB3];
	_ =	sdelay $0x3  }
0x34: {  	[smem:$0x3FB3] =	sst s10  }
0x35: {  	s10 =	sld [smem:$0x3FB2];
	_ =	sdelay $0x3  }
0x36: {  	p1 =	seq.s32 s10, $0x1;
	s10 =	sld [smem:$0x3FB3];
	_ =	sdelay $0x3  }
0x37: {  	[smem:$0x3FB3] =	sst s10  }
0x38: {  	s10 =	sld [smem:$0x3FB4]  }
0x39: {  	_ = 	snop;
	(pc) =	sbr.ind lr, $3  }
0x3a: {  	_ = 	snop  }
0x3b: {  	_ = 	snop  }
0x3c: {  	p2 =	seq.s32 s10, $0x1;
	s10 =	sld [smem:$0x3FB3]  }
0x3d: {  	_ =	shalt  }
0x3e: {  	_ =	shalt  }
0x3f: {  	_ =	shalt  }
0x40: {  	_ =	shalt  }
0x41: {  	_ =	shalt  }
0x42: {  	_ =	shalt  }
0x43: {  	_ =	shalt  }
0x44: {  	_ =	shalt  }
0x45: {  	_ =	shalt  }
0x46: {  	_ =	shalt  }
0x47: {  	_ =	shalt  }
0x48: {  	_ =	shalt  }
0x49: {  	_ =	shalt  }
0x4a: {  	_ =	shalt  }
0x4b: {  	_ =	shalt  }
0x4c: {  	_ =	shalt  }
0x4d: {  	_ =	shalt  }
0x4e: {  	_ =	shalt  }
0x4f: {  	_ =	shalt  }
0x50: {  	_ =	shalt  }
0x51: {  	_ =	shalt  }
0x52: {  	_ =	shalt  }
0x53: {  	_ =	shalt  }
0x54: {  	_ =	shalt  }
0x55: {  	_ =	shalt  }
0x56: {  	_ =	shalt  }
0x57: {  	_ =	shalt  }
0x58: {  	_ =	shalt  }
0x59: {  	_ =	shalt  }
0x5a: {  	_ =	shalt  }
0x5b: {  	_ =	shalt  }
0x5c: {  	_ =	shalt  }
0x5d: {  	_ =	shalt  }
0x5e: {  	_ =	shalt  }
0x5f: {  	_ =	shalt  }
0x60: {  	_ =	shalt  }
0x61: {  	_ =	shalt  }
0x62: {  	_ =	shalt  }
0x63: {  	_ =	shalt  }
0x64: {  	_ =	shalt  }
0x65: {  	_ =	shalt  }
0x66: {  	_ =	shalt  }
0x67: {  	_ =	shalt  }
0x68: {  	_ =	shalt  }
0x69: {  	_ =	shalt  }
0x6a: {  	_ =	shalt  }
0x6b: {  	_ =	shalt  }
0x6c: {  	_ =	shalt  }
0x6d: {  	_ =	shalt  }
0x6e: {  	_ =	shalt  }
0x6f: {  	_ =	shalt  }
0x70: {  	_ =	shalt  }
0x71: {  	_ =	shalt  }
0x72: {  	_ =	shalt  }
0x73: {  	_ =	shalt  }
0x74: {  	_ =	shalt  }
0x75: {  	_ =	shalt  }
0x76: {  	_ =	shalt  }
0x77: {  	_ =	shalt  }
0x78: {  	_ =	shalt  }
0x79: {  	_ =	shalt  }
0x7a: {  	_ =	shalt  }
0x7b: {  	_ =	shalt  }
0x7c: {  	_ =	shalt  }
0x7d: {  	_ =	shalt  }
0x7e: {  	_ =	shalt  }
0x7f: {  	_ =	shalt  }
0x80: {  	_ =	shalt  }
0x81: {  	_ =	shalt  }
0x82: {  	_ =	shalt  }
0x83: {  	_ =	shalt  }
0x84: {  	_ =	shalt  }
0x85: {  	_ =	shalt  }
0x86: {  	_ =	shalt  }
0x87: {  	_ =	shalt  }
.Lfunc_end0:
.L_simem_size_0:
called_computation.3_lowered:
.L_overlay_start_0:
0x88: {  	s2 =	sld [smem:$0x3FD9]  }
0x89: {  	s3 =	sld [smem:$0x3FFE];
	_ =	sdelay $0x1  }
0x8a: {  	s1 =	srdreg.scid  }
0x8b: {  	s0 =	sand.u32 $0x1, s1  }
0x8c: {  	s15 =	sshll.u32 s0, $0xA;
	s2 =	sadd.s32 s3, s2  }
0x8d: {  	s2 =	sadd.s32 s2, s15  }
0x8e: {  	[smem:$0x3FBF] =	sst s2  }
0x8f: {  	_ = 	snop  }
0x90: {  	s2 =	sld [smem:$0x3FD0];
	_ =	sdelay $0x2  }
0x91: {  	s16 =	simm.s32 $0xC;
	s4 =	simm.s32 $0x10  }
0x92: {  	[smem:s4], [sflag:s16] =	dma.local [hbm:s2], $0x1  }
0x93: {  	_ =	swait.eq [sflag:s16], $0x1  }
0x94: {  	[sflag:s16] =	ssyncset.done $0x0  }
0x95: {  	[sflag:s16] =	ssyncadd.s32 $0xFFFFFFFF  }
0x96: {  	s17 =	sld [smem:$0x10];
	(tm) =	ssettm $0x1  }
0x97: {  	s18 =	sld [smem:$0x3FFB];
	_ =	sdelay $0x3  }
0x98: {  	_ =	strace s18  }
0x99: {  	s2 =	sld [smem:$0x3FFC];
	_ =	sdelay $0x3  }
0x9a: {  	_ =	strace s2  }
0x9b: {  	s2 =	sld [smem:$0x3FFD];
	_ =	sdelay $0x3  }
0x9c: {  	_ =	strace s2  }
0x9d: {  	_ =	strace $0x8FFFFFFF  }
0x9e: {  	s19 =	sld [smem:$0x3FDB];
	_ =	sdelay $0x1  }
0x9f: {  	s20 =	simm.s32 $_scs_section_size  }
0xa0: {  	s5 =	simm.s32 $_size__tile_overlayer_lowered;
	s6 =	simm.s32 $_tile_overlayer_lowered  }
0xa1: {  	s7 =	simm.s32 $0x1BFF;
	s21 =	sshll.u32 s6, $0x1;
	s4 =	sadd.s32 s20, s19  }
0xa2: {  	s22 =	simm.s32 $0x0;
	s5 =	sshll.u32 s5, $0x1;
	s6 =	sadd.s32 s21, s4  }
0xa3: {  	[timem:s22], [sflag:s7] =	dma.local [hbm:s6], s5  }
0xa4: {  	_ =	swait.ge [sflag:s7], s5  }
0xa5: {  	s5 =	ssub.s32 $0x0, s5;
	[sflag:s7] =	ssyncset.done $0x0  }
0xa6: {  	[sflag:s7] =	ssyncadd.s32 s5;
	_ =	sdelay $0x1  }
0xa7: {  	s23 =	simm.s32 $0x1B8B  }
0xa8: {  	_ =	swait.ge [sflag:s23], $0x1  }
0xa9: {  	[sflag:s23] =	ssyncset.done $0x0  }
0xaa: {  	[sflag:s23] =	ssyncadd.s32 $0xFFFFFFFF  }
0xab: {  	s5 =	sld [smem:$0x0]  }
0xac: {  	s6 =	sand.u32 $0xFFFFFFFE, s1  }
0xad: {  	p0 =	sne.s32 s1, s6  }
0xae: {  	s6 =	sshll.u32 @p0 s6, $0xE  }
0xaf: {  	s6 =	sadd.s32 @p0 $0x11B8D, s6;
	s7 =	sshll.u32 @p0 s5, $0x11  }
0xb0: {  	s6 =	sor.u32 @p0 s7, s6  }
0xb1: {  	[sflag:s6] =	ssyncadd.remote.s32 @p0 $0x1;
	_ =	sdelay $0x1  }
0xb2: {  	s6 =	simm.s32 @p0 $0x1B8D  }
0xb3: {  	_ =	swait.eq @p0 [sflag:s6], $0x1  }
0xb4: {  	[sflag:s6] =	ssyncadd.s32 @p0 $0xFFFFFFFF  }
0xb5: {  	s7 =	sshll.u32 @!p0 s1, $0xE  }
0xb6: {  	s7 =	sor.u32 @!p0 $0x4000, s7;
	s6 =	simm.s32 @!p0 $0x1B8D  }
0xb7: {  	s5 =	sshll.u32 @!p0 s5, $0x11;
	s7 =	sadd.s32 @!p0 $0x11B8D, s7;
	_ =	swait.eq @!p0 [sflag:s6], $0x1  }
0xb8: {  	s5 =	sor.u32 @!p0 s5, s7;
	[sflag:s6] =	ssyncadd.s32 @!p0 $0xFFFFFFFF  }
0xb9: {  	s25 =	simm.s32 $0x1B8E;
	s24 =	sld [smem:$0x3FFE];
	[sflag:s5] =	ssyncadd.remote.s32 @!p0 $0x1  }
0xba: {  	s26 =	simm.s32 $execute0_lowered;
	[smem:$0x3FD2] =	sst s25  }
0xbb: {  	s6 =	sshll.u32 s26, $0x1;
	_ =	strace $0x80000052;
	[dreg:$0x1] =	wrdreg $0xFFFFFFFF  }
0xbc: {  	s28 =	simm.s32 $_size_execute0_lowered;
	s4 =	sadd.s32 s4, s6;
	[dreg:$0x0] =	wrdreg $0x0  }
0xbd: {  	s6 =	sshll.u32 s28, $0x1;
	[dreg:$0x2] =	wrdreg s4  }
0xbe: {  	[dreg:$0x3] =	wrdreg s6  }
0xbf: {  	[dreg:$0x4] =	wrdreg $0xC0  }
0xc0: {  	_ =	task [dreg:s22], $0x5FFFF  }
0xc1: {  	[dreg:$0x1] =	wrdreg $0xFFFFFFFF  }
0xc2: {  	[dreg:$0x0] =	wrdreg $0x60  }
0xc3: {  	[dreg:$0x2] =	wrdreg s24  }
0xc4: {  	[dreg:$0x3] =	wrdreg s17  }
0xc5: {  	[dreg:$0x4] =	wrdreg $0x9  }
0xc6: {  	_ =	task.clear_ibuf [dreg:s22], $0x5FFFF;
	_ =	strace $0x90000052  }
0xc7: {  	s29 =	simm.s32 $0x9;
	_ =	strace $0x80000054  }
0xc8: {  	_ =	swait.ge [sflag:s29], $0x1  }
0xc9: {  	[sflag:s29] =	ssyncadd.s32 $0xFFFFFFFF  }
0xca: {  	_ =	strace $0x90000054  }
0xcb: {  	_ =	sfence  }
0xcc: {  	s30 =	sld [smem:$0x0];
	_ =	sdelay $0x2  }
0xcd: {  	s31 =	sshll.u32 s1, $0xD;
	s1 =	sshrl.u32 s1, $0x2  }
0xce: {  	s4 =	sand.u32 $0x4000, s31;
	s1 =	sadd.s32 s1, s30  }
0xcf: {  	s0 =	sor.u32 s4, s0;
	s1 =	sshll.u32 s1, $0x11  }
0xd0: {  	s0 =	sor.u32 s1, s0  }
0xd1: {  	s0 =	sadd.s32 $0x8F2B, s0  }
0xd2: {  	[sflag:s0] =	ssyncadd.remote.s32 $0x1  }
0xd3: {  	_ =	sfence.sel $0xFFFF  }
0xd4: {  	[dreg:$0x0] =	wrdreg $0xFFFFFFFF;
	(pc) =	sbr.abs _section_cstart, $3  }
0xd5: {  	[dreg:$0x1] =	wrdreg $0xFFFFFFFF  }
0xd6: {  	_ =	task.clear_ibuf [dreg:s22], $0x2FFFF;
	_ =	strace $0x9FFFFFFF  }
0xd7: {  	(tm) =	ssettm $0x7FFFFFFF  }
tec
execute0_lowered:
.L_overlay_start_1:
0x0: {  	(tag) =	ssettag $0x1  }
0x1: {  	s5 =	rddreg [dreg:$0x0];
	s0 =	srdreg.scid  }
0x2: {  	s2 =	rddreg [dreg:$0x1];
	s1 =	stileid.u32;
	s6 =	simm.s32 $0x1  }
0x3: {  	s9 =	simm.s32 $0x1;
	s10 =	simm.s32 $0x3;
	s3 =	sshll.u32 s0, $0xC  }
0x4: {  	s13 =	simm.s32 $0x0;
	s4 =	sshll.u32 s1, $0xD;
	s3 =	sand.u32 $0x1000, s3  }
0x5: {  	s0 =	rddreg [dreg:$0x2];
	_ =	strace $0x80000053;
	s3 =	sor.u32 s4, s3  }
0x6: {  	s12 =	simm.s32 $0x0;
	[sflag:s6] =	ssyncpa.u1 $0x0;
	s8 =	ssub.s32 $0x2C000, s3  }
.Ltmp0:
0x7: {  	s4 =	sadd.s32 $0x281200, s5;
	s7 =	sand.u32 $0x1F000, s8;
	(pc) =	sbr.rel .LBB2_1-.Ltmp0, $4  }
0x8: {  	s5 =	sadd.s32 $0x65BC00, s5;
	s11 =	smov.u32 s3;
	p0 =	sne.s32 s7, $0x0  }
0x9: {  	s8 =	sshrl.u32 s8, $0x11;
	s7 =	simm.s32 $0x2;
	s9 =	simm.s32 @!p0 $0x0  }
0xa: {  	[sflag:s7] =	ssyncpa.u1 $0x0;
	p0 =	por $0x0, $0x0;
	s8 =	sadd.s32 s9, s8  }
0xb: {  	vm0 =	vmmov $0xffff;
	[sflag:s10] =	ssyncpa.u1 $0x0;
	s10 =	simm.s32 $0x0;
	s9 =	sadd.s32 $0x1, s8  }
.LBB2_4:
0xc: {  	v2 =	vnsel vm1, $0x0, v2  }
0xd: {  	vm1 =	vgt.s32 v0, $0x0;
	v2 =	vmin.u32 v2, $0x270FF  }
0xe: {  	v0 =	vnsel vm1, $0x0, v0  }
0xf: {  	v0 =	vmin.u32 v0, $0x270FF  }
0x10: {  	[tilespmem:s15], [sflag:$0x1] =	stream.indirect_vreg.gather [hbm4b:s4+s10], $0x1, v1, vm0, $0x4038;
	[tilespmem:$0x4000] =	vst v63  }
0x11: {  	(ifvalue) =	ssetifvalue $0x7FFFFFFF  }
0x12: {  	[tilespmem:s16], [sflag:$0x1] =	stream.indirect_vreg.gather [hbm4b:s4+s10], $0x1, v2, vm0, $0x4038;
	[tilespmem:$0x4000] =	vst v63  }
0x13: {  	s29 =	sadd.s32 $0x10, s16;
	(ifvalue) =	ssetifvalue $0x7FFFFFFF  }
0x14: {  	[tilespmem:s29], [sflag:$0x1] =	stream.indirect_vreg.gather [hbm4b:s4+s10], $0x1, v0, vm0, $0x4038;
	[tilespmem:$0x4000] =	vst v63  }
0x15: {  	_ =	swait.ge [sflag:s6], $0x1000  }
0x16: {  	s30 =	sshrl.u32 s13, $0x3;
	[sflag:s6] =	ssyncset.done $0x0  }
0x17: {  	s31 =	sand.u32 $0x7, s13;
	s15 =	sadd.s32 s5, s30;
	[sflag:s6] =	ssyncadd.s32 $0xFFFFF000  }
0x18: {  	[hbm4b:s15+s31] =	stream.linear.scatter [tilespmem:s14], [sflag:$0x3], $0x1000, $0x38;
	[tilespmem:$0x4000] =	vst v63  }
.LBB2_5:
0x19: {  	s15 =	sadd.s32 $0x20000, s11  }
0x1a: {  	p2 =	sgt.s32 s15, $0x2BFFF  }
0x1b: {  	s15 =	smov.u32 @p2 s3;
	p2 =	sne.s32 s12, s9  }
.Ltmp1:
0x1c: {  	p1 =	slt.u32 s12, $0x2;
	(pc) =	sbr.rel @!p2 .LBB2_6-.Ltmp1, $4  }
0x1d: {  	s14 =	simm.s32 @!p1 $0x3  }
0x1e: {  	s16 =	sadd.s32 $0x1, s12;
	_ =	swait.ge @!p1 [sflag:s14], $0x1000  }
0x1f: {  	s13 =	smov.u32 s11;
	p0 =	por !p0, !p0;
	[sflag:s14] =	ssyncset.done @!p1 $0x0  }
0x20: {  	s12 =	smov.u32 s16;
	s11 =	smov.u32 s15;
	[sflag:s14] =	ssyncadd.s32 @!p1 $0xFFFFF000  }
.LBB2_1:
0x21: {  	p1 =	sge.u32 s12, s8  }
0x22: {  	s14 =	sxor.u32 @!p1 $0xFFFFFFFF, s12  }
0x23: {  	s31 =	sadd.s32 $0xFFFFFFFF, s12;
	s15 =	sshrl.u32 @!p1 s11, $0x3;
	s14 =	sshll.u32 @!p1 s14, $0xC  }
0x24: {  	s16 =	sand.u32 @!p1 $0x7, s11;
	s15 =	sadd.s32 @!p1 s2, s15;
	s14 =	sand.u32 @!p1 $0x1000, s14  }
0x25: {  	[tilespmem:s14], [sflag:$0x2] =	stream.linear.gather @!p1 [hbm4b:s15+s16], $0x1000, $0x38;
	[tilespmem:$0x4000] =	vst v63  }
0x26: {  	p1 =	sge.u32 s31, s8  }
.Ltmp2:
0x27: {  	_ = 	snop;
	(pc) =	sbr.rel @p1 .LBB2_5-.Ltmp2, $1  }
0x28: {  	_ =	sdelay $0x3  }
0x29: {  	s14 =	simm.s32 $0x1  }
0x2a: {  	_ =	swait.ge [sflag:s7], $0x1000;
	s14 =	simm.s32 @!p0 $0x0  }
0x2b: {  	[sflag:s7] =	ssyncset.done $0x0;
	s14 =	sshll.u32 s14, $0xC  }
0x2c: {  	[sflag:s7] =	ssyncadd.s32 $0xFFFFF000;
	(ifvalue) =	ssetifvalue $0x7FFFFFFF;
	v0 =	vld.msk [tilespmem:s14+$0x0 ss:$0x1], $0xffff;
	_ =	sdelay $0x4  }
0x2d: {  	s15 =	sadd.s32 $0x10, s14;
	vm1 =	vgt.s32 v0, $0x0  }
0x2e: {  	v2 =	vld.msk [tilespmem:s15+$0x0 ss:$0x1], $0xffff;
	v1 =	vnsel vm1, $0x0, v0  }
0x2f: {  	v1 =	vmin.u32 v1, $0x270FF;
	_ =	sdelay $0x1  }
0x30: {  	s16 =	sshll.u32 s12, $0xC;
	s18 =	simm.s32 $0x20  }
0x31: {  	s16 =	sand.u32 $0x1000, s16;
	s17 =	sadd.s32 $0x10, s15;
	s15 =	sor.u32 $0x2000, s14  }
0x32: {  	s14 =	sor.u32 $0x2000, s16;
	s16 =	sadd.s32 $0x10, s15;
	v0 =	vld.msk [tilespmem:s17+$0x0 ss:$0x1], $0xffff;
	vm1 =	vgt.s32 v2, $0x0;
	(ifvalue) =	ssetifvalue $0x7FFFFFFF  }
.LBB2_3:
0x33: {  	[tilespmem:s15], [sflag:$0x1] =	stream.indirect_vreg.gather [hbm4b:s4+s10], $0x1, v1, vm0, $0x4038;
	[tilespmem:$0x4000] =	vst v63  }
0x34: {  	s18 =	sadd.s32 $0x10, s18  }
0x35: {  	v2 =	vnsel vm1, $0x0, v2;
	p1 =	slt.u32 s18, $0xFF0  }
.Ltmp3:
0x36: {  	s15 =	smov.u32 s16;
	v1 =	vmin.u32 v2, $0x270FF;
	(pc) =	sbr.rel @p1 .LBB2_3-.Ltmp3, $3  }
0x37: {  	_ =	sdelay $0x1  }
0x38: {  	s17 =	sadd.s32 $0x10, s17  }
0x39: {  	vm1 =	vgt.s32 v0, $0x0;
	s16 =	sadd.s32 $0x10, s16;
	v2 =	vmov v0;
	(ifvalue) =	ssetifvalue $0x7FFFFFFF;
	v0 =	vld.msk [tilespmem:s17+$0x0 ss:$0x1], $0xffff  }
.Ltmp4:
0x3a: {  	_ = 	snop;
	(pc) =	sbr.rel .LBB2_4-.Ltmp4, $1  }
0x3b: {  	_ =	sdelay $0x3  }
.LBB2_6:
0x3c: {  	_ =	sfence.sel $0x180000  }
0x3d: {  	s2 =	simm.s32 $0x2;
	[bflag:$0x0] =	sbarrier.arrive $0xFFFF  }
0x3e: {  	s30 =	simm.s32 $0x3;
	[sflag:s2] =	ssyncpa.u1 $0x1  }
0x3f: {  	s31 =	simm.s32 $0x1;
	[sflag:s30] =	ssyncpa.u1 $0x1  }
0x40: {  	[sflag:s31] =	ssyncpa.u1 $0x1  }
0x41: {  	p0 =	sne.s32 s1, $0x0;
	_ =	strace $0x90000053  }
0x42: {  	s0 =	sadd.s32 @!p0 $0x100000, s0;
	[bflag:$0x2] =	sbarrier.arrive $0xFFFF  }
0x43: {  	[sflag:s0] =	ssyncadd.tile.s32 @!p0 $0x1;
	_ =	shalt  }
.Lfunc_end2:
_tile_overlayer_lowered:
.L_overlay_start_2:
0x44: {  	(tag) =	ssettag $0x2  }
0x45: {  	s0 =	rddreg [dreg:$0x0];
	s2 =	stileid.u32  }
0x46: {  	s1 =	rddreg [dreg:$0x1];
	p0 =	sne.s32 s2, $0x0  }
0x47: {  	s3 =	rddreg [dreg:$0x2];
	[bflag:$0x3] =	sbarrier.arrive $0xFFFF;
	s2 =	simm.s32 @!p0 $0x1C01  }
0x48: {  	[timem:s3], [sflag:s2] =	dma.local @!p0 [hbm:s0], s1  }
0x49: {  	s0 =	simm.s32 @!p0 $0x1  }
0x4a: {  	_ =	swait.ge @!p0 [sflag:s0], s1  }
0x4b: {  	s1 =	ssub.s32 @!p0 $0x0, s1;
	[sflag:s0] =	ssyncset.done @!p0 $0x0  }
0x4c: {  	[sflag:s0] =	ssyncadd.s32 @!p0 s1  }
0x4d: {  	[bflag:$0x3] =	sbarrier.arrive $0xFFFF  }
0x4e: {  	_ =	shalt  }

// kernel: gather_offload_async_start.4
scs
__scs_entry_jumppad:
0x0: {  	(pc) =	sbr.rel $0x88, $3  }
0x1: {  	(tag) =	ssettag $0x0;
	lr =	simm.s32 $0x1  }
0x2: {  	[smem:$0x3F98] =	sst lr;
	_ =	strace $0xD0000000  }
0x3: {  	_ = 	snop  }
0x4: {  	_ = 	snop  }
0x5: {  	_ = 	snop  }
0x6: {  	_ = 	snop  }
0x7: {  	_ = 	snop  }
__scs_overlays_trampoline_lowered:
0x8: {  	[smem:$0x3FA7] =	sst s0  }
0x9: {  	[smem:$0x3FA8] =	sst s1  }
0xa: {  	[smem:$0x3FA9] =	sst s2  }
0xb: {  	[smem:$0x3FAA] =	sst s3  }
0xc: {  	[smem:$0x3FAB] =	sst s4  }
0xd: {  	[smem:$0x3FAC] =	sst s5  }
0xe: {  	[smem:$0x3FAD] =	sst s6  }
0xf: {  	[smem:$0x3FAE] =	sst s7  }
0x10: {  	[smem:$0x3FAF] =	sst s8  }
0x11: {  	[smem:$0x3FB0] =	sst s9;
	s0 =	simm.s32 @!p0 $0x0  }
0x12: {  	s1 =	sld [smem:$0x3F96];
	s0 =	simm.s32 @p0 $0x1  }
0x13: {  	[smem:$0x3FB1] =	sst s0;
	s0 =	simm.s32 @!p1 $0x0  }
0x14: {  	s2 =	sld [smem:$0x3F95];
	s0 =	simm.s32 @p1 $0x1  }
0x15: {  	[smem:$0x3FB2] =	sst s0;
	s0 =	simm.s32 @!p2 $0x0  }
0x16: {  	s3 =	sld [smem:$0x3FDB];
	s0 =	simm.s32 @p2 $0x1  }
0x17: {  	s4 =	simm.s32 $0x1BF5;
	[smem:$0x3FB4] =	sst s0  }
0x18: {  	s0 =	sld [smem:$0x3F97];
	_ =	swait.ge [sflag:s4], $0x0  }
0x19: {  	s7 =	sld [smem:$0x3F98]  }
0x1a: {  	s8 =	sadd.s32 $0xFFFFE003, lr  }
0x1b: {  	s9 =	sadd.s32 $0xFFFFFEF7, lr;
	s5 =	simm.s32 $0xFFFFFFFF;
	p2 =	slt.u32 s8, $0xFFFFF086  }
0x1c: {  	p1 =	slt.u32 s9, $0xF7A;
	s5 =	simm.s32 @!p2 $0x0  }
0x1d: {  	s5 =	simm.s32 @p1 $0x1;
	p0 =	seq.s32 s7, s2  }
0x1e: {  	s7 =	smul.u32 @!p0 $0xF7A, s2;
	p2 =	seq.s32 @!p0 s5, $0x0  }
0x1f: {  	s9 =	smul.u32 $0xF7A, s1;
	s8 =	simm.s32 @!p0 $0x1BF5;
	p2 =	por !p2, p0  }
0x20: {  	[sflag:s8] =	ssyncset.s32 @!p0 $0xFFFFF086;
	s6 =	sadd.s32 @!p0 s3, s7;
	s7 =	simm.s32 @!p0 $0x108  }
0x21: {  	s3 =	sadd.s32 s3, s9;
	s6 =	sadd.s32 @!p0 $0x88, s6;
	s7 =	simm.s32 @p2 $0x1082  }
0x22: {  	[simem:s7], [sflag:s8] =	dma.local @!p0 [hbm:s6], $0xF7A  }
0x23: {  	s9 =	sor.u32 $0xD0000000, s2;
	s6 =	simm.s32 $0x108;
	_ =	swait.ge @!p0 [sflag:s8], $0x0  }
0x24: {  	s3 =	sadd.s32 $0x88, s3;
	s6 =	simm.s32 @!p1 $0x1082;
	[sflag:s4] =	ssyncset.s32 $0xFFFFF086  }
0x25: {  	[simem:s6], [sflag:s4] =	dma.local [hbm:s3], $0xF7A  }
0x26: {  	[smem:$0x3F98] =	sst s1;
	(tag) =	ssettag s2;
	_ =	strace s9  }
0x27: {  	s1 =	sld [smem:$0x3FA8]  }
0x28: {  	s2 =	sld [smem:$0x3FA9]  }
0x29: {  	s4 =	sld [smem:$0x3FAB]  }
0x2a: {  	p0 =	seq.s32 s5, $0x0;
	s5 =	sld [smem:$0x3FAC]  }
0x2b: {  	s6 =	sld [smem:$0x3FAD]  }
0x2c: {  	s7 =	sld [smem:$0x3FAE]  }
0x2d: {  	s3 =	simm.s32 $0x108;
	s8 =	sld [smem:$0x3FAF]  }
0x2e: {  	s3 =	simm.s32 @!p0 $0x1082;
	s9 =	sld [smem:$0x3FB0]  }
0x2f: {  	lr =	sadd.s32 s0, s3;
	s0 =	sld [smem:$0x3FA7]  }
0x30: {  	s3 =	sld [smem:$0x3FAA]  }
0x31: {  	[smem:$0x3FB3] =	sst s10  }
0x32: {  	s10 =	sld [smem:$0x3FB1];
	_ =	sdelay $0x3  }
0x33: {  	p0 =	seq.s32 s10, $0x1;
	s10 =	sld [smem:$0x3FB3];
	_ =	sdelay $0x3  }
0x34: {  	[smem:$0x3FB3] =	sst s10  }
0x35: {  	s10 =	sld [smem:$0x3FB2];
	_ =	sdelay $0x3  }
0x36: {  	p1 =	seq.s32 s10, $0x1;
	s10 =	sld [smem:$0x3FB3];
	_ =	sdelay $0x3  }
0x37: {  	[smem:$0x3FB3] =	sst s10  }
0x38: {  	s10 =	sld [smem:$0x3FB4]  }
0x39: {  	_ = 	snop;
	(pc) =	sbr.ind lr, $3  }
0x3a: {  	_ = 	snop  }
0x3b: {  	_ = 	snop  }
0x3c: {  	p2 =	seq.s32 s10, $0x1;
	s10 =	sld [smem:$0x3FB3]  }
0x3d: {  	_ =	shalt  }
0x3e: {  	_ =	shalt  }
0x3f: {  	_ =	shalt  }
0x40: {  	_ =	shalt  }
0x41: {  	_ =	shalt  }
0x42: {  	_ =	shalt  }
0x43: {  	_ =	shalt  }
0x44: {  	_ =	shalt  }
0x45: {  	_ =	shalt  }
0x46: {  	_ =	shalt  }
0x47: {  	_ =	shalt  }
0x48: {  	_ =	shalt  }
0x49: {  	_ =	shalt  }
0x4a: {  	_ =	shalt  }
0x4b: {  	_ =	shalt  }
0x4c: {  	_ =	shalt  }
0x4d: {  	_ =	shalt  }
0x4e: {  	_ =	shalt  }
0x4f: {  	_ =	shalt  }
0x50: {  	_ =	shalt  }
0x51: {  	_ =	shalt  }
0x52: {  	_ =	shalt  }
0x53: {  	_ =	shalt  }
0x54: {  	_ =	shalt  }
0x55: {  	_ =	shalt  }
0x56: {  	_ =	shalt  }
0x57: {  	_ =	shalt  }
0x58: {  	_ =	shalt  }
0x59: {  	_ =	shalt  }
0x5a: {  	_ =	shalt  }
0x5b: {  	_ =	shalt  }
0x5c: {  	_ =	shalt  }
0x5d: {  	_ =	shalt  }
0x5e: {  	_ =	shalt  }
0x5f: {  	_ =	shalt  }
0x60: {  	_ =	shalt  }
0x61: {  	_ =	shalt  }
0x62: {  	_ =	shalt  }
0x63: {  	_ =	shalt  }
0x64: {  	_ =	shalt  }
0x65: {  	_ =	shalt  }
0x66: {  	_ =	shalt  }
0x67: {  	_ =	shalt  }
0x68: {  	_ =	shalt  }
0x69: {  	_ =	shalt  }
0x6a: {  	_ =	shalt  }
0x6b: {  	_ =	shalt  }
0x6c: {  	_ =	shalt  }
0x6d: {  	_ =	shalt  }
0x6e: {  	_ =	shalt  }
0x6f: {  	_ =	shalt  }
0x70: {  	_ =	shalt  }
0x71: {  	_ =	shalt  }
0x72: {  	_ =	shalt  }
0x73: {  	_ =	shalt  }
0x74: {  	_ =	shalt  }
0x75: {  	_ =	shalt  }
0x76: {  	_ =	shalt  }
0x77: {  	_ =	shalt  }
0x78: {  	_ =	shalt  }
0x79: {  	_ =	shalt  }
0x7a: {  	_ =	shalt  }
0x7b: {  	_ =	shalt  }
0x7c: {  	_ =	shalt  }
0x7d: {  	_ =	shalt  }
0x7e: {  	_ =	shalt  }
0x7f: {  	_ =	shalt  }
0x80: {  	_ =	shalt  }
0x81: {  	_ =	shalt  }
0x82: {  	_ =	shalt  }
0x83: {  	_ =	shalt  }
0x84: {  	_ =	shalt  }
0x85: {  	_ =	shalt  }
0x86: {  	_ =	shalt  }
0x87: {  	_ =	shalt  }
.Lfunc_end0:
.L_simem_size_0:
called_computation.4_lowered:
.L_overlay_start_0:
0x88: {  	s2 =	sld [smem:$0x3FD9]  }
0x89: {  	s3 =	sld [smem:$0x3FFE];
	_ =	sdelay $0x1  }
0x8a: {  	s1 =	srdreg.scid  }
0x8b: {  	s0 =	sand.u32 $0x1, s1  }
0x8c: {  	s15 =	sshll.u32 s0, $0xA;
	s2 =	sadd.s32 s3, s2  }
0x8d: {  	s2 =	sadd.s32 s2, s15  }
0x8e: {  	[smem:$0x3FBF] =	sst s2  }
0x8f: {  	_ = 	snop  }
0x90: {  	s2 =	sld [smem:$0x3FD0];
	_ =	sdelay $0x2  }
0x91: {  	s16 =	simm.s32 $0xC;
	s4 =	simm.s32 $0x10  }
0x92: {  	[smem:s4], [sflag:s16] =	dma.local [hbm:s2], $0x1  }
0x93: {  	_ =	swait.eq [sflag:s16], $0x1  }
0x94: {  	[sflag:s16] =	ssyncset.done $0x0  }
0x95: {  	[sflag:s16] =	ssyncadd.s32 $0xFFFFFFFF  }
0x96: {  	s17 =	sld [smem:$0x10];
	(tm) =	ssettm $0x1  }
0x97: {  	s18 =	sld [smem:$0x3FFB];
	_ =	sdelay $0x3  }
0x98: {  	_ =	strace s18  }
0x99: {  	s2 =	sld [smem:$0x3FFC];
	_ =	sdelay $0x3  }
0x9a: {  	_ =	strace s2  }
0x9b: {  	s2 =	sld [smem:$0x3FFD];
	_ =	sdelay $0x3  }
0x9c: {  	_ =	strace s2  }
0x9d: {  	_ =	strace $0x8FFFFFFF  }
0x9e: {  	s19 =	sld [smem:$0x3FDB];
	_ =	sdelay $0x1  }
0x9f: {  	s20 =	simm.s32 $_scs_section_size  }
0xa0: {  	s5 =	simm.s32 $_size__tile_overlayer_lowered;
	s6 =	simm.s32 $_tile_overlayer_lowered  }
0xa1: {  	s7 =	simm.s32 $0x1BFF;
	s21 =	sshll.u32 s6, $0x1;
	s4 =	sadd.s32 s20, s19  }
0xa2: {  	s22 =	simm.s32 $0x0;
	s5 =	sshll.u32 s5, $0x1;
	s6 =	sadd.s32 s21, s4  }
0xa3: {  	[timem:s22], [sflag:s7] =	dma.local [hbm:s6], s5  }
0xa4: {  	_ =	swait.ge [sflag:s7], s5  }
0xa5: {  	s5 =	ssub.s32 $0x0, s5;
	[sflag:s7] =	ssyncset.done $0x0  }
0xa6: {  	[sflag:s7] =	ssyncadd.s32 s5;
	_ =	sdelay $0x1  }
0xa7: {  	s23 =	simm.s32 $0x1B8B  }
0xa8: {  	_ =	swait.ge [sflag:s23], $0x1  }
0xa9: {  	[sflag:s23] =	ssyncset.done $0x0  }
0xaa: {  	[sflag:s23] =	ssyncadd.s32 $0xFFFFFFFF  }
0xab: {  	s5 =	sld [smem:$0x0]  }
0xac: {  	s6 =	sand.u32 $0xFFFFFFFE, s1  }
0xad: {  	p0 =	sne.s32 s1, s6  }
0xae: {  	s6 =	sshll.u32 @p0 s6, $0xE  }
0xaf: {  	s6 =	sadd.s32 @p0 $0x11B8D, s6;
	s7 =	sshll.u32 @p0 s5, $0x11  }
0xb0: {  	s6 =	sor.u32 @p0 s7, s6  }
0xb1: {  	[sflag:s6] =	ssyncadd.remote.s32 @p0 $0x1;
	_ =	sdelay $0x1  }
0xb2: {  	s6 =	simm.s32 @p0 $0x1B8D  }
0xb3: {  	_ =	swait.eq @p0 [sflag:s6], $0x1  }
0xb4: {  	[sflag:s6] =	ssyncadd.s32 @p0 $0xFFFFFFFF  }
0xb5: {  	s7 =	sshll.u32 @!p0 s1, $0xE  }
0xb6: {  	s7 =	sor.u32 @!p0 $0x4000, s7;
	s6 =	simm.s32 @!p0 $0x1B8D  }
0xb7: {  	s5 =	sshll.u32 @!p0 s5, $0x11;
	s7 =	sadd.s32 @!p0 $0x11B8D, s7;
	_ =	swait.eq @!p0 [sflag:s6], $0x1  }
0xb8: {  	s5 =	sor.u32 @!p0 s5, s7;
	[sflag:s6] =	ssyncadd.s32 @!p0 $0xFFFFFFFF  }
0xb9: {  	s25 =	simm.s32 $0x1B8E;
	s24 =	sld [smem:$0x3FFE];
	[sflag:s5] =	ssyncadd.remote.s32 @!p0 $0x1  }
0xba: {  	s26 =	simm.s32 $execute0_lowered;
	[smem:$0x3FD2] =	sst s25  }
0xbb: {  	s6 =	sshll.u32 s26, $0x1;
	_ =	strace $0x8000004F;
	[dreg:$0x1] =	wrdreg $0xFFFFFFFF  }
0xbc: {  	s28 =	simm.s32 $_size_execute0_lowered;
	s4 =	sadd.s32 s4, s6;
	[dreg:$0x0] =	wrdreg $0x0  }
0xbd: {  	s6 =	sshll.u32 s28, $0x1;
	[dreg:$0x2] =	wrdreg s4  }
0xbe: {  	[dreg:$0x3] =	wrdreg s6  }
0xbf: {  	[dreg:$0x4] =	wrdreg $0xC0  }
0xc0: {  	_ =	task [dreg:s22], $0x5FFFF  }
0xc1: {  	[dreg:$0x1] =	wrdreg $0xFFFFFFFF  }
0xc2: {  	[dreg:$0x0] =	wrdreg $0x60  }
0xc3: {  	[dreg:$0x2] =	wrdreg s24  }
0xc4: {  	[dreg:$0x3] =	wrdreg s17  }
0xc5: {  	[dreg:$0x4] =	wrdreg $0xB  }
0xc6: {  	_ =	task.clear_ibuf [dreg:s22], $0x5FFFF;
	_ =	strace $0x9000004F  }
0xc7: {  	s29 =	simm.s32 $0xB;
	_ =	strace $0x80000051  }
0xc8: {  	_ =	swait.ge [sflag:s29], $0x1  }
0xc9: {  	[sflag:s29] =	ssyncadd.s32 $0xFFFFFFFF  }
0xca: {  	_ =	strace $0x90000051  }
0xcb: {  	_ =	sfence  }
0xcc: {  	s30 =	sld [smem:$0x0];
	_ =	sdelay $0x2  }
0xcd: {  	s31 =	sshll.u32 s1, $0xD;
	s1 =	sshrl.u32 s1, $0x2  }
0xce: {  	s4 =	sand.u32 $0x4000, s31;
	s1 =	sadd.s32 s1, s30  }
0xcf: {  	s0 =	sor.u32 s4, s0;
	s1 =	sshll.u32 s1, $0x11  }
0xd0: {  	s0 =	sor.u32 s1, s0  }
0xd1: {  	s0 =	sadd.s32 $0x8F2B, s0  }
0xd2: {  	[sflag:s0] =	ssyncadd.remote.s32 $0x1  }
0xd3: {  	_ =	sfence.sel $0xFFFF  }
0xd4: {  	[dreg:$0x0] =	wrdreg $0xFFFFFFFF;
	(pc) =	sbr.abs _section_cstart, $3  }
0xd5: {  	[dreg:$0x1] =	wrdreg $0xFFFFFFFF  }
0xd6: {  	_ =	task.clear_ibuf [dreg:s22], $0x2FFFF;
	_ =	strace $0x9FFFFFFF  }
0xd7: {  	(tm) =	ssettm $0x7FFFFFFF  }
tec
execute0_lowered:
.L_overlay_start_1:
0x0: {  	(tag) =	ssettag $0x1  }
0x1: {  	s5 =	rddreg [dreg:$0x0];
	s0 =	srdreg.scid  }
0x2: {  	s2 =	rddreg [dreg:$0x1];
	s1 =	stileid.u32;
	s6 =	simm.s32 $0x1  }
0x3: {  	s9 =	simm.s32 $0x1;
	s10 =	simm.s32 $0x3;
	s3 =	sshll.u32 s0, $0xC  }
0x4: {  	s13 =	simm.s32 $0x0;
	s4 =	sshll.u32 s1, $0xD;
	s3 =	sand.u32 $0x1000, s3  }
0x5: {  	s0 =	rddreg [dreg:$0x2];
	_ =	strace $0x80000050;
	s3 =	sor.u32 s4, s3  }
0x6: {  	s12 =	simm.s32 $0x0;
	[sflag:s6] =	ssyncpa.u1 $0x0;
	s8 =	ssub.s32 $0x2C000, s3  }
.Ltmp0:
0x7: {  	s4 =	sadd.s32 $0x3E5C00, s5;
	s7 =	sand.u32 $0x1F000, s8;
	(pc) =	sbr.rel .LBB2_1-.Ltmp0, $4  }
0x8: {  	s5 =	sadd.s32 $0x5600, s5;
	s11 =	smov.u32 s3;
	p0 =	sne.s32 s7, $0x0  }
0x9: {  	s8 =	sshrl.u32 s8, $0x11;
	s7 =	simm.s32 $0x2;
	s9 =	simm.s32 @!p0 $0x0  }
0xa: {  	[sflag:s7] =	ssyncpa.u1 $0x0;
	p0 =	por $0x0, $0x0;
	s8 =	sadd.s32 s9, s8  }
0xb: {  	vm0 =	vmmov $0xffff;
	[sflag:s10] =	ssyncpa.u1 $0x0;
	s10 =	simm.s32 $0x0;
	s9 =	sadd.s32 $0x1, s8  }
.LBB2_4:
0xc: {  	v2 =	vnsel vm1, $0x0, v2  }
0xd: {  	vm1 =	vgt.s32 v0, $0x0;
	v2 =	vmin.u32 v2, $0x270FF  }
0xe: {  	v0 =	vnsel vm1, $0x0, v0  }
0xf: {  	v0 =	vmin.u32 v0, $0x270FF  }
0x10: {  	[tilespmem:s15], [sflag:$0x1] =	stream.indirect_vreg.gather [hbm4b:s4+s10], $0x1, v1, vm0, $0x4038;
	[tilespmem:$0x4000] =	vst v63  }
0x11: {  	(ifvalue) =	ssetifvalue $0x7FFFFFFF  }
0x12: {  	[tilespmem:s16], [sflag:$0x1] =	stream.indirect_vreg.gather [hbm4b:s4+s10], $0x1, v2, vm0, $0x4038;
	[tilespmem:$0x4000] =	vst v63  }
0x13: {  	s29 =	sadd.s32 $0x10, s16;
	(ifvalue) =	ssetifvalue $0x7FFFFFFF  }
0x14: {  	[tilespmem:s29], [sflag:$0x1] =	stream.indirect_vreg.gather [hbm4b:s4+s10], $0x1, v0, vm0, $0x4038;
	[tilespmem:$0x4000] =	vst v63  }
0x15: {  	_ =	swait.ge [sflag:s6], $0x1000  }
0x16: {  	s30 =	sshrl.u32 s13, $0x3;
	[sflag:s6] =	ssyncset.done $0x0  }
0x17: {  	s31 =	sand.u32 $0x7, s13;
	s15 =	sadd.s32 s5, s30;
	[sflag:s6] =	ssyncadd.s32 $0xFFFFF000  }
0x18: {  	[hbm4b:s15+s31] =	stream.linear.scatter [tilespmem:s14], [sflag:$0x3], $0x1000, $0x38;
	[tilespmem:$0x4000] =	vst v63  }
.LBB2_5:
0x19: {  	s15 =	sadd.s32 $0x20000, s11  }
0x1a: {  	p2 =	sgt.s32 s15, $0x2BFFF  }
0x1b: {  	s15 =	smov.u32 @p2 s3;
	p2 =	sne.s32 s12, s9  }
.Ltmp1:
0x1c: {  	p1 =	slt.u32 s12, $0x2;
	(pc) =	sbr.rel @!p2 .LBB2_6-.Ltmp1, $4  }
0x1d: {  	s14 =	simm.s32 @!p1 $0x3  }
0x1e: {  	s16 =	sadd.s32 $0x1, s12;
	_ =	swait.ge @!p1 [sflag:s14], $0x1000  }
0x1f: {  	s13 =	smov.u32 s11;
	p0 =	por !p0, !p0;
	[sflag:s14] =	ssyncset.done @!p1 $0x0  }
0x20: {  	s12 =	smov.u32 s16;
	s11 =	smov.u32 s15;
	[sflag:s14] =	ssyncadd.s32 @!p1 $0xFFFFF000  }
.LBB2_1:
0x21: {  	p1 =	sge.u32 s12, s8  }
0x22: {  	s14 =	sxor.u32 @!p1 $0xFFFFFFFF, s12  }
0x23: {  	s31 =	sadd.s32 $0xFFFFFFFF, s12;
	s15 =	sshrl.u32 @!p1 s11, $0x3;
	s14 =	sshll.u32 @!p1 s14, $0xC  }
0x24: {  	s16 =	sand.u32 @!p1 $0x7, s11;
	s15 =	sadd.s32 @!p1 s2, s15;
	s14 =	sand.u32 @!p1 $0x1000, s14  }
0x25: {  	[tilespmem:s14], [sflag:$0x2] =	stream.linear.gather @!p1 [hbm4b:s15+s16], $0x1000, $0x38;
	[tilespmem:$0x4000] =	vst v63  }
0x26: {  	p1 =	sge.u32 s31, s8  }
.Ltmp2:
0x27: {  	_ = 	snop;
	(pc) =	sbr.rel @p1 .LBB2_5-.Ltmp2, $1  }
0x28: {  	_ =	sdelay $0x3  }
0x29: {  	s14 =	simm.s32 $0x1  }
0x2a: {  	_ =	swait.ge [sflag:s7], $0x1000;
	s14 =	simm.s32 @!p0 $0x0  }
0x2b: {  	[sflag:s7] =	ssyncset.done $0x0;
	s14 =	sshll.u32 s14, $0xC  }
0x2c: {  	[sflag:s7] =	ssyncadd.s32 $0xFFFFF000;
	(ifvalue) =	ssetifvalue $0x7FFFFFFF;
	v0 =	vld.msk [tilespmem:s14+$0x0 ss:$0x1], $0xffff;
	_ =	sdelay $0x4  }
0x2d: {  	s15 =	sadd.s32 $0x10, s14;
	vm1 =	vgt.s32 v0, $0x0  }
0x2e: {  	v2 =	vld.msk [tilespmem:s15+$0x0 ss:$0x1], $0xffff;
	v1 =	vnsel vm1, $0x0, v0  }
0x2f: {  	v1 =	vmin.u32 v1, $0x270FF;
	_ =	sdelay $0x1  }
0x30: {  	s16 =	sshll.u32 s12, $0xC;
	s18 =	simm.s32 $0x20  }
0x31: {  	s16 =	sand.u32 $0x1000, s16;
	s17 =	sadd.s32 $0x10, s15;
	s15 =	sor.u32 $0x2000, s14  }
0x32: {  	s14 =	sor.u32 $0x2000, s16;
	s16 =	sadd.s32 $0x10, s15;
	v0 =	vld.msk [tilespmem:s17+$0x0 ss:$0x1], $0xffff;
	vm1 =	vgt.s32 v2, $0x0;
	(ifvalue) =	ssetifvalue $0x7FFFFFFF  }
.LBB2_3:
0x33: {  	[tilespmem:s15], [sflag:$0x1] =	stream.indirect_vreg.gather [hbm4b:s4+s10], $0x1, v1, vm0, $0x4038;
	[tilespmem:$0x4000] =	vst v63  }
0x34: {  	s18 =	sadd.s32 $0x10, s18  }
0x35: {  	v2 =	vnsel vm1, $0x0, v2;
	p1 =	slt.u32 s18, $0xFF0  }
.Ltmp3:
0x36: {  	s15 =	smov.u32 s16;
	v1 =	vmin.u32 v2, $0x270FF;
	(pc) =	sbr.rel @p1 .LBB2_3-.Ltmp3, $3  }
0x37: {  	_ =	sdelay $0x1  }
0x38: {  	s17 =	sadd.s32 $0x10, s17  }
0x39: {  	vm1 =	vgt.s32 v0, $0x0;
	s16 =	sadd.s32 $0x10, s16;
	v2 =	vmov v0;
	(ifvalue) =	ssetifvalue $0x7FFFFFFF;
	v0 =	vld.msk [tilespmem:s17+$0x0 ss:$0x1], $0xffff  }
.Ltmp4:
0x3a: {  	_ = 	snop;
	(pc) =	sbr.rel .LBB2_4-.Ltmp4, $1  }
0x3b: {  	_ =	sdelay $0x3  }
.LBB2_6:
0x3c: {  	_ =	sfence.sel $0x180000  }
0x3d: {  	s2 =	simm.s32 $0x2;
	[bflag:$0x0] =	sbarrier.arrive $0xFFFF  }
0x3e: {  	s30 =	simm.s32 $0x3;
	[sflag:s2] =	ssyncpa.u1 $0x1  }
0x3f: {  	s31 =	simm.s32 $0x1;
	[sflag:s30] =	ssyncpa.u1 $0x1  }
0x40: {  	[sflag:s31] =	ssyncpa.u1 $0x1  }
0x41: {  	p0 =	sne.s32 s1, $0x0;
	_ =	strace $0x90000050  }
0x42: {  	s0 =	sadd.s32 @!p0 $0x100000, s0;
	[bflag:$0x2] =	sbarrier.arrive $0xFFFF  }
0x43: {  	[sflag:s0] =	ssyncadd.tile.s32 @!p0 $0x1;
	_ =	shalt  }
.Lfunc_end2:
_tile_overlayer_lowered:
.L_overlay_start_2:
0x44: {  	(tag) =	ssettag $0x2  }
0x45: {  	s0 =	rddreg [dreg:$0x0];
	s2 =	stileid.u32  }
0x46: {  	s1 =	rddreg [dreg:$0x1];
	p0 =	sne.s32 s2, $0x0  }
0x47: {  	s3 =	rddreg [dreg:$0x2];
	[bflag:$0x3] =	sbarrier.arrive $0xFFFF;
	s2 =	simm.s32 @!p0 $0x1C01  }
0x48: {  	[timem:s3], [sflag:s2] =	dma.local @!p0 [hbm:s0], s1  }
0x49: {  	s0 =	simm.s32 @!p0 $0x1  }
0x4a: {  	_ =	swait.ge @!p0 [sflag:s0], s1  }
0x4b: {  	s1 =	ssub.s32 @!p0 $0x0, s1;
	[sflag:s0] =	ssyncset.done @!p0 $0x0  }
0x4c: {  	[sflag:s0] =	ssyncadd.s32 @!p0 s1  }
0x4d: {  	[bflag:$0x3] =	sbarrier.arrive $0xFFFF  }
0x4e: {  	_ =	shalt  }

// kernel: gather_offload_async_start.5
scs
__scs_entry_jumppad:
0x0: {  	(pc) =	sbr.rel $0x88, $3  }
0x1: {  	(tag) =	ssettag $0x0;
	lr =	simm.s32 $0x1  }
0x2: {  	[smem:$0x3F98] =	sst lr;
	_ =	strace $0xD0000000  }
0x3: {  	_ = 	snop  }
0x4: {  	_ = 	snop  }
0x5: {  	_ = 	snop  }
0x6: {  	_ = 	snop  }
0x7: {  	_ = 	snop  }
__scs_overlays_trampoline_lowered:
0x8: {  	[smem:$0x3FA7] =	sst s0  }
0x9: {  	[smem:$0x3FA8] =	sst s1  }
0xa: {  	[smem:$0x3FA9] =	sst s2  }
0xb: {  	[smem:$0x3FAA] =	sst s3  }
0xc: {  	[smem:$0x3FAB] =	sst s4  }
0xd: {  	[smem:$0x3FAC] =	sst s5  }
0xe: {  	[smem:$0x3FAD] =	sst s6  }
0xf: {  	[smem:$0x3FAE] =	sst s7  }
0x10: {  	[smem:$0x3FAF] =	sst s8  }
0x11: {  	[smem:$0x3FB0] =	sst s9;
	s0 =	simm.s32 @!p0 $0x0  }
0x12: {  	s1 =	sld [smem:$0x3F96];
	s0 =	simm.s32 @p0 $0x1  }
0x13: {  	[smem:$0x3FB1] =	sst s0;
	s0 =	simm.s32 @!p1 $0x0  }
0x14: {  	s2 =	sld [smem:$0x3F95];
	s0 =	simm.s32 @p1 $0x1  }
0x15: {  	[smem:$0x3FB2] =	sst s0;
	s0 =	simm.s32 @!p2 $0x0  }
0x16: {  	s3 =	sld [smem:$0x3FDB];
	s0 =	simm.s32 @p2 $0x1  }
0x17: {  	s4 =	simm.s32 $0x1BF5;
	[smem:$0x3FB4] =	sst s0  }
0x18: {  	s0 =	sld [smem:$0x3F97];
	_ =	swait.ge [sflag:s4], $0x0  }
0x19: {  	s7 =	sld [smem:$0x3F98]  }
0x1a: {  	s8 =	sadd.s32 $0xFFFFE003, lr  }
0x1b: {  	s9 =	sadd.s32 $0xFFFFFEF7, lr;
	s5 =	simm.s32 $0xFFFFFFFF;
	p2 =	slt.u32 s8, $0xFFFFF086  }
0x1c: {  	p1 =	slt.u32 s9, $0xF7A;
	s5 =	simm.s32 @!p2 $0x0  }
0x1d: {  	s5 =	simm.s32 @p1 $0x1;
	p0 =	seq.s32 s7, s2  }
0x1e: {  	s7 =	smul.u32 @!p0 $0xF7A, s2;
	p2 =	seq.s32 @!p0 s5, $0x0  }
0x1f: {  	s9 =	smul.u32 $0xF7A, s1;
	s8 =	simm.s32 @!p0 $0x1BF5;
	p2 =	por !p2, p0  }
0x20: {  	[sflag:s8] =	ssyncset.s32 @!p0 $0xFFFFF086;
	s6 =	sadd.s32 @!p0 s3, s7;
	s7 =	simm.s32 @!p0 $0x108  }
0x21: {  	s3 =	sadd.s32 s3, s9;
	s6 =	sadd.s32 @!p0 $0x88, s6;
	s7 =	simm.s32 @p2 $0x1082  }
0x22: {  	[simem:s7], [sflag:s8] =	dma.local @!p0 [hbm:s6], $0xF7A  }
0x23: {  	s9 =	sor.u32 $0xD0000000, s2;
	s6 =	simm.s32 $0x108;
	_ =	swait.ge @!p0 [sflag:s8], $0x0  }
0x24: {  	s3 =	sadd.s32 $0x88, s3;
	s6 =	simm.s32 @!p1 $0x1082;
	[sflag:s4] =	ssyncset.s32 $0xFFFFF086  }
0x25: {  	[simem:s6], [sflag:s4] =	dma.local [hbm:s3], $0xF7A  }
0x26: {  	[smem:$0x3F98] =	sst s1;
	(tag) =	ssettag s2;
	_ =	strace s9  }
0x27: {  	s1 =	sld [smem:$0x3FA8]  }
0x28: {  	s2 =	sld [smem:$0x3FA9]  }
0x29: {  	s4 =	sld [smem:$0x3FAB]  }
0x2a: {  	p0 =	seq.s32 s5, $0x0;
	s5 =	sld [smem:$0x3FAC]  }
0x2b: {  	s6 =	sld [smem:$0x3FAD]  }
0x2c: {  	s7 =	sld [smem:$0x3FAE]  }
0x2d: {  	s3 =	simm.s32 $0x108;
	s8 =	sld [smem:$0x3FAF]  }
0x2e: {  	s3 =	simm.s32 @!p0 $0x1082;
	s9 =	sld [smem:$0x3FB0]  }
0x2f: {  	lr =	sadd.s32 s0, s3;
	s0 =	sld [smem:$0x3FA7]  }
0x30: {  	s3 =	sld [smem:$0x3FAA]  }
0x31: {  	[smem:$0x3FB3] =	sst s10  }
0x32: {  	s10 =	sld [smem:$0x3FB1];
	_ =	sdelay $0x3  }
0x33: {  	p0 =	seq.s32 s10, $0x1;
	s10 =	sld [smem:$0x3FB3];
	_ =	sdelay $0x3  }
0x34: {  	[smem:$0x3FB3] =	sst s10  }
0x35: {  	s10 =	sld [smem:$0x3FB2];
	_ =	sdelay $0x3  }
0x36: {  	p1 =	seq.s32 s10, $0x1;
	s10 =	sld [smem:$0x3FB3];
	_ =	sdelay $0x3  }
0x37: {  	[smem:$0x3FB3] =	sst s10  }
0x38: {  	s10 =	sld [smem:$0x3FB4]  }
0x39: {  	_ = 	snop;
	(pc) =	sbr.ind lr, $3  }
0x3a: {  	_ = 	snop  }
0x3b: {  	_ = 	snop  }
0x3c: {  	p2 =	seq.s32 s10, $0x1;
	s10 =	sld [smem:$0x3FB3]  }
0x3d: {  	_ =	shalt  }
0x3e: {  	_ =	shalt  }
0x3f: {  	_ =	shalt  }
0x40: {  	_ =	shalt  }
0x41: {  	_ =	shalt  }
0x42: {  	_ =	shalt  }
0x43: {  	_ =	shalt  }
0x44: {  	_ =	shalt  }
0x45: {  	_ =	shalt  }
0x46: {  	_ =	shalt  }
0x47: {  	_ =	shalt  }
0x48: {  	_ =	shalt  }
0x49: {  	_ =	shalt  }
0x4a: {  	_ =	shalt  }
0x4b: {  	_ =	shalt  }
0x4c: {  	_ =	shalt  }
0x4d: {  	_ =	shalt  }
0x4e: {  	_ =	shalt  }
0x4f: {  	_ =	shalt  }
0x50: {  	_ =	shalt  }
0x51: {  	_ =	shalt  }
0x52: {  	_ =	shalt  }
0x53: {  	_ =	shalt  }
0x54: {  	_ =	shalt  }
0x55: {  	_ =	shalt  }
0x56: {  	_ =	shalt  }
0x57: {  	_ =	shalt  }
0x58: {  	_ =	shalt  }
0x59: {  	_ =	shalt  }
0x5a: {  	_ =	shalt  }
0x5b: {  	_ =	shalt  }
0x5c: {  	_ =	shalt  }
0x5d: {  	_ =	shalt  }
0x5e: {  	_ =	shalt  }
0x5f: {  	_ =	shalt  }
0x60: {  	_ =	shalt  }
0x61: {  	_ =	shalt  }
0x62: {  	_ =	shalt  }
0x63: {  	_ =	shalt  }
0x64: {  	_ =	shalt  }
0x65: {  	_ =	shalt  }
0x66: {  	_ =	shalt  }
0x67: {  	_ =	shalt  }
0x68: {  	_ =	shalt  }
0x69: {  	_ =	shalt  }
0x6a: {  	_ =	shalt  }
0x6b: {  	_ =	shalt  }
0x6c: {  	_ =	shalt  }
0x6d: {  	_ =	shalt  }
0x6e: {  	_ =	shalt  }
0x6f: {  	_ =	shalt  }
0x70: {  	_ =	shalt  }
0x71: {  	_ =	shalt  }
0x72: {  	_ =	shalt  }
0x73: {  	_ =	shalt  }
0x74: {  	_ =	shalt  }
0x75: {  	_ =	shalt  }
0x76: {  	_ =	shalt  }
0x77: {  	_ =	shalt  }
0x78: {  	_ =	shalt  }
0x79: {  	_ =	shalt  }
0x7a: {  	_ =	shalt  }
0x7b: {  	_ =	shalt  }
0x7c: {  	_ =	shalt  }
0x7d: {  	_ =	shalt  }
0x7e: {  	_ =	shalt  }
0x7f: {  	_ =	shalt  }
0x80: {  	_ =	shalt  }
0x81: {  	_ =	shalt  }
0x82: {  	_ =	shalt  }
0x83: {  	_ =	shalt  }
0x84: {  	_ =	shalt  }
0x85: {  	_ =	shalt  }
0x86: {  	_ =	shalt  }
0x87: {  	_ =	shalt  }
.Lfunc_end0:
.L_simem_size_0:
called_computation.5_lowered:
.L_overlay_start_0:
0x88: {  	s2 =	sld [smem:$0x3FD9]  }
0x89: {  	s3 =	sld [smem:$0x3FFE];
	_ =	sdelay $0x1  }
0x8a: {  	s1 =	srdreg.scid  }
0x8b: {  	s0 =	sand.u32 $0x1, s1  }
0x8c: {  	s15 =	sshll.u32 s0, $0xA;
	s2 =	sadd.s32 s3, s2  }
0x8d: {  	s2 =	sadd.s32 s2, s15  }
0x8e: {  	[smem:$0x3FBF] =	sst s2  }
0x8f: {  	_ = 	snop  }
0x90: {  	s2 =	sld [smem:$0x3FD0];
	_ =	sdelay $0x2  }
0x91: {  	s16 =	simm.s32 $0xC;
	s4 =	simm.s32 $0x10  }
0x92: {  	[smem:s4], [sflag:s16] =	dma.local [hbm:s2], $0x1  }
0x93: {  	_ =	swait.eq [sflag:s16], $0x1  }
0x94: {  	[sflag:s16] =	ssyncset.done $0x0  }
0x95: {  	[sflag:s16] =	ssyncadd.s32 $0xFFFFFFFF  }
0x96: {  	s17 =	sld [smem:$0x10];
	(tm) =	ssettm $0x1  }
0x97: {  	s18 =	sld [smem:$0x3FFB];
	_ =	sdelay $0x3  }
0x98: {  	_ =	strace s18  }
0x99: {  	s2 =	sld [smem:$0x3FFC];
	_ =	sdelay $0x3  }
0x9a: {  	_ =	strace s2  }
0x9b: {  	s2 =	sld [smem:$0x3FFD];
	_ =	sdelay $0x3  }
0x9c: {  	_ =	strace s2  }
0x9d: {  	_ =	strace $0x8FFFFFFF  }
0x9e: {  	s19 =	sld [smem:$0x3FDB];
	_ =	sdelay $0x1  }
0x9f: {  	s20 =	simm.s32 $_scs_section_size  }
0xa0: {  	s5 =	simm.s32 $_size__tile_overlayer_lowered;
	s6 =	simm.s32 $_tile_overlayer_lowered  }
0xa1: {  	s7 =	simm.s32 $0x1BFF;
	s21 =	sshll.u32 s6, $0x1;
	s4 =	sadd.s32 s20, s19  }
0xa2: {  	s22 =	simm.s32 $0x0;
	s5 =	sshll.u32 s5, $0x1;
	s6 =	sadd.s32 s21, s4  }
0xa3: {  	[timem:s22], [sflag:s7] =	dma.local [hbm:s6], s5  }
0xa4: {  	_ =	swait.ge [sflag:s7], s5  }
0xa5: {  	s5 =	ssub.s32 $0x0, s5;
	[sflag:s7] =	ssyncset.done $0x0  }
0xa6: {  	[sflag:s7] =	ssyncadd.s32 s5;
	_ =	sdelay $0x1  }
0xa7: {  	s23 =	simm.s32 $0x1B8B  }
0xa8: {  	_ =	swait.ge [sflag:s23], $0x1  }
0xa9: {  	[sflag:s23] =	ssyncset.done $0x0  }
0xaa: {  	[sflag:s23] =	ssyncadd.s32 $0xFFFFFFFF  }
0xab: {  	s5 =	sld [smem:$0x0]  }
0xac: {  	s6 =	sand.u32 $0xFFFFFFFE, s1  }
0xad: {  	p0 =	sne.s32 s1, s6  }
0xae: {  	s6 =	sshll.u32 @p0 s6, $0xE  }
0xaf: {  	s6 =	sadd.s32 @p0 $0x11B8D, s6;
	s7 =	sshll.u32 @p0 s5, $0x11  }
0xb0: {  	s6 =	sor.u32 @p0 s7, s6  }
0xb1: {  	[sflag:s6] =	ssyncadd.remote.s32 @p0 $0x1;
	_ =	sdelay $0x1  }
0xb2: {  	s6 =	simm.s32 @p0 $0x1B8D  }
0xb3: {  	_ =	swait.eq @p0 [sflag:s6], $0x1  }
0xb4: {  	[sflag:s6] =	ssyncadd.s32 @p0 $0xFFFFFFFF  }
0xb5: {  	s7 =	sshll.u32 @!p0 s1, $0xE  }
0xb6: {  	s7 =	sor.u32 @!p0 $0x4000, s7;
	s6 =	simm.s32 @!p0 $0x1B8D  }
0xb7: {  	s5 =	sshll.u32 @!p0 s5, $0x11;
	s7 =	sadd.s32 @!p0 $0x11B8D, s7;
	_ =	swait.eq @!p0 [sflag:s6], $0x1  }
0xb8: {  	s5 =	sor.u32 @!p0 s5, s7;
	[sflag:s6] =	ssyncadd.s32 @!p0 $0xFFFFFFFF  }
0xb9: {  	s25 =	simm.s32 $0x1B8E;
	s24 =	sld [smem:$0x3FFE];
	[sflag:s5] =	ssyncadd.remote.s32 @!p0 $0x1  }
0xba: {  	s26 =	simm.s32 $execute0_lowered;
	[smem:$0x3FD2] =	sst s25  }
0xbb: {  	s6 =	sshll.u32 s26, $0x1;
	_ =	strace $0x80000055;
	[dreg:$0x1] =	wrdreg $0xFFFFFFFF  }
0xbc: {  	s28 =	simm.s32 $_size_execute0_lowered;
	s4 =	sadd.s32 s4, s6;
	[dreg:$0x0] =	wrdreg $0x0  }
0xbd: {  	s6 =	sshll.u32 s28, $0x1;
	[dreg:$0x2] =	wrdreg s4  }
0xbe: {  	[dreg:$0x3] =	wrdreg s6  }
0xbf: {  	[dreg:$0x4] =	wrdreg $0xC0  }
0xc0: {  	_ =	task [dreg:s22], $0x5FFFF  }
0xc1: {  	[dreg:$0x1] =	wrdreg $0xFFFFFFFF  }
0xc2: {  	[dreg:$0x0] =	wrdreg $0x60  }
0xc3: {  	[dreg:$0x2] =	wrdreg s24  }
0xc4: {  	[dreg:$0x3] =	wrdreg s17  }
0xc5: {  	[dreg:$0x4] =	wrdreg $0xA  }
0xc6: {  	_ =	task.clear_ibuf [dreg:s22], $0x5FFFF;
	_ =	strace $0x90000055  }
0xc7: {  	s29 =	simm.s32 $0xA;
	_ =	strace $0x80000057  }
0xc8: {  	_ =	swait.ge [sflag:s29], $0x1  }
0xc9: {  	[sflag:s29] =	ssyncadd.s32 $0xFFFFFFFF  }
0xca: {  	_ =	strace $0x90000057  }
0xcb: {  	_ =	sfence  }
0xcc: {  	s30 =	sld [smem:$0x0];
	_ =	sdelay $0x2  }
0xcd: {  	s31 =	sshll.u32 s1, $0xD;
	s1 =	sshrl.u32 s1, $0x2  }
0xce: {  	s4 =	sand.u32 $0x4000, s31;
	s1 =	sadd.s32 s1, s30  }
0xcf: {  	s0 =	sor.u32 s4, s0;
	s1 =	sshll.u32 s1, $0x11  }
0xd0: {  	s0 =	sor.u32 s1, s0  }
0xd1: {  	s0 =	sadd.s32 $0x8F2B, s0  }
0xd2: {  	[sflag:s0] =	ssyncadd.remote.s32 $0x1  }
0xd3: {  	_ =	sfence.sel $0xFFFF  }
0xd4: {  	[dreg:$0x0] =	wrdreg $0xFFFFFFFF;
	(pc) =	sbr.abs _section_cstart, $3  }
0xd5: {  	[dreg:$0x1] =	wrdreg $0xFFFFFFFF  }
0xd6: {  	_ =	task.clear_ibuf [dreg:s22], $0x2FFFF;
	_ =	strace $0x9FFFFFFF  }
0xd7: {  	(tm) =	ssettm $0x7FFFFFFF  }
tec
execute0_lowered:
.L_overlay_start_1:
0x0: {  	(tag) =	ssettag $0x1  }
0x1: {  	s7 =	rddreg [dreg:$0x0]  }
0x2: {  	s0 =	srdreg.scid;
	s2 =	rddreg [dreg:$0x1]  }
0x3: {  	s1 =	stileid.u32;
	s5 =	simm.s32 $0x2;
	s9 =	simm.s32 $0x3  }
0x4: {  	s3 =	sshll.u32 s0, $0x4;
	s0 =	rddreg [dreg:$0x2];
	_ =	strace $0x80000056  }
.Ltmp0:
0x5: {  	s4 =	sand.u32 $0x10, s3;
	s3 =	simm.s32 $0x1;
	(pc) =	sbr.rel .LBB2_1-.Ltmp0, $4  }
0x6: {  	s11 =	simm.s32 $0x0;
	s4 =	sor.u32 s1, s4;
	[sflag:s3] =	ssyncpa.u1 $0x0  }
0x7: {  	p0 =	por $0x0, $0x0;
	s4 =	smul.u32 $0x1600, s4;
	[sflag:s5] =	ssyncpa.u1 $0x0  }
0x8: {  	s6 =	sadd.s32 $0x3EAC00, s7;
	s7 =	sadd.s32 $0x661400, s7;
	[sflag:s9] =	ssyncpa.u1 $0x0  }
0x9: {  	vm0 =	vmmov $0xff;
	vm1 =	vcmask $0x3F20;
	s9 =	simm.s32 $0x0;
	s8 =	sadd.s32 $0x1600, s4;
	s10 =	smov.u32 s4  }
.LBB2_6:
0xa: {  	[hbm:s15] =	stream.linear.scatter [tilespmem:s12], [sflag:$0x3], $0x400, $0x38;
	[tilespmem:$0x162C0] =	vst v63  }
.LBB2_7:
0xb: {  	p1 =	slt.u32 s9, $0x2;
	s11 =	sadd.s32 $0x160, s10  }
0xc: {  	s13 =	smov.u32 s4;
	s9 =	sadd.s32 $0x1, s9;
	p2 =	slt.s32 s11, s8  }
0xd: {  	s13 =	smov.u32 @p2 s11;
	p2 =	sne.s32 s9, $0x12  }
.Ltmp1:
0xe: {  	_ = 	snop;
	(pc) =	sbr.rel @!p2 .LBB2_8-.Ltmp1, $4  }
0xf: {  	s12 =	simm.s32 @!p1 $0x3  }
0x10: {  	_ =	swait.ge @!p1 [sflag:s12], $0xB000  }
0x11: {  	p0 =	por !p0, !p0;
	[sflag:s12] =	ssyncset.done @!p1 $0x0  }
0x12: {  	s11 =	smov.u32 s10;
	s10 =	smov.u32 s13;
	[sflag:s12] =	ssyncadd.s32 @!p1 $0xFFFF5000  }
.LBB2_1:
0x13: {  	p1 =	sgt.u32 s9, $0xF  }
0x14: {  	s12 =	sxor.u32 @!p1 $0xFFFFFFFF, s9  }
0x15: {  	s12 =	sand.u32 @!p1 $0x1, s12  }
0x16: {  	s12 =	smul.u32 @!p1 $0x580, s12  }
0x17: {  	s31 =	sadd.s32 $0xFFFFFFFF, s9;
	s13 =	sshrl.u32 @!p1 s10, $0x3  }
0x18: {  	s14 =	sand.u32 @!p1 $0x7, s10;
	s13 =	sadd.s32 @!p1 s2, s13;
	s12 =	sshrl.u32 @!p1 s12, $0x2  }
0x19: {  	[tilespmem:s12], [sflag:$0x2] =	stream.linear.gather @!p1 [hbm4b:s13+s14], $0x160, $0x38;
	[tilespmem:$0x162C0] =	vst v63  }
0x1a: {  	p1 =	sgt.u32 s31, $0xF  }
.Ltmp2:
0x1b: {  	_ = 	snop;
	(pc) =	sbr.rel @p1 .LBB2_7-.Ltmp2, $1  }
0x1c: {  	_ =	sdelay $0x3  }
0x1d: {  	s12 =	simm.s32 $0x1  }
0x1e: {  	s12 =	simm.s32 @!p0 $0x0  }
0x1f: {  	s13 =	smul.u32 $0x580, s12  }
0x20: {  	_ =	swait.ge [sflag:s5], $0x160  }
0x21: {  	[sflag:s5] =	ssyncset.done $0x0;
	s14 =	sshrl.u32 s13, $0x2  }
0x22: {  	[sflag:s5] =	ssyncadd.s32 $0xFFFFFEA0;
	s13 =	sadd.s32 $0x0, s14  }
0x23: {  	v0 =	vld.msk [tilespmem:s13+$0x0 ss:$0x1], $0xffff;
	_ =	sdelay $0x4  }
0x24: {  	vm2 =	vgt.s32 v0, $0x0  }
0x25: {  	v0 =	vnsel vm2, $0x0, v0  }
0x26: {  	v0 =	vmin.u32 v0, $0x270FF  }
0x27: {  	v0 =	vshll.u32 v0, $0x4  }
0x28: {  	s12 =	smul.u32 $0x2C000, s12;
	_ =	sdelay $0x1  }
0x29: {  	s12 =	sshrl.u32 s12, $0x2  }
0x2a: {  	s12 =	sor.u32 $0x2C0, s12  }
0x2b: {  	[tilespmem:s12], [sflag:$0x1] =	stream.indirect_vreg.gather [hbm:s6], $0x80, v0, vm0, $0x38;
	[tilespmem:$0x162C0] =	vst v63  }
0x2c: {  	s15 =	sadd.s32 $0x10, s14;
	s13 =	sadd.s32 $0x400, s12  }
0x2d: {  	[tilespmem:s13], [sflag:$0x1] =	stream.indirect_vreg.gather [hbm:s6], $0x80, v0, vm1, $0x38;
	[tilespmem:$0x162C0] =	vst v63  }
0x2e: {  	s16 =	simm.s32 $0x80;
	v0 =	vld.msk [tilespmem:s15+$0x0 ss:$0x1], $0xffff;
	s15 =	smov.u32 s12  }
.LBB2_3:
0x2f: {  	p1 =	sne.s32 s16, $0x540;
	_ =	sdelay $0x4  }
0x30: {  	vm2 =	vgt.s32 v0, $0x0  }
0x31: {  	v0 =	vnsel vm2, $0x0, v0  }
0x32: {  	v0 =	vmin.u32 v0, $0x270FF  }
0x33: {  	v0 =	vshll.u32 v0, $0x4;
	_ =	sdelay $0x3  }
.Ltmp3:
0x34: {  	s17 =	sshra.s32 s16, $0x2;
	s15 =	sadd.s32 $0x800, s15;
	(pc) =	sbr.rel @p1 .LBB2_3-.Ltmp3, $4  }
0x35: {  	[tilespmem:s15], [sflag:$0x1] =	stream.indirect_vreg.gather [hbm:s6], $0x80, v0, vm0, $0x38;
	[tilespmem:$0x162C0] =	vst v63  }
0x36: {  	s17 =	sadd.s32 s17, s14;
	s18 =	sadd.s32 $0x400, s15  }
0x37: {  	[tilespmem:s18], [sflag:$0x1] =	stream.indirect_vreg.gather [hbm:s6], $0x80, v0, vm1, $0x38;
	[tilespmem:$0x162C0] =	vst v63  }
0x38: {  	s16 =	sadd.s32 $0x40, s16;
	v0 =	vld.msk [tilespmem:s17+$0x0 ss:$0x1], $0xffff  }
0x39: {  	_ =	sdelay $0x3  }
0x3a: {  	vm2 =	vgt.s32 v0, $0x0  }
0x3b: {  	v0 =	vnsel vm2, $0x0, v0  }
0x3c: {  	v0 =	vmin.u32 v0, $0x270FF  }
0x3d: {  	v0 =	vshll.u32 v0, $0x4;
	_ =	sdelay $0x3  }
0x3e: {  	s14 =	sadd.s32 $0x800, s15  }
0x3f: {  	[tilespmem:s14], [sflag:$0x1] =	stream.indirect_vreg.gather [hbm:s6], $0x80, v0, vm0, $0x38;
	[tilespmem:$0x162C0] =	vst v63  }
0x40: {  	s14 =	sadd.s32 $0x400, s14  }
0x41: {  	[tilespmem:s14], [sflag:$0x1] =	stream.indirect_vreg.gather [hbm:s6], $0x80, v0, vm1, $0x38;
	[tilespmem:$0x162C0] =	vst v63  }
0x42: {  	s11 =	sshll.u32 s11, $0x4;
	_ =	swait.ge [sflag:s3], $0xB000  }
0x43: {  	s11 =	sadd.s32 s11, s7;
	[sflag:s3] =	ssyncset.done $0x0  }
0x44: {  	s15 =	sadd.s32 $0x0, s11;
	s14 =	simm.s32 $0x80;
	[sflag:s3] =	ssyncadd.s32 $0xFFFF5000  }
.LBB2_5:
0x45: {  	[hbm:s15] =	stream.linear.scatter [tilespmem:s12], [sflag:$0x3], $0x400, $0x38;
	[tilespmem:$0x162C0] =	vst v63  }
0x46: {  	s15 =	smov.u32 s14;
	s12 =	smov.u32 s13;
	p1 =	sne.s32 s14, $0x1580  }
.Ltmp4:
0x47: {  	s14 =	sadd.s32 $0x80, s14;
	(pc) =	sbr.rel @p1 .LBB2_5-.Ltmp4, $2  }
0x48: {  	_ =	sdelay $0x2  }
0x49: {  	s13 =	sadd.s32 $0x400, s13;
	s15 =	sadd.s32 s15, s11  }
.Ltmp5:
0x4a: {  	_ = 	snop;
	(pc) =	sbr.rel .LBB2_6-.Ltmp5, $1  }
0x4b: {  	_ =	sdelay $0x3  }
.LBB2_8:
0x4c: {  	_ =	sfence.sel $0x180000  }
0x4d: {  	s2 =	simm.s32 $0x2;
	[bflag:$0x0] =	sbarrier.arrive $0xFFFF  }
0x4e: {  	s30 =	simm.s32 $0x3;
	[sflag:s2] =	ssyncpa.u1 $0x1  }
0x4f: {  	s31 =	simm.s32 $0x1;
	[sflag:s30] =	ssyncpa.u1 $0x1  }
0x50: {  	[sflag:s31] =	ssyncpa.u1 $0x1  }
0x51: {  	p0 =	sne.s32 s1, $0x0;
	_ =	strace $0x90000056  }
0x52: {  	s0 =	sadd.s32 @!p0 $0x100000, s0;
	[bflag:$0x2] =	sbarrier.arrive $0xFFFF  }
0x53: {  	[sflag:s0] =	ssyncadd.tile.s32 @!p0 $0x1;
	_ =	shalt  }
.Lfunc_end2:
_tile_overlayer_lowered:
.L_overlay_start_2:
0x54: {  	(tag) =	ssettag $0x2  }
0x55: {  	s0 =	rddreg [dreg:$0x0];
	s2 =	stileid.u32  }
0x56: {  	s1 =	rddreg [dreg:$0x1];
	p0 =	sne.s32 s2, $0x0  }
0x57: {  	s3 =	rddreg [dreg:$0x2];
	[bflag:$0x3] =	sbarrier.arrive $0xFFFF;
	s2 =	simm.s32 @!p0 $0x1C01  }
0x58: {  	[timem:s3], [sflag:s2] =	dma.local @!p0 [hbm:s0], s1  }
0x59: {  	s0 =	simm.s32 @!p0 $0x1  }
0x5a: {  	_ =	swait.ge @!p0 [sflag:s0], s1  }
0x5b: {  	s1 =	ssub.s32 @!p0 $0x0, s1;
	[sflag:s0] =	ssyncset.done @!p0 $0x0  }
0x5c: {  	[sflag:s0] =	ssyncadd.s32 @!p0 s1  }
0x5d: {  	[bflag:$0x3] =	sbarrier.arrive $0xFFFF  }
0x5e: {  	_ =	shalt  }

// kernel: gather_offload_async_start
scs
__scs_entry_jumppad:
0x0: {  	(pc) =	sbr.rel $0x88, $3  }
0x1: {  	(tag) =	ssettag $0x0;
	lr =	simm.s32 $0x1  }
0x2: {  	[smem:$0x3F98] =	sst lr;
	_ =	strace $0xD0000000  }
0x3: {  	_ = 	snop  }
0x4: {  	_ = 	snop  }
0x5: {  	_ = 	snop  }
0x6: {  	_ = 	snop  }
0x7: {  	_ = 	snop  }
__scs_overlays_trampoline_lowered:
0x8: {  	[smem:$0x3FA7] =	sst s0  }
0x9: {  	[smem:$0x3FA8] =	sst s1  }
0xa: {  	[smem:$0x3FA9] =	sst s2  }
0xb: {  	[smem:$0x3FAA] =	sst s3  }
0xc: {  	[smem:$0x3FAB] =	sst s4  }
0xd: {  	[smem:$0x3FAC] =	sst s5  }
0xe: {  	[smem:$0x3FAD] =	sst s6  }
0xf: {  	[smem:$0x3FAE] =	sst s7  }
0x10: {  	[smem:$0x3FAF] =	sst s8  }
0x11: {  	[smem:$0x3FB0] =	sst s9;
	s0 =	simm.s32 @!p0 $0x0  }
0x12: {  	s1 =	sld [smem:$0x3F96];
	s0 =	simm.s32 @p0 $0x1  }
0x13: {  	[smem:$0x3FB1] =	sst s0;
	s0 =	simm.s32 @!p1 $0x0  }
0x14: {  	s2 =	sld [smem:$0x3F95];
	s0 =	simm.s32 @p1 $0x1  }
0x15: {  	[smem:$0x3FB2] =	sst s0;
	s0 =	simm.s32 @!p2 $0x0  }
0x16: {  	s3 =	sld [smem:$0x3FDB];
	s0 =	simm.s32 @p2 $0x1  }
0x17: {  	s4 =	simm.s32 $0x1BF5;
	[smem:$0x3FB4] =	sst s0  }
0x18: {  	s0 =	sld [smem:$0x3F97];
	_ =	swait.ge [sflag:s4], $0x0  }
0x19: {  	s7 =	sld [smem:$0x3F98]  }
0x1a: {  	s8 =	sadd.s32 $0xFFFFE003, lr  }
0x1b: {  	s9 =	sadd.s32 $0xFFFFFEF7, lr;
	s5 =	simm.s32 $0xFFFFFFFF;
	p2 =	slt.u32 s8, $0xFFFFF086  }
0x1c: {  	p1 =	slt.u32 s9, $0xF7A;
	s5 =	simm.s32 @!p2 $0x0  }
0x1d: {  	s5 =	simm.s32 @p1 $0x1;
	p0 =	seq.s32 s7, s2  }
0x1e: {  	s7 =	smul.u32 @!p0 $0xF7A, s2;
	p2 =	seq.s32 @!p0 s5, $0x0  }
0x1f: {  	s9 =	smul.u32 $0xF7A, s1;
	s8 =	simm.s32 @!p0 $0x1BF5;
	p2 =	por !p2, p0  }
0x20: {  	[sflag:s8] =	ssyncset.s32 @!p0 $0xFFFFF086;
	s6 =	sadd.s32 @!p0 s3, s7;
	s7 =	simm.s32 @!p0 $0x108  }
0x21: {  	s3 =	sadd.s32 s3, s9;
	s6 =	sadd.s32 @!p0 $0x88, s6;
	s7 =	simm.s32 @p2 $0x1082  }
0x22: {  	[simem:s7], [sflag:s8] =	dma.local @!p0 [hbm:s6], $0xF7A  }
0x23: {  	s9 =	sor.u32 $0xD0000000, s2;
	s6 =	simm.s32 $0x108;
	_ =	swait.ge @!p0 [sflag:s8], $0x0  }
0x24: {  	s3 =	sadd.s32 $0x88, s3;
	s6 =	simm.s32 @!p1 $0x1082;
	[sflag:s4] =	ssyncset.s32 $0xFFFFF086  }
0x25: {  	[simem:s6], [sflag:s4] =	dma.local [hbm:s3], $0xF7A  }
0x26: {  	[smem:$0x3F98] =	sst s1;
	(tag) =	ssettag s2;
	_ =	strace s9  }
0x27: {  	s1 =	sld [smem:$0x3FA8]  }
0x28: {  	s2 =	sld [smem:$0x3FA9]  }
0x29: {  	s4 =	sld [smem:$0x3FAB]  }
0x2a: {  	p0 =	seq.s32 s5, $0x0;
	s5 =	sld [smem:$0x3FAC]  }
0x2b: {  	s6 =	sld [smem:$0x3FAD]  }
0x2c: {  	s7 =	sld [smem:$0x3FAE]  }
0x2d: {  	s3 =	simm.s32 $0x108;
	s8 =	sld [smem:$0x3FAF]  }
0x2e: {  	s3 =	simm.s32 @!p0 $0x1082;
	s9 =	sld [smem:$0x3FB0]  }
0x2f: {  	lr =	sadd.s32 s0, s3;
	s0 =	sld [smem:$0x3FA7]  }
0x30: {  	s3 =	sld [smem:$0x3FAA]  }
0x31: {  	[smem:$0x3FB3] =	sst s10  }
0x32: {  	s10 =	sld [smem:$0x3FB1];
	_ =	sdelay $0x3  }
0x33: {  	p0 =	seq.s32 s10, $0x1;
	s10 =	sld [smem:$0x3FB3];
	_ =	sdelay $0x3  }
0x34: {  	[smem:$0x3FB3] =	sst s10  }
0x35: {  	s10 =	sld [smem:$0x3FB2];
	_ =	sdelay $0x3  }
0x36: {  	p1 =	seq.s32 s10, $0x1;
	s10 =	sld [smem:$0x3FB3];
	_ =	sdelay $0x3  }
0x37: {  	[smem:$0x3FB3] =	sst s10  }
0x38: {  	s10 =	sld [smem:$0x3FB4]  }
0x39: {  	_ = 	snop;
	(pc) =	sbr.ind lr, $3  }
0x3a: {  	_ = 	snop  }
0x3b: {  	_ = 	snop  }
0x3c: {  	p2 =	seq.s32 s10, $0x1;
	s10 =	sld [smem:$0x3FB3]  }
0x3d: {  	_ =	shalt  }
0x3e: {  	_ =	shalt  }
0x3f: {  	_ =	shalt  }
0x40: {  	_ =	shalt  }
0x41: {  	_ =	shalt  }
0x42: {  	_ =	shalt  }
0x43: {  	_ =	shalt  }
0x44: {  	_ =	shalt  }
0x45: {  	_ =	shalt  }
0x46: {  	_ =	shalt  }
0x47: {  	_ =	shalt  }
0x48: {  	_ =	shalt  }
0x49: {  	_ =	shalt  }
0x4a: {  	_ =	shalt  }
0x4b: {  	_ =	shalt  }
0x4c: {  	_ =	shalt  }
0x4d: {  	_ =	shalt  }
0x4e: {  	_ =	shalt  }
0x4f: {  	_ =	shalt  }
0x50: {  	_ =	shalt  }
0x51: {  	_ =	shalt  }
0x52: {  	_ =	shalt  }
0x53: {  	_ =	shalt  }
0x54: {  	_ =	shalt  }
0x55: {  	_ =	shalt  }
0x56: {  	_ =	shalt  }
0x57: {  	_ =	shalt  }
0x58: {  	_ =	shalt  }
0x59: {  	_ =	shalt  }
0x5a: {  	_ =	shalt  }
0x5b: {  	_ =	shalt  }
0x5c: {  	_ =	shalt  }
0x5d: {  	_ =	shalt  }
0x5e: {  	_ =	shalt  }
0x5f: {  	_ =	shalt  }
0x60: {  	_ =	shalt  }
0x61: {  	_ =	shalt  }
0x62: {  	_ =	shalt  }
0x63: {  	_ =	shalt  }
0x64: {  	_ =	shalt  }
0x65: {  	_ =	shalt  }
0x66: {  	_ =	shalt  }
0x67: {  	_ =	shalt  }
0x68: {  	_ =	shalt  }
0x69: {  	_ =	shalt  }
0x6a: {  	_ =	shalt  }
0x6b: {  	_ =	shalt  }
0x6c: {  	_ =	shalt  }
0x6d: {  	_ =	shalt  }
0x6e: {  	_ =	shalt  }
0x6f: {  	_ =	shalt  }
0x70: {  	_ =	shalt  }
0x71: {  	_ =	shalt  }
0x72: {  	_ =	shalt  }
0x73: {  	_ =	shalt  }
0x74: {  	_ =	shalt  }
0x75: {  	_ =	shalt  }
0x76: {  	_ =	shalt  }
0x77: {  	_ =	shalt  }
0x78: {  	_ =	shalt  }
0x79: {  	_ =	shalt  }
0x7a: {  	_ =	shalt  }
0x7b: {  	_ =	shalt  }
0x7c: {  	_ =	shalt  }
0x7d: {  	_ =	shalt  }
0x7e: {  	_ =	shalt  }
0x7f: {  	_ =	shalt  }
0x80: {  	_ =	shalt  }
0x81: {  	_ =	shalt  }
0x82: {  	_ =	shalt  }
0x83: {  	_ =	shalt  }
0x84: {  	_ =	shalt  }
0x85: {  	_ =	shalt  }
0x86: {  	_ =	shalt  }
0x87: {  	_ =	shalt  }
.Lfunc_end0:
.L_simem_size_0:
called_computation_lowered:
.L_overlay_start_0:
0x88: {  	s2 =	sld [smem:$0x3FD9]  }
0x89: {  	s3 =	sld [smem:$0x3FFE];
	_ =	sdelay $0x1  }
0x8a: {  	s1 =	srdreg.scid  }
0x8b: {  	s0 =	sand.u32 $0x1, s1  }
0x8c: {  	s14 =	sshll.u32 s0, $0xA;
	s2 =	sadd.s32 s3, s2  }
0x8d: {  	s2 =	sadd.s32 s2, s14  }
0x8e: {  	[smem:$0x3FBF] =	sst s2  }
0x8f: {  	_ = 	snop  }
0x90: {  	s2 =	sld [smem:$0x3FD0];
	_ =	sdelay $0x2  }
0x91: {  	s15 =	simm.s32 $0xC;
	s4 =	simm.s32 $0x10  }
0x92: {  	[smem:s4], [sflag:s15] =	dma.local [hbm:s2], $0x1  }
0x93: {  	_ =	swait.eq [sflag:s15], $0x1  }
0x94: {  	[sflag:s15] =	ssyncset.done $0x0  }
0x95: {  	[sflag:s15] =	ssyncadd.s32 $0xFFFFFFFF  }
0x96: {  	s16 =	sld [smem:$0x10];
	(tm) =	ssettm $0x1  }
0x97: {  	s17 =	sld [smem:$0x3FFB];
	_ =	sdelay $0x3  }
0x98: {  	_ =	strace s17  }
0x99: {  	s3 =	sld [smem:$0x3FFC];
	_ =	sdelay $0x3  }
0x9a: {  	_ =	strace s3  }
0x9b: {  	s3 =	sld [smem:$0x3FFD];
	_ =	sdelay $0x3  }
0x9c: {  	_ =	strace s3  }
0x9d: {  	_ =	strace $0x8FFFFFFF  }
0x9e: {  	s18 =	sld [smem:$0x3FDB];
	_ =	sdelay $0x1  }
0x9f: {  	s19 =	simm.s32 $_scs_section_size  }
0xa0: {  	s5 =	simm.s32 $_size__tile_overlayer_lowered;
	s6 =	simm.s32 $_tile_overlayer_lowered  }
0xa1: {  	s22 =	simm.s32 $0x1BFF;
	s21 =	sshll.u32 s6, $0x1;
	s3 =	sadd.s32 s19, s18  }
0xa2: {  	s7 =	simm.s32 $0x0;
	s20 =	sshll.u32 s5, $0x1;
	s5 =	sadd.s32 s21, s3  }
0xa3: {  	[timem:s7], [sflag:s22] =	dma.local [hbm:s5], s20  }
0xa4: {  	_ =	swait.ge [sflag:s22], s20  }
0xa5: {  	s4 =	ssub.s32 $0x0, s20;
	[sflag:s22] =	ssyncset.done $0x0  }
0xa6: {  	[sflag:s22] =	ssyncadd.s32 s4;
	_ =	sdelay $0x1  }
0xa7: {  	s23 =	simm.s32 $0x1B8B  }
0xa8: {  	_ =	swait.ge [sflag:s23], $0x1  }
0xa9: {  	[sflag:s23] =	ssyncset.done $0x0  }
0xaa: {  	s25 =	simm.s32 $0x1B8E;
	s24 =	sld [smem:$0x3FFE];
	[sflag:s23] =	ssyncadd.s32 $0xFFFFFFFF  }
0xab: {  	s26 =	simm.s32 $execute0_lowered;
	[smem:$0x3FD2] =	sst s25  }
0xac: {  	s5 =	sshll.u32 s26, $0x1;
	_ =	strace $0x80000046;
	[dreg:$0x1] =	wrdreg $0xFFFFFFFF  }
0xad: {  	s28 =	simm.s32 $_size_execute0_lowered;
	s3 =	sadd.s32 s3, s5;
	[dreg:$0x0] =	wrdreg $0x0  }
0xae: {  	s5 =	sshll.u32 s28, $0x1;
	[dreg:$0x2] =	wrdreg s3  }
0xaf: {  	[dreg:$0x3] =	wrdreg s5  }
0xb0: {  	[dreg:$0x4] =	wrdreg $0xC0  }
0xb1: {  	_ =	task [dreg:s7], $0x5FFFF  }
0xb2: {  	[dreg:$0x1] =	wrdreg $0xFFFFFFFF  }
0xb3: {  	[dreg:$0x0] =	wrdreg $0x60  }
0xb4: {  	[dreg:$0x2] =	wrdreg s16  }
0xb5: {  	[dreg:$0x3] =	wrdreg s24  }
0xb6: {  	[dreg:$0x4] =	wrdreg $0x9  }
0xb7: {  	_ =	task.clear_ibuf [dreg:s7], $0x5FFFF;
	_ =	strace $0x90000046  }
0xb8: {  	s29 =	simm.s32 $0x9;
	_ =	strace $0x80000048  }
0xb9: {  	_ =	swait.ge [sflag:s29], $0x1  }
0xba: {  	[sflag:s29] =	ssyncadd.s32 $0xFFFFFFFF  }
0xbb: {  	_ =	strace $0x90000048  }
0xbc: {  	_ =	sfence  }
0xbd: {  	s30 =	sld [smem:$0x0];
	_ =	sdelay $0x2  }
0xbe: {  	s31 =	sshll.u32 s1, $0xD;
	s1 =	sshrl.u32 s1, $0x2  }
0xbf: {  	s3 =	sand.u32 $0x4000, s31;
	s1 =	sadd.s32 s1, s30  }
0xc0: {  	s0 =	sor.u32 s3, s0;
	s1 =	sshll.u32 s1, $0x11  }
0xc1: {  	s0 =	sor.u32 s1, s0  }
0xc2: {  	s0 =	sadd.s32 $0x8F2B, s0  }
0xc3: {  	[sflag:s0] =	ssyncadd.remote.s32 $0x1  }
0xc4: {  	_ =	sfence.sel $0xFFFF  }
0xc5: {  	[dreg:$0x0] =	wrdreg $0xFFFFFFFF;
	(pc) =	sbr.abs _section_cstart, $3  }
0xc6: {  	[dreg:$0x1] =	wrdreg $0xFFFFFFFF  }
0xc7: {  	_ =	task.clear_ibuf [dreg:s7], $0x2FFFF;
	_ =	strace $0x9FFFFFFF  }
0xc8: {  	(tm) =	ssettm $0x7FFFFFFF  }
0xc9: {  	_ =	shalt  }
tec
execute0_lowered:
.L_overlay_start_1:
0x0: {  	(tag) =	ssettag $0x1  }
0x1: {  	s2 =	rddreg [dreg:$0x0]  }
0x2: {  	s8 =	rddreg [dreg:$0x1]  }
0x3: {  	s0 =	rddreg [dreg:$0x2];
	s1 =	stileid.u32  }
0x4: {  	s3 =	srdreg.scid;
	_ =	strace $0x80000047;
	s4 =	simm.s32 $0x1  }
0x5: {  	s7 =	simm.s32 $0x1;
	s9 =	simm.s32 $0x1;
	s10 =	simm.s32 $0x3  }
0x6: {  	s13 =	simm.s32 $0x0;
	s5 =	sand.u32 $0x1, s3;
	s6 =	sshll.u32 s1, $0x1  }
0x7: {  	s12 =	simm.s32 $0x0;
	s3 =	sadd.s32 $0xB200, s8;
	s5 =	sor.u32 s6, s5  }
.Ltmp0:
0x8: {  	[sflag:s4] =	ssyncpa.u1 $0x0;
	p0 =	slt.u32 s5, $0x9;
	(pc) =	sbr.rel .LBB2_1-.Ltmp0, $4  }
0x9: {  	s6 =	simm.s32 $0x2;
	s7 =	simm.s32 @!p0 $0x0;
	p0 =	sne.s32 s5, $0x8  }
0xa: {  	[sflag:s6] =	ssyncpa.u1 $0x0;
	s5 =	smul.u32 $0xFA0, s5;
	s9 =	simm.s32 @!p0 $0x0  }
0xb: {  	s8 =	sadd.s32 $0x281200, s8;
	[sflag:s10] =	ssyncpa.u1 $0x0;
	s7 =	sadd.s32 s9, s7  }
0xc: {  	vm0 =	vmmov $0xffff;
	s10 =	simm.s32 $0x0;
	s11 =	smov.u32 s5;
	s9 =	sadd.s32 $0x1, s7  }
.LBB2_4:
0xd: {  	v2 =	vnsel vm1, $0x0, v2  }
0xe: {  	vm1 =	vgt.s32 v0, $0x0;
	v2 =	vmin.u32 v2, $0x270FF  }
0xf: {  	v0 =	vnsel vm1, $0x0, v0  }
0x10: {  	v0 =	vmin.u32 v0, $0x270FF  }
0x11: {  	[tilespmem:s18], [sflag:$0x1] =	stream.indirect_vreg.gather [hbm4b:s2+s10], $0x1, v1, vm0, $0x4038;
	[tilespmem:$0x3E80] =	vst v63  }
0x12: {  	(ifvalue) =	ssetifvalue $0x7FFFFFFF  }
0x13: {  	[tilespmem:s15], [sflag:$0x1] =	stream.indirect_vreg.gather [hbm4b:s2+s10], $0x1, v2, vm0, $0x4038;
	[tilespmem:$0x3E80] =	vst v63  }
0x14: {  	s29 =	sadd.s32 $0x10, s15;
	(ifvalue) =	ssetifvalue $0x7FFFFFFF  }
0x15: {  	[tilespmem:s29], [sflag:$0x1] =	stream.indirect_vreg.gather [hbm4b:s2+s10], $0x1, v0, vm0, $0x4038;
	[tilespmem:$0x3E80] =	vst v63  }
0x16: {  	_ =	swait.ge [sflag:s4], $0xFA0  }
0x17: {  	s30 =	sshrl.u32 s13, $0x3;
	[sflag:s4] =	ssyncset.done $0x0  }
0x18: {  	s31 =	sand.u32 $0x7, s13;
	s15 =	sadd.s32 s8, s30;
	[sflag:s4] =	ssyncadd.s32 $0xFFFFF060  }
0x19: {  	[hbm4b:s15+s31] =	stream.linear.scatter [tilespmem:s14], [sflag:$0x3], $0xFA0, $0x38;
	[tilespmem:$0x3E80] =	vst v63  }
.LBB2_5:
0x1a: {  	s15 =	sadd.s32 $0x1F400, s11  }
0x1b: {  	p1 =	sgt.s32 s15, $0x270FF  }
0x1c: {  	s15 =	smov.u32 @p1 s5;
	p1 =	sne.s32 s12, s9  }
.Ltmp1:
0x1d: {  	p0 =	slt.u32 s12, $0x2;
	(pc) =	sbr.rel @!p1 .LBB2_6-.Ltmp1, $4  }
0x1e: {  	s14 =	simm.s32 @!p0 $0x3  }
0x1f: {  	_ =	swait.ge @!p0 [sflag:s14], $0xFA0  }
0x20: {  	s16 =	sadd.s32 $0x1, s12;
	s13 =	smov.u32 s11;
	[sflag:s14] =	ssyncset.done @!p0 $0x0  }
0x21: {  	s12 =	smov.u32 s16;
	s11 =	smov.u32 s15;
	[sflag:s14] =	ssyncadd.s32 @!p0 $0xFFFFF060  }
.LBB2_1:
0x22: {  	p0 =	sge.u32 s12, s7  }
0x23: {  	s14 =	sxor.u32 @!p0 $0x1, s12  }
0x24: {  	s14 =	smul.u32 @!p0 $0x3E80, s14  }
0x25: {  	s31 =	sadd.s32 $0xFFFFFFFF, s12;
	s15 =	sshrl.u32 @!p0 s11, $0x3  }
0x26: {  	s16 =	sand.u32 @!p0 $0x7, s11;
	s15 =	sadd.s32 @!p0 s3, s15;
	s14 =	sshra.s32 @!p0 s14, $0x2  }
0x27: {  	[tilespmem:s14], [sflag:$0x2] =	stream.linear.gather @!p0 [hbm4b:s15+s16], $0xFA0, $0x38;
	[tilespmem:$0x3E80] =	vst v63  }
0x28: {  	p0 =	sge.u32 s31, s7  }
.Ltmp2:
0x29: {  	_ = 	snop;
	(pc) =	sbr.rel @p0 .LBB2_5-.Ltmp2, $1  }
0x2a: {  	_ =	sdelay $0x3  }
0x2b: {  	s14 =	sand.u32 $0x1, s12  }
0x2c: {  	_ =	swait.ge [sflag:s6], $0xFA0;
	p0 =	seq.s32 s14, $0x1;
	s14 =	simm.s32 $0xFA0  }
0x2d: {  	[sflag:s6] =	ssyncset.done $0x0;
	s14 =	simm.s32 @!p0 $0x0  }
0x2e: {  	[sflag:s6] =	ssyncadd.s32 $0xFFFFF060;
	(ifvalue) =	ssetifvalue $0x7FFFFFFF;
	v0 =	vld.msk [tilespmem:s14+$0x0 ss:$0x1], $0xffff;
	_ =	sdelay $0x4  }
0x2f: {  	s15 =	sadd.s32 $0x10, s14;
	vm1 =	vgt.s32 v0, $0x0  }
0x30: {  	v2 =	vld.msk [tilespmem:s15+$0x0 ss:$0x1], $0xffff;
	v1 =	vnsel vm1, $0x0, v0  }
0x31: {  	v1 =	vmin.u32 v1, $0x270FF;
	_ =	sdelay $0x2  }
0x32: {  	s17 =	simm.s32 $0x20;
	s14 =	sadd.s32 $0x1F40, s14;
	s16 =	sadd.s32 $0x10, s15  }
0x33: {  	s15 =	sadd.s32 $0x10, s14;
	s18 =	smov.u32 s14;
	v0 =	vld.msk [tilespmem:s16+$0x0 ss:$0x1], $0xffff;
	vm1 =	vgt.s32 v2, $0x0;
	(ifvalue) =	ssetifvalue $0x7FFFFFFF  }
.LBB2_3:
0x34: {  	[tilespmem:s18], [sflag:$0x1] =	stream.indirect_vreg.gather [hbm4b:s2+s10], $0x1, v1, vm0, $0x4038;
	[tilespmem:$0x3E80] =	vst v63  }
0x35: {  	s17 =	sadd.s32 $0x10, s17  }
0x36: {  	v2 =	vnsel vm1, $0x0, v2;
	p0 =	slt.u32 s17, $0xF90  }
.Ltmp3:
0x37: {  	s18 =	smov.u32 s15;
	v1 =	vmin.u32 v2, $0x270FF;
	(pc) =	sbr.rel @p0 .LBB2_3-.Ltmp3, $3  }
0x38: {  	_ =	sdelay $0x1  }
0x39: {  	s16 =	sadd.s32 $0x10, s16  }
0x3a: {  	vm1 =	vgt.s32 v0, $0x0;
	s15 =	sadd.s32 $0x10, s15;
	v2 =	vmov v0;
	(ifvalue) =	ssetifvalue $0x7FFFFFFF;
	v0 =	vld.msk [tilespmem:s16+$0x0 ss:$0x1], $0xffff  }
.Ltmp4:
0x3b: {  	_ = 	snop;
	(pc) =	sbr.rel .LBB2_4-.Ltmp4, $1  }
0x3c: {  	_ =	sdelay $0x3  }
.LBB2_6:
0x3d: {  	_ =	sfence.sel $0x180000  }
0x3e: {  	s2 =	simm.s32 $0x2;
	[bflag:$0x0] =	sbarrier.arrive $0xFFFF  }
0x3f: {  	s30 =	simm.s32 $0x3;
	[sflag:s2] =	ssyncpa.u1 $0x1  }
0x40: {  	s31 =	simm.s32 $0x1;
	[sflag:s30] =	ssyncpa.u1 $0x1  }
0x41: {  	[sflag:s31] =	ssyncpa.u1 $0x1  }
0x42: {  	p0 =	sne.s32 s1, $0x0;
	_ =	strace $0x90000047  }
0x43: {  	s0 =	sadd.s32 @!p0 $0x100000, s0;
	[bflag:$0x2] =	sbarrier.arrive $0xFFFF  }
0x44: {  	[sflag:s0] =	ssyncadd.tile.s32 @!p0 $0x1;
	_ =	shalt  }
.Lfunc_end2:
_tile_overlayer_lowered:
.L_overlay_start_2:
0x45: {  	(tag) =	ssettag $0x2  }
0x46: {  	s0 =	rddreg [dreg:$0x0];
	s2 =	stileid.u32  }
0x47: {  	s1 =	rddreg [dreg:$0x1];
	p0 =	sne.s32 s2, $0x0  }
0x48: {  	s3 =	rddreg [dreg:$0x2];
	[bflag:$0x3] =	sbarrier.arrive $0xFFFF;
	s2 =	simm.s32 @!p0 $0x1C01  }
0x49: {  	[timem:s3], [sflag:s2] =	dma.local @!p0 [hbm:s0], s1  }
0x4a: {  	s0 =	simm.s32 @!p0 $0x1  }
0x4b: {  	_ =	swait.ge @!p0 [sflag:s0], s1  }
0x4c: {  	s1 =	ssub.s32 @!p0 $0x0, s1;
	[sflag:s0] =	ssyncset.done @!p0 $0x0  }
0x4d: {  	[sflag:s0] =	ssyncadd.s32 @!p0 s1  }
0x4e: {  	[bflag:$0x3] =	sbarrier.arrive $0xFFFF  }
0x4f: {  	_ =	shalt  }

// kernel: kernel.5.cloned.1.call-start
scs
__scs_entry_jumppad:
0x0: {  	(pc) =	sbr.rel $0x88, $3  }
0x1: {  	(tag) =	ssettag $0x0;
	lr =	simm.s32 $0x1  }
0x2: {  	[smem:$0x3F98] =	sst lr;
	_ =	strace $0xD0000000  }
0x3: {  	_ = 	snop  }
0x4: {  	_ = 	snop  }
0x5: {  	_ = 	snop  }
0x6: {  	_ = 	snop  }
0x7: {  	_ = 	snop  }
__scs_overlays_trampoline_lowered:
0x8: {  	[smem:$0x3FA7] =	sst s0  }
0x9: {  	[smem:$0x3FA8] =	sst s1  }
0xa: {  	[smem:$0x3FA9] =	sst s2  }
0xb: {  	[smem:$0x3FAA] =	sst s3  }
0xc: {  	[smem:$0x3FAB] =	sst s4  }
0xd: {  	[smem:$0x3FAC] =	sst s5  }
0xe: {  	[smem:$0x3FAD] =	sst s6  }
0xf: {  	[smem:$0x3FAE] =	sst s7  }
0x10: {  	[smem:$0x3FAF] =	sst s8  }
0x11: {  	[smem:$0x3FB0] =	sst s9;
	s0 =	simm.s32 @!p0 $0x0  }
0x12: {  	s1 =	sld [smem:$0x3F96];
	s0 =	simm.s32 @p0 $0x1  }
0x13: {  	[smem:$0x3FB1] =	sst s0;
	s0 =	simm.s32 @!p1 $0x0  }
0x14: {  	s2 =	sld [smem:$0x3F95];
	s0 =	simm.s32 @p1 $0x1  }
0x15: {  	[smem:$0x3FB2] =	sst s0;
	s0 =	simm.s32 @!p2 $0x0  }
0x16: {  	s3 =	sld [smem:$0x3FDB];
	s0 =	simm.s32 @p2 $0x1  }
0x17: {  	s4 =	simm.s32 $0x1BF5;
	[smem:$0x3FB4] =	sst s0  }
0x18: {  	s0 =	sld [smem:$0x3F97];
	_ =	swait.ge [sflag:s4], $0x0  }
0x19: {  	s7 =	sld [smem:$0x3F98]  }
0x1a: {  	s8 =	sadd.s32 $0xFFFFE003, lr  }
0x1b: {  	s9 =	sadd.s32 $0xFFFFFEF7, lr;
	s5 =	simm.s32 $0xFFFFFFFF;
	p2 =	slt.u32 s8, $0xFFFFF086  }
0x1c: {  	p1 =	slt.u32 s9, $0xF7A;
	s5 =	simm.s32 @!p2 $0x0  }
0x1d: {  	s5 =	simm.s32 @p1 $0x1;
	p0 =	seq.s32 s7, s2  }
0x1e: {  	s7 =	smul.u32 @!p0 $0xF7A, s2;
	p2 =	seq.s32 @!p0 s5, $0x0  }
0x1f: {  	s9 =	smul.u32 $0xF7A, s1;
	s8 =	simm.s32 @!p0 $0x1BF5;
	p2 =	por !p2, p0  }
0x20: {  	[sflag:s8] =	ssyncset.s32 @!p0 $0xFFFFF086;
	s6 =	sadd.s32 @!p0 s3, s7;
	s7 =	simm.s32 @!p0 $0x108  }
0x21: {  	s3 =	sadd.s32 s3, s9;
	s6 =	sadd.s32 @!p0 $0x88, s6;
	s7 =	simm.s32 @p2 $0x1082  }
0x22: {  	[simem:s7], [sflag:s8] =	dma.local @!p0 [hbm:s6], $0xF7A  }
0x23: {  	s9 =	sor.u32 $0xD0000000, s2;
	s6 =	simm.s32 $0x108;
	_ =	swait.ge @!p0 [sflag:s8], $0x0  }
0x24: {  	s3 =	sadd.s32 $0x88, s3;
	s6 =	simm.s32 @!p1 $0x1082;
	[sflag:s4] =	ssyncset.s32 $0xFFFFF086  }
0x25: {  	[simem:s6], [sflag:s4] =	dma.local [hbm:s3], $0xF7A  }
0x26: {  	[smem:$0x3F98] =	sst s1;
	(tag) =	ssettag s2;
	_ =	strace s9  }
0x27: {  	s1 =	sld [smem:$0x3FA8]  }
0x28: {  	s2 =	sld [smem:$0x3FA9]  }
0x29: {  	s4 =	sld [smem:$0x3FAB]  }
0x2a: {  	p0 =	seq.s32 s5, $0x0;
	s5 =	sld [smem:$0x3FAC]  }
0x2b: {  	s6 =	sld [smem:$0x3FAD]  }
0x2c: {  	s7 =	sld [smem:$0x3FAE]  }
0x2d: {  	s3 =	simm.s32 $0x108;
	s8 =	sld [smem:$0x3FAF]  }
0x2e: {  	s3 =	simm.s32 @!p0 $0x1082;
	s9 =	sld [smem:$0x3FB0]  }
0x2f: {  	lr =	sadd.s32 s0, s3;
	s0 =	sld [smem:$0x3FA7]  }
0x30: {  	s3 =	sld [smem:$0x3FAA]  }
0x31: {  	[smem:$0x3FB3] =	sst s10  }
0x32: {  	s10 =	sld [smem:$0x3FB1];
	_ =	sdelay $0x3  }
0x33: {  	p0 =	seq.s32 s10, $0x1;
	s10 =	sld [smem:$0x3FB3];
	_ =	sdelay $0x3  }
0x34: {  	[smem:$0x3FB3] =	sst s10  }
0x35: {  	s10 =	sld [smem:$0x3FB2];
	_ =	sdelay $0x3  }
0x36: {  	p1 =	seq.s32 s10, $0x1;
	s10 =	sld [smem:$0x3FB3];
	_ =	sdelay $0x3  }
0x37: {  	[smem:$0x3FB3] =	sst s10  }
0x38: {  	s10 =	sld [smem:$0x3FB4]  }
0x39: {  	_ = 	snop;
	(pc) =	sbr.ind lr, $3  }
0x3a: {  	_ = 	snop  }
0x3b: {  	_ = 	snop  }
0x3c: {  	p2 =	seq.s32 s10, $0x1;
	s10 =	sld [smem:$0x3FB3]  }
0x3d: {  	_ =	shalt  }
0x3e: {  	_ =	shalt  }
0x3f: {  	_ =	shalt  }
0x40: {  	_ =	shalt  }
0x41: {  	_ =	shalt  }
0x42: {  	_ =	shalt  }
0x43: {  	_ =	shalt  }
0x44: {  	_ =	shalt  }
0x45: {  	_ =	shalt  }
0x46: {  	_ =	shalt  }
0x47: {  	_ =	shalt  }
0x48: {  	_ =	shalt  }
0x49: {  	_ =	shalt  }
0x4a: {  	_ =	shalt  }
0x4b: {  	_ =	shalt  }
0x4c: {  	_ =	shalt  }
0x4d: {  	_ =	shalt  }
0x4e: {  	_ =	shalt  }
0x4f: {  	_ =	shalt  }
0x50: {  	_ =	shalt  }
0x51: {  	_ =	shalt  }
0x52: {  	_ =	shalt  }
0x53: {  	_ =	shalt  }
0x54: {  	_ =	shalt  }
0x55: {  	_ =	shalt  }
0x56: {  	_ =	shalt  }
0x57: {  	_ =	shalt  }
0x58: {  	_ =	shalt  }
0x59: {  	_ =	shalt  }
0x5a: {  	_ =	shalt  }
0x5b: {  	_ =	shalt  }
0x5c: {  	_ =	shalt  }
0x5d: {  	_ =	shalt  }
0x5e: {  	_ =	shalt  }
0x5f: {  	_ =	shalt  }
0x60: {  	_ =	shalt  }
0x61: {  	_ =	shalt  }
0x62: {  	_ =	shalt  }
0x63: {  	_ =	shalt  }
0x64: {  	_ =	shalt  }
0x65: {  	_ =	shalt  }
0x66: {  	_ =	shalt  }
0x67: {  	_ =	shalt  }
0x68: {  	_ =	shalt  }
0x69: {  	_ =	shalt  }
0x6a: {  	_ =	shalt  }
0x6b: {  	_ =	shalt  }
0x6c: {  	_ =	shalt  }
0x6d: {  	_ =	shalt  }
0x6e: {  	_ =	shalt  }
0x6f: {  	_ =	shalt  }
0x70: {  	_ =	shalt  }
0x71: {  	_ =	shalt  }
0x72: {  	_ =	shalt  }
0x73: {  	_ =	shalt  }
0x74: {  	_ =	shalt  }
0x75: {  	_ =	shalt  }
0x76: {  	_ =	shalt  }
0x77: {  	_ =	shalt  }
0x78: {  	_ =	shalt  }
0x79: {  	_ =	shalt  }
0x7a: {  	_ =	shalt  }
0x7b: {  	_ =	shalt  }
0x7c: {  	_ =	shalt  }
0x7d: {  	_ =	shalt  }
0x7e: {  	_ =	shalt  }
0x7f: {  	_ =	shalt  }
0x80: {  	_ =	shalt  }
0x81: {  	_ =	shalt  }
0x82: {  	_ =	shalt  }
0x83: {  	_ =	shalt  }
0x84: {  	_ =	shalt  }
0x85: {  	_ =	shalt  }
0x86: {  	_ =	shalt  }
0x87: {  	_ =	shalt  }
.Lfunc_end0:
.L_simem_size_0:
called_computation.6_lowered:
.L_overlay_start_0:
0x88: {  	s2 =	sld [smem:$0x3FD9]  }
0x89: {  	s3 =	sld [smem:$0x3FFE];
	_ =	sdelay $0x1  }
0x8a: {  	s1 =	srdreg.scid  }
0x8b: {  	s0 =	sand.u32 $0x1, s1  }
0x8c: {  	s15 =	sshll.u32 s0, $0xA;
	s2 =	sadd.s32 s3, s2  }
0x8d: {  	s2 =	sadd.s32 s2, s15  }
0x8e: {  	[smem:$0x3FBF] =	sst s2  }
0x8f: {  	_ = 	snop  }
0x90: {  	s2 =	sld [smem:$0x3FD0];
	_ =	sdelay $0x2  }
0x91: {  	s16 =	simm.s32 $0xC;
	s4 =	simm.s32 $0x10  }
0x92: {  	[smem:s4], [sflag:s16] =	dma.local [hbm:s2], $0x1  }
0x93: {  	_ =	swait.eq [sflag:s16], $0x1  }
0x94: {  	[sflag:s16] =	ssyncset.done $0x0  }
0x95: {  	[sflag:s16] =	ssyncadd.s32 $0xFFFFFFFF  }
0x96: {  	s17 =	sld [smem:$0x11];
	(tm) =	ssettm $0x1  }
0x97: {  	s18 =	sld [smem:$0x3FFB];
	_ =	sdelay $0x3  }
0x98: {  	_ =	strace s18  }
0x99: {  	s2 =	sld [smem:$0x3FFC];
	_ =	sdelay $0x3  }
0x9a: {  	_ =	strace s2  }
0x9b: {  	s2 =	sld [smem:$0x3FFD];
	_ =	sdelay $0x3  }
0x9c: {  	_ =	strace s2  }
0x9d: {  	_ =	strace $0x8FFFFFFF  }
0x9e: {  	s19 =	sld [smem:$0x3FDB];
	_ =	sdelay $0x1  }
0x9f: {  	s20 =	simm.s32 $_scs_section_size  }
0xa0: {  	s5 =	simm.s32 $_size__tile_overlayer_lowered;
	s6 =	simm.s32 $_tile_overlayer_lowered  }
0xa1: {  	s7 =	simm.s32 $0x1BFF;
	s21 =	sshll.u32 s6, $0x1;
	s4 =	sadd.s32 s20, s19  }
0xa2: {  	s22 =	simm.s32 $0x0;
	s5 =	sshll.u32 s5, $0x1;
	s6 =	sadd.s32 s21, s4  }
0xa3: {  	[timem:s22], [sflag:s7] =	dma.local [hbm:s6], s5  }
0xa4: {  	_ =	swait.ge [sflag:s7], s5  }
0xa5: {  	s5 =	ssub.s32 $0x0, s5;
	[sflag:s7] =	ssyncset.done $0x0  }
0xa6: {  	[sflag:s7] =	ssyncadd.s32 s5;
	_ =	sdelay $0x1  }
0xa7: {  	s23 =	simm.s32 $0x1B8B  }
0xa8: {  	_ =	swait.ge [sflag:s23], $0x1  }
0xa9: {  	[sflag:s23] =	ssyncset.done $0x0  }
0xaa: {  	[sflag:s23] =	ssyncadd.s32 $0xFFFFFFFF  }
0xab: {  	s5 =	sld [smem:$0x0]  }
0xac: {  	s6 =	sand.u32 $0xFFFFFFFE, s1  }
0xad: {  	p0 =	sne.s32 s1, s6  }
0xae: {  	s6 =	sshll.u32 @p0 s6, $0xE  }
0xaf: {  	s6 =	sadd.s32 @p0 $0x11B8D, s6;
	s7 =	sshll.u32 @p0 s5, $0x11  }
0xb0: {  	s6 =	sor.u32 @p0 s7, s6  }
0xb1: {  	[sflag:s6] =	ssyncadd.remote.s32 @p0 $0x1;
	_ =	sdelay $0x1  }
0xb2: {  	s6 =	simm.s32 @p0 $0x1B8D  }
0xb3: {  	_ =	swait.eq @p0 [sflag:s6], $0x1  }
0xb4: {  	[sflag:s6] =	ssyncadd.s32 @p0 $0xFFFFFFFF  }
0xb5: {  	s7 =	sshll.u32 @!p0 s1, $0xE  }
0xb6: {  	s7 =	sor.u32 @!p0 $0x4000, s7;
	s6 =	simm.s32 @!p0 $0x1B8D  }
0xb7: {  	s5 =	sshll.u32 @!p0 s5, $0x11;
	s7 =	sadd.s32 @!p0 $0x11B8D, s7;
	_ =	swait.eq @!p0 [sflag:s6], $0x1  }
0xb8: {  	s5 =	sor.u32 @!p0 s5, s7;
	[sflag:s6] =	ssyncadd.s32 @!p0 $0xFFFFFFFF  }
0xb9: {  	s25 =	simm.s32 $0x1B8E;
	s24 =	sld [smem:$0x3FFE];
	[sflag:s5] =	ssyncadd.remote.s32 @!p0 $0x1  }
0xba: {  	s26 =	simm.s32 $execute0_lowered;
	[smem:$0x3FD2] =	sst s25  }
0xbb: {  	s6 =	sshll.u32 s26, $0x1;
	_ =	strace $0x80000058;
	[dreg:$0x1] =	wrdreg $0xFFFFFFFF  }
0xbc: {  	s28 =	simm.s32 $_size_execute0_lowered;
	s4 =	sadd.s32 s4, s6;
	[dreg:$0x0] =	wrdreg $0x0  }
0xbd: {  	s6 =	sshll.u32 s28, $0x1;
	[dreg:$0x2] =	wrdreg s4  }
0xbe: {  	[dreg:$0x3] =	wrdreg s6  }
0xbf: {  	[dreg:$0x4] =	wrdreg $0xC0  }
0xc0: {  	_ =	task [dreg:s22], $0x5FFFF  }
0xc1: {  	[dreg:$0x1] =	wrdreg $0xFFFFFFFF  }
0xc2: {  	[dreg:$0x0] =	wrdreg $0x60  }
0xc3: {  	[dreg:$0x2] =	wrdreg s24  }
0xc4: {  	[dreg:$0x3] =	wrdreg s17  }
0xc5: {  	[dreg:$0x4] =	wrdreg $0xB  }
0xc6: {  	_ =	task.clear_ibuf [dreg:s22], $0x5FFFF;
	_ =	strace $0x90000058  }
0xc7: {  	s29 =	simm.s32 $0xB;
	_ =	strace $0x8000005A  }
0xc8: {  	_ =	swait.ge [sflag:s29], $0x1  }
0xc9: {  	[sflag:s29] =	ssyncadd.s32 $0xFFFFFFFF  }
0xca: {  	_ =	strace $0x9000005A  }
0xcb: {  	_ =	sfence  }
0xcc: {  	s30 =	sld [smem:$0x0];
	_ =	sdelay $0x2  }
0xcd: {  	s31 =	sshll.u32 s1, $0xD;
	s1 =	sshrl.u32 s1, $0x2  }
0xce: {  	s4 =	sand.u32 $0x4000, s31;
	s1 =	sadd.s32 s1, s30  }
0xcf: {  	s0 =	sor.u32 s4, s0;
	s1 =	sshll.u32 s1, $0x11  }
0xd0: {  	s0 =	sor.u32 s1, s0  }
0xd1: {  	s0 =	sadd.s32 $0x8F2B, s0  }
0xd2: {  	[sflag:s0] =	ssyncadd.remote.s32 $0x1  }
0xd3: {  	_ =	sfence.sel $0xFFFF  }
0xd4: {  	[dreg:$0x0] =	wrdreg $0xFFFFFFFF;
	(pc) =	sbr.abs _section_cstart, $3  }
0xd5: {  	[dreg:$0x1] =	wrdreg $0xFFFFFFFF  }
0xd6: {  	_ =	task.clear_ibuf [dreg:s22], $0x2FFFF;
	_ =	strace $0x9FFFFFFF  }
0xd7: {  	(tm) =	ssettm $0x7FFFFFFF  }
tec
execute0_lowered:
.L_overlay_start_1:
0x0: {  	(tag) =	ssettag $0x1  }
0x1: {  	s0 =	rddreg [dreg:$0x0]  }
0x2: {  	s1 =	rddreg [dreg:$0x1]  }
0x3: {  	s2 =	simm.s32 $0x0;
	s3 =	srdreg.scid;
	s8 =	stileid.u32  }
0x4: {  	s15 =	simm.s32 $0x3;
	s17 =	simm.s32 $0x900;
	s14 =	simm.s32 $0x1900  }
0x5: {  	s30 =	simm.s32 $0x2D00;
	s28 =	simm.s32 $0x6100;
	s29 =	simm.s32 $0x6900  }
0x6: {  	s16 =	simm.s32 $0x8500;
	s31 =	simm.s32 $0x8D00;
	[smem:$0x7FF] =	sst s2  }
0x7: {  	s5 =	sand.u32 $0x1, s3;
	s3 =	sadd.s32 $0x286200, s0;
	s9 =	sadd.s32 $0x921400, s0  }
0x8: {  	s18 =	sshll.u32 s8, $0x1;
	s11 =	smul.u32 $0x2C00, s8;
	s8 =	sadd.s32 $0x286600, s0  }
0x9: {  	s4 =	ssub.s32 $0x2, s5;
	s6 =	sor.u32 s5, s18;
	s5 =	smul.u32 $0x1600, s5  }
0xa: {  	_ =	strace $0x80000059;
	s7 =	sshrl.u32 s4, $0x1;
	s6 =	smul.u32 $0x1600, s6  }
0xb: {  	s18 =	simm.s32 $0x2100;
	s10 =	ssub.s32 s4, s7;
	s4 =	sadd.s32 $0x286300, s0  }
0xc: {  	s7 =	sadd.s32 $0x286500, s0;
	s20 =	sadd.s32 s5, s11;
	s19 =	sshrl.u32 s6, $0x3  }
0xd: {  	s6 =	sadd.s32 $0x286400, s0;
	s11 =	sor.u32 $0x20, s20;
	s23 =	sor.u32 $0x40, s20  }
0xe: {  	s0 =	sshrl.u32 s20, $0x3;
	s10 =	smax.u32 s10, $0x1;
	s20 =	simm.s32 $0x100  }
0xf: {  	s13 =	sadd.s32 s1, s19;
	s12 =	smul.u32 $0x480, s19;
	s11 =	sshrl.u32 s11, $0x3  }
0x10: {  	s0 =	smul.u32 $0x480, s0;
	[dreg:$0x9] =	wrdreg s10;
	s19 =	simm.s32 $0x2500  }
0x11: {  	s10 =	simm.s32 $0x1;
	[dreg:$0x5] =	wrdreg s13;
	s21 =	sadd.s32 $0x2BC, s13  }
0x12: {  	s24 =	smul.u32 $0x480, s11;
	s13 =	simm.s32 $0x1100;
	[dreg:$0x6] =	wrdreg s21  }
0x13: {  	s22 =	sadd.s32 s9, s12;
	s0 =	sadd.s32 s0, s9;
	s21 =	simm.s32 $0x3500  }
0x14: {  	s12 =	sadd.s32 $0xC3C00, s22;
	s5 =	sadd.s32 $0xC4E00, s22;
	[dreg:$0xb] =	wrdreg s0  }
0x15: {  	s26 =	sadd.s32 s24, s9;
	s22 =	simm.s32 $0x3D00;
	[dreg:$0x7] =	wrdreg s12  }
0x16: {  	s24 =	simm.s32 $0x4900;
	s0 =	simm.s32 $0x6D00;
	[dreg:$0x8] =	wrdreg s5  }
0x17: {  	s9 =	simm.s32 $0x7D00;
	s12 =	sshrl.u32 s23, $0x3;
	[dreg:$0xa] =	wrdreg s26  }
0x18: {  	s23 =	simm.s32 $0x4500;
	s26 =	simm.s32 $0x5900;
	s25 =	sadd.s32 s12, s1  }
0x19: {  	v2 =	vlaneseq.u32;
	s5 =	simm.s32 $0x2;
	s1 =	sadd.s32 s11, s1;
	[dreg:$0x3] =	wrdreg s25  }
0x1a: {  	vm0 =	vmmov $0xffff;
	vm1 =	vmmov $0xff;
	v1 =	vshrl.u32 v2, $0x3;
	s12 =	simm.s32 $0x9100;
	s11 =	simm.s32 $0x0;
	[dreg:$0x4] =	wrdreg s1  }
0x1b: {  	v0 =	vand.u32 $0x7, v2;
	v2 =	vor.u32 $0x8, v2;
	v1 =	vmul.u32 $0x8, v1;
	s25 =	simm.s32 $0x5100;
	s1 =	simm.s32 $0x7500;
	[dreg:$0xc] =	wrdreg s11  }
.LBB2_1:
0x1c: {  	s11 =	rddreg [dreg:$0x5]  }
0x1d: {  	[tilespmem:s2], [sflag:$0x3] =	stream.linear.gather [hbm4b:s11+s2], $0x20, $0x38;
	[tilespmem:$0x12100] =	vst v63  }
0x1e: {  	_ =	swait.ge [sflag:s15], $0x20  }
0x1f: {  	[sflag:s15] =	ssyncset.done $0x0  }
0x20: {  	[sflag:s15] =	ssyncadd.s32 $0xFFFFFFE0  }
0x21: {  	v3 =	vld [tilespmem:$0x0];
	_ =	sdelay $0x4  }
0x22: {  	v4 =	vshrl.u32 v3, $0x3  }
0x23: {  	v4 =	vmul.u32 $0x48, v4  }
0x24: {  	v3 =	vand.u32 $0x7, v3  }
0x25: {  	v3 =	vor.u32 v3, v4  }
0x26: {  	v4 =	vperm.xlane v3, v0;
	_ =	sdelay $0x1  }
0x27: {  	v4 =	vadd.s32 v1, v4;
	_ =	sdelay $0x4  }
0x28: {  	[tilespmem:s20], [sflag:$0x1] =	stream.indirect_vreg.gather [hbm4b:s3+s2], $0x80, v4, vm0, $0xb8;
	[tilespmem:$0x12100] =	vst v63  }
0x29: {  	_ = 	snop  }
0x2a: {  	[tilespmem:s17], [sflag:$0x1] =	stream.indirect_vreg.gather [hbm4b:s4+s2], $0x80, v4, vm0, $0xb8;
	[tilespmem:$0x12100] =	vst v63  }
0x2b: {  	v3 =	vperm.xlane v3, v2  }
0x2c: {  	[tilespmem:s13], [sflag:$0x1] =	stream.indirect_vreg.gather [hbm4b:s6+s2], $0x80, v4, vm0, $0xb8;
	[tilespmem:$0x12100] =	vst v63  }
0x2d: {  	v3 =	vadd.s32 v1, v3  }
0x2e: {  	[tilespmem:s14], [sflag:$0x1] =	stream.indirect_vreg.gather [hbm4b:s7+s2], $0x80, v4, vm0, $0xb8;
	[tilespmem:$0x12100] =	vst v63  }
0x2f: {  	_ = 	snop  }
0x30: {  	[tilespmem:s18], [sflag:$0x1] =	stream.indirect_vreg.gather [hbm4b:s8+s2], $0x80, v4, vm1, $0xb8;
	[tilespmem:$0x12100] =	vst v63  }
0x31: {  	_ = 	snop  }
0x32: {  	[tilespmem:s19], [sflag:$0x1] =	stream.indirect_vreg.gather [hbm4b:s3+s2], $0x80, v3, vm0, $0xb8;
	[tilespmem:$0x12100] =	vst v63  }
0x33: {  	_ = 	snop  }
0x34: {  	[tilespmem:s30], [sflag:$0x1] =	stream.indirect_vreg.gather [hbm4b:s4+s2], $0x80, v3, vm0, $0xb8;
	[tilespmem:$0x12100] =	vst v63  }
0x35: {  	_ = 	snop  }
0x36: {  	[tilespmem:s21], [sflag:$0x1] =	stream.indirect_vreg.gather [hbm4b:s6+s2], $0x80, v3, vm0, $0xb8;
	[tilespmem:$0x12100] =	vst v63  }
0x37: {  	_ = 	snop  }
0x38: {  	[tilespmem:s22], [sflag:$0x1] =	stream.indirect_vreg.gather [hbm4b:s7+s2], $0x80, v3, vm0, $0xb8;
	[tilespmem:$0x12100] =	vst v63  }
0x39: {  	_ = 	snop  }
0x3a: {  	[tilespmem:s23], [sflag:$0x1] =	stream.indirect_vreg.gather [hbm4b:s8+s2], $0x80, v3, vm1, $0xb8;
	[tilespmem:$0x12100] =	vst v63  }
0x3b: {  	v3 =	vld [tilespmem:$0x10];
	_ =	sdelay $0x4  }
0x3c: {  	v63 =	vshrl.u32 v3, $0x3  }
0x3d: {  	v4 =	vmul.u32 $0x48, v63  }
0x3e: {  	v3 =	vand.u32 $0x7, v3  }
0x3f: {  	v3 =	vor.u32 v3, v4  }
0x40: {  	v4 =	vperm.xlane v3, v0;
	_ =	sdelay $0x1  }
0x41: {  	v4 =	vadd.s32 v1, v4;
	_ =	sdelay $0x4  }
0x42: {  	[tilespmem:s24], [sflag:$0x1] =	stream.indirect_vreg.gather [hbm4b:s3+s2], $0x80, v4, vm0, $0xb8;
	[tilespmem:$0x12100] =	vst v63  }
0x43: {  	_ = 	snop  }
0x44: {  	[tilespmem:s25], [sflag:$0x1] =	stream.indirect_vreg.gather [hbm4b:s4+s2], $0x80, v4, vm0, $0xb8;
	[tilespmem:$0x12100] =	vst v63  }
0x45: {  	v3 =	vperm.xlane v3, v2  }
0x46: {  	[tilespmem:s26], [sflag:$0x1] =	stream.indirect_vreg.gather [hbm4b:s6+s2], $0x80, v4, vm0, $0xb8;
	[tilespmem:$0x12100] =	vst v63  }
0x47: {  	v3 =	vadd.s32 v1, v3  }
0x48: {  	[tilespmem:s28], [sflag:$0x1] =	stream.indirect_vreg.gather [hbm4b:s7+s2], $0x80, v4, vm0, $0xb8;
	[tilespmem:$0x12100] =	vst v63  }
0x49: {  	s11 =	rddreg [dreg:$0xb]  }
0x4a: {  	[tilespmem:s29], [sflag:$0x1] =	stream.indirect_vreg.gather [hbm4b:s8+s2], $0x80, v4, vm1, $0xb8;
	[tilespmem:$0x12100] =	vst v63  }
0x4b: {  	s13 =	rddreg [dreg:$0xa];
	s14 =	simm.s32 $0x0  }
0x4c: {  	[tilespmem:s0], [sflag:$0x1] =	stream.indirect_vreg.gather [hbm4b:s3+s2], $0x80, v3, vm0, $0xb8;
	[tilespmem:$0x12100] =	vst v63  }
0x4d: {  	s18 =	simm.s32 $0x9900;
	s19 =	simm.s32 $0x1900;
	s30 =	simm.s32 $0x6100  }
0x4e: {  	[tilespmem:s1], [sflag:$0x1] =	stream.indirect_vreg.gather [hbm4b:s4+s2], $0x80, v3, vm0, $0xb8;
	[tilespmem:$0x12100] =	vst v63  }
0x4f: {  	s21 =	simm.s32 $0x2500;
	s22 =	simm.s32 $0x2D00;
	s23 =	simm.s32 $0x3500  }
0x50: {  	[tilespmem:s9], [sflag:$0x1] =	stream.indirect_vreg.gather [hbm4b:s6+s2], $0x80, v3, vm0, $0xb8;
	[tilespmem:$0x12100] =	vst v63  }
0x51: {  	s25 =	simm.s32 $0x4500;
	s26 =	simm.s32 $0x4900;
	s28 =	simm.s32 $0x5100  }
0x52: {  	[tilespmem:s16], [sflag:$0x1] =	stream.indirect_vreg.gather [hbm4b:s7+s2], $0x80, v3, vm0, $0xb8;
	[tilespmem:$0x12100] =	vst v63  }
0x53: {  	s29 =	simm.s32 $0x80;
	s0 =	simm.s32 $0x6D00;
	s1 =	simm.s32 $0x7500  }
0x54: {  	[tilespmem:s31], [sflag:$0x1] =	stream.indirect_vreg.gather [hbm4b:s8+s2], $0x80, v3, vm1, $0xb8;
	[tilespmem:$0x12100] =	vst v63  }
0x55: {  	s9 =	simm.s32 $0x7D00;
	s16 =	simm.s32 $0x8500;
	s31 =	simm.s32 $0x6900  }
.LBB2_2:
0x56: {  	s17 =	rddreg [dreg:$0x4]  }
0x57: {  	s17 =	sadd.s32 s14, s17  }
0x58: {  	[tilespmem:s29], [sflag:$0x3] =	stream.linear.gather [hbm4b:s17+s2], $0x20, $0x38;
	[tilespmem:$0x12100] =	vst v63  }
0x59: {  	_ =	swait.ge [sflag:s15], $0x20  }
0x5a: {  	[sflag:s15] =	ssyncset.done $0x0  }
0x5b: {  	[sflag:s15] =	ssyncadd.s32 $0xFFFFFFE0  }
0x5c: {  	v3 =	vld [tilespmem:$0x80];
	_ =	sdelay $0x4  }
0x5d: {  	v4 =	vshrl.u32 v3, $0x3  }
0x5e: {  	v4 =	vmul.u32 $0x48, v4  }
0x5f: {  	v3 =	vand.u32 $0x7, v3  }
0x60: {  	v3 =	vor.u32 v3, v4  }
0x61: {  	v4 =	vperm.xlane v3, v0;
	_ =	sdelay $0x1  }
0x62: {  	v4 =	vadd.s32 v1, v4;
	_ =	sdelay $0x4  }
0x63: {  	[tilespmem:s12], [sflag:$0x2] =	stream.indirect_vreg.gather [hbm4b:s3+s2], $0x80, v4, vm0, $0xb8;
	[tilespmem:$0x12100] =	vst v63  }
0x64: {  	_ = 	snop  }
0x65: {  	[tilespmem:s18], [sflag:$0x2] =	stream.indirect_vreg.gather [hbm4b:s4+s2], $0x80, v4, vm0, $0xb8;
	[tilespmem:$0x12100] =	vst v63  }
0x66: {  	s20 =	simm.s32 $0xA100;
	v3 =	vperm.xlane v3, v2  }
0x67: {  	[tilespmem:s20], [sflag:$0x2] =	stream.indirect_vreg.gather [hbm4b:s6+s2], $0x80, v4, vm0, $0xb8;
	[tilespmem:$0x12100] =	vst v63  }
0x68: {  	s24 =	simm.s32 $0xA900;
	v3 =	vadd.s32 v1, v3  }
0x69: {  	[tilespmem:s24], [sflag:$0x2] =	stream.indirect_vreg.gather [hbm4b:s7+s2], $0x80, v4, vm0, $0xb8;
	[tilespmem:$0x12100] =	vst v63  }
0x6a: {  	s20 =	simm.s32 $0xB100  }
0x6b: {  	[tilespmem:s20], [sflag:$0x2] =	stream.indirect_vreg.gather [hbm4b:s8+s2], $0x80, v4, vm1, $0xb8;
	[tilespmem:$0x12100] =	vst v63  }
0x6c: {  	s24 =	simm.s32 $0xB500  }
0x6d: {  	[tilespmem:s24], [sflag:$0x2] =	stream.indirect_vreg.gather [hbm4b:s3+s2], $0x80, v3, vm0, $0xb8;
	[tilespmem:$0x12100] =	vst v63  }
0x6e: {  	s20 =	simm.s32 $0xBD00  }
0x6f: {  	[tilespmem:s20], [sflag:$0x2] =	stream.indirect_vreg.gather [hbm4b:s4+s2], $0x80, v3, vm0, $0xb8;
	[tilespmem:$0x12100] =	vst v63  }
0x70: {  	s24 =	simm.s32 $0xC500  }
0x71: {  	[tilespmem:s24], [sflag:$0x2] =	stream.indirect_vreg.gather [hbm4b:s6+s2], $0x80, v3, vm0, $0xb8;
	[tilespmem:$0x12100] =	vst v63  }
0x72: {  	s20 =	simm.s32 $0xCD00  }
0x73: {  	[tilespmem:s20], [sflag:$0x2] =	stream.indirect_vreg.gather [hbm4b:s7+s2], $0x80, v3, vm0, $0xb8;
	[tilespmem:$0x12100] =	vst v63  }
0x74: {  	s24 =	simm.s32 $0xD500  }
0x75: {  	[tilespmem:s24], [sflag:$0x2] =	stream.indirect_vreg.gather [hbm4b:s8+s2], $0x80, v3, vm1, $0xb8;
	[tilespmem:$0x12100] =	vst v63  }
0x76: {  	v3 =	vld [tilespmem:$0x90];
	_ =	sdelay $0x4  }
0x77: {  	v61 =	vshrl.u32 v3, $0x3  }
0x78: {  	v4 =	vmul.u32 $0x48, v61  }
0x79: {  	v3 =	vand.u32 $0x7, v3  }
0x7a: {  	v3 =	vor.u32 v3, v4  }
0x7b: {  	v4 =	vperm.xlane v3, v0;
	_ =	sdelay $0x1  }
0x7c: {  	v4 =	vadd.s32 v1, v4;
	_ =	sdelay $0x3  }
0x7d: {  	s20 =	simm.s32 $0xD900  }
0x7e: {  	[tilespmem:s20], [sflag:$0x2] =	stream.indirect_vreg.gather [hbm4b:s3+s2], $0x80, v4, vm0, $0xb8;
	[tilespmem:$0x12100] =	vst v63  }
0x7f: {  	s24 =	simm.s32 $0xE100  }
0x80: {  	[tilespmem:s24], [sflag:$0x2] =	stream.indirect_vreg.gather [hbm4b:s4+s2], $0x80, v4, vm0, $0xb8;
	[tilespmem:$0x12100] =	vst v63  }
0x81: {  	v3 =	vperm.xlane v3, v2;
	s20 =	simm.s32 $0xE900  }
0x82: {  	[tilespmem:s20], [sflag:$0x2] =	stream.indirect_vreg.gather [hbm4b:s6+s2], $0x80, v4, vm0, $0xb8;
	[tilespmem:$0x12100] =	vst v63  }
0x83: {  	v3 =	vadd.s32 v1, v3;
	s24 =	simm.s32 $0xF100  }
0x84: {  	[tilespmem:s24], [sflag:$0x2] =	stream.indirect_vreg.gather [hbm4b:s7+s2], $0x80, v4, vm0, $0xb8;
	[tilespmem:$0x12100] =	vst v63  }
0x85: {  	s20 =	simm.s32 $0xF900  }
0x86: {  	[tilespmem:s20], [sflag:$0x2] =	stream.indirect_vreg.gather [hbm4b:s8+s2], $0x80, v4, vm1, $0xb8;
	[tilespmem:$0x12100] =	vst v63  }
0x87: {  	s24 =	simm.s32 $0xFD00  }
0x88: {  	[tilespmem:s24], [sflag:$0x2] =	stream.indirect_vreg.gather [hbm4b:s3+s2], $0x80, v3, vm0, $0xb8;
	[tilespmem:$0x12100] =	vst v63  }
0x89: {  	s20 =	simm.s32 $0x10500  }
0x8a: {  	[tilespmem:s20], [sflag:$0x2] =	stream.indirect_vreg.gather [hbm4b:s4+s2], $0x80, v3, vm0, $0xb8;
	[tilespmem:$0x12100] =	vst v63  }
0x8b: {  	s24 =	simm.s32 $0x10D00  }
0x8c: {  	[tilespmem:s24], [sflag:$0x2] =	stream.indirect_vreg.gather [hbm4b:s6+s2], $0x80, v3, vm0, $0xb8;
	[tilespmem:$0x12100] =	vst v63  }
0x8d: {  	s20 =	simm.s32 $0x11500  }
0x8e: {  	[tilespmem:s20], [sflag:$0x2] =	stream.indirect_vreg.gather [hbm4b:s7+s2], $0x80, v3, vm0, $0xb8;
	[tilespmem:$0x12100] =	vst v63  }
0x8f: {  	s24 =	simm.s32 $0x11D00  }
0x90: {  	[tilespmem:s24], [sflag:$0x2] =	stream.indirect_vreg.gather [hbm4b:s8+s2], $0x80, v3, vm1, $0xb8;
	[tilespmem:$0x12100] =	vst v63  }
0x91: {  	_ =	swait.ge [sflag:s10], $0x9000  }
0x92: {  	[sflag:s10] =	ssyncset.done $0x0  }
0x93: {  	s24 =	simm.s32 $0x100;
	[sflag:s10] =	ssyncadd.s32 $0xFFFF7000  }
0x94: {  	[hbm4b:s11+s2] =	stream.linear.scatter [tilespmem:s24], [sflag:$0x3], $0x9000, $0x38;
	[tilespmem:$0x12100] =	vst v63  }
0x95: {  	_ =	swait.ge [sflag:s15], $0x9000  }
0x96: {  	s20 =	rddreg [dreg:$0x3];
	[sflag:s15] =	ssyncset.done $0x0  }
0x97: {  	[sflag:s15] =	ssyncadd.s32 $0xFFFF7000;
	s17 =	sadd.s32 s14, s20  }
0x98: {  	[tilespmem:s2], [sflag:$0x3] =	stream.linear.gather [hbm4b:s17+s2], $0x20, $0x38;
	[tilespmem:$0x12100] =	vst v63  }
0x99: {  	_ =	swait.ge [sflag:s15], $0x20  }
0x9a: {  	[sflag:s15] =	ssyncset.done $0x0  }
0x9b: {  	[sflag:s15] =	ssyncadd.s32 $0xFFFFFFE0  }
0x9c: {  	v3 =	vld [tilespmem:$0x0];
	_ =	sdelay $0x4  }
0x9d: {  	v62 =	vshrl.u32 v3, $0x3  }
0x9e: {  	v4 =	vmul.u32 $0x48, v62  }
0x9f: {  	v3 =	vand.u32 $0x7, v3  }
0xa0: {  	v3 =	vor.u32 v3, v4  }
0xa1: {  	v4 =	vperm.xlane v3, v0;
	_ =	sdelay $0x1  }
0xa2: {  	v4 =	vadd.s32 v1, v4;
	_ =	sdelay $0x4  }
0xa3: {  	[tilespmem:s24], [sflag:$0x1] =	stream.indirect_vreg.gather [hbm4b:s3+s2], $0x80, v4, vm0, $0xb8;
	[tilespmem:$0x12100] =	vst v63  }
0xa4: {  	s17 =	simm.s32 $0x900  }
0xa5: {  	[tilespmem:s17], [sflag:$0x1] =	stream.indirect_vreg.gather [hbm4b:s4+s2], $0x80, v4, vm0, $0xb8;
	[tilespmem:$0x12100] =	vst v63  }
0xa6: {  	v3 =	vperm.xlane v3, v2;
	s24 =	simm.s32 $0x1100  }
0xa7: {  	[tilespmem:s24], [sflag:$0x1] =	stream.indirect_vreg.gather [hbm4b:s6+s2], $0x80, v4, vm0, $0xb8;
	[tilespmem:$0x12100] =	vst v63  }
0xa8: {  	v3 =	vadd.s32 v1, v3  }
0xa9: {  	[tilespmem:s19], [sflag:$0x1] =	stream.indirect_vreg.gather [hbm4b:s7+s2], $0x80, v4, vm0, $0xb8;
	[tilespmem:$0x12100] =	vst v63  }
0xaa: {  	s24 =	simm.s32 $0x2100  }
0xab: {  	[tilespmem:s24], [sflag:$0x1] =	stream.indirect_vreg.gather [hbm4b:s8+s2], $0x80, v4, vm1, $0xb8;
	[tilespmem:$0x12100] =	vst v63  }
0xac: {  	_ = 	snop  }
0xad: {  	[tilespmem:s21], [sflag:$0x1] =	stream.indirect_vreg.gather [hbm4b:s3+s2], $0x80, v3, vm0, $0xb8;
	[tilespmem:$0x12100] =	vst v63  }
0xae: {  	_ = 	snop  }
0xaf: {  	[tilespmem:s22], [sflag:$0x1] =	stream.indirect_vreg.gather [hbm4b:s4+s2], $0x80, v3, vm0, $0xb8;
	[tilespmem:$0x12100] =	vst v63  }
0xb0: {  	_ = 	snop  }
0xb1: {  	[tilespmem:s23], [sflag:$0x1] =	stream.indirect_vreg.gather [hbm4b:s6+s2], $0x80, v3, vm0, $0xb8;
	[tilespmem:$0x12100] =	vst v63  }
0xb2: {  	s24 =	simm.s32 $0x3D00  }
0xb3: {  	[tilespmem:s24], [sflag:$0x1] =	stream.indirect_vreg.gather [hbm4b:s7+s2], $0x80, v3, vm0, $0xb8;
	[tilespmem:$0x12100] =	vst v63  }
0xb4: {  	_ = 	snop  }
0xb5: {  	[tilespmem:s25], [sflag:$0x1] =	stream.indirect_vreg.gather [hbm4b:s8+s2], $0x80, v3, vm1, $0xb8;
	[tilespmem:$0x12100] =	vst v63  }
0xb6: {  	v3 =	vld [tilespmem:$0x10];
	_ =	sdelay $0x4  }
0xb7: {  	v63 =	vshrl.u32 v3, $0x3  }
0xb8: {  	v4 =	vmul.u32 $0x48, v63  }
0xb9: {  	v3 =	vand.u32 $0x7, v3  }
0xba: {  	v3 =	vor.u32 v3, v4  }
0xbb: {  	v4 =	vperm.xlane v3, v0;
	_ =	sdelay $0x1  }
0xbc: {  	v4 =	vadd.s32 v1, v4;
	_ =	sdelay $0x4  }
0xbd: {  	[tilespmem:s26], [sflag:$0x1] =	stream.indirect_vreg.gather [hbm4b:s3+s2], $0x80, v4, vm0, $0xb8;
	[tilespmem:$0x12100] =	vst v63  }
0xbe: {  	_ = 	snop  }
0xbf: {  	[tilespmem:s28], [sflag:$0x1] =	stream.indirect_vreg.gather [hbm4b:s4+s2], $0x80, v4, vm0, $0xb8;
	[tilespmem:$0x12100] =	vst v63  }
0xc0: {  	s24 =	simm.s32 $0x5900;
	v3 =	vperm.xlane v3, v2  }
0xc1: {  	[tilespmem:s24], [sflag:$0x1] =	stream.indirect_vreg.gather [hbm4b:s6+s2], $0x80, v4, vm0, $0xb8;
	[tilespmem:$0x12100] =	vst v63  }
0xc2: {  	v3 =	vadd.s32 v1, v3  }
0xc3: {  	[tilespmem:s30], [sflag:$0x1] =	stream.indirect_vreg.gather [hbm4b:s7+s2], $0x80, v4, vm0, $0xb8;
	[tilespmem:$0x12100] =	vst v63  }
0xc4: {  	_ = 	snop  }
0xc5: {  	[tilespmem:s31], [sflag:$0x1] =	stream.indirect_vreg.gather [hbm4b:s8+s2], $0x80, v4, vm1, $0xb8;
	[tilespmem:$0x12100] =	vst v63  }
0xc6: {  	_ = 	snop  }
0xc7: {  	[tilespmem:s0], [sflag:$0x1] =	stream.indirect_vreg.gather [hbm4b:s3+s2], $0x80, v3, vm0, $0xb8;
	[tilespmem:$0x12100] =	vst v63  }
0xc8: {  	_ = 	snop  }
0xc9: {  	[tilespmem:s1], [sflag:$0x1] =	stream.indirect_vreg.gather [hbm4b:s4+s2], $0x80, v3, vm0, $0xb8;
	[tilespmem:$0x12100] =	vst v63  }
0xca: {  	_ = 	snop  }
0xcb: {  	[tilespmem:s9], [sflag:$0x1] =	stream.indirect_vreg.gather [hbm4b:s6+s2], $0x80, v3, vm0, $0xb8;
	[tilespmem:$0x12100] =	vst v63  }
0xcc: {  	_ = 	snop  }
0xcd: {  	[tilespmem:s16], [sflag:$0x1] =	stream.indirect_vreg.gather [hbm4b:s7+s2], $0x80, v3, vm0, $0xb8;
	[tilespmem:$0x12100] =	vst v63  }
0xce: {  	s24 =	simm.s32 $0x8D00  }
0xcf: {  	[tilespmem:s24], [sflag:$0x1] =	stream.indirect_vreg.gather [hbm4b:s8+s2], $0x80, v3, vm1, $0xb8;
	[tilespmem:$0x12100] =	vst v63  }
0xd0: {  	_ =	swait.ge [sflag:s5], $0x9000  }
0xd1: {  	p0 =	sne.s32 s14, $0x2B0;
	[sflag:s5] =	ssyncset.done $0x0  }
.Ltmp0:
0xd2: {  	[sflag:s5] =	ssyncadd.s32 $0xFFFF7000;
	(pc) =	sbr.rel @p0 .LBB2_2-.Ltmp0, $4  }
0xd3: {  	[hbm4b:s13+s2] =	stream.linear.scatter [tilespmem:s12], [sflag:$0x3], $0x9000, $0x38;
	[tilespmem:$0x12100] =	vst v63  }
0xd4: {  	_ =	swait.ge [sflag:s15], $0x9000  }
0xd5: {  	s11 =	sadd.s32 $0x2400, s11;
	s20 =	simm.s32 $0x100;
	[sflag:s15] =	ssyncset.done $0x0  }
0xd6: {  	s14 =	sadd.s32 $0x8, s14;
	s13 =	sadd.s32 $0x2400, s13;
	[sflag:s15] =	ssyncadd.s32 $0xFFFF7000  }
0xd7: {  	s11 =	rddreg [dreg:$0x6]  }
0xd8: {  	[tilespmem:s29], [sflag:$0x3] =	stream.linear.gather [hbm4b:s11+s2], $0x20, $0x38;
	[tilespmem:$0x12100] =	vst v63  }
0xd9: {  	_ =	swait.ge [sflag:s15], $0x20  }
0xda: {  	[sflag:s15] =	ssyncset.done $0x0  }
0xdb: {  	[sflag:s15] =	ssyncadd.s32 $0xFFFFFFE0  }
0xdc: {  	v3 =	vld [tilespmem:$0x80];
	_ =	sdelay $0x4  }
0xdd: {  	v4 =	vshrl.u32 v3, $0x3  }
0xde: {  	v4 =	vmul.u32 $0x48, v4  }
0xdf: {  	v3 =	vand.u32 $0x7, v3  }
0xe0: {  	v3 =	vor.u32 v3, v4  }
0xe1: {  	v4 =	vperm.xlane v3, v0;
	_ =	sdelay $0x1  }
0xe2: {  	v4 =	vadd.s32 v1, v4;
	_ =	sdelay $0x4  }
0xe3: {  	[tilespmem:s12], [sflag:$0x2] =	stream.indirect_vreg.gather [hbm4b:s3+s2], $0x80, v4, vm0, $0xb8;
	[tilespmem:$0x12100] =	vst v63  }
0xe4: {  	_ = 	snop  }
0xe5: {  	[tilespmem:s18], [sflag:$0x2] =	stream.indirect_vreg.gather [hbm4b:s4+s2], $0x80, v4, vm0, $0xb8;
	[tilespmem:$0x12100] =	vst v63  }
0xe6: {  	s0 =	simm.s32 $0xA100;
	v3 =	vperm.xlane v3, v2  }
0xe7: {  	[tilespmem:s0], [sflag:$0x2] =	stream.indirect_vreg.gather [hbm4b:s6+s2], $0x80, v4, vm0, $0xb8;
	[tilespmem:$0x12100] =	vst v63  }
0xe8: {  	s19 =	simm.s32 $0xA900;
	v3 =	vadd.s32 v1, v3  }
0xe9: {  	[tilespmem:s19], [sflag:$0x2] =	stream.indirect_vreg.gather [hbm4b:s7+s2], $0x80, v4, vm0, $0xb8;
	[tilespmem:$0x12100] =	vst v63  }
0xea: {  	s21 =	simm.s32 $0xB100  }
0xeb: {  	[tilespmem:s21], [sflag:$0x2] =	stream.indirect_vreg.gather [hbm4b:s8+s2], $0x80, v4, vm1, $0xb8;
	[tilespmem:$0x12100] =	vst v63  }
0xec: {  	s22 =	simm.s32 $0xB500  }
0xed: {  	[tilespmem:s22], [sflag:$0x2] =	stream.indirect_vreg.gather [hbm4b:s3+s2], $0x80, v3, vm0, $0xb8;
	[tilespmem:$0x12100] =	vst v63  }
0xee: {  	s23 =	simm.s32 $0xBD00  }
0xef: {  	[tilespmem:s23], [sflag:$0x2] =	stream.indirect_vreg.gather [hbm4b:s4+s2], $0x80, v3, vm0, $0xb8;
	[tilespmem:$0x12100] =	vst v63  }
0xf0: {  	s24 =	simm.s32 $0xC500  }
0xf1: {  	[tilespmem:s24], [sflag:$0x2] =	stream.indirect_vreg.gather [hbm4b:s6+s2], $0x80, v3, vm0, $0xb8;
	[tilespmem:$0x12100] =	vst v63  }
0xf2: {  	s25 =	simm.s32 $0xCD00  }
0xf3: {  	[tilespmem:s25], [sflag:$0x2] =	stream.indirect_vreg.gather [hbm4b:s7+s2], $0x80, v3, vm0, $0xb8;
	[tilespmem:$0x12100] =	vst v63  }
0xf4: {  	s26 =	simm.s32 $0xD500  }
0xf5: {  	[tilespmem:s26], [sflag:$0x2] =	stream.indirect_vreg.gather [hbm4b:s8+s2], $0x80, v3, vm1, $0xb8;
	[tilespmem:$0x12100] =	vst v63  }
0xf6: {  	v3 =	vld [tilespmem:$0x90];
	_ =	sdelay $0x4  }
0xf7: {  	v63 =	vshrl.u32 v3, $0x3  }
0xf8: {  	v4 =	vmul.u32 $0x48, v63  }
0xf9: {  	v3 =	vand.u32 $0x7, v3  }
0xfa: {  	v3 =	vor.u32 v3, v4  }
0xfb: {  	v4 =	vperm.xlane v3, v0;
	_ =	sdelay $0x1  }
0xfc: {  	v4 =	vadd.s32 v1, v4;
	_ =	sdelay $0x3  }
0xfd: {  	s1 =	simm.s32 $0xD900  }
0xfe: {  	[tilespmem:s1], [sflag:$0x2] =	stream.indirect_vreg.gather [hbm4b:s3+s2], $0x80, v4, vm0, $0xb8;
	[tilespmem:$0x12100] =	vst v63  }
0xff: {  	s9 =	simm.s32 $0xE100  }
0x100: {  	[tilespmem:s9], [sflag:$0x2] =	stream.indirect_vreg.gather [hbm4b:s4+s2], $0x80, v4, vm0, $0xb8;
	[tilespmem:$0x12100] =	vst v63  }
0x101: {  	s11 =	simm.s32 $0xE900;
	v3 =	vperm.xlane v3, v2  }
0x102: {  	[tilespmem:s11], [sflag:$0x2] =	stream.indirect_vreg.gather [hbm4b:s6+s2], $0x80, v4, vm0, $0xb8;
	[tilespmem:$0x12100] =	vst v63  }
0x103: {  	s13 =	simm.s32 $0xF100;
	v3 =	vadd.s32 v1, v3  }
0x104: {  	[tilespmem:s13], [sflag:$0x2] =	stream.indirect_vreg.gather [hbm4b:s7+s2], $0x80, v4, vm0, $0xb8;
	[tilespmem:$0x12100] =	vst v63  }
0x105: {  	s14 =	simm.s32 $0xF900  }
0x106: {  	[tilespmem:s14], [sflag:$0x2] =	stream.indirect_vreg.gather [hbm4b:s8+s2], $0x80, v4, vm1, $0xb8;
	[tilespmem:$0x12100] =	vst v63  }
0x107: {  	s16 =	simm.s32 $0xFD00  }
0x108: {  	[tilespmem:s16], [sflag:$0x2] =	stream.indirect_vreg.gather [hbm4b:s3+s2], $0x80, v3, vm0, $0xb8;
	[tilespmem:$0x12100] =	vst v63  }
0x109: {  	s18 =	simm.s32 $0x10500  }
0x10a: {  	[tilespmem:s18], [sflag:$0x2] =	stream.indirect_vreg.gather [hbm4b:s4+s2], $0x80, v3, vm0, $0xb8;
	[tilespmem:$0x12100] =	vst v63  }
0x10b: {  	s19 =	simm.s32 $0x10D00  }
0x10c: {  	[tilespmem:s19], [sflag:$0x2] =	stream.indirect_vreg.gather [hbm4b:s6+s2], $0x80, v3, vm0, $0xb8;
	[tilespmem:$0x12100] =	vst v63  }
0x10d: {  	s21 =	simm.s32 $0x11500  }
0x10e: {  	[tilespmem:s21], [sflag:$0x2] =	stream.indirect_vreg.gather [hbm4b:s7+s2], $0x80, v3, vm0, $0xb8;
	[tilespmem:$0x12100] =	vst v63  }
0x10f: {  	s22 =	simm.s32 $0x11D00  }
0x110: {  	[tilespmem:s22], [sflag:$0x2] =	stream.indirect_vreg.gather [hbm4b:s8+s2], $0x80, v3, vm1, $0xb8;
	[tilespmem:$0x12100] =	vst v63  }
0x111: {  	_ =	swait.ge [sflag:s10], $0x9000  }
0x112: {  	[sflag:s10] =	ssyncset.done $0x0  }
0x113: {  	s23 =	rddreg [dreg:$0x7];
	[sflag:s10] =	ssyncadd.s32 $0xFFFF7000  }
0x114: {  	[hbm4b:s23+s2] =	stream.linear.scatter [tilespmem:s20], [sflag:$0x3], $0x9000, $0x38;
	[tilespmem:$0x12100] =	vst v63  }
0x115: {  	_ =	swait.ge [sflag:s15], $0x9000  }
0x116: {  	[sflag:s15] =	ssyncset.done $0x0  }
0x117: {  	[sflag:s15] =	ssyncadd.s32 $0xFFFF7000  }
0x118: {  	_ =	swait.ge [sflag:s5], $0x9000  }
0x119: {  	[sflag:s5] =	ssyncset.done $0x0  }
0x11a: {  	s24 =	rddreg [dreg:$0x8];
	[sflag:s5] =	ssyncadd.s32 $0xFFFF7000  }
0x11b: {  	[hbm4b:s24+s2] =	stream.linear.scatter [tilespmem:s12], [sflag:$0x3], $0x9000, $0x38;
	[tilespmem:$0x12100] =	vst v63  }
0x11c: {  	s30 =	simm.s32 $0x2D00;
	s28 =	simm.s32 $0x6100;
	_ =	swait.ge [sflag:s15], $0x9000  }
0x11d: {  	s31 =	simm.s32 $0x8D00;
	s29 =	simm.s32 $0x6900;
	s25 =	rddreg [dreg:$0xc]  }
0x11e: {  	s1 =	simm.s32 $0x7500;
	s26 =	rddreg [dreg:$0x9];
	s0 =	sadd.s32 $0x1, s25  }
0x11f: {  	s9 =	simm.s32 $0x7D00;
	s13 =	simm.s32 $0x1100;
	p0 =	sne.s32 s0, s26  }
.Ltmp1:
0x120: {  	s14 =	simm.s32 $0x1900;
	s16 =	simm.s32 $0x8500;
	(pc) =	sbr.rel @p0 .LBB2_1-.Ltmp1, $4  }
0x121: {  	s18 =	simm.s32 $0x2100;
	s19 =	simm.s32 $0x2500;
	s21 =	simm.s32 $0x3500  }
0x122: {  	s22 =	simm.s32 $0x3D00;
	s23 =	simm.s32 $0x4500;
	[sflag:s15] =	ssyncset.done $0x0  }
0x123: {  	s24 =	simm.s32 $0x4900;
	[sflag:s15] =	ssyncadd.s32 $0xFFFF7000;
	s25 =	simm.s32 $0x5100  }
0x124: {  	[dreg:$0xc] =	wrdreg s0;
	s26 =	simm.s32 $0x5900;
	s0 =	simm.s32 $0x6D00  }
0x125: {  	_ =	sfence.sel $0x180000  }
0x126: {  	[bflag:$0x0] =	sbarrier.arrive $0xFFFF  }
0x127: {  	_ =	strace $0x90000059  }
0x128: {  	s0 =	stileid.u32;
	[bflag:$0x2] =	sbarrier.arrive $0xFFFF  }
0x129: {  	p0 =	sne.s32 s0, $0x0;
	s0 =	rddreg [dreg:$0x2]  }
0x12a: {  	s0 =	sadd.s32 @!p0 $0x100000, s0  }
0x12b: {  	[sflag:s0] =	ssyncadd.tile.s32 @!p0 $0x1;
	_ =	shalt  }
.Lfunc_end2:
_tile_overlayer_lowered:
.L_overlay_start_2:
0x12c: {  	(tag) =	ssettag $0x2  }
0x12d: {  	s0 =	rddreg [dreg:$0x0];
	s2 =	stileid.u32  }
0x12e: {  	s1 =	rddreg [dreg:$0x1];
	p0 =	sne.s32 s2, $0x0  }
0x12f: {  	s3 =	rddreg [dreg:$0x2];
	[bflag:$0x3] =	sbarrier.arrive $0xFFFF;
	s2 =	simm.s32 @!p0 $0x1C03  }
0x130: {  	[timem:s3], [sflag:s2] =	dma.local @!p0 [hbm:s0], s1  }
0x131: {  	s0 =	simm.s32 @!p0 $0x3  }
0x132: {  	_ =	swait.ge @!p0 [sflag:s0], s1  }
0x133: {  	s1 =	ssub.s32 @!p0 $0x0, s1;
	[sflag:s0] =	ssyncset.done @!p0 $0x0  }
0x134: {  	[sflag:s0] =	ssyncadd.s32 @!p0 s1  }
0x135: {  	[bflag:$0x3] =	sbarrier.arrive $0xFFFF  }
0x136: {  	_ =	shalt  }

</sc_bundles>
